<compile_context>
chip_gen: v7x
topology: tpu7x:2x2x1
jax: 0.10.2.dev20260603
libtpu: 0.0.44.dev20260713+nightly
codegen_flags: <defaults>
</compile_context>

<pallas_src>
import functools

import jax
import jax.numpy as jnp
from jax.experimental import pallas as pl
from jax.experimental.pallas import tpu as pltpu
from jax.experimental.pallas import tpu_sc as plsc

_N = 1024
_C = 128
_NUM_CLASSES = 100
_K = 20
_LAM = 50.0
_BLK = 128
_NBLK = _N // _BLK
_BIG = 3e38

_NSUB = 16
_NW = 32
_AGG_ROWS = _N // _NSUB
_CF_ROWS = _N // _NW
_CLS_PAD = 128


def _sc_knn_kernel(f_hbm, tgt_hbm, out_hbm,
                   f_v, tgt_v, s_loc, aux_loc, out_v,
                   stripe_v, astripe_v, acc_v, aacc_v,
                   sall_sh, aall_sh):
    sc = jax.lax.axis_index("c")
    sub = jax.lax.axis_index("s")
    wid = sc * _NSUB + sub

    iota = jax.lax.iota(jnp.int32, 16)
    zeros16 = jnp.zeros((16,), jnp.float32)

    def zrow(r, c0):
        for c in range(_C // 16):
            s_loc[r, pl.ds(c * 16, 16)] = zeros16
        aux_loc[r, :] = zeros16
        return c0
    jax.lax.fori_loop(0, _CLS_PAD, zrow, 0)

    agg_base = sub * _AGG_ROWS
    pltpu.sync_copy(tgt_hbm, tgt_v)
    pltpu.sync_copy(f_hbm.at[pl.ds(agg_base, _AGG_ROWS)], f_v)

    def agroup(g, c0):
        tv16 = tgt_v[pl.ds(agg_base + g * 16, 16)]
        for j in range(16):
            t = tv16[j]
            tv = jnp.broadcast_to(t, (16,))
            qacc = zeros16
            for c in range(_C // 16):
                x = f_v[g * 16 + j, pl.ds(c * 16, 16)]
                plsc.addupdate_scatter(s_loc, [tv, iota + c * 16], x)
                qacc = qacc + x * x
            q = jnp.sum(qacc)
            x2 = jnp.where(iota == 0, jnp.float32(1.0), jnp.float32(0.0)) \
                + jnp.where(iota == 1, q, jnp.float32(0.0))
            plsc.addupdate_scatter(aux_loc, [tv, iota], x2)
        return c0
    jax.lax.fori_loop(0, _AGG_ROWS // 16, agroup, 0)

    pltpu.sync_copy(s_loc, sall_sh.at[pl.ds(wid * _CLS_PAD, _CLS_PAD)])
    pltpu.sync_copy(aux_loc, aall_sh.at[pl.ds(wid * _CLS_PAD, _CLS_PAD)])
    plsc.subcore_barrier()

    r0s = sub * 8
    def zacc(r, c0):
        for c in range(_C // 16):
            acc_v[r, pl.ds(c * 16, 16)] = zeros16
        aacc_v[r, :] = zeros16
        return c0
    jax.lax.fori_loop(0, 8, zacc, 0)

    def slot_add(t, c0):
        pltpu.sync_copy(sall_sh.at[pl.ds((sc * _NSUB + t) * _CLS_PAD + r0s, 8)], stripe_v)
        pltpu.sync_copy(aall_sh.at[pl.ds((sc * _NSUB + t) * _CLS_PAD + r0s, 8)], astripe_v)
        def radd(r, c1):
            for c in range(_C // 16):
                acc_v[r, pl.ds(c * 16, 16)] = (
                    acc_v[r, pl.ds(c * 16, 16)]
                    + stripe_v[r, pl.ds(c * 16, 16)])
            aacc_v[r, :] = aacc_v[r, :] + astripe_v[r, :]
            return c1
        return jax.lax.fori_loop(0, 8, radd, c0)
    jax.lax.fori_loop(0, _NSUB, slot_add, 0)

    def cls_row(k, tot):
        g = aacc_v[k, :]
        s_cnt = g[0]
        qcls = g[1]
        ssacc = zeros16
        for c in range(_C // 16):
            srow = acc_v[k, pl.ds(c * 16, 16)]
            ssacc = ssacc + srow * srow
        ss = jnp.sum(ssacc)
        cnt = s_cnt - 1.0
        m = jnp.minimum(cnt, jnp.float32(_K))
        mm = jnp.maximum(m, 1.0)
        inv = jnp.float32(1.0)
        for v in range(2, _K + 1):
            inv = jnp.where(mm == jnp.float32(v), jnp.float32(1.0 / v), inv)
        contrib = m * qcls - (2.0 * inv) * (ss - qcls) \
            + qcls * cnt * (inv * inv)
        return tot + contrib
    total = jax.lax.fori_loop(0, 8, cls_row, jnp.float32(0.0))

    out_v[:] = jnp.where(iota == 0, total, jnp.float32(0.0))
    pltpu.sync_copy(out_v, out_hbm.at[wid])


def _sc_knn_closed(f, t32):
    kfn = pl.kernel(
        _sc_knn_kernel,
        out_type=jax.ShapeDtypeStruct((_NW, 16), jnp.float32),
        mesh=plsc.VectorSubcoreMesh(core_axis_name="c", subcore_axis_name="s"),
        compiler_params=pltpu.CompilerParams(needs_layout_passes=False),
        scratch_types=[
            pltpu.VMEM((_AGG_ROWS, _C), jnp.float32),
            pltpu.VMEM((_N,), jnp.int32),
            pltpu.VMEM((_CLS_PAD, _C), jnp.float32),
            pltpu.VMEM((_CLS_PAD, 16), jnp.float32),
            pltpu.VMEM((16,), jnp.float32),
            pltpu.VMEM((8, _C), jnp.float32),
            pltpu.VMEM((8, 16), jnp.float32),
            pltpu.VMEM((8, _C), jnp.float32),
            pltpu.VMEM((8, 16), jnp.float32),
            pltpu.VMEM_SHARED((2 * _NSUB * _CLS_PAD, _C), jnp.float32),
            pltpu.VMEM_SHARED((2 * _NSUB * _CLS_PAD, 16), jnp.float32),
        ],
    )
    return kfn(f, t32)


def _tc_kernel(f_ref, sc_ref, tcol_ref, trow_ref, out_ref):
    f = f_ref[...]
    tcol = tcol_ref[...]
    trow = trow_ref[...]

    ciota_col = jax.lax.broadcasted_iota(jnp.int32, (_C, 1), 0)
    ciota_row = jax.lax.broadcasted_iota(jnp.int32, (1, _C), 1)

    ohT = (ciota_col == trow).astype(jnp.float32)
    oh = (tcol == ciota_row).astype(jnp.float32)
    q_col = jnp.sum(f * f, axis=1, keepdims=True)
    cc_col = jnp.sum(ohT, axis=1, keepdims=True)
    cnt = jax.lax.dot(oh, cc_col, precision=jax.lax.Precision.HIGHEST) - 1.0

    sc = sc_ref[...]
    smax = jnp.max(sc, axis=1, keepdims=True)
    lse = jnp.log(jnp.sum(jnp.exp(sc - smax), axis=1, keepdims=True)) + smax
    s_t = jnp.sum(jnp.where(tcol == ciota_row, sc, 0.0), axis=1, keepdims=True)
    ce = jnp.sum(lse - s_t) * (1.0 / _N)

    any_big = jnp.any(cnt > jnp.float32(_K))

    def no_correction(_):
        return jnp.float32(0.0)

    def correction(_):
        cs = jax.lax.dot(ohT, f, precision=jax.lax.Precision.HIGHEST)
        cq_col = jax.lax.dot(ohT, q_col, precision=jax.lax.Precision.HIGHEST)
        m_all = jnp.minimum(cnt, jnp.float32(_K))
        mm_all = jnp.maximum(m_all, 1.0)
        s_all = jax.lax.dot(oh, cs, precision=jax.lax.Precision.HIGHEST) - f
        q_sel = jax.lax.dot(oh, cq_col, precision=jax.lax.Precision.HIGHEST) - q_col
        contrib_closed = (
            m_all * q_col
            - (2.0 / mm_all) * jnp.sum(f * s_all, axis=1, keepdims=True)
            + q_sel / (mm_all * mm_all)
        )
        ft = f.T
        cols = jax.lax.broadcasted_iota(jnp.int32, (_BLK, _N), 1)

        acc = jnp.float32(0.0)
        for blk in range(_NBLK):
            r0 = blk * _BLK
            cnt_b = cnt[r0:r0 + _BLK, :]
            has_big = jnp.any(cnt_b > jnp.float32(_K))

            def fix_block(_, r0=r0, cnt_b=cnt_b):
                fi = f[r0:r0 + _BLK, :]
                ti = tcol[r0:r0 + _BLK, :]
                parts = []
                for jc in range(_NBLK):
                    ftc = ft[:, jc * _BLK:(jc + 1) * _BLK]
                    diff = jnp.abs(fi[:, :, None] - ftc[None, :, :] + 1e-6)
                    parts.append(jnp.sum(diff, axis=1))
                d = jnp.concatenate(parts, axis=1)
                rows = r0 + jax.lax.broadcasted_iota(jnp.int32, (_BLK, 1), 0)
                same = (ti == trow) & (rows != cols)
                dm = jnp.where(same, d, jnp.float32(_BIG))
                m_b = jnp.minimum(cnt_b, jnp.float32(_K))
                mm_b = jnp.maximum(m_b, 1.0)

                def step(k, carry):
                    dw, w = carry
                    v = jnp.min(dw, axis=1, keepdims=True)
                    jmin = jnp.min(
                        jnp.where(dw == v, cols, jnp.int32(2**30)),
                        axis=1, keepdims=True,
                    )
                    onehot = cols == jmin
                    sel = k.astype(jnp.float32) < m_b
                    w = w + jnp.where(onehot & sel, 1.0, 0.0)
                    dw = jnp.where(onehot, jnp.float32(_BIG), dw)
                    return dw, w

                _, w = jax.lax.fori_loop(
                    0, _K, step, (dm, jnp.zeros((_BLK, _N), jnp.float32))
                )
                s_g = jax.lax.dot(w, f, precision=jax.lax.Precision.HIGHEST)
                q_g = jax.lax.dot(w, q_col, precision=jax.lax.Precision.HIGHEST)
                qi = q_col[r0:r0 + _BLK, :]
                contrib_g = (
                    m_b * qi
                    - (2.0 / mm_b) * jnp.sum(fi * s_g, axis=1, keepdims=True)
                    + q_g / (mm_b * mm_b)
                )
                contrib_c = contrib_closed[r0:r0 + _BLK, :]
                delta = jnp.where(
                    cnt_b > jnp.float32(_K), contrib_g - contrib_c, 0.0)
                return jnp.sum(delta)

            acc = acc + jax.lax.cond(
                has_big, fix_block, lambda _: jnp.float32(0.0), None)

        return acc

    delta = jax.lax.cond(any_big, correction, no_correction, None)

    out_ref[...] = jnp.full((1, 1), ce + (_LAM * 0.5) * delta,
                            dtype=jnp.float32)


@jax.jit
def kernel(feture, scores, target):
    f = feture.astype(jnp.float32)
    t32 = target.astype(jnp.int32)
    tcol = t32.reshape(_N, 1)
    trow = t32.reshape(1, _N)
    sc_pad = jnp.pad(
        scores.astype(jnp.float32),
        ((0, 0), (0, _C - _NUM_CLASSES)),
        constant_values=-1e30,
    )
    tc_out = pl.pallas_call(
        _tc_kernel,
        out_shape=jax.ShapeDtypeStruct((1, 1), jnp.float32),
    )(f, sc_pad, tcol, trow)
    knn_parts = _sc_knn_closed(f, t32)
    return tc_out[0, 0] + (_LAM * 0.25) * jnp.sum(knn_parts)

# --- scband reference (transcript-rebuilt; emitter-appended) ---
"""Pipeline reference for scband-dlp-loss-24696061952372 (READ-ONLY COPY).

The authoritative reference and input builder live on the scoring server;
editing this copy changes nothing except your own understanding.
"""

import jax, jax.numpy as jnp
import numpy as np

N = 1024
C = 128
NUM_CLASSES = 100
K = 20
LAM = 50.0
CHUNK = 128


def setup_inputs(seed: int = 0) -> dict:
    key = jax.random.key(seed)
    k1, k2, k3 = jax.random.split(key, 3)
    feture = jax.random.normal(k1, (N, C), dtype=jnp.float32)
    scores = jax.random.normal(k2, (N, NUM_CLASSES), dtype=jnp.float32)
    target = jax.random.randint(k3, (N,), 0, NUM_CLASSES)
    return {"feture": feture, "scores": scores, "target": target}


def _cross_entropy(scores, target):
    # func.cross_entropy with default mean reduction
    logp = jax.nn.log_softmax(scores, axis=-1)
    nll = -jnp.take_along_axis(logp, target[:, None], axis=1)[:, 0]
    return jnp.mean(nll)


def _pairwise_l1_eps(f):
    # torch: func.pairwise_distance(f[i].view(C,-1), f[j].view(C,-1)).sum()
    # with views of shape [C,1] this is sum_c |f[i,c] - f[j,c] + 1e-6|
    chunks = []
    n = f.shape[0]
    for s in range(0, n, CHUNK):
        fc = f[s:s + CHUNK]
        chunks.append(jnp.sum(jnp.abs(fc[:, None, :] - f[None, :, :] + 1e-6), axis=-1))
    return jnp.concatenate(chunks, axis=0)


def reference(feture, scores, target):
    n = feture.shape[0]
    loss = _cross_entropy(scores, target)
    # kNN selection is non-differentiable in the torch original (sorted python dict),
    # so distances are computed under stop_gradient.
    D = _pairwise_l1_eps(jax.lax.stop_gradient(feture))
    same = (target[:, None] == target[None, :]) & (~jnp.eye(n, dtype=bool))
    counts = jnp.sum(same, axis=1)
    m = jnp.minimum(counts, K)  # len(nums) per sample
    Dm = jnp.where(same, D, jnp.inf)
    nn_idx = jnp.argsort(Dm, axis=1)[:, :K]  # [N, K] smallest distances first
    valid = jnp.arange(K)[None, :] < m[:, None]
    mm = jnp.maximum(m, 1).astype(feture.dtype)
    nb = jnp.take(feture, nn_idx, axis=0)  # [N, K, C] gather
    # lam * 0.5 * sum((f_i - (1/len(nums)) * f_j)^2), size_average=False -> sum
    sq = jnp.sum((feture[:, None, :] - nb / mm[:, None, None]) ** 2, axis=-1)
    knn_loss = LAM * 0.5 * jnp.sum(jnp.where(valid, sq, 0.0))
    return loss + knn_loss

if __name__ == "__main__":
    import jax
    _d = setup_inputs()
    print(jax.jit(kernel)(*tuple(_d.values())))

</pallas_src>

<mosaic_0001>
#map = affine_map<(d0, d1) -> (0, 0)>
#map1 = affine_map<(d0, d1) -> (0)>
module attributes {stable_mosaic.version = 14 : i64} {
  func.func @_sc_knn_kernel(%arg0: i32, %arg1: i32, %arg2: memref<1024x128xf32, #tpu.memory_space<hbm>>, %arg3: memref<1024xi32, #tpu.memory_space<hbm>>, %arg4: memref<32x16xf32, #tpu.memory_space<hbm>>, %arg5: memref<64x128xf32, #tpu.memory_space<vmem>>, %arg6: memref<1024xi32, #tpu.memory_space<vmem>>, %arg7: memref<128x128xf32, #tpu.memory_space<vmem>>, %arg8: memref<128x16xf32, #tpu.memory_space<vmem>>, %arg9: memref<16xf32, #tpu.memory_space<vmem>>, %arg10: memref<8x128xf32, #tpu.memory_space<vmem>>, %arg11: memref<8x16xf32, #tpu.memory_space<vmem>>, %arg12: memref<8x128xf32, #tpu.memory_space<vmem>>, %arg13: memref<8x16xf32, #tpu.memory_space<vmem>>, %arg14: memref<4096x128xf32, #tpu.memory_space<vmem_shared>>, %arg15: memref<4096x16xf32, #tpu.memory_space<vmem_shared>>) attributes {dimension_semantics = [#tpu.dimension_semantics<core_parallel>, #tpu.dimension_semantics<subcore_parallel>], iteration_bounds = array<i64: 2, 16>, scalar_prefetch = 0 : i64, scratch_operands = 11 : i64, tpu.core_type = #tpu.core_type<sc_vector_subcore>, window_params = [{transform_indices = #map}, {transform_indices = #map1}, {transform_indices = #map}]} {
    %mul3A = arith.constant 16 : i32
    %mul3A_0 = arith.muli %arg0, %mul3A : i32
    %add3A = arith.addi %mul3A_0, %arg1 : i32
    %iota3A = tpu.iota {dimensions = array<i32: 0>} : vector<16xi32>
    %broadcast_in_dim3A = arith.constant 0.000000e+00 : f32
    %broadcast_in_dim3A_1 = vector.broadcast %broadcast_in_dim3A : f32 to vector<16xf32>
    %scan3A = arith.constant 0 : i32
    %scan3A_2 = arith.constant 0 : i32
    %scan3A_3 = arith.constant 128 : i32
    %scan3A_4 = arith.addi %scan3A_2, %scan3A_3 : i32
    %scan3A_5 = arith.constant 1 : i32
    scf.for %scan3A_45 = %scan3A_2 to %scan3A_4 step %scan3A_5  : i32 {
      %swap3A_46 = arith.index_cast %scan3A_45 : i32 to index
      %swap3A_47 = arith.constant 0 : index
      %swap3A_48 = tpu.vector_load %arg7[%swap3A_46, %swap3A_47] {strides = array<i32>} : memref<128x128xf32, #tpu.memory_space<vmem>>, vector<16xf32>,
      tpu.vector_store %arg7[%swap3A_46, %swap3A_47], %broadcast_in_dim3A_1 {strides = array<i32>} : memref<128x128xf32, #tpu.memory_space<vmem>>, vector<16xf32>,
      %swap3A_49 = arith.index_cast %scan3A_45 : i32 to index
      %swap3A_50 = arith.constant 16 : index
      %swap3A_51 = tpu.vector_load %arg7[%swap3A_49, %swap3A_50] {strides = array<i32>} : memref<128x128xf32, #tpu.memory_space<vmem>>, vector<16xf32>,
      tpu.vector_store %arg7[%swap3A_49, %swap3A_50], %broadcast_in_dim3A_1 {strides = array<i32>} : memref<128x128xf32, #tpu.memory_space<vmem>>, vector<16xf32>,
      %swap3A_52 = arith.index_cast %scan3A_45 : i32 to index
      %swap3A_53 = arith.constant 32 : index
      %swap3A_54 = tpu.vector_load %arg7[%swap3A_52, %swap3A_53] {strides = array<i32>} : memref<128x128xf32, #tpu.memory_space<vmem>>, vector<16xf32>,
      tpu.vector_store %arg7[%swap3A_52, %swap3A_53], %broadcast_in_dim3A_1 {strides = array<i32>} : memref<128x128xf32, #tpu.memory_space<vmem>>, vector<16xf32>,
      %swap3A_55 = arith.index_cast %scan3A_45 : i32 to index
      %swap3A_56 = arith.constant 48 : index
      %swap3A_57 = tpu.vector_load %arg7[%swap3A_55, %swap3A_56] {strides = array<i32>} : memref<128x128xf32, #tpu.memory_space<vmem>>, vector<16xf32>,
      tpu.vector_store %arg7[%swap3A_55, %swap3A_56], %broadcast_in_dim3A_1 {strides = array<i32>} : memref<128x128xf32, #tpu.memory_space<vmem>>, vector<16xf32>,
      %swap3A_58 = arith.index_cast %scan3A_45 : i32 to index
      %swap3A_59 = arith.constant 64 : index
      %swap3A_60 = tpu.vector_load %arg7[%swap3A_58, %swap3A_59] {strides = array<i32>} : memref<128x128xf32, #tpu.memory_space<vmem>>, vector<16xf32>,
      tpu.vector_store %arg7[%swap3A_58, %swap3A_59], %broadcast_in_dim3A_1 {strides = array<i32>} : memref<128x128xf32, #tpu.memory_space<vmem>>, vector<16xf32>,
      %swap3A_61 = arith.index_cast %scan3A_45 : i32 to index
      %swap3A_62 = arith.constant 80 : index
      %swap3A_63 = tpu.vector_load %arg7[%swap3A_61, %swap3A_62] {strides = array<i32>} : memref<128x128xf32, #tpu.memory_space<vmem>>, vector<16xf32>,
      tpu.vector_store %arg7[%swap3A_61, %swap3A_62], %broadcast_in_dim3A_1 {strides = array<i32>} : memref<128x128xf32, #tpu.memory_space<vmem>>, vector<16xf32>,
      %swap3A_64 = arith.index_cast %scan3A_45 : i32 to index
      %swap3A_65 = arith.constant 96 : index
      %swap3A_66 = tpu.vector_load %arg7[%swap3A_64, %swap3A_65] {strides = array<i32>} : memref<128x128xf32, #tpu.memory_space<vmem>>, vector<16xf32>,
      tpu.vector_store %arg7[%swap3A_64, %swap3A_65], %broadcast_in_dim3A_1 {strides = array<i32>} : memref<128x128xf32, #tpu.memory_space<vmem>>, vector<16xf32>,
      %swap3A_67 = arith.index_cast %scan3A_45 : i32 to index
      %swap3A_68 = arith.constant 112 : index
      %swap3A_69 = tpu.vector_load %arg7[%swap3A_67, %swap3A_68] {strides = array<i32>} : memref<128x128xf32, #tpu.memory_space<vmem>>, vector<16xf32>,
      tpu.vector_store %arg7[%swap3A_67, %swap3A_68], %broadcast_in_dim3A_1 {strides = array<i32>} : memref<128x128xf32, #tpu.memory_space<vmem>>, vector<16xf32>,
      %swap3A_70 = arith.index_cast %scan3A_45 : i32 to index
      %swap3A_71 = arith.constant 0 : index
      %swap3A_72 = tpu.vector_load %arg8[%swap3A_70, %swap3A_71] {strides = array<i32>} : memref<128x16xf32, #tpu.memory_space<vmem>>, vector<16xf32>,
      tpu.vector_store %arg8[%swap3A_70, %swap3A_71], %broadcast_in_dim3A_1 {strides = array<i32>} : memref<128x16xf32, #tpu.memory_space<vmem>>, vector<16xf32>,
    }
    %scan3A_6 = arith.constant 128 : i32
    %mul3A_7 = arith.constant 64 : i32
    %mul3A_8 = arith.muli %arg1, %mul3A_7 : i32
    "tpu.region"() ({
      %run_scoped3A = tpu.sem_alloc : memref<!tpu.dma_semaphore, #tpu.memory_space<semaphore_mem>>
      tpu.enqueue_dma source(%arg3 : memref<1024xi32, #tpu.memory_space<hbm>>) target(%arg6 : memref<1024xi32, #tpu.memory_space<vmem>>) target_semaphore(%run_scoped3A : memref<!tpu.dma_semaphore, #tpu.memory_space<semaphore_mem>>)
      tpu.wait_dma2 semaphore(%run_scoped3A : memref<!tpu.dma_semaphore, #tpu.memory_space<semaphore_mem>>) src(%arg3 : memref<1024xi32, #tpu.memory_space<hbm>>) dst(%arg6 : memref<1024xi32, #tpu.memory_space<vmem>>)
      tpu.yield
    }) : () -> ()
    "tpu.region"() ({
      %run_scoped3A = tpu.sem_alloc : memref<!tpu.dma_semaphore, #tpu.memory_space<semaphore_mem>>
      %dma_start3A = arith.constant 0 : i32
      %dma_start3A_45 = tpu.memref_slice %arg2[%mul3A_8, %dma_start3A] : memref<1024x128xf32, #tpu.memory_space<hbm>> -> memref<64x128xf32, #tpu.memory_space<hbm>>
      %dma_start3A_46 = arith.constant 0 : i32
      %dma_start3A_47 = tpu.memref_slice %arg2[%mul3A_8, %dma_start3A_46] : memref<1024x128xf32, #tpu.memory_space<hbm>> -> memref<64x128xf32, #tpu.memory_space<hbm>>
      tpu.enqueue_dma source(%dma_start3A_47 : memref<64x128xf32, #tpu.memory_space<hbm>>) target(%arg5 : memref<64x128xf32, #tpu.memory_space<vmem>>) target_semaphore(%run_scoped3A : memref<!tpu.dma_semaphore, #tpu.memory_space<semaphore_mem>>)
      %dma_wait3A = arith.constant 0 : i32
      %dma_wait3A_48 = tpu.memref_slice %arg2[%mul3A_8, %dma_wait3A] : memref<1024x128xf32, #tpu.memory_space<hbm>> -> memref<64x128xf32, #tpu.memory_space<hbm>>
      %dma_wait3A_49 = arith.constant 0 : i32
      %dma_wait3A_50 = tpu.memref_slice %arg2[%mul3A_8, %dma_wait3A_49] : memref<1024x128xf32, #tpu.memory_space<hbm>> -> memref<64x128xf32, #tpu.memory_space<hbm>>
      tpu.wait_dma2 semaphore(%run_scoped3A : memref<!tpu.dma_semaphore, #tpu.memory_space<semaphore_mem>>) src(%dma_wait3A_50 : memref<64x128xf32, #tpu.memory_space<hbm>>) dst(%arg5 : memref<64x128xf32, #tpu.memory_space<vmem>>)
      tpu.yield
    }) : () -> ()
    %scan3A_9 = arith.constant 0 : i32
    %scan3A_10 = arith.constant 0 : i32
    %scan3A_11 = arith.constant 4 : i32
    %scan3A_12 = arith.addi %scan3A_10, %scan3A_11 : i32
    %scan3A_13 = arith.constant 1 : i32
    scf.for %scan3A_45 = %scan3A_10 to %scan3A_12 step %scan3A_13  : i32 {
      %mul3A_46 = arith.constant 16 : i32
      %mul3A_47 = arith.muli %scan3A_45, %mul3A_46 : i32
      %add3A_48 = arith.addi %mul3A_8, %mul3A_47 : i32
      %get3A = arith.index_cast %add3A_48 : i32 to index
      %get3A_49 = tpu.vector_load %arg6[%get3A] {strides = array<i32>} : memref<1024xi32, #tpu.memory_space<vmem>>, vector<16xi32>,
      %slice3A = vector.extract_strided_slice %get3A_49 {offsets = [0], sizes = [1], strides = [1]} : vector<16xi32> to vector<1xi32>
      %squeeze3A = vector.extract %slice3A[0] : i32 from vector<1xi32>
      %broadcast_in_dim3A_50 = vector.broadcast %squeeze3A : i32 to vector<16xi32>
      %mul3A_51 = arith.constant 16 : i32
      %mul3A_52 = arith.muli %scan3A_45, %mul3A_51 : i32
      %add3A_53 = arith.constant 0 : i32
      %add3A_54 = arith.addi %mul3A_52, %add3A_53 : i32
      %get3A_55 = arith.index_cast %add3A_54 : i32 to index
      %get3A_56 = arith.constant 0 : index
      %get3A_57 = tpu.vector_load %arg5[%get3A_55, %get3A_56] {strides = array<i32>} : memref<64x128xf32, #tpu.memory_space<vmem>>, vector<16xf32>,
      %add3A_58 = arith.constant 0 : i32
      %add3A_59 = vector.broadcast %add3A_58 : i32 to vector<16xi32>
      %add3A_60 = arith.addi %iota3A, %add3A_59 : vector<16xi32>
      tpu.vector_store_idx %arg7[%broadcast_in_dim3A_50, %add3A_60], %get3A_57 {add = true} : memref<128x128xf32, #tpu.memory_space<vmem>>[vector<16xi32>, vector<16xi32>], vector<16xf32>,
      %mul3A_61 = arith.mulf %get3A_57, %get3A_57 : vector<16xf32>
      %add3A_62 = arith.addf %broadcast_in_dim3A_1, %mul3A_61 : vector<16xf32>
      %mul3A_63 = arith.constant 16 : i32
      %mul3A_64 = arith.muli %scan3A_45, %mul3A_63 : i32
      %add3A_65 = arith.constant 0 : i32
      %add3A_66 = arith.addi %mul3A_64, %add3A_65 : i32
      %get3A_67 = arith.index_cast %add3A_66 : i32 to index
      %get3A_68 = arith.constant 16 : index
      %get3A_69 = tpu.vector_load %arg5[%get3A_67, %get3A_68] {strides = array<i32>} : memref<64x128xf32, #tpu.memory_space<vmem>>, vector<16xf32>,
      %add3A_70 = arith.constant 16 : i32
      %add3A_71 = vector.broadcast %add3A_70 : i32 to vector<16xi32>
      %add3A_72 = arith.addi %iota3A, %add3A_71 : vector<16xi32>
      tpu.vector_store_idx %arg7[%broadcast_in_dim3A_50, %add3A_72], %get3A_69 {add = true} : memref<128x128xf32, #tpu.memory_space<vmem>>[vector<16xi32>, vector<16xi32>], vector<16xf32>,
      %mul3A_73 = arith.mulf %get3A_69, %get3A_69 : vector<16xf32>
      %add3A_74 = arith.addf %add3A_62, %mul3A_73 : vector<16xf32>
      %mul3A_75 = arith.constant 16 : i32
      %mul3A_76 = arith.muli %scan3A_45, %mul3A_75 : i32
      %add3A_77 = arith.constant 0 : i32
      %add3A_78 = arith.addi %mul3A_76, %add3A_77 : i32
      %get3A_79 = arith.index_cast %add3A_78 : i32 to index
      %get3A_80 = arith.constant 32 : index
      %get3A_81 = tpu.vector_load %arg5[%get3A_79, %get3A_80] {strides = array<i32>} : memref<64x128xf32, #tpu.memory_space<vmem>>, vector<16xf32>,
      %add3A_82 = arith.constant 32 : i32
      %add3A_83 = vector.broadcast %add3A_82 : i32 to vector<16xi32>
      %add3A_84 = arith.addi %iota3A, %add3A_83 : vector<16xi32>
      tpu.vector_store_idx %arg7[%broadcast_in_dim3A_50, %add3A_84], %get3A_81 {add = true} : memref<128x128xf32, #tpu.memory_space<vmem>>[vector<16xi32>, vector<16xi32>], vector<16xf32>,
      %mul3A_85 = arith.mulf %get3A_81, %get3A_81 : vector<16xf32>
      %add3A_86 = arith.addf %add3A_74, %mul3A_85 : vector<16xf32>
      %mul3A_87 = arith.constant 16 : i32
      %mul3A_88 = arith.muli %scan3A_45, %mul3A_87 : i32
      %add3A_89 = arith.constant 0 : i32
      %add3A_90 = arith.addi %mul3A_88, %add3A_89 : i32
      %get3A_91 = arith.index_cast %add3A_90 : i32 to index
      %get3A_92 = arith.constant 48 : index
      %get3A_93 = tpu.vector_load %arg5[%get3A_91, %get3A_92] {strides = array<i32>} : memref<64x128xf32, #tpu.memory_space<vmem>>, vector<16xf32>,
      %add3A_94 = arith.constant 48 : i32
      %add3A_95 = vector.broadcast %add3A_94 : i32 to vector<16xi32>
      %add3A_96 = arith.addi %iota3A, %add3A_95 : vector<16xi32>
      tpu.vector_store_idx %arg7[%broadcast_in_dim3A_50, %add3A_96], %get3A_93 {add = true} : memref<128x128xf32, #tpu.memory_space<vmem>>[vector<16xi32>, vector<16xi32>], vector<16xf32>,
      %mul3A_97 = arith.mulf %get3A_93, %get3A_93 : vector<16xf32>
      %add3A_98 = arith.addf %add3A_86, %mul3A_97 : vector<16xf32>
      %mul3A_99 = arith.constant 16 : i32
      %mul3A_100 = arith.muli %scan3A_45, %mul3A_99 : i32
      %add3A_101 = arith.constant 0 : i32
      %add3A_102 = arith.addi %mul3A_100, %add3A_101 : i32
      %get3A_103 = arith.index_cast %add3A_102 : i32 to index
      %get3A_104 = arith.constant 64 : index
      %get3A_105 = tpu.vector_load %arg5[%get3A_103, %get3A_104] {strides = array<i32>} : memref<64x128xf32, #tpu.memory_space<vmem>>, vector<16xf32>,
      %add3A_106 = arith.constant 64 : i32
      %add3A_107 = vector.broadcast %add3A_106 : i32 to vector<16xi32>
      %add3A_108 = arith.addi %iota3A, %add3A_107 : vector<16xi32>
      tpu.vector_store_idx %arg7[%broadcast_in_dim3A_50, %add3A_108], %get3A_105 {add = true} : memref<128x128xf32, #tpu.memory_space<vmem>>[vector<16xi32>, vector<16xi32>], vector<16xf32>,
      %mul3A_109 = arith.mulf %get3A_105, %get3A_105 : vector<16xf32>
      %add3A_110 = arith.addf %add3A_98, %mul3A_109 : vector<16xf32>
      %mul3A_111 = arith.constant 16 : i32
      %mul3A_112 = arith.muli %scan3A_45, %mul3A_111 : i32
      %add3A_113 = arith.constant 0 : i32
      %add3A_114 = arith.addi %mul3A_112, %add3A_113 : i32
      %get3A_115 = arith.index_cast %add3A_114 : i32 to index
      %get3A_116 = arith.constant 80 : index
      %get3A_117 = tpu.vector_load %arg5[%get3A_115, %get3A_116] {strides = array<i32>} : memref<64x128xf32, #tpu.memory_space<vmem>>, vector<16xf32>,
      %add3A_118 = arith.constant 80 : i32
      %add3A_119 = vector.broadcast %add3A_118 : i32 to vector<16xi32>
      %add3A_120 = arith.addi %iota3A, %add3A_119 : vector<16xi32>
      tpu.vector_store_idx %arg7[%broadcast_in_dim3A_50, %add3A_120], %get3A_117 {add = true} : memref<128x128xf32, #tpu.memory_space<vmem>>[vector<16xi32>, vector<16xi32>], vector<16xf32>,
      %mul3A_121 = arith.mulf %get3A_117, %get3A_117 : vector<16xf32>
      %add3A_122 = arith.addf %add3A_110, %mul3A_121 : vector<16xf32>
      %mul3A_123 = arith.constant 16 : i32
      %mul3A_124 = arith.muli %scan3A_45, %mul3A_123 : i32
      %add3A_125 = arith.constant 0 : i32
      %add3A_126 = arith.addi %mul3A_124, %add3A_125 : i32
      %get3A_127 = arith.index_cast %add3A_126 : i32 to index
      %get3A_128 = arith.constant 96 : index
      %get3A_129 = tpu.vector_load %arg5[%get3A_127, %get3A_128] {strides = array<i32>} : memref<64x128xf32, #tpu.memory_space<vmem>>, vector<16xf32>,
      %add3A_130 = arith.constant 96 : i32
      %add3A_131 = vector.broadcast %add3A_130 : i32 to vector<16xi32>
      %add3A_132 = arith.addi %iota3A, %add3A_131 : vector<16xi32>
      tpu.vector_store_idx %arg7[%broadcast_in_dim3A_50, %add3A_132], %get3A_129 {add = true} : memref<128x128xf32, #tpu.memory_space<vmem>>[vector<16xi32>, vector<16xi32>], vector<16xf32>,
      %mul3A_133 = arith.mulf %get3A_129, %get3A_129 : vector<16xf32>
      %add3A_134 = arith.addf %add3A_122, %mul3A_133 : vector<16xf32>
      %mul3A_135 = arith.constant 16 : i32
      %mul3A_136 = arith.muli %scan3A_45, %mul3A_135 : i32
      %add3A_137 = arith.constant 0 : i32
      %add3A_138 = arith.addi %mul3A_136, %add3A_137 : i32
      %get3A_139 = arith.index_cast %add3A_138 : i32 to index
      %get3A_140 = arith.constant 112 : index
      %get3A_141 = tpu.vector_load %arg5[%get3A_139, %get3A_140] {strides = array<i32>} : memref<64x128xf32, #tpu.memory_space<vmem>>, vector<16xf32>,
      %add3A_142 = arith.constant 112 : i32
      %add3A_143 = vector.broadcast %add3A_142 : i32 to vector<16xi32>
      %add3A_144 = arith.addi %iota3A, %add3A_143 : vector<16xi32>
      tpu.vector_store_idx %arg7[%broadcast_in_dim3A_50, %add3A_144], %get3A_141 {add = true} : memref<128x128xf32, #tpu.memory_space<vmem>>[vector<16xi32>, vector<16xi32>], vector<16xf32>,
      %mul3A_145 = arith.mulf %get3A_141, %get3A_141 : vector<16xf32>
      %add3A_146 = arith.addf %add3A_134, %mul3A_145 : vector<16xf32>
      %reduce_sum3A = arith.constant true
      %reduce_sum3A_147 = vector.broadcast %reduce_sum3A : i1 to vector<16xi1>
      %reduce_sum3A_148 = tpu.scan <sum>, %add3A_146 masked %reduce_sum3A_147 : vector<16xf32>, vector<16xi1> -> vector<16xf32>
      %reduce_sum3A_149 = vector.extract %reduce_sum3A_148[15] : f32 from vector<16xf32>
      %eq3A_150 = arith.constant 0 : i32
      %eq3A_151 = vector.broadcast %eq3A_150 : i32 to vector<16xi32>
      %eq3A_152 = arith.cmpi eq, %iota3A, %eq3A_151 : vector<16xi32>
      %jit3A_153 = arith.constant 1.000000e+00 : f32
      %jit3A_154 = arith.constant 0.000000e+00 : f32
      %broadcast_in_dim3A_155 = vector.broadcast %jit3A_153 : f32 to vector<16xf32>
      %broadcast_in_dim3A_156 = vector.broadcast %jit3A_154 : f32 to vector<16xf32>
      %select_n3A_157 = arith.select %eq3A_152, %broadcast_in_dim3A_155, %broadcast_in_dim3A_156 : vector<16xi1>, vector<16xf32>
      %eq3A_158 = arith.constant 1 : i32
      %eq3A_159 = vector.broadcast %eq3A_158 : i32 to vector<16xi32>
      %eq3A_160 = arith.cmpi eq, %iota3A, %eq3A_159 : vector<16xi32>
      %jit3A_161 = arith.constant 0.000000e+00 : f32
      %broadcast_in_dim3A_162 = vector.broadcast %reduce_sum3A_149 : f32 to vector<16xf32>
      %broadcast_in_dim3A_163 = vector.broadcast %jit3A_161 : f32 to vector<16xf32>
      %select_n3A_164 = arith.select %eq3A_160, %broadcast_in_dim3A_162, %broadcast_in_dim3A_163 : vector<16xi1>, vector<16xf32>
      %add3A_165 = arith.addf %select_n3A_157, %select_n3A_164 : vector<16xf32>
      tpu.vector_store_idx %arg8[%broadcast_in_dim3A_50, %iota3A], %add3A_165 {add = true} : memref<128x16xf32, #tpu.memory_space<vmem>>[vector<16xi32>, vector<16xi32>], vector<16xf32>,
      %slice3A_166 = vector.extract_strided_slice %get3A_49 {offsets = [1], sizes = [1], strides = [1]} : vector<16xi32> to vector<1xi32>
      %squeeze3A_167 = vector.extract %slice3A_166[0] : i32 from vector<1xi32>
      %broadcast_in_dim3A_168 = vector.broadcast %squeeze3A_167 : i32 to vector<16xi32>
      %mul3A_169 = arith.constant 16 : i32
      %mul3A_170 = arith.muli %scan3A_45, %mul3A_169 : i32
      %add3A_171 = arith.constant 1 : i32
      %add3A_172 = arith.addi %mul3A_170, %add3A_171 : i32
      %get3A_173 = arith.index_cast %add3A_172 : i32 to index
      %get3A_174 = arith.constant 0 : index
      %get3A_175 = tpu.vector_load %arg5[%get3A_173, %get3A_174] {strides = array<i32>} : memref<64x128xf32, #tpu.memory_space<vmem>>, vector<16xf32>,
      %add3A_176 = arith.constant 0 : i32
      %add3A_177 = vector.broadcast %add3A_176 : i32 to vector<16xi32>
      %add3A_178 = arith.addi %iota3A, %add3A_177 : vector<16xi32>
      tpu.vector_store_idx %arg7[%broadcast_in_dim3A_168, %add3A_178], %get3A_175 {add = true} : memref<128x128xf32, #tpu.memory_space<vmem>>[vector<16xi32>, vector<16xi32>], vector<16xf32>,
      %mul3A_179 = arith.mulf %get3A_175, %get3A_175 : vector<16xf32>
      %add3A_180 = arith.addf %broadcast_in_dim3A_1, %mul3A_179 : vector<16xf32>
      %mul3A_181 = arith.constant 16 : i32
      %mul3A_182 = arith.muli %scan3A_45, %mul3A_181 : i32
      %add3A_183 = arith.constant 1 : i32
      %add3A_184 = arith.addi %mul3A_182, %add3A_183 : i32
      %get3A_185 = arith.index_cast %add3A_184 : i32 to index
      %get3A_186 = arith.constant 16 : index
      %get3A_187 = tpu.vector_load %arg5[%get3A_185, %get3A_186] {strides = array<i32>} : memref<64x128xf32, #tpu.memory_space<vmem>>, vector<16xf32>,
      %add3A_188 = arith.constant 16 : i32
      %add3A_189 = vector.broadcast %add3A_188 : i32 to vector<16xi32>
      %add3A_190 = arith.addi %iota3A, %add3A_189 : vector<16xi32>
      tpu.vector_store_idx %arg7[%broadcast_in_dim3A_168, %add3A_190], %get3A_187 {add = true} : memref<128x128xf32, #tpu.memory_space<vmem>>[vector<16xi32>, vector<16xi32>], vector<16xf32>,
      %mul3A_191 = arith.mulf %get3A_187, %get3A_187 : vector<16xf32>
      %add3A_192 = arith.addf %add3A_180, %mul3A_191 : vector<16xf32>
      %mul3A_193 = arith.constant 16 : i32
      %mul3A_194 = arith.muli %scan3A_45, %mul3A_193 : i32
      %add3A_195 = arith.constant 1 : i32
      %add3A_196 = arith.addi %mul3A_194, %add3A_195 : i32
      %get3A_197 = arith.index_cast %add3A_196 : i32 to index
      %get3A_198 = arith.constant 32 : index
      %get3A_199 = tpu.vector_load %arg5[%get3A_197, %get3A_198] {strides = array<i32>} : memref<64x128xf32, #tpu.memory_space<vmem>>, vector<16xf32>,
      %add3A_200 = arith.constant 32 : i32
      %add3A_201 = vector.broadcast %add3A_200 : i32 to vector<16xi32>
      %add3A_202 = arith.addi %iota3A, %add3A_201 : vector<16xi32>
      tpu.vector_store_idx %arg7[%broadcast_in_dim3A_168, %add3A_202], %get3A_199 {add = true} : memref<128x128xf32, #tpu.memory_space<vmem>>[vector<16xi32>, vector<16xi32>], vector<16xf32>,
      %mul3A_203 = arith.mulf %get3A_199, %get3A_199 : vector<16xf32>
      %add3A_204 = arith.addf %add3A_192, %mul3A_203 : vector<16xf32>
      %mul3A_205 = arith.constant 16 : i32
      %mul3A_206 = arith.muli %scan3A_45, %mul3A_205 : i32
      %add3A_207 = arith.constant 1 : i32
      %add3A_208 = arith.addi %mul3A_206, %add3A_207 : i32
      %get3A_209 = arith.index_cast %add3A_208 : i32 to index
      %get3A_210 = arith.constant 48 : index
      %get3A_211 = tpu.vector_load %arg5[%get3A_209, %get3A_210] {strides = array<i32>} : memref<64x128xf32, #tpu.memory_space<vmem>>, vector<16xf32>,
      %add3A_212 = arith.constant 48 : i32
      %add3A_213 = vector.broadcast %add3A_212 : i32 to vector<16xi32>
      %add3A_214 = arith.addi %iota3A, %add3A_213 : vector<16xi32>
      tpu.vector_store_idx %arg7[%broadcast_in_dim3A_168, %add3A_214], %get3A_211 {add = true} : memref<128x128xf32, #tpu.memory_space<vmem>>[vector<16xi32>, vector<16xi32>], vector<16xf32>,
      %mul3A_215 = arith.mulf %get3A_211, %get3A_211 : vector<16xf32>
      %add3A_216 = arith.addf %add3A_204, %mul3A_215 : vector<16xf32>
      %mul3A_217 = arith.constant 16 : i32
      %mul3A_218 = arith.muli %scan3A_45, %mul3A_217 : i32
      %add3A_219 = arith.constant 1 : i32
      %add3A_220 = arith.addi %mul3A_218, %add3A_219 : i32
      %get3A_221 = arith.index_cast %add3A_220 : i32 to index
      %get3A_222 = arith.constant 64 : index
      %get3A_223 = tpu.vector_load %arg5[%get3A_221, %get3A_222] {strides = array<i32>} : memref<64x128xf32, #tpu.memory_space<vmem>>, vector<16xf32>,
      %add3A_224 = arith.constant 64 : i32
      %add3A_225 = vector.broadcast %add3A_224 : i32 to vector<16xi32>
      %add3A_226 = arith.addi %iota3A, %add3A_225 : vector<16xi32>
      tpu.vector_store_idx %arg7[%broadcast_in_dim3A_168, %add3A_226], %get3A_223 {add = true} : memref<128x128xf32, #tpu.memory_space<vmem>>[vector<16xi32>, vector<16xi32>], vector<16xf32>,
      %mul3A_227 = arith.mulf %get3A_223, %get3A_223 : vector<16xf32>
      %add3A_228 = arith.addf %add3A_216, %mul3A_227 : vector<16xf32>
      %mul3A_229 = arith.constant 16 : i32
      %mul3A_230 = arith.muli %scan3A_45, %mul3A_229 : i32
      %add3A_231 = arith.constant 1 : i32
      %add3A_232 = arith.addi %mul3A_230, %add3A_231 : i32
      %get3A_233 = arith.index_cast %add3A_232 : i32 to index
      %get3A_234 = arith.constant 80 : index
      %get3A_235 = tpu.vector_load %arg5[%get3A_233, %get3A_234] {strides = array<i32>} : memref<64x128xf32, #tpu.memory_space<vmem>>, vector<16xf32>,
      %add3A_236 = arith.constant 80 : i32
      %add3A_237 = vector.broadcast %add3A_236 : i32 to vector<16xi32>
      %add3A_238 = arith.addi %iota3A, %add3A_237 : vector<16xi32>
      tpu.vector_store_idx %arg7[%broadcast_in_dim3A_168, %add3A_238], %get3A_235 {add = true} : memref<128x128xf32, #tpu.memory_space<vmem>>[vector<16xi32>, vector<16xi32>], vector<16xf32>,
      %mul3A_239 = arith.mulf %get3A_235, %get3A_235 : vector<16xf32>
      %add3A_240 = arith.addf %add3A_228, %mul3A_239 : vector<16xf32>
      %mul3A_241 = arith.constant 16 : i32
      %mul3A_242 = arith.muli %scan3A_45, %mul3A_241 : i32
      %add3A_243 = arith.constant 1 : i32
      %add3A_244 = arith.addi %mul3A_242, %add3A_243 : i32
      %get3A_245 = arith.index_cast %add3A_244 : i32 to index
      %get3A_246 = arith.constant 96 : index
      %get3A_247 = tpu.vector_load %arg5[%get3A_245, %get3A_246] {strides = array<i32>} : memref<64x128xf32, #tpu.memory_space<vmem>>, vector<16xf32>,
      %add3A_248 = arith.constant 96 : i32
      %add3A_249 = vector.broadcast %add3A_248 : i32 to vector<16xi32>
      %add3A_250 = arith.addi %iota3A, %add3A_249 : vector<16xi32>
      tpu.vector_store_idx %arg7[%broadcast_in_dim3A_168, %add3A_250], %get3A_247 {add = true} : memref<128x128xf32, #tpu.memory_space<vmem>>[vector<16xi32>, vector<16xi32>], vector<16xf32>,
      %mul3A_251 = arith.mulf %get3A_247, %get3A_247 : vector<16xf32>
      %add3A_252 = arith.addf %add3A_240, %mul3A_251 : vector<16xf32>
      %mul3A_253 = arith.constant 16 : i32
      %mul3A_254 = arith.muli %scan3A_45, %mul3A_253 : i32
      %add3A_255 = arith.constant 1 : i32
      %add3A_256 = arith.addi %mul3A_254, %add3A_255 : i32
      %get3A_257 = arith.index_cast %add3A_256 : i32 to index
      %get3A_258 = arith.constant 112 : index
      %get3A_259 = tpu.vector_load %arg5[%get3A_257, %get3A_258] {strides = array<i32>} : memref<64x128xf32, #tpu.memory_space<vmem>>, vector<16xf32>,
      %add3A_260 = arith.constant 112 : i32
      %add3A_261 = vector.broadcast %add3A_260 : i32 to vector<16xi32>
      %add3A_262 = arith.addi %iota3A, %add3A_261 : vector<16xi32>
      tpu.vector_store_idx %arg7[%broadcast_in_dim3A_168, %add3A_262], %get3A_259 {add = true} : memref<128x128xf32, #tpu.memory_space<vmem>>[vector<16xi32>, vector<16xi32>], vector<16xf32>,
      %mul3A_263 = arith.mulf %get3A_259, %get3A_259 : vector<16xf32>
      %add3A_264 = arith.addf %add3A_252, %mul3A_263 : vector<16xf32>
      %reduce_sum3A_265 = arith.constant true
      %reduce_sum3A_266 = vector.broadcast %reduce_sum3A_265 : i1 to vector<16xi1>
      %reduce_sum3A_267 = tpu.scan <sum>, %add3A_264 masked %reduce_sum3A_266 : vector<16xf32>, vector<16xi1> -> vector<16xf32>
      %reduce_sum3A_268 = vector.extract %reduce_sum3A_267[15] : f32 from vector<16xf32>
      %eq3A_269 = arith.constant 0 : i32
      %eq3A_270 = vector.broadcast %eq3A_269 : i32 to vector<16xi32>
      %eq3A_271 = arith.cmpi eq, %iota3A, %eq3A_270 : vector<16xi32>
      %jit3A_272 = arith.constant 1.000000e+00 : f32
      %jit3A_273 = arith.constant 0.000000e+00 : f32
      %broadcast_in_dim3A_274 = vector.broadcast %jit3A_272 : f32 to vector<16xf32>
      %broadcast_in_dim3A_275 = vector.broadcast %jit3A_273 : f32 to vector<16xf32>
      %select_n3A_276 = arith.select %eq3A_271, %broadcast_in_dim3A_274, %broadcast_in_dim3A_275 : vector<16xi1>, vector<16xf32>
      %eq3A_277 = arith.constant 1 : i32
      %eq3A_278 = vector.broadcast %eq3A_277 : i32 to vector<16xi32>
      %eq3A_279 = arith.cmpi eq, %iota3A, %eq3A_278 : vector<16xi32>
      %jit3A_280 = arith.constant 0.000000e+00 : f32
      %broadcast_in_dim3A_281 = vector.broadcast %reduce_sum3A_268 : f32 to vector<16xf32>
      %broadcast_in_dim3A_282 = vector.broadcast %jit3A_280 : f32 to vector<16xf32>
      %select_n3A_283 = arith.select %eq3A_279, %broadcast_in_dim3A_281, %broadcast_in_dim3A_282 : vector<16xi1>, vector<16xf32>
      %add3A_284 = arith.addf %select_n3A_276, %select_n3A_283 : vector<16xf32>
      tpu.vector_store_idx %arg8[%broadcast_in_dim3A_168, %iota3A], %add3A_284 {add = true} : memref<128x16xf32, #tpu.memory_space<vmem>>[vector<16xi32>, vector<16xi32>], vector<16xf32>,
      %slice3A_285 = vector.extract_strided_slice %get3A_49 {offsets = [2], sizes = [1], strides = [1]} : vector<16xi32> to vector<1xi32>
      %squeeze3A_286 = vector.extract %slice3A_285[0] : i32 from vector<1xi32>
      %broadcast_in_dim3A_287 = vector.broadcast %squeeze3A_286 : i32 to vector<16xi32>
      %mul3A_288 = arith.constant 16 : i32
      %mul3A_289 = arith.muli %scan3A_45, %mul3A_288 : i32
      %add3A_290 = arith.constant 2 : i32
      %add3A_291 = arith.addi %mul3A_289, %add3A_290 : i32
      %get3A_292 = arith.index_cast %add3A_291 : i32 to index
      %get3A_293 = arith.constant 0 : index
      %get3A_294 = tpu.vector_load %arg5[%get3A_292, %get3A_293] {strides = array<i32>} : memref<64x128xf32, #tpu.memory_space<vmem>>, vector<16xf32>,
      %add3A_295 = arith.constant 0 : i32
      %add3A_296 = vector.broadcast %add3A_295 : i32 to vector<16xi32>
      %add3A_297 = arith.addi %iota3A, %add3A_296 : vector<16xi32>
      tpu.vector_store_idx %arg7[%broadcast_in_dim3A_287, %add3A_297], %get3A_294 {add = true} : memref<128x128xf32, #tpu.memory_space<vmem>>[vector<16xi32>, vector<16xi32>], vector<16xf32>,
      %mul3A_298 = arith.mulf %get3A_294, %get3A_294 : vector<16xf32>
      %add3A_299 = arith.addf %broadcast_in_dim3A_1, %mul3A_298 : vector<16xf32>
      %mul3A_300 = arith.constant 16 : i32
      %mul3A_301 = arith.muli %scan3A_45, %mul3A_300 : i32
      %add3A_302 = arith.constant 2 : i32
      %add3A_303 = arith.addi %mul3A_301, %add3A_302 : i32
      %get3A_304 = arith.index_cast %add3A_303 : i32 to index
      %get3A_305 = arith.constant 16 : index
      %get3A_306 = tpu.vector_load %arg5[%get3A_304, %get3A_305] {strides = array<i32>} : memref<64x128xf32, #tpu.memory_space<vmem>>, vector<16xf32>,
      %add3A_307 = arith.constant 16 : i32
      %add3A_308 = vector.broadcast %add3A_307 : i32 to vector<16xi32>
      %add3A_309 = arith.addi %iota3A, %add3A_308 : vector<16xi32>
      tpu.vector_store_idx %arg7[%broadcast_in_dim3A_287, %add3A_309], %get3A_306 {add = true} : memref<128x128xf32, #tpu.memory_space<vmem>>[vector<16xi32>, vector<16xi32>], vector<16xf32>,
      %mul3A_310 = arith.mulf %get3A_306, %get3A_306 : vector<16xf32>
      %add3A_311 = arith.addf %add3A_299, %mul3A_310 : vector<16xf32>
      %mul3A_312 = arith.constant 16 : i32
      %mul3A_313 = arith.muli %scan3A_45, %mul3A_312 : i32
      %add3A_314 = arith.constant 2 : i32
      %add3A_315 = arith.addi %mul3A_313, %add3A_314 : i32
      %get3A_316 = arith.index_cast %add3A_315 : i32 to index
      %get3A_317 = arith.constant 32 : index
      %get3A_318 = tpu.vector_load %arg5[%get3A_316, %get3A_317] {strides = array<i32>} : memref<64x128xf32, #tpu.memory_space<vmem>>, vector<16xf32>,
      %add3A_319 = arith.constant 32 : i32
      %add3A_320 = vector.broadcast %add3A_319 : i32 to vector<16xi32>
      %add3A_321 = arith.addi %iota3A, %add3A_320 : vector<16xi32>
      tpu.vector_store_idx %arg7[%broadcast_in_dim3A_287, %add3A_321], %get3A_318 {add = true} : memref<128x128xf32, #tpu.memory_space<vmem>>[vector<16xi32>, vector<16xi32>], vector<16xf32>,
      %mul3A_322 = arith.mulf %get3A_318, %get3A_318 : vector<16xf32>
      %add3A_323 = arith.addf %add3A_311, %mul3A_322 : vector<16xf32>
      %mul3A_324 = arith.constant 16 : i32
      %mul3A_325 = arith.muli %scan3A_45, %mul3A_324 : i32
      %add3A_326 = arith.constant 2 : i32
      %add3A_327 = arith.addi %mul3A_325, %add3A_326 : i32
      %get3A_328 = arith.index_cast %add3A_327 : i32 to index
      %get3A_329 = arith.constant 48 : index
      %get3A_330 = tpu.vector_load %arg5[%get3A_328, %get3A_329] {strides = array<i32>} : memref<64x128xf32, #tpu.memory_space<vmem>>, vector<16xf32>,
      %add3A_331 = arith.constant 48 : i32
      %add3A_332 = vector.broadcast %add3A_331 : i32 to vector<16xi32>
      %add3A_333 = arith.addi %iota3A, %add3A_332 : vector<16xi32>
      tpu.vector_store_idx %arg7[%broadcast_in_dim3A_287, %add3A_333], %get3A_330 {add = true} : memref<128x128xf32, #tpu.memory_space<vmem>>[vector<16xi32>, vector<16xi32>], vector<16xf32>,
      %mul3A_334 = arith.mulf %get3A_330, %get3A_330 : vector<16xf32>
      %add3A_335 = arith.addf %add3A_323, %mul3A_334 : vector<16xf32>
      %mul3A_336 = arith.constant 16 : i32
      %mul3A_337 = arith.muli %scan3A_45, %mul3A_336 : i32
      %add3A_338 = arith.constant 2 : i32
      %add3A_339 = arith.addi %mul3A_337, %add3A_338 : i32
      %get3A_340 = arith.index_cast %add3A_339 : i32 to index
      %get3A_341 = arith.constant 64 : index
      %get3A_342 = tpu.vector_load %arg5[%get3A_340, %get3A_341] {strides = array<i32>} : memref<64x128xf32, #tpu.memory_space<vmem>>, vector<16xf32>,
      %add3A_343 = arith.constant 64 : i32
      %add3A_344 = vector.broadcast %add3A_343 : i32 to vector<16xi32>
      %add3A_345 = arith.addi %iota3A, %add3A_344 : vector<16xi32>
      tpu.vector_store_idx %arg7[%broadcast_in_dim3A_287, %add3A_345], %get3A_342 {add = true} : memref<128x128xf32, #tpu.memory_space<vmem>>[vector<16xi32>, vector<16xi32>], vector<16xf32>,
      %mul3A_346 = arith.mulf %get3A_342, %get3A_342 : vector<16xf32>
      %add3A_347 = arith.addf %add3A_335, %mul3A_346 : vector<16xf32>
      %mul3A_348 = arith.constant 16 : i32
      %mul3A_349 = arith.muli %scan3A_45, %mul3A_348 : i32
      %add3A_350 = arith.constant 2 : i32
      %add3A_351 = arith.addi %mul3A_349, %add3A_350 : i32
      %get3A_352 = arith.index_cast %add3A_351 : i32 to index
      %get3A_353 = arith.constant 80 : index
      %get3A_354 = tpu.vector_load %arg5[%get3A_352, %get3A_353] {strides = array<i32>} : memref<64x128xf32, #tpu.memory_space<vmem>>, vector<16xf32>,
      %add3A_355 = arith.constant 80 : i32
      %add3A_356 = vector.broadcast %add3A_355 : i32 to vector<16xi32>
      %add3A_357 = arith.addi %iota3A, %add3A_356 : vector<16xi32>
      tpu.vector_store_idx %arg7[%broadcast_in_dim3A_287, %add3A_357], %get3A_354 {add = true} : memref<128x128xf32, #tpu.memory_space<vmem>>[vector<16xi32>, vector<16xi32>], vector<16xf32>,
      %mul3A_358 = arith.mulf %get3A_354, %get3A_354 : vector<16xf32>
      %add3A_359 = arith.addf %add3A_347, %mul3A_358 : vector<16xf32>
      %mul3A_360 = arith.constant 16 : i32
      %mul3A_361 = arith.muli %scan3A_45, %mul3A_360 : i32
      %add3A_362 = arith.constant 2 : i32
      %add3A_363 = arith.addi %mul3A_361, %add3A_362 : i32
      %get3A_364 = arith.index_cast %add3A_363 : i32 to index
      %get3A_365 = arith.constant 96 : index
      %get3A_366 = tpu.vector_load %arg5[%get3A_364, %get3A_365] {strides = array<i32>} : memref<64x128xf32, #tpu.memory_space<vmem>>, vector<16xf32>,
      %add3A_367 = arith.constant 96 : i32
      %add3A_368 = vector.broadcast %add3A_367 : i32 to vector<16xi32>
      %add3A_369 = arith.addi %iota3A, %add3A_368 : vector<16xi32>
      tpu.vector_store_idx %arg7[%broadcast_in_dim3A_287, %add3A_369], %get3A_366 {add = true} : memref<128x128xf32, #tpu.memory_space<vmem>>[vector<16xi32>, vector<16xi32>], vector<16xf32>,
      %mul3A_370 = arith.mulf %get3A_366, %get3A_366 : vector<16xf32>
      %add3A_371 = arith.addf %add3A_359, %mul3A_370 : vector<16xf32>
      %mul3A_372 = arith.constant 16 : i32
      %mul3A_373 = arith.muli %scan3A_45, %mul3A_372 : i32
      %add3A_374 = arith.constant 2 : i32
      %add3A_375 = arith.addi %mul3A_373, %add3A_374 : i32
      %get3A_376 = arith.index_cast %add3A_375 : i32 to index
      %get3A_377 = arith.constant 112 : index
      %get3A_378 = tpu.vector_load %arg5[%get3A_376, %get3A_377] {strides = array<i32>} : memref<64x128xf32, #tpu.memory_space<vmem>>, vector<16xf32>,
      %add3A_379 = arith.constant 112 : i32
      %add3A_380 = vector.broadcast %add3A_379 : i32 to vector<16xi32>
      %add3A_381 = arith.addi %iota3A, %add3A_380 : vector<16xi32>
      tpu.vector_store_idx %arg7[%broadcast_in_dim3A_287, %add3A_381], %get3A_378 {add = true} : memref<128x128xf32, #tpu.memory_space<vmem>>[vector<16xi32>, vector<16xi32>], vector<16xf32>,
      %mul3A_382 = arith.mulf %get3A_378, %get3A_378 : vector<16xf32>
      %add3A_383 = arith.addf %add3A_371, %mul3A_382 : vector<16xf32>
      %reduce_sum3A_384 = arith.constant true
      %reduce_sum3A_385 = vector.broadcast %reduce_sum3A_384 : i1 to vector<16xi1>
      %reduce_sum3A_386 = tpu.scan <sum>, %add3A_383 masked %reduce_sum3A_385 : vector<16xf32>, vector<16xi1> -> vector<16xf32>
      %reduce_sum3A_387 = vector.extract %reduce_sum3A_386[15] : f32 from vector<16xf32>
      %eq3A_388 = arith.constant 0 : i32
      %eq3A_389 = vector.broadcast %eq3A_388 : i32 to vector<16xi32>
      %eq3A_390 = arith.cmpi eq, %iota3A, %eq3A_389 : vector<16xi32>
      %jit3A_391 = arith.constant 1.000000e+00 : f32
      %jit3A_392 = arith.constant 0.000000e+00 : f32
      %broadcast_in_dim3A_393 = vector.broadcast %jit3A_391 : f32 to vector<16xf32>
      %broadcast_in_dim3A_394 = vector.broadcast %jit3A_392 : f32 to vector<16xf32>
      %select_n3A_395 = arith.select %eq3A_390, %broadcast_in_dim3A_393, %broadcast_in_dim3A_394 : vector<16xi1>, vector<16xf32>
      %eq3A_396 = arith.constant 1 : i32
      %eq3A_397 = vector.broadcast %eq3A_396 : i32 to vector<16xi32>
      %eq3A_398 = arith.cmpi eq, %iota3A, %eq3A_397 : vector<16xi32>
      %jit3A_399 = arith.constant 0.000000e+00 : f32
      %broadcast_in_dim3A_400 = vector.broadcast %reduce_sum3A_387 : f32 to vector<16xf32>
      %broadcast_in_dim3A_401 = vector.broadcast %jit3A_399 : f32 to vector<16xf32>
      %select_n3A_402 = arith.select %eq3A_398, %broadcast_in_dim3A_400, %broadcast_in_dim3A_401 : vector<16xi1>, vector<16xf32>
      %add3A_403 = arith.addf %select_n3A_395, %select_n3A_402 : vector<16xf32>
      tpu.vector_store_idx %arg8[%broadcast_in_dim3A_287, %iota3A], %add3A_403 {add = true} : memref<128x16xf32, #tpu.memory_space<vmem>>[vector<16xi32>, vector<16xi32>], vector<16xf32>,
      %slice3A_404 = vector.extract_strided_slice %get3A_49 {offsets = [3], sizes = [1], strides = [1]} : vector<16xi32> to vector<1xi32>
      %squeeze3A_405 = vector.extract %slice3A_404[0] : i32 from vector<1xi32>
      %broadcast_in_dim3A_406 = vector.broadcast %squeeze3A_405 : i32 to vector<16xi32>
      %mul3A_407 = arith.constant 16 : i32
      %mul3A_408 = arith.muli %scan3A_45, %mul3A_407 : i32
      %add3A_409 = arith.constant 3 : i32
      %add3A_410 = arith.addi %mul3A_408, %add3A_409 : i32
      %get3A_411 = arith.index_cast %add3A_410 : i32 to index
      %get3A_412 = arith.constant 0 : index
      %get3A_413 = tpu.vector_load %arg5[%get3A_411, %get3A_412] {strides = array<i32>} : memref<64x128xf32, #tpu.memory_space<vmem>>, vector<16xf32>,
      %add3A_414 = arith.constant 0 : i32
      %add3A_415 = vector.broadcast %add3A_414 : i32 to vector<16xi32>
      %add3A_416 = arith.addi %iota3A, %add3A_415 : vector<16xi32>
      tpu.vector_store_idx %arg7[%broadcast_in_dim3A_406, %add3A_416], %get3A_413 {add = true} : memref<128x128xf32, #tpu.memory_space<vmem>>[vector<16xi32>, vector<16xi32>], vector<16xf32>,
      %mul3A_417 = arith.mulf %get3A_413, %get3A_413 : vector<16xf32>
      %add3A_418 = arith.addf %broadcast_in_dim3A_1, %mul3A_417 : vector<16xf32>
      %mul3A_419 = arith.constant 16 : i32
      %mul3A_420 = arith.muli %scan3A_45, %mul3A_419 : i32
      %add3A_421 = arith.constant 3 : i32
      %add3A_422 = arith.addi %mul3A_420, %add3A_421 : i32
      %get3A_423 = arith.index_cast %add3A_422 : i32 to index
      %get3A_424 = arith.constant 16 : index
      %get3A_425 = tpu.vector_load %arg5[%get3A_423, %get3A_424] {strides = array<i32>} : memref<64x128xf32, #tpu.memory_space<vmem>>, vector<16xf32>,
      %add3A_426 = arith.constant 16 : i32
      %add3A_427 = vector.broadcast %add3A_426 : i32 to vector<16xi32>
      %add3A_428 = arith.addi %iota3A, %add3A_427 : vector<16xi32>
      tpu.vector_store_idx %arg7[%broadcast_in_dim3A_406, %add3A_428], %get3A_425 {add = true} : memref<128x128xf32, #tpu.memory_space<vmem>>[vector<16xi32>, vector<16xi32>], vector<16xf32>,
      %mul3A_429 = arith.mulf %get3A_425, %get3A_425 : vector<16xf32>
      %add3A_430 = arith.addf %add3A_418, %mul3A_429 : vector<16xf32>
      %mul3A_431 = arith.constant 16 : i32
      %mul3A_432 = arith.muli %scan3A_45, %mul3A_431 : i32
      %add3A_433 = arith.constant 3 : i32
      %add3A_434 = arith.addi %mul3A_432, %add3A_433 : i32
      %get3A_435 = arith.index_cast %add3A_434 : i32 to index
      %get3A_436 = arith.constant 32 : index
      %get3A_437 = tpu.vector_load %arg5[%get3A_435, %get3A_436] {strides = array<i32>} : memref<64x128xf32, #tpu.memory_space<vmem>>, vector<16xf32>,
      %add3A_438 = arith.constant 32 : i32
      %add3A_439 = vector.broadcast %add3A_438 : i32 to vector<16xi32>
      %add3A_440 = arith.addi %iota3A, %add3A_439 : vector<16xi32>
      tpu.vector_store_idx %arg7[%broadcast_in_dim3A_406, %add3A_440], %get3A_437 {add = true} : memref<128x128xf32, #tpu.memory_space<vmem>>[vector<16xi32>, vector<16xi32>], vector<16xf32>,
      %mul3A_441 = arith.mulf %get3A_437, %get3A_437 : vector<16xf32>
      %add3A_442 = arith.addf %add3A_430, %mul3A_441 : vector<16xf32>
      %mul3A_443 = arith.constant 16 : i32
      %mul3A_444 = arith.muli %scan3A_45, %mul3A_443 : i32
      %add3A_445 = arith.constant 3 : i32
      %add3A_446 = arith.addi %mul3A_444, %add3A_445 : i32
      %get3A_447 = arith.index_cast %add3A_446 : i32 to index
      %get3A_448 = arith.constant 48 : index
      %get3A_449 = tpu.vector_load %arg5[%get3A_447, %get3A_448] {strides = array<i32>} : memref<64x128xf32, #tpu.memory_space<vmem>>, vector<16xf32>,
      %add3A_450 = arith.constant 48 : i32
      %add3A_451 = vector.broadcast %add3A_450 : i32 to vector<16xi32>
      %add3A_452 = arith.addi %iota3A, %add3A_451 : vector<16xi32>
      tpu.vector_store_idx %arg7[%broadcast_in_dim3A_406, %add3A_452], %get3A_449 {add = true} : memref<128x128xf32, #tpu.memory_space<vmem>>[vector<16xi32>, vector<16xi32>], vector<16xf32>,
      %mul3A_453 = arith.mulf %get3A_449, %get3A_449 : vector<16xf32>
      %add3A_454 = arith.addf %add3A_442, %mul3A_453 : vector<16xf32>
      %mul3A_455 = arith.constant 16 : i32
      %mul3A_456 = arith.muli %scan3A_45, %mul3A_455 : i32
      %add3A_457 = arith.constant 3 : i32
      %add3A_458 = arith.addi %mul3A_456, %add3A_457 : i32
      %get3A_459 = arith.index_cast %add3A_458 : i32 to index
      %get3A_460 = arith.constant 64 : index
      %get3A_461 = tpu.vector_load %arg5[%get3A_459, %get3A_460] {strides = array<i32>} : memref<64x128xf32, #tpu.memory_space<vmem>>, vector<16xf32>,
      %add3A_462 = arith.constant 64 : i32
      %add3A_463 = vector.broadcast %add3A_462 : i32 to vector<16xi32>
      %add3A_464 = arith.addi %iota3A, %add3A_463 : vector<16xi32>
      tpu.vector_store_idx %arg7[%broadcast_in_dim3A_406, %add3A_464], %get3A_461 {add = true} : memref<128x128xf32, #tpu.memory_space<vmem>>[vector<16xi32>, vector<16xi32>], vector<16xf32>,
      %mul3A_465 = arith.mulf %get3A_461, %get3A_461 : vector<16xf32>
      %add3A_466 = arith.addf %add3A_454, %mul3A_465 : vector<16xf32>
      %mul3A_467 = arith.constant 16 : i32
      %mul3A_468 = arith.muli %scan3A_45, %mul3A_467 : i32
      %add3A_469 = arith.constant 3 : i32
      %add3A_470 = arith.addi %mul3A_468, %add3A_469 : i32
      %get3A_471 = arith.index_cast %add3A_470 : i32 to index
      %get3A_472 = arith.constant 80 : index
      %get3A_473 = tpu.vector_load %arg5[%get3A_471, %get3A_472] {strides = array<i32>} : memref<64x128xf32, #tpu.memory_space<vmem>>, vector<16xf32>,
      %add3A_474 = arith.constant 80 : i32
      %add3A_475 = vector.broadcast %add3A_474 : i32 to vector<16xi32>
      %add3A_476 = arith.addi %iota3A, %add3A_475 : vector<16xi32>
      tpu.vector_store_idx %arg7[%broadcast_in_dim3A_406, %add3A_476], %get3A_473 {add = true} : memref<128x128xf32, #tpu.memory_space<vmem>>[vector<16xi32>, vector<16xi32>], vector<16xf32>,
      %mul3A_477 = arith.mulf %get3A_473, %get3A_473 : vector<16xf32>
      %add3A_478 = arith.addf %add3A_466, %mul3A_477 : vector<16xf32>
      %mul3A_479 = arith.constant 16 : i32
      %mul3A_480 = arith.muli %scan3A_45, %mul3A_479 : i32
      %add3A_481 = arith.constant 3 : i32
      %add3A_482 = arith.addi %mul3A_480, %add3A_481 : i32
      %get3A_483 = arith.index_cast %add3A_482 : i32 to index
      %get3A_484 = arith.constant 96 : index
      %get3A_485 = tpu.vector_load %arg5[%get3A_483, %get3A_484] {strides = array<i32>} : memref<64x128xf32, #tpu.memory_space<vmem>>, vector<16xf32>,
      %add3A_486 = arith.constant 96 : i32
      %add3A_487 = vector.broadcast %add3A_486 : i32 to vector<16xi32>
      %add3A_488 = arith.addi %iota3A, %add3A_487 : vector<16xi32>
      tpu.vector_store_idx %arg7[%broadcast_in_dim3A_406, %add3A_488], %get3A_485 {add = true} : memref<128x128xf32, #tpu.memory_space<vmem>>[vector<16xi32>, vector<16xi32>], vector<16xf32>,
      %mul3A_489 = arith.mulf %get3A_485, %get3A_485 : vector<16xf32>
      %add3A_490 = arith.addf %add3A_478, %mul3A_489 : vector<16xf32>
      %mul3A_491 = arith.constant 16 : i32
      %mul3A_492 = arith.muli %scan3A_45, %mul3A_491 : i32
      %add3A_493 = arith.constant 3 : i32
      %add3A_494 = arith.addi %mul3A_492, %add3A_493 : i32
      %get3A_495 = arith.index_cast %add3A_494 : i32 to index
      %get3A_496 = arith.constant 112 : index
      %get3A_497 = tpu.vector_load %arg5[%get3A_495, %get3A_496] {strides = array<i32>} : memref<64x128xf32, #tpu.memory_space<vmem>>, vector<16xf32>,
      %add3A_498 = arith.constant 112 : i32
      %add3A_499 = vector.broadcast %add3A_498 : i32 to vector<16xi32>
      %add3A_500 = arith.addi %iota3A, %add3A_499 : vector<16xi32>
      tpu.vector_store_idx %arg7[%broadcast_in_dim3A_406, %add3A_500], %get3A_497 {add = true} : memref<128x128xf32, #tpu.memory_space<vmem>>[vector<16xi32>, vector<16xi32>], vector<16xf32>,
      %mul3A_501 = arith.mulf %get3A_497, %get3A_497 : vector<16xf32>
      %add3A_502 = arith.addf %add3A_490, %mul3A_501 : vector<16xf32>
      %reduce_sum3A_503 = arith.constant true
      %reduce_sum3A_504 = vector.broadcast %reduce_sum3A_503 : i1 to vector<16xi1>
      %reduce_sum3A_505 = tpu.scan <sum>, %add3A_502 masked %reduce_sum3A_504 : vector<16xf32>, vector<16xi1> -> vector<16xf32>
      %reduce_sum3A_506 = vector.extract %reduce_sum3A_505[15] : f32 from vector<16xf32>
      %eq3A_507 = arith.constant 0 : i32
      %eq3A_508 = vector.broadcast %eq3A_507 : i32 to vector<16xi32>
      %eq3A_509 = arith.cmpi eq, %iota3A, %eq3A_508 : vector<16xi32>
      %jit3A_510 = arith.constant 1.000000e+00 : f32
      %jit3A_511 = arith.constant 0.000000e+00 : f32
      %broadcast_in_dim3A_512 = vector.broadcast %jit3A_510 : f32 to vector<16xf32>
      %broadcast_in_dim3A_513 = vector.broadcast %jit3A_511 : f32 to vector<16xf32>
      %select_n3A_514 = arith.select %eq3A_509, %broadcast_in_dim3A_512, %broadcast_in_dim3A_513 : vector<16xi1>, vector<16xf32>
      %eq3A_515 = arith.constant 1 : i32
      %eq3A_516 = vector.broadcast %eq3A_515 : i32 to vector<16xi32>
      %eq3A_517 = arith.cmpi eq, %iota3A, %eq3A_516 : vector<16xi32>
      %jit3A_518 = arith.constant 0.000000e+00 : f32
      %broadcast_in_dim3A_519 = vector.broadcast %reduce_sum3A_506 : f32 to vector<16xf32>
      %broadcast_in_dim3A_520 = vector.broadcast %jit3A_518 : f32 to vector<16xf32>
      %select_n3A_521 = arith.select %eq3A_517, %broadcast_in_dim3A_519, %broadcast_in_dim3A_520 : vector<16xi1>, vector<16xf32>
      %add3A_522 = arith.addf %select_n3A_514, %select_n3A_521 : vector<16xf32>
      tpu.vector_store_idx %arg8[%broadcast_in_dim3A_406, %iota3A], %add3A_522 {add = true} : memref<128x16xf32, #tpu.memory_space<vmem>>[vector<16xi32>, vector<16xi32>], vector<16xf32>,
      %slice3A_523 = vector.extract_strided_slice %get3A_49 {offsets = [4], sizes = [1], strides = [1]} : vector<16xi32> to vector<1xi32>
      %squeeze3A_524 = vector.extract %slice3A_523[0] : i32 from vector<1xi32>
      %broadcast_in_dim3A_525 = vector.broadcast %squeeze3A_524 : i32 to vector<16xi32>
      %mul3A_526 = arith.constant 16 : i32
      %mul3A_527 = arith.muli %scan3A_45, %mul3A_526 : i32
      %add3A_528 = arith.constant 4 : i32
      %add3A_529 = arith.addi %mul3A_527, %add3A_528 : i32
      %get3A_530 = arith.index_cast %add3A_529 : i32 to index
      %get3A_531 = arith.constant 0 : index
      %get3A_532 = tpu.vector_load %arg5[%get3A_530, %get3A_531] {strides = array<i32>} : memref<64x128xf32, #tpu.memory_space<vmem>>, vector<16xf32>,
      %add3A_533 = arith.constant 0 : i32
      %add3A_534 = vector.broadcast %add3A_533 : i32 to vector<16xi32>
      %add3A_535 = arith.addi %iota3A, %add3A_534 : vector<16xi32>
      tpu.vector_store_idx %arg7[%broadcast_in_dim3A_525, %add3A_535], %get3A_532 {add = true} : memref<128x128xf32, #tpu.memory_space<vmem>>[vector<16xi32>, vector<16xi32>], vector<16xf32>,
      %mul3A_536 = arith.mulf %get3A_532, %get3A_532 : vector<16xf32>
      %add3A_537 = arith.addf %broadcast_in_dim3A_1, %mul3A_536 : vector<16xf32>
      %mul3A_538 = arith.constant 16 : i32
      %mul3A_539 = arith.muli %scan3A_45, %mul3A_538 : i32
      %add3A_540 = arith.constant 4 : i32
      %add3A_541 = arith.addi %mul3A_539, %add3A_540 : i32
      %get3A_542 = arith.index_cast %add3A_541 : i32 to index
      %get3A_543 = arith.constant 16 : index
      %get3A_544 = tpu.vector_load %arg5[%get3A_542, %get3A_543] {strides = array<i32>} : memref<64x128xf32, #tpu.memory_space<vmem>>, vector<16xf32>,
      %add3A_545 = arith.constant 16 : i32
      %add3A_546 = vector.broadcast %add3A_545 : i32 to vector<16xi32>
      %add3A_547 = arith.addi %iota3A, %add3A_546 : vector<16xi32>
      tpu.vector_store_idx %arg7[%broadcast_in_dim3A_525, %add3A_547], %get3A_544 {add = true} : memref<128x128xf32, #tpu.memory_space<vmem>>[vector<16xi32>, vector<16xi32>], vector<16xf32>,
      %mul3A_548 = arith.mulf %get3A_544, %get3A_544 : vector<16xf32>
      %add3A_549 = arith.addf %add3A_537, %mul3A_548 : vector<16xf32>
      %mul3A_550 = arith.constant 16 : i32
      %mul3A_551 = arith.muli %scan3A_45, %mul3A_550 : i32
      %add3A_552 = arith.constant 4 : i32
      %add3A_553 = arith.addi %mul3A_551, %add3A_552 : i32
      %get3A_554 = arith.index_cast %add3A_553 : i32 to index
      %get3A_555 = arith.constant 32 : index
      %get3A_556 = tpu.vector_load %arg5[%get3A_554, %get3A_555] {strides = array<i32>} : memref<64x128xf32, #tpu.memory_space<vmem>>, vector<16xf32>,
      %add3A_557 = arith.constant 32 : i32
      %add3A_558 = vector.broadcast %add3A_557 : i32 to vector<16xi32>
      %add3A_559 = arith.addi %iota3A, %add3A_558 : vector<16xi32>
      tpu.vector_store_idx %arg7[%broadcast_in_dim3A_525, %add3A_559], %get3A_556 {add = true} : memref<128x128xf32, #tpu.memory_space<vmem>>[vector<16xi32>, vector<16xi32>], vector<16xf32>,
      %mul3A_560 = arith.mulf %get3A_556, %get3A_556 : vector<16xf32>
      %add3A_561 = arith.addf %add3A_549, %mul3A_560 : vector<16xf32>
      %mul3A_562 = arith.constant 16 : i32
      %mul3A_563 = arith.muli %scan3A_45, %mul3A_562 : i32
      %add3A_564 = arith.constant 4 : i32
      %add3A_565 = arith.addi %mul3A_563, %add3A_564 : i32
      %get3A_566 = arith.index_cast %add3A_565 : i32 to index
      %get3A_567 = arith.constant 48 : index
      %get3A_568 = tpu.vector_load %arg5[%get3A_566, %get3A_567] {strides = array<i32>} : memref<64x128xf32, #tpu.memory_space<vmem>>, vector<16xf32>,
      %add3A_569 = arith.constant 48 : i32
      %add3A_570 = vector.broadcast %add3A_569 : i32 to vector<16xi32>
      %add3A_571 = arith.addi %iota3A, %add3A_570 : vector<16xi32>
      tpu.vector_store_idx %arg7[%broadcast_in_dim3A_525, %add3A_571], %get3A_568 {add = true} : memref<128x128xf32, #tpu.memory_space<vmem>>[vector<16xi32>, vector<16xi32>], vector<16xf32>,
      %mul3A_572 = arith.mulf %get3A_568, %get3A_568 : vector<16xf32>
      %add3A_573 = arith.addf %add3A_561, %mul3A_572 : vector<16xf32>
      %mul3A_574 = arith.constant 16 : i32
      %mul3A_575 = arith.muli %scan3A_45, %mul3A_574 : i32
      %add3A_576 = arith.constant 4 : i32
      %add3A_577 = arith.addi %mul3A_575, %add3A_576 : i32
      %get3A_578 = arith.index_cast %add3A_577 : i32 to index
      %get3A_579 = arith.constant 64 : index
      %get3A_580 = tpu.vector_load %arg5[%get3A_578, %get3A_579] {strides = array<i32>} : memref<64x128xf32, #tpu.memory_space<vmem>>, vector<16xf32>,
      %add3A_581 = arith.constant 64 : i32
      %add3A_582 = vector.broadcast %add3A_581 : i32 to vector<16xi32>
      %add3A_583 = arith.addi %iota3A, %add3A_582 : vector<16xi32>
      tpu.vector_store_idx %arg7[%broadcast_in_dim3A_525, %add3A_583], %get3A_580 {add = true} : memref<128x128xf32, #tpu.memory_space<vmem>>[vector<16xi32>, vector<16xi32>], vector<16xf32>,
      %mul3A_584 = arith.mulf %get3A_580, %get3A_580 : vector<16xf32>
      %add3A_585 = arith.addf %add3A_573, %mul3A_584 : vector<16xf32>
      %mul3A_586 = arith.constant 16 : i32
      %mul3A_587 = arith.muli %scan3A_45, %mul3A_586 : i32
      %add3A_588 = arith.constant 4 : i32
      %add3A_589 = arith.addi %mul3A_587, %add3A_588 : i32
      %get3A_590 = arith.index_cast %add3A_589 : i32 to index
      %get3A_591 = arith.constant 80 : index
      %get3A_592 = tpu.vector_load %arg5[%get3A_590, %get3A_591] {strides = array<i32>} : memref<64x128xf32, #tpu.memory_space<vmem>>, vector<16xf32>,
      %add3A_593 = arith.constant 80 : i32
      %add3A_594 = vector.broadcast %add3A_593 : i32 to vector<16xi32>
      %add3A_595 = arith.addi %iota3A, %add3A_594 : vector<16xi32>
      tpu.vector_store_idx %arg7[%broadcast_in_dim3A_525, %add3A_595], %get3A_592 {add = true} : memref<128x128xf32, #tpu.memory_space<vmem>>[vector<16xi32>, vector<16xi32>], vector<16xf32>,
      %mul3A_596 = arith.mulf %get3A_592, %get3A_592 : vector<16xf32>
      %add3A_597 = arith.addf %add3A_585, %mul3A_596 : vector<16xf32>
      %mul3A_598 = arith.constant 16 : i32
      %mul3A_599 = arith.muli %scan3A_45, %mul3A_598 : i32
      %add3A_600 = arith.constant 4 : i32
      %add3A_601 = arith.addi %mul3A_599, %add3A_600 : i32
      %get3A_602 = arith.index_cast %add3A_601 : i32 to index
      %get3A_603 = arith.constant 96 : index
      %get3A_604 = tpu.vector_load %arg5[%get3A_602, %get3A_603] {strides = array<i32>} : memref<64x128xf32, #tpu.memory_space<vmem>>, vector<16xf32>,
      %add3A_605 = arith.constant 96 : i32
      %add3A_606 = vector.broadcast %add3A_605 : i32 to vector<16xi32>
      %add3A_607 = arith.addi %iota3A, %add3A_606 : vector<16xi32>
      tpu.vector_store_idx %arg7[%broadcast_in_dim3A_525, %add3A_607], %get3A_604 {add = true} : memref<128x128xf32, #tpu.memory_space<vmem>>[vector<16xi32>, vector<16xi32>], vector<16xf32>,
      %mul3A_608 = arith.mulf %get3A_604, %get3A_604 : vector<16xf32>
      %add3A_609 = arith.addf %add3A_597, %mul3A_608 : vector<16xf32>
      %mul3A_610 = arith.constant 16 : i32
      %mul3A_611 = arith.muli %scan3A_45, %mul3A_610 : i32
      %add3A_612 = arith.constant 4 : i32
      %add3A_613 = arith.addi %mul3A_611, %add3A_612 : i32
      %get3A_614 = arith.index_cast %add3A_613 : i32 to index
      %get3A_615 = arith.constant 112 : index
      %get3A_616 = tpu.vector_load %arg5[%get3A_614, %get3A_615] {strides = array<i32>} : memref<64x128xf32, #tpu.memory_space<vmem>>, vector<16xf32>,
      %add3A_617 = arith.constant 112 : i32
      %add3A_618 = vector.broadcast %add3A_617 : i32 to vector<16xi32>
      %add3A_619 = arith.addi %iota3A, %add3A_618 : vector<16xi32>
      tpu.vector_store_idx %arg7[%broadcast_in_dim3A_525, %add3A_619], %get3A_616 {add = true} : memref<128x128xf32, #tpu.memory_space<vmem>>[vector<16xi32>, vector<16xi32>], vector<16xf32>,
      %mul3A_620 = arith.mulf %get3A_616, %get3A_616 : vector<16xf32>
      %add3A_621 = arith.addf %add3A_609, %mul3A_620 : vector<16xf32>
      %reduce_sum3A_622 = arith.constant true
      %reduce_sum3A_623 = vector.broadcast %reduce_sum3A_622 : i1 to vector<16xi1>
      %reduce_sum3A_624 = tpu.scan <sum>, %add3A_621 masked %reduce_sum3A_623 : vector<16xf32>, vector<16xi1> -> vector<16xf32>
      %reduce_sum3A_625 = vector.extract %reduce_sum3A_624[15] : f32 from vector<16xf32>
      %eq3A_626 = arith.constant 0 : i32
      %eq3A_627 = vector.broadcast %eq3A_626 : i32 to vector<16xi32>
      %eq3A_628 = arith.cmpi eq, %iota3A, %eq3A_627 : vector<16xi32>
      %jit3A_629 = arith.constant 1.000000e+00 : f32
      %jit3A_630 = arith.constant 0.000000e+00 : f32
      %broadcast_in_dim3A_631 = vector.broadcast %jit3A_629 : f32 to vector<16xf32>
      %broadcast_in_dim3A_632 = vector.broadcast %jit3A_630 : f32 to vector<16xf32>
      %select_n3A_633 = arith.select %eq3A_628, %broadcast_in_dim3A_631, %broadcast_in_dim3A_632 : vector<16xi1>, vector<16xf32>
      %eq3A_634 = arith.constant 1 : i32
      %eq3A_635 = vector.broadcast %eq3A_634 : i32 to vector<16xi32>
      %eq3A_636 = arith.cmpi eq, %iota3A, %eq3A_635 : vector<16xi32>
      %jit3A_637 = arith.constant 0.000000e+00 : f32
      %broadcast_in_dim3A_638 = vector.broadcast %reduce_sum3A_625 : f32 to vector<16xf32>
      %broadcast_in_dim3A_639 = vector.broadcast %jit3A_637 : f32 to vector<16xf32>
      %select_n3A_640 = arith.select %eq3A_636, %broadcast_in_dim3A_638, %broadcast_in_dim3A_639 : vector<16xi1>, vector<16xf32>
      %add3A_641 = arith.addf %select_n3A_633, %select_n3A_640 : vector<16xf32>
      tpu.vector_store_idx %arg8[%broadcast_in_dim3A_525, %iota3A], %add3A_641 {add = true} : memref<128x16xf32, #tpu.memory_space<vmem>>[vector<16xi32>, vector<16xi32>], vector<16xf32>,
      %slice3A_642 = vector.extract_strided_slice %get3A_49 {offsets = [5], sizes = [1], strides = [1]} : vector<16xi32> to vector<1xi32>
      %squeeze3A_643 = vector.extract %slice3A_642[0] : i32 from vector<1xi32>
      %broadcast_in_dim3A_644 = vector.broadcast %squeeze3A_643 : i32 to vector<16xi32>
      %mul3A_645 = arith.constant 16 : i32
      %mul3A_646 = arith.muli %scan3A_45, %mul3A_645 : i32
      %add3A_647 = arith.constant 5 : i32
      %add3A_648 = arith.addi %mul3A_646, %add3A_647 : i32
      %get3A_649 = arith.index_cast %add3A_648 : i32 to index
      %get3A_650 = arith.constant 0 : index
      %get3A_651 = tpu.vector_load %arg5[%get3A_649, %get3A_650] {strides = array<i32>} : memref<64x128xf32, #tpu.memory_space<vmem>>, vector<16xf32>,
      %add3A_652 = arith.constant 0 : i32
      %add3A_653 = vector.broadcast %add3A_652 : i32 to vector<16xi32>
      %add3A_654 = arith.addi %iota3A, %add3A_653 : vector<16xi32>
      tpu.vector_store_idx %arg7[%broadcast_in_dim3A_644, %add3A_654], %get3A_651 {add = true} : memref<128x128xf32, #tpu.memory_space<vmem>>[vector<16xi32>, vector<16xi32>], vector<16xf32>,
      %mul3A_655 = arith.mulf %get3A_651, %get3A_651 : vector<16xf32>
      %add3A_656 = arith.addf %broadcast_in_dim3A_1, %mul3A_655 : vector<16xf32>
      %mul3A_657 = arith.constant 16 : i32
      %mul3A_658 = arith.muli %scan3A_45, %mul3A_657 : i32
      %add3A_659 = arith.constant 5 : i32
      %add3A_660 = arith.addi %mul3A_658, %add3A_659 : i32
      %get3A_661 = arith.index_cast %add3A_660 : i32 to index
      %get3A_662 = arith.constant 16 : index
      %get3A_663 = tpu.vector_load %arg5[%get3A_661, %get3A_662] {strides = array<i32>} : memref<64x128xf32, #tpu.memory_space<vmem>>, vector<16xf32>,
      %add3A_664 = arith.constant 16 : i32
      %add3A_665 = vector.broadcast %add3A_664 : i32 to vector<16xi32>
      %add3A_666 = arith.addi %iota3A, %add3A_665 : vector<16xi32>
      tpu.vector_store_idx %arg7[%broadcast_in_dim3A_644, %add3A_666], %get3A_663 {add = true} : memref<128x128xf32, #tpu.memory_space<vmem>>[vector<16xi32>, vector<16xi32>], vector<16xf32>,
      %mul3A_667 = arith.mulf %get3A_663, %get3A_663 : vector<16xf32>
      %add3A_668 = arith.addf %add3A_656, %mul3A_667 : vector<16xf32>
      %mul3A_669 = arith.constant 16 : i32
      %mul3A_670 = arith.muli %scan3A_45, %mul3A_669 : i32
      %add3A_671 = arith.constant 5 : i32
      %add3A_672 = arith.addi %mul3A_670, %add3A_671 : i32
      %get3A_673 = arith.index_cast %add3A_672 : i32 to index
      %get3A_674 = arith.constant 32 : index
      %get3A_675 = tpu.vector_load %arg5[%get3A_673, %get3A_674] {strides = array<i32>} : memref<64x128xf32, #tpu.memory_space<vmem>>, vector<16xf32>,
      %add3A_676 = arith.constant 32 : i32
      %add3A_677 = vector.broadcast %add3A_676 : i32 to vector<16xi32>
      %add3A_678 = arith.addi %iota3A, %add3A_677 : vector<16xi32>
      tpu.vector_store_idx %arg7[%broadcast_in_dim3A_644, %add3A_678], %get3A_675 {add = true} : memref<128x128xf32, #tpu.memory_space<vmem>>[vector<16xi32>, vector<16xi32>], vector<16xf32>,
      %mul3A_679 = arith.mulf %get3A_675, %get3A_675 : vector<16xf32>
      %add3A_680 = arith.addf %add3A_668, %mul3A_679 : vector<16xf32>
      %mul3A_681 = arith.constant 16 : i32
      %mul3A_682 = arith.muli %scan3A_45, %mul3A_681 : i32
      %add3A_683 = arith.constant 5 : i32
      %add3A_684 = arith.addi %mul3A_682, %add3A_683 : i32
      %get3A_685 = arith.index_cast %add3A_684 : i32 to index
      %get3A_686 = arith.constant 48 : index
      %get3A_687 = tpu.vector_load %arg5[%get3A_685, %get3A_686] {strides = array<i32>} : memref<64x128xf32, #tpu.memory_space<vmem>>, vector<16xf32>,
      %add3A_688 = arith.constant 48 : i32
      %add3A_689 = vector.broadcast %add3A_688 : i32 to vector<16xi32>
      %add3A_690 = arith.addi %iota3A, %add3A_689 : vector<16xi32>
      tpu.vector_store_idx %arg7[%broadcast_in_dim3A_644, %add3A_690], %get3A_687 {add = true} : memref<128x128xf32, #tpu.memory_space<vmem>>[vector<16xi32>, vector<16xi32>], vector<16xf32>,
      %mul3A_691 = arith.mulf %get3A_687, %get3A_687 : vector<16xf32>
      %add3A_692 = arith.addf %add3A_680, %mul3A_691 : vector<16xf32>
      %mul3A_693 = arith.constant 16 : i32
      %mul3A_694 = arith.muli %scan3A_45, %mul3A_693 : i32
      %add3A_695 = arith.constant 5 : i32
      %add3A_696 = arith.addi %mul3A_694, %add3A_695 : i32
      %get3A_697 = arith.index_cast %add3A_696 : i32 to index
      %get3A_698 = arith.constant 64 : index
      %get3A_699 = tpu.vector_load %arg5[%get3A_697, %get3A_698] {strides = array<i32>} : memref<64x128xf32, #tpu.memory_space<vmem>>, vector<16xf32>,
      %add3A_700 = arith.constant 64 : i32
      %add3A_701 = vector.broadcast %add3A_700 : i32 to vector<16xi32>
      %add3A_702 = arith.addi %iota3A, %add3A_701 : vector<16xi32>
      tpu.vector_store_idx %arg7[%broadcast_in_dim3A_644, %add3A_702], %get3A_699 {add = true} : memref<128x128xf32, #tpu.memory_space<vmem>>[vector<16xi32>, vector<16xi32>], vector<16xf32>,
      %mul3A_703 = arith.mulf %get3A_699, %get3A_699 : vector<16xf32>
      %add3A_704 = arith.addf %add3A_692, %mul3A_703 : vector<16xf32>
      %mul3A_705 = arith.constant 16 : i32
      %mul3A_706 = arith.muli %scan3A_45, %mul3A_705 : i32
      %add3A_707 = arith.constant 5 : i32
      %add3A_708 = arith.addi %mul3A_706, %add3A_707 : i32
      %get3A_709 = arith.index_cast %add3A_708 : i32 to index
      %get3A_710 = arith.constant 80 : index
      %get3A_711 = tpu.vector_load %arg5[%get3A_709, %get3A_710] {strides = array<i32>} : memref<64x128xf32, #tpu.memory_space<vmem>>, vector<16xf32>,
      %add3A_712 = arith.constant 80 : i32
      %add3A_713 = vector.broadcast %add3A_712 : i32 to vector<16xi32>
      %add3A_714 = arith.addi %iota3A, %add3A_713 : vector<16xi32>
      tpu.vector_store_idx %arg7[%broadcast_in_dim3A_644, %add3A_714], %get3A_711 {add = true} : memref<128x128xf32, #tpu.memory_space<vmem>>[vector<16xi32>, vector<16xi32>], vector<16xf32>,
      %mul3A_715 = arith.mulf %get3A_711, %get3A_711 : vector<16xf32>
      %add3A_716 = arith.addf %add3A_704, %mul3A_715 : vector<16xf32>
      %mul3A_717 = arith.constant 16 : i32
      %mul3A_718 = arith.muli %scan3A_45, %mul3A_717 : i32
      %add3A_719 = arith.constant 5 : i32
      %add3A_720 = arith.addi %mul3A_718, %add3A_719 : i32
      %get3A_721 = arith.index_cast %add3A_720 : i32 to index
      %get3A_722 = arith.constant 96 : index
      %get3A_723 = tpu.vector_load %arg5[%get3A_721, %get3A_722] {strides = array<i32>} : memref<64x128xf32, #tpu.memory_space<vmem>>, vector<16xf32>,
      %add3A_724 = arith.constant 96 : i32
      %add3A_725 = vector.broadcast %add3A_724 : i32 to vector<16xi32>
      %add3A_726 = arith.addi %iota3A, %add3A_725 : vector<16xi32>
      tpu.vector_store_idx %arg7[%broadcast_in_dim3A_644, %add3A_726], %get3A_723 {add = true} : memref<128x128xf32, #tpu.memory_space<vmem>>[vector<16xi32>, vector<16xi32>], vector<16xf32>,
      %mul3A_727 = arith.mulf %get3A_723, %get3A_723 : vector<16xf32>
      %add3A_728 = arith.addf %add3A_716, %mul3A_727 : vector<16xf32>
      %mul3A_729 = arith.constant 16 : i32
      %mul3A_730 = arith.muli %scan3A_45, %mul3A_729 : i32
      %add3A_731 = arith.constant 5 : i32
      %add3A_732 = arith.addi %mul3A_730, %add3A_731 : i32
      %get3A_733 = arith.index_cast %add3A_732 : i32 to index
      %get3A_734 = arith.constant 112 : index
      %get3A_735 = tpu.vector_load %arg5[%get3A_733, %get3A_734] {strides = array<i32>} : memref<64x128xf32, #tpu.memory_space<vmem>>, vector<16xf32>,
      %add3A_736 = arith.constant 112 : i32
      %add3A_737 = vector.broadcast %add3A_736 : i32 to vector<16xi32>
      %add3A_738 = arith.addi %iota3A, %add3A_737 : vector<16xi32>
      tpu.vector_store_idx %arg7[%broadcast_in_dim3A_644, %add3A_738], %get3A_735 {add = true} : memref<128x128xf32, #tpu.memory_space<vmem>>[vector<16xi32>, vector<16xi32>], vector<16xf32>,
      %mul3A_739 = arith.mulf %get3A_735, %get3A_735 : vector<16xf32>
      %add3A_740 = arith.addf %add3A_728, %mul3A_739 : vector<16xf32>
      %reduce_sum3A_741 = arith.constant true
      %reduce_sum3A_742 = vector.broadcast %reduce_sum3A_741 : i1 to vector<16xi1>
      %reduce_sum3A_743 = tpu.scan <sum>, %add3A_740 masked %reduce_sum3A_742 : vector<16xf32>, vector<16xi1> -> vector<16xf32>
      %reduce_sum3A_744 = vector.extract %reduce_sum3A_743[15] : f32 from vector<16xf32>
      %eq3A_745 = arith.constant 0 : i32
      %eq3A_746 = vector.broadcast %eq3A_745 : i32 to vector<16xi32>
      %eq3A_747 = arith.cmpi eq, %iota3A, %eq3A_746 : vector<16xi32>
      %jit3A_748 = arith.constant 1.000000e+00 : f32
      %jit3A_749 = arith.constant 0.000000e+00 : f32
      %broadcast_in_dim3A_750 = vector.broadcast %jit3A_748 : f32 to vector<16xf32>
      %broadcast_in_dim3A_751 = vector.broadcast %jit3A_749 : f32 to vector<16xf32>
      %select_n3A_752 = arith.select %eq3A_747, %broadcast_in_dim3A_750, %broadcast_in_dim3A_751 : vector<16xi1>, vector<16xf32>
      %eq3A_753 = arith.constant 1 : i32
      %eq3A_754 = vector.broadcast %eq3A_753 : i32 to vector<16xi32>
      %eq3A_755 = arith.cmpi eq, %iota3A, %eq3A_754 : vector<16xi32>
      %jit3A_756 = arith.constant 0.000000e+00 : f32
      %broadcast_in_dim3A_757 = vector.broadcast %reduce_sum3A_744 : f32 to vector<16xf32>
      %broadcast_in_dim3A_758 = vector.broadcast %jit3A_756 : f32 to vector<16xf32>
      %select_n3A_759 = arith.select %eq3A_755, %broadcast_in_dim3A_757, %broadcast_in_dim3A_758 : vector<16xi1>, vector<16xf32>
      %add3A_760 = arith.addf %select_n3A_752, %select_n3A_759 : vector<16xf32>
      tpu.vector_store_idx %arg8[%broadcast_in_dim3A_644, %iota3A], %add3A_760 {add = true} : memref<128x16xf32, #tpu.memory_space<vmem>>[vector<16xi32>, vector<16xi32>], vector<16xf32>,
      %slice3A_761 = vector.extract_strided_slice %get3A_49 {offsets = [6], sizes = [1], strides = [1]} : vector<16xi32> to vector<1xi32>
      %squeeze3A_762 = vector.extract %slice3A_761[0] : i32 from vector<1xi32>
      %broadcast_in_dim3A_763 = vector.broadcast %squeeze3A_762 : i32 to vector<16xi32>
      %mul3A_764 = arith.constant 16 : i32
      %mul3A_765 = arith.muli %scan3A_45, %mul3A_764 : i32
      %add3A_766 = arith.constant 6 : i32
      %add3A_767 = arith.addi %mul3A_765, %add3A_766 : i32
      %get3A_768 = arith.index_cast %add3A_767 : i32 to index
      %get3A_769 = arith.constant 0 : index
      %get3A_770 = tpu.vector_load %arg5[%get3A_768, %get3A_769] {strides = array<i32>} : memref<64x128xf32, #tpu.memory_space<vmem>>, vector<16xf32>,
      %add3A_771 = arith.constant 0 : i32
      %add3A_772 = vector.broadcast %add3A_771 : i32 to vector<16xi32>
      %add3A_773 = arith.addi %iota3A, %add3A_772 : vector<16xi32>
      tpu.vector_store_idx %arg7[%broadcast_in_dim3A_763, %add3A_773], %get3A_770 {add = true} : memref<128x128xf32, #tpu.memory_space<vmem>>[vector<16xi32>, vector<16xi32>], vector<16xf32>,
      %mul3A_774 = arith.mulf %get3A_770, %get3A_770 : vector<16xf32>
      %add3A_775 = arith.addf %broadcast_in_dim3A_1, %mul3A_774 : vector<16xf32>
      %mul3A_776 = arith.constant 16 : i32
      %mul3A_777 = arith.muli %scan3A_45, %mul3A_776 : i32
      %add3A_778 = arith.constant 6 : i32
      %add3A_779 = arith.addi %mul3A_777, %add3A_778 : i32
      %get3A_780 = arith.index_cast %add3A_779 : i32 to index
      %get3A_781 = arith.constant 16 : index
      %get3A_782 = tpu.vector_load %arg5[%get3A_780, %get3A_781] {strides = array<i32>} : memref<64x128xf32, #tpu.memory_space<vmem>>, vector<16xf32>,
      %add3A_783 = arith.constant 16 : i32
      %add3A_784 = vector.broadcast %add3A_783 : i32 to vector<16xi32>
      %add3A_785 = arith.addi %iota3A, %add3A_784 : vector<16xi32>
      tpu.vector_store_idx %arg7[%broadcast_in_dim3A_763, %add3A_785], %get3A_782 {add = true} : memref<128x128xf32, #tpu.memory_space<vmem>>[vector<16xi32>, vector<16xi32>], vector<16xf32>,
      %mul3A_786 = arith.mulf %get3A_782, %get3A_782 : vector<16xf32>
      %add3A_787 = arith.addf %add3A_775, %mul3A_786 : vector<16xf32>
      %mul3A_788 = arith.constant 16 : i32
      %mul3A_789 = arith.muli %scan3A_45, %mul3A_788 : i32
      %add3A_790 = arith.constant 6 : i32
      %add3A_791 = arith.addi %mul3A_789, %add3A_790 : i32
      %get3A_792 = arith.index_cast %add3A_791 : i32 to index
      %get3A_793 = arith.constant 32 : index
      %get3A_794 = tpu.vector_load %arg5[%get3A_792, %get3A_793] {strides = array<i32>} : memref<64x128xf32, #tpu.memory_space<vmem>>, vector<16xf32>,
      %add3A_795 = arith.constant 32 : i32
      %add3A_796 = vector.broadcast %add3A_795 : i32 to vector<16xi32>
      %add3A_797 = arith.addi %iota3A, %add3A_796 : vector<16xi32>
      tpu.vector_store_idx %arg7[%broadcast_in_dim3A_763, %add3A_797], %get3A_794 {add = true} : memref<128x128xf32, #tpu.memory_space<vmem>>[vector<16xi32>, vector<16xi32>], vector<16xf32>,
      %mul3A_798 = arith.mulf %get3A_794, %get3A_794 : vector<16xf32>
      %add3A_799 = arith.addf %add3A_787, %mul3A_798 : vector<16xf32>
      %mul3A_800 = arith.constant 16 : i32
      %mul3A_801 = arith.muli %scan3A_45, %mul3A_800 : i32
      %add3A_802 = arith.constant 6 : i32
      %add3A_803 = arith.addi %mul3A_801, %add3A_802 : i32
      %get3A_804 = arith.index_cast %add3A_803 : i32 to index
      %get3A_805 = arith.constant 48 : index
      %get3A_806 = tpu.vector_load %arg5[%get3A_804, %get3A_805] {strides = array<i32>} : memref<64x128xf32, #tpu.memory_space<vmem>>, vector<16xf32>,
      %add3A_807 = arith.constant 48 : i32
      %add3A_808 = vector.broadcast %add3A_807 : i32 to vector<16xi32>
      %add3A_809 = arith.addi %iota3A, %add3A_808 : vector<16xi32>
      tpu.vector_store_idx %arg7[%broadcast_in_dim3A_763, %add3A_809], %get3A_806 {add = true} : memref<128x128xf32, #tpu.memory_space<vmem>>[vector<16xi32>, vector<16xi32>], vector<16xf32>,
      %mul3A_810 = arith.mulf %get3A_806, %get3A_806 : vector<16xf32>
      %add3A_811 = arith.addf %add3A_799, %mul3A_810 : vector<16xf32>
      %mul3A_812 = arith.constant 16 : i32
      %mul3A_813 = arith.muli %scan3A_45, %mul3A_812 : i32
      %add3A_814 = arith.constant 6 : i32
      %add3A_815 = arith.addi %mul3A_813, %add3A_814 : i32
      %get3A_816 = arith.index_cast %add3A_815 : i32 to index
      %get3A_817 = arith.constant 64 : index
      %get3A_818 = tpu.vector_load %arg5[%get3A_816, %get3A_817] {strides = array<i32>} : memref<64x128xf32, #tpu.memory_space<vmem>>, vector<16xf32>,
      %add3A_819 = arith.constant 64 : i32
      %add3A_820 = vector.broadcast %add3A_819 : i32 to vector<16xi32>
      %add3A_821 = arith.addi %iota3A, %add3A_820 : vector<16xi32>
      tpu.vector_store_idx %arg7[%broadcast_in_dim3A_763, %add3A_821], %get3A_818 {add = true} : memref<128x128xf32, #tpu.memory_space<vmem>>[vector<16xi32>, vector<16xi32>], vector<16xf32>,
      %mul3A_822 = arith.mulf %get3A_818, %get3A_818 : vector<16xf32>
      %add3A_823 = arith.addf %add3A_811, %mul3A_822 : vector<16xf32>
      %mul3A_824 = arith.constant 16 : i32
      %mul3A_825 = arith.muli %scan3A_45, %mul3A_824 : i32
      %add3A_826 = arith.constant 6 : i32
      %add3A_827 = arith.addi %mul3A_825, %add3A_826 : i32
      %get3A_828 = arith.index_cast %add3A_827 : i32 to index
      %get3A_829 = arith.constant 80 : index
      %get3A_830 = tpu.vector_load %arg5[%get3A_828, %get3A_829] {strides = array<i32>} : memref<64x128xf32, #tpu.memory_space<vmem>>, vector<16xf32>,
      %add3A_831 = arith.constant 80 : i32
      %add3A_832 = vector.broadcast %add3A_831 : i32 to vector<16xi32>
      %add3A_833 = arith.addi %iota3A, %add3A_832 : vector<16xi32>
      tpu.vector_store_idx %arg7[%broadcast_in_dim3A_763, %add3A_833], %get3A_830 {add = true} : memref<128x128xf32, #tpu.memory_space<vmem>>[vector<16xi32>, vector<16xi32>], vector<16xf32>,
      %mul3A_834 = arith.mulf %get3A_830, %get3A_830 : vector<16xf32>
      %add3A_835 = arith.addf %add3A_823, %mul3A_834 : vector<16xf32>
      %mul3A_836 = arith.constant 16 : i32
      %mul3A_837 = arith.muli %scan3A_45, %mul3A_836 : i32
      %add3A_838 = arith.constant 6 : i32
      %add3A_839 = arith.addi %mul3A_837, %add3A_838 : i32
      %get3A_840 = arith.index_cast %add3A_839 : i32 to index
      %get3A_841 = arith.constant 96 : index
      %get3A_842 = tpu.vector_load %arg5[%get3A_840, %get3A_841] {strides = array<i32>} : memref<64x128xf32, #tpu.memory_space<vmem>>, vector<16xf32>,
      %add3A_843 = arith.constant 96 : i32
      %add3A_844 = vector.broadcast %add3A_843 : i32 to vector<16xi32>
      %add3A_845 = arith.addi %iota3A, %add3A_844 : vector<16xi32>
      tpu.vector_store_idx %arg7[%broadcast_in_dim3A_763, %add3A_845], %get3A_842 {add = true} : memref<128x128xf32, #tpu.memory_space<vmem>>[vector<16xi32>, vector<16xi32>], vector<16xf32>,
      %mul3A_846 = arith.mulf %get3A_842, %get3A_842 : vector<16xf32>
      %add3A_847 = arith.addf %add3A_835, %mul3A_846 : vector<16xf32>
      %mul3A_848 = arith.constant 16 : i32
      %mul3A_849 = arith.muli %scan3A_45, %mul3A_848 : i32
      %add3A_850 = arith.constant 6 : i32
      %add3A_851 = arith.addi %mul3A_849, %add3A_850 : i32
      %get3A_852 = arith.index_cast %add3A_851 : i32 to index
      %get3A_853 = arith.constant 112 : index
      %get3A_854 = tpu.vector_load %arg5[%get3A_852, %get3A_853] {strides = array<i32>} : memref<64x128xf32, #tpu.memory_space<vmem>>, vector<16xf32>,
      %add3A_855 = arith.constant 112 : i32
      %add3A_856 = vector.broadcast %add3A_855 : i32 to vector<16xi32>
      %add3A_857 = arith.addi %iota3A, %add3A_856 : vector<16xi32>
      tpu.vector_store_idx %arg7[%broadcast_in_dim3A_763, %add3A_857], %get3A_854 {add = true} : memref<128x128xf32, #tpu.memory_space<vmem>>[vector<16xi32>, vector<16xi32>], vector<16xf32>,
      %mul3A_858 = arith.mulf %get3A_854, %get3A_854 : vector<16xf32>
      %add3A_859 = arith.addf %add3A_847, %mul3A_858 : vector<16xf32>
      %reduce_sum3A_860 = arith.constant true
      %reduce_sum3A_861 = vector.broadcast %reduce_sum3A_860 : i1 to vector<16xi1>
      %reduce_sum3A_862 = tpu.scan <sum>, %add3A_859 masked %reduce_sum3A_861 : vector<16xf32>, vector<16xi1> -> vector<16xf32>
      %reduce_sum3A_863 = vector.extract %reduce_sum3A_862[15] : f32 from vector<16xf32>
      %eq3A_864 = arith.constant 0 : i32
      %eq3A_865 = vector.broadcast %eq3A_864 : i32 to vector<16xi32>
      %eq3A_866 = arith.cmpi eq, %iota3A, %eq3A_865 : vector<16xi32>
      %jit3A_867 = arith.constant 1.000000e+00 : f32
      %jit3A_868 = arith.constant 0.000000e+00 : f32
      %broadcast_in_dim3A_869 = vector.broadcast %jit3A_867 : f32 to vector<16xf32>
      %broadcast_in_dim3A_870 = vector.broadcast %jit3A_868 : f32 to vector<16xf32>
      %select_n3A_871 = arith.select %eq3A_866, %broadcast_in_dim3A_869, %broadcast_in_dim3A_870 : vector<16xi1>, vector<16xf32>
      %eq3A_872 = arith.constant 1 : i32
      %eq3A_873 = vector.broadcast %eq3A_872 : i32 to vector<16xi32>
      %eq3A_874 = arith.cmpi eq, %iota3A, %eq3A_873 : vector<16xi32>
      %jit3A_875 = arith.constant 0.000000e+00 : f32
      %broadcast_in_dim3A_876 = vector.broadcast %reduce_sum3A_863 : f32 to vector<16xf32>
      %broadcast_in_dim3A_877 = vector.broadcast %jit3A_875 : f32 to vector<16xf32>
      %select_n3A_878 = arith.select %eq3A_874, %broadcast_in_dim3A_876, %broadcast_in_dim3A_877 : vector<16xi1>, vector<16xf32>
      %add3A_879 = arith.addf %select_n3A_871, %select_n3A_878 : vector<16xf32>
      tpu.vector_store_idx %arg8[%broadcast_in_dim3A_763, %iota3A], %add3A_879 {add = true} : memref<128x16xf32, #tpu.memory_space<vmem>>[vector<16xi32>, vector<16xi32>], vector<16xf32>,
      %slice3A_880 = vector.extract_strided_slice %get3A_49 {offsets = [7], sizes = [1], strides = [1]} : vector<16xi32> to vector<1xi32>
      %squeeze3A_881 = vector.extract %slice3A_880[0] : i32 from vector<1xi32>
      %broadcast_in_dim3A_882 = vector.broadcast %squeeze3A_881 : i32 to vector<16xi32>
      %mul3A_883 = arith.constant 16 : i32
      %mul3A_884 = arith.muli %scan3A_45, %mul3A_883 : i32
      %add3A_885 = arith.constant 7 : i32
      %add3A_886 = arith.addi %mul3A_884, %add3A_885 : i32
      %get3A_887 = arith.index_cast %add3A_886 : i32 to index
      %get3A_888 = arith.constant 0 : index
      %get3A_889 = tpu.vector_load %arg5[%get3A_887, %get3A_888] {strides = array<i32>} : memref<64x128xf32, #tpu.memory_space<vmem>>, vector<16xf32>,
      %add3A_890 = arith.constant 0 : i32
      %add3A_891 = vector.broadcast %add3A_890 : i32 to vector<16xi32>
      %add3A_892 = arith.addi %iota3A, %add3A_891 : vector<16xi32>
      tpu.vector_store_idx %arg7[%broadcast_in_dim3A_882, %add3A_892], %get3A_889 {add = true} : memref<128x128xf32, #tpu.memory_space<vmem>>[vector<16xi32>, vector<16xi32>], vector<16xf32>,
      %mul3A_893 = arith.mulf %get3A_889, %get3A_889 : vector<16xf32>
      %add3A_894 = arith.addf %broadcast_in_dim3A_1, %mul3A_893 : vector<16xf32>
      %mul3A_895 = arith.constant 16 : i32
      %mul3A_896 = arith.muli %scan3A_45, %mul3A_895 : i32
      %add3A_897 = arith.constant 7 : i32
      %add3A_898 = arith.addi %mul3A_896, %add3A_897 : i32
      %get3A_899 = arith.index_cast %add3A_898 : i32 to index
      %get3A_900 = arith.constant 16 : index
      %get3A_901 = tpu.vector_load %arg5[%get3A_899, %get3A_900] {strides = array<i32>} : memref<64x128xf32, #tpu.memory_space<vmem>>, vector<16xf32>,
      %add3A_902 = arith.constant 16 : i32
      %add3A_903 = vector.broadcast %add3A_902 : i32 to vector<16xi32>
      %add3A_904 = arith.addi %iota3A, %add3A_903 : vector<16xi32>
      tpu.vector_store_idx %arg7[%broadcast_in_dim3A_882, %add3A_904], %get3A_901 {add = true} : memref<128x128xf32, #tpu.memory_space<vmem>>[vector<16xi32>, vector<16xi32>], vector<16xf32>,
      %mul3A_905 = arith.mulf %get3A_901, %get3A_901 : vector<16xf32>
      %add3A_906 = arith.addf %add3A_894, %mul3A_905 : vector<16xf32>
      %mul3A_907 = arith.constant 16 : i32
      %mul3A_908 = arith.muli %scan3A_45, %mul3A_907 : i32
      %add3A_909 = arith.constant 7 : i32
      %add3A_910 = arith.addi %mul3A_908, %add3A_909 : i32
      %get3A_911 = arith.index_cast %add3A_910 : i32 to index
      %get3A_912 = arith.constant 32 : index
      %get3A_913 = tpu.vector_load %arg5[%get3A_911, %get3A_912] {strides = array<i32>} : memref<64x128xf32, #tpu.memory_space<vmem>>, vector<16xf32>,
      %add3A_914 = arith.constant 32 : i32
      %add3A_915 = vector.broadcast %add3A_914 : i32 to vector<16xi32>
      %add3A_916 = arith.addi %iota3A, %add3A_915 : vector<16xi32>
      tpu.vector_store_idx %arg7[%broadcast_in_dim3A_882, %add3A_916], %get3A_913 {add = true} : memref<128x128xf32, #tpu.memory_space<vmem>>[vector<16xi32>, vector<16xi32>], vector<16xf32>,
      %mul3A_917 = arith.mulf %get3A_913, %get3A_913 : vector<16xf32>
      %add3A_918 = arith.addf %add3A_906, %mul3A_917 : vector<16xf32>
      %mul3A_919 = arith.constant 16 : i32
      %mul3A_920 = arith.muli %scan3A_45, %mul3A_919 : i32
      %add3A_921 = arith.constant 7 : i32
      %add3A_922 = arith.addi %mul3A_920, %add3A_921 : i32
      %get3A_923 = arith.index_cast %add3A_922 : i32 to index
      %get3A_924 = arith.constant 48 : index
      %get3A_925 = tpu.vector_load %arg5[%get3A_923, %get3A_924] {strides = array<i32>} : memref<64x128xf32, #tpu.memory_space<vmem>>, vector<16xf32>,
      %add3A_926 = arith.constant 48 : i32
      %add3A_927 = vector.broadcast %add3A_926 : i32 to vector<16xi32>
      %add3A_928 = arith.addi %iota3A, %add3A_927 : vector<16xi32>
      tpu.vector_store_idx %arg7[%broadcast_in_dim3A_882, %add3A_928], %get3A_925 {add = true} : memref<128x128xf32, #tpu.memory_space<vmem>>[vector<16xi32>, vector<16xi32>], vector<16xf32>,
      %mul3A_929 = arith.mulf %get3A_925, %get3A_925 : vector<16xf32>
      %add3A_930 = arith.addf %add3A_918, %mul3A_929 : vector<16xf32>
      %mul3A_931 = arith.constant 16 : i32
      %mul3A_932 = arith.muli %scan3A_45, %mul3A_931 : i32
      %add3A_933 = arith.constant 7 : i32
      %add3A_934 = arith.addi %mul3A_932, %add3A_933 : i32
      %get3A_935 = arith.index_cast %add3A_934 : i32 to index
      %get3A_936 = arith.constant 64 : index
      %get3A_937 = tpu.vector_load %arg5[%get3A_935, %get3A_936] {strides = array<i32>} : memref<64x128xf32, #tpu.memory_space<vmem>>, vector<16xf32>,
      %add3A_938 = arith.constant 64 : i32
      %add3A_939 = vector.broadcast %add3A_938 : i32 to vector<16xi32>
      %add3A_940 = arith.addi %iota3A, %add3A_939 : vector<16xi32>
      tpu.vector_store_idx %arg7[%broadcast_in_dim3A_882, %add3A_940], %get3A_937 {add = true} : memref<128x128xf32, #tpu.memory_space<vmem>>[vector<16xi32>, vector<16xi32>], vector<16xf32>,
      %mul3A_941 = arith.mulf %get3A_937, %get3A_937 : vector<16xf32>
      %add3A_942 = arith.addf %add3A_930, %mul3A_941 : vector<16xf32>
      %mul3A_943 = arith.constant 16 : i32
      %mul3A_944 = arith.muli %scan3A_45, %mul3A_943 : i32
      %add3A_945 = arith.constant 7 : i32
      %add3A_946 = arith.addi %mul3A_944, %add3A_945 : i32
      %get3A_947 = arith.index_cast %add3A_946 : i32 to index
      %get3A_948 = arith.constant 80 : index
      %get3A_949 = tpu.vector_load %arg5[%get3A_947, %get3A_948] {strides = array<i32>} : memref<64x128xf32, #tpu.memory_space<vmem>>, vector<16xf32>,
      %add3A_950 = arith.constant 80 : i32
      %add3A_951 = vector.broadcast %add3A_950 : i32 to vector<16xi32>
      %add3A_952 = arith.addi %iota3A, %add3A_951 : vector<16xi32>
      tpu.vector_store_idx %arg7[%broadcast_in_dim3A_882, %add3A_952], %get3A_949 {add = true} : memref<128x128xf32, #tpu.memory_space<vmem>>[vector<16xi32>, vector<16xi32>], vector<16xf32>,
      %mul3A_953 = arith.mulf %get3A_949, %get3A_949 : vector<16xf32>
      %add3A_954 = arith.addf %add3A_942, %mul3A_953 : vector<16xf32>
      %mul3A_955 = arith.constant 16 : i32
      %mul3A_956 = arith.muli %scan3A_45, %mul3A_955 : i32
      %add3A_957 = arith.constant 7 : i32
      %add3A_958 = arith.addi %mul3A_956, %add3A_957 : i32
      %get3A_959 = arith.index_cast %add3A_958 : i32 to index
      %get3A_960 = arith.constant 96 : index
      %get3A_961 = tpu.vector_load %arg5[%get3A_959, %get3A_960] {strides = array<i32>} : memref<64x128xf32, #tpu.memory_space<vmem>>, vector<16xf32>,
      %add3A_962 = arith.constant 96 : i32
      %add3A_963 = vector.broadcast %add3A_962 : i32 to vector<16xi32>
      %add3A_964 = arith.addi %iota3A, %add3A_963 : vector<16xi32>
      tpu.vector_store_idx %arg7[%broadcast_in_dim3A_882, %add3A_964], %get3A_961 {add = true} : memref<128x128xf32, #tpu.memory_space<vmem>>[vector<16xi32>, vector<16xi32>], vector<16xf32>,
      %mul3A_965 = arith.mulf %get3A_961, %get3A_961 : vector<16xf32>
      %add3A_966 = arith.addf %add3A_954, %mul3A_965 : vector<16xf32>
      %mul3A_967 = arith.constant 16 : i32
      %mul3A_968 = arith.muli %scan3A_45, %mul3A_967 : i32
      %add3A_969 = arith.constant 7 : i32
      %add3A_970 = arith.addi %mul3A_968, %add3A_969 : i32
      %get3A_971 = arith.index_cast %add3A_970 : i32 to index
      %get3A_972 = arith.constant 112 : index
      %get3A_973 = tpu.vector_load %arg5[%get3A_971, %get3A_972] {strides = array<i32>} : memref<64x128xf32, #tpu.memory_space<vmem>>, vector<16xf32>,
      %add3A_974 = arith.constant 112 : i32
      %add3A_975 = vector.broadcast %add3A_974 : i32 to vector<16xi32>
      %add3A_976 = arith.addi %iota3A, %add3A_975 : vector<16xi32>
      tpu.vector_store_idx %arg7[%broadcast_in_dim3A_882, %add3A_976], %get3A_973 {add = true} : memref<128x128xf32, #tpu.memory_space<vmem>>[vector<16xi32>, vector<16xi32>], vector<16xf32>,
      %mul3A_977 = arith.mulf %get3A_973, %get3A_973 : vector<16xf32>
      %add3A_978 = arith.addf %add3A_966, %mul3A_977 : vector<16xf32>
      %reduce_sum3A_979 = arith.constant true
      %reduce_sum3A_980 = vector.broadcast %reduce_sum3A_979 : i1 to vector<16xi1>
      %reduce_sum3A_981 = tpu.scan <sum>, %add3A_978 masked %reduce_sum3A_980 : vector<16xf32>, vector<16xi1> -> vector<16xf32>
      %reduce_sum3A_982 = vector.extract %reduce_sum3A_981[15] : f32 from vector<16xf32>
      %eq3A_983 = arith.constant 0 : i32
      %eq3A_984 = vector.broadcast %eq3A_983 : i32 to vector<16xi32>
      %eq3A_985 = arith.cmpi eq, %iota3A, %eq3A_984 : vector<16xi32>
      %jit3A_986 = arith.constant 1.000000e+00 : f32
      %jit3A_987 = arith.constant 0.000000e+00 : f32
      %broadcast_in_dim3A_988 = vector.broadcast %jit3A_986 : f32 to vector<16xf32>
      %broadcast_in_dim3A_989 = vector.broadcast %jit3A_987 : f32 to vector<16xf32>
      %select_n3A_990 = arith.select %eq3A_985, %broadcast_in_dim3A_988, %broadcast_in_dim3A_989 : vector<16xi1>, vector<16xf32>
      %eq3A_991 = arith.constant 1 : i32
      %eq3A_992 = vector.broadcast %eq3A_991 : i32 to vector<16xi32>
      %eq3A_993 = arith.cmpi eq, %iota3A, %eq3A_992 : vector<16xi32>
      %jit3A_994 = arith.constant 0.000000e+00 : f32
      %broadcast_in_dim3A_995 = vector.broadcast %reduce_sum3A_982 : f32 to vector<16xf32>
      %broadcast_in_dim3A_996 = vector.broadcast %jit3A_994 : f32 to vector<16xf32>
      %select_n3A_997 = arith.select %eq3A_993, %broadcast_in_dim3A_995, %broadcast_in_dim3A_996 : vector<16xi1>, vector<16xf32>
      %add3A_998 = arith.addf %select_n3A_990, %select_n3A_997 : vector<16xf32>
      tpu.vector_store_idx %arg8[%broadcast_in_dim3A_882, %iota3A], %add3A_998 {add = true} : memref<128x16xf32, #tpu.memory_space<vmem>>[vector<16xi32>, vector<16xi32>], vector<16xf32>,
      %slice3A_999 = vector.extract_strided_slice %get3A_49 {offsets = [8], sizes = [1], strides = [1]} : vector<16xi32> to vector<1xi32>
      %squeeze3A_1000 = vector.extract %slice3A_999[0] : i32 from vector<1xi32>
      %broadcast_in_dim3A_1001 = vector.broadcast %squeeze3A_1000 : i32 to vector<16xi32>
      %mul3A_1002 = arith.constant 16 : i32
      %mul3A_1003 = arith.muli %scan3A_45, %mul3A_1002 : i32
      %add3A_1004 = arith.constant 8 : i32
      %add3A_1005 = arith.addi %mul3A_1003, %add3A_1004 : i32
      %get3A_1006 = arith.index_cast %add3A_1005 : i32 to index
      %get3A_1007 = arith.constant 0 : index
      %get3A_1008 = tpu.vector_load %arg5[%get3A_1006, %get3A_1007] {strides = array<i32>} : memref<64x128xf32, #tpu.memory_space<vmem>>, vector<16xf32>,
      %add3A_1009 = arith.constant 0 : i32
      %add3A_1010 = vector.broadcast %add3A_1009 : i32 to vector<16xi32>
      %add3A_1011 = arith.addi %iota3A, %add3A_1010 : vector<16xi32>
      tpu.vector_store_idx %arg7[%broadcast_in_dim3A_1001, %add3A_1011], %get3A_1008 {add = true} : memref<128x128xf32, #tpu.memory_space<vmem>>[vector<16xi32>, vector<16xi32>], vector<16xf32>,
      %mul3A_1012 = arith.mulf %get3A_1008, %get3A_1008 : vector<16xf32>
      %add3A_1013 = arith.addf %broadcast_in_dim3A_1, %mul3A_1012 : vector<16xf32>
      %mul3A_1014 = arith.constant 16 : i32
      %mul3A_1015 = arith.muli %scan3A_45, %mul3A_1014 : i32
      %add3A_1016 = arith.constant 8 : i32
      %add3A_1017 = arith.addi %mul3A_1015, %add3A_1016 : i32
      %get3A_1018 = arith.index_cast %add3A_1017 : i32 to index
      %get3A_1019 = arith.constant 16 : index
      %get3A_1020 = tpu.vector_load %arg5[%get3A_1018, %get3A_1019] {strides = array<i32>} : memref<64x128xf32, #tpu.memory_space<vmem>>, vector<16xf32>,
      %add3A_1021 = arith.constant 16 : i32
      %add3A_1022 = vector.broadcast %add3A_1021 : i32 to vector<16xi32>
      %add3A_1023 = arith.addi %iota3A, %add3A_1022 : vector<16xi32>
      tpu.vector_store_idx %arg7[%broadcast_in_dim3A_1001, %add3A_1023], %get3A_1020 {add = true} : memref<128x128xf32, #tpu.memory_space<vmem>>[vector<16xi32>, vector<16xi32>], vector<16xf32>,
      %mul3A_1024 = arith.mulf %get3A_1020, %get3A_1020 : vector<16xf32>
      %add3A_1025 = arith.addf %add3A_1013, %mul3A_1024 : vector<16xf32>
      %mul3A_1026 = arith.constant 16 : i32
      %mul3A_1027 = arith.muli %scan3A_45, %mul3A_1026 : i32
      %add3A_1028 = arith.constant 8 : i32
      %add3A_1029 = arith.addi %mul3A_1027, %add3A_1028 : i32
      %get3A_1030 = arith.index_cast %add3A_1029 : i32 to index
      %get3A_1031 = arith.constant 32 : index
      %get3A_1032 = tpu.vector_load %arg5[%get3A_1030, %get3A_1031] {strides = array<i32>} : memref<64x128xf32, #tpu.memory_space<vmem>>, vector<16xf32>,
      %add3A_1033 = arith.constant 32 : i32
      %add3A_1034 = vector.broadcast %add3A_1033 : i32 to vector<16xi32>
      %add3A_1035 = arith.addi %iota3A, %add3A_1034 : vector<16xi32>
      tpu.vector_store_idx %arg7[%broadcast_in_dim3A_1001, %add3A_1035], %get3A_1032 {add = true} : memref<128x128xf32, #tpu.memory_space<vmem>>[vector<16xi32>, vector<16xi32>], vector<16xf32>,
      %mul3A_1036 = arith.mulf %get3A_1032, %get3A_1032 : vector<16xf32>
      %add3A_1037 = arith.addf %add3A_1025, %mul3A_1036 : vector<16xf32>
      %mul3A_1038 = arith.constant 16 : i32
      %mul3A_1039 = arith.muli %scan3A_45, %mul3A_1038 : i32
      %add3A_1040 = arith.constant 8 : i32
      %add3A_1041 = arith.addi %mul3A_1039, %add3A_1040 : i32
      %get3A_1042 = arith.index_cast %add3A_1041 : i32 to index
      %get3A_1043 = arith.constant 48 : index
      %get3A_1044 = tpu.vector_load %arg5[%get3A_1042, %get3A_1043] {strides = array<i32>} : memref<64x128xf32, #tpu.memory_space<vmem>>, vector<16xf32>,
      %add3A_1045 = arith.constant 48 : i32
      %add3A_1046 = vector.broadcast %add3A_1045 : i32 to vector<16xi32>
      %add3A_1047 = arith.addi %iota3A, %add3A_1046 : vector<16xi32>
      tpu.vector_store_idx %arg7[%broadcast_in_dim3A_1001, %add3A_1047], %get3A_1044 {add = true} : memref<128x128xf32, #tpu.memory_space<vmem>>[vector<16xi32>, vector<16xi32>], vector<16xf32>,
      %mul3A_1048 = arith.mulf %get3A_1044, %get3A_1044 : vector<16xf32>
      %add3A_1049 = arith.addf %add3A_1037, %mul3A_1048 : vector<16xf32>
      %mul3A_1050 = arith.constant 16 : i32
      %mul3A_1051 = arith.muli %scan3A_45, %mul3A_1050 : i32
      %add3A_1052 = arith.constant 8 : i32
      %add3A_1053 = arith.addi %mul3A_1051, %add3A_1052 : i32
      %get3A_1054 = arith.index_cast %add3A_1053 : i32 to index
      %get3A_1055 = arith.constant 64 : index
      %get3A_1056 = tpu.vector_load %arg5[%get3A_1054, %get3A_1055] {strides = array<i32>} : memref<64x128xf32, #tpu.memory_space<vmem>>, vector<16xf32>,
      %add3A_1057 = arith.constant 64 : i32
      %add3A_1058 = vector.broadcast %add3A_1057 : i32 to vector<16xi32>
      %add3A_1059 = arith.addi %iota3A, %add3A_1058 : vector<16xi32>
      tpu.vector_store_idx %arg7[%broadcast_in_dim3A_1001, %add3A_1059], %get3A_1056 {add = true} : memref<128x128xf32, #tpu.memory_space<vmem>>[vector<16xi32>, vector<16xi32>], vector<16xf32>,
      %mul3A_1060 = arith.mulf %get3A_1056, %get3A_1056 : vector<16xf32>
      %add3A_1061 = arith.addf %add3A_1049, %mul3A_1060 : vector<16xf32>
      %mul3A_1062 = arith.constant 16 : i32
      %mul3A_1063 = arith.muli %scan3A_45, %mul3A_1062 : i32
      %add3A_1064 = arith.constant 8 : i32
      %add3A_1065 = arith.addi %mul3A_1063, %add3A_1064 : i32
      %get3A_1066 = arith.index_cast %add3A_1065 : i32 to index
      %get3A_1067 = arith.constant 80 : index
      %get3A_1068 = tpu.vector_load %arg5[%get3A_1066, %get3A_1067] {strides = array<i32>} : memref<64x128xf32, #tpu.memory_space<vmem>>, vector<16xf32>,
      %add3A_1069 = arith.constant 80 : i32
      %add3A_1070 = vector.broadcast %add3A_1069 : i32 to vector<16xi32>
      %add3A_1071 = arith.addi %iota3A, %add3A_1070 : vector<16xi32>
      tpu.vector_store_idx %arg7[%broadcast_in_dim3A_1001, %add3A_1071], %get3A_1068 {add = true} : memref<128x128xf32, #tpu.memory_space<vmem>>[vector<16xi32>, vector<16xi32>], vector<16xf32>,
      %mul3A_1072 = arith.mulf %get3A_1068, %get3A_1068 : vector<16xf32>
      %add3A_1073 = arith.addf %add3A_1061, %mul3A_1072 : vector<16xf32>
      %mul3A_1074 = arith.constant 16 : i32
      %mul3A_1075 = arith.muli %scan3A_45, %mul3A_1074 : i32
      %add3A_1076 = arith.constant 8 : i32
      %add3A_1077 = arith.addi %mul3A_1075, %add3A_1076 : i32
      %get3A_1078 = arith.index_cast %add3A_1077 : i32 to index
      %get3A_1079 = arith.constant 96 : index
      %get3A_1080 = tpu.vector_load %arg5[%get3A_1078, %get3A_1079] {strides = array<i32>} : memref<64x128xf32, #tpu.memory_space<vmem>>, vector<16xf32>,
      %add3A_1081 = arith.constant 96 : i32
      %add3A_1082 = vector.broadcast %add3A_1081 : i32 to vector<16xi32>
      %add3A_1083 = arith.addi %iota3A, %add3A_1082 : vector<16xi32>
      tpu.vector_store_idx %arg7[%broadcast_in_dim3A_1001, %add3A_1083], %get3A_1080 {add = true} : memref<128x128xf32, #tpu.memory_space<vmem>>[vector<16xi32>, vector<16xi32>], vector<16xf32>,
      %mul3A_1084 = arith.mulf %get3A_1080, %get3A_1080 : vector<16xf32>
      %add3A_1085 = arith.addf %add3A_1073, %mul3A_1084 : vector<16xf32>
      %mul3A_1086 = arith.constant 16 : i32
      %mul3A_1087 = arith.muli %scan3A_45, %mul3A_1086 : i32
      %add3A_1088 = arith.constant 8 : i32
      %add3A_1089 = arith.addi %mul3A_1087, %add3A_1088 : i32
      %get3A_1090 = arith.index_cast %add3A_1089 : i32 to index
      %get3A_1091 = arith.constant 112 : index
      %get3A_1092 = tpu.vector_load %arg5[%get3A_1090, %get3A_1091] {strides = array<i32>} : memref<64x128xf32, #tpu.memory_space<vmem>>, vector<16xf32>,
      %add3A_1093 = arith.constant 112 : i32
      %add3A_1094 = vector.broadcast %add3A_1093 : i32 to vector<16xi32>
      %add3A_1095 = arith.addi %iota3A, %add3A_1094 : vector<16xi32>
      tpu.vector_store_idx %arg7[%broadcast_in_dim3A_1001, %add3A_1095], %get3A_1092 {add = true} : memref<128x128xf32, #tpu.memory_space<vmem>>[vector<16xi32>, vector<16xi32>], vector<16xf32>,
      %mul3A_1096 = arith.mulf %get3A_1092, %get3A_1092 : vector<16xf32>
      %add3A_1097 = arith.addf %add3A_1085, %mul3A_1096 : vector<16xf32>
      %reduce_sum3A_1098 = arith.constant true
      %reduce_sum3A_1099 = vector.broadcast %reduce_sum3A_1098 : i1 to vector<16xi1>
      %reduce_sum3A_1100 = tpu.scan <sum>, %add3A_1097 masked %reduce_sum3A_1099 : vector<16xf32>, vector<16xi1> -> vector<16xf32>
      %reduce_sum3A_1101 = vector.extract %reduce_sum3A_1100[15] : f32 from vector<16xf32>
      %eq3A_1102 = arith.constant 0 : i32
      %eq3A_1103 = vector.broadcast %eq3A_1102 : i32 to vector<16xi32>
      %eq3A_1104 = arith.cmpi eq, %iota3A, %eq3A_1103 : vector<16xi32>
      %jit3A_1105 = arith.constant 1.000000e+00 : f32
      %jit3A_1106 = arith.constant 0.000000e+00 : f32
      %broadcast_in_dim3A_1107 = vector.broadcast %jit3A_1105 : f32 to vector<16xf32>
      %broadcast_in_dim3A_1108 = vector.broadcast %jit3A_1106 : f32 to vector<16xf32>
      %select_n3A_1109 = arith.select %eq3A_1104, %broadcast_in_dim3A_1107, %broadcast_in_dim3A_1108 : vector<16xi1>, vector<16xf32>
      %eq3A_1110 = arith.constant 1 : i32
      %eq3A_1111 = vector.broadcast %eq3A_1110 : i32 to vector<16xi32>
      %eq3A_1112 = arith.cmpi eq, %iota3A, %eq3A_1111 : vector<16xi32>
      %jit3A_1113 = arith.constant 0.000000e+00 : f32
      %broadcast_in_dim3A_1114 = vector.broadcast %reduce_sum3A_1101 : f32 to vector<16xf32>
      %broadcast_in_dim3A_1115 = vector.broadcast %jit3A_1113 : f32 to vector<16xf32>
      %select_n3A_1116 = arith.select %eq3A_1112, %broadcast_in_dim3A_1114, %broadcast_in_dim3A_1115 : vector<16xi1>, vector<16xf32>
      %add3A_1117 = arith.addf %select_n3A_1109, %select_n3A_1116 : vector<16xf32>
      tpu.vector_store_idx %arg8[%broadcast_in_dim3A_1001, %iota3A], %add3A_1117 {add = true} : memref<128x16xf32, #tpu.memory_space<vmem>>[vector<16xi32>, vector<16xi32>], vector<16xf32>,
      %slice3A_1118 = vector.extract_strided_slice %get3A_49 {offsets = [9], sizes = [1], strides = [1]} : vector<16xi32> to vector<1xi32>
      %squeeze3A_1119 = vector.extract %slice3A_1118[0] : i32 from vector<1xi32>
      %broadcast_in_dim3A_1120 = vector.broadcast %squeeze3A_1119 : i32 to vector<16xi32>
      %mul3A_1121 = arith.constant 16 : i32
      %mul3A_1122 = arith.muli %scan3A_45, %mul3A_1121 : i32
      %add3A_1123 = arith.constant 9 : i32
      %add3A_1124 = arith.addi %mul3A_1122, %add3A_1123 : i32
      %get3A_1125 = arith.index_cast %add3A_1124 : i32 to index
      %get3A_1126 = arith.constant 0 : index
      %get3A_1127 = tpu.vector_load %arg5[%get3A_1125, %get3A_1126] {strides = array<i32>} : memref<64x128xf32, #tpu.memory_space<vmem>>, vector<16xf32>,
      %add3A_1128 = arith.constant 0 : i32
      %add3A_1129 = vector.broadcast %add3A_1128 : i32 to vector<16xi32>
      %add3A_1130 = arith.addi %iota3A, %add3A_1129 : vector<16xi32>
      tpu.vector_store_idx %arg7[%broadcast_in_dim3A_1120, %add3A_1130], %get3A_1127 {add = true} : memref<128x128xf32, #tpu.memory_space<vmem>>[vector<16xi32>, vector<16xi32>], vector<16xf32>,
      %mul3A_1131 = arith.mulf %get3A_1127, %get3A_1127 : vector<16xf32>
      %add3A_1132 = arith.addf %broadcast_in_dim3A_1, %mul3A_1131 : vector<16xf32>
      %mul3A_1133 = arith.constant 16 : i32
      %mul3A_1134 = arith.muli %scan3A_45, %mul3A_1133 : i32
      %add3A_1135 = arith.constant 9 : i32
      %add3A_1136 = arith.addi %mul3A_1134, %add3A_1135 : i32
      %get3A_1137 = arith.index_cast %add3A_1136 : i32 to index
      %get3A_1138 = arith.constant 16 : index
      %get3A_1139 = tpu.vector_load %arg5[%get3A_1137, %get3A_1138] {strides = array<i32>} : memref<64x128xf32, #tpu.memory_space<vmem>>, vector<16xf32>,
      %add3A_1140 = arith.constant 16 : i32
      %add3A_1141 = vector.broadcast %add3A_1140 : i32 to vector<16xi32>
      %add3A_1142 = arith.addi %iota3A, %add3A_1141 : vector<16xi32>
      tpu.vector_store_idx %arg7[%broadcast_in_dim3A_1120, %add3A_1142], %get3A_1139 {add = true} : memref<128x128xf32, #tpu.memory_space<vmem>>[vector<16xi32>, vector<16xi32>], vector<16xf32>,
      %mul3A_1143 = arith.mulf %get3A_1139, %get3A_1139 : vector<16xf32>
      %add3A_1144 = arith.addf %add3A_1132, %mul3A_1143 : vector<16xf32>
      %mul3A_1145 = arith.constant 16 : i32
      %mul3A_1146 = arith.muli %scan3A_45, %mul3A_1145 : i32
      %add3A_1147 = arith.constant 9 : i32
      %add3A_1148 = arith.addi %mul3A_1146, %add3A_1147 : i32
      %get3A_1149 = arith.index_cast %add3A_1148 : i32 to index
      %get3A_1150 = arith.constant 32 : index
      %get3A_1151 = tpu.vector_load %arg5[%get3A_1149, %get3A_1150] {strides = array<i32>} : memref<64x128xf32, #tpu.memory_space<vmem>>, vector<16xf32>,
      %add3A_1152 = arith.constant 32 : i32
      %add3A_1153 = vector.broadcast %add3A_1152 : i32 to vector<16xi32>
      %add3A_1154 = arith.addi %iota3A, %add3A_1153 : vector<16xi32>
      tpu.vector_store_idx %arg7[%broadcast_in_dim3A_1120, %add3A_1154], %get3A_1151 {add = true} : memref<128x128xf32, #tpu.memory_space<vmem>>[vector<16xi32>, vector<16xi32>], vector<16xf32>,
      %mul3A_1155 = arith.mulf %get3A_1151, %get3A_1151 : vector<16xf32>
      %add3A_1156 = arith.addf %add3A_1144, %mul3A_1155 : vector<16xf32>
      %mul3A_1157 = arith.constant 16 : i32
      %mul3A_1158 = arith.muli %scan3A_45, %mul3A_1157 : i32
      %add3A_1159 = arith.constant 9 : i32
      %add3A_1160 = arith.addi %mul3A_1158, %add3A_1159 : i32
      %get3A_1161 = arith.index_cast %add3A_1160 : i32 to index
      %get3A_1162 = arith.constant 48 : index
      %get3A_1163 = tpu.vector_load %arg5[%get3A_1161, %get3A_1162] {strides = array<i32>} : memref<64x128xf32, #tpu.memory_space<vmem>>, vector<16xf32>,
      %add3A_1164 = arith.constant 48 : i32
      %add3A_1165 = vector.broadcast %add3A_1164 : i32 to vector<16xi32>
      %add3A_1166 = arith.addi %iota3A, %add3A_1165 : vector<16xi32>
      tpu.vector_store_idx %arg7[%broadcast_in_dim3A_1120, %add3A_1166], %get3A_1163 {add = true} : memref<128x128xf32, #tpu.memory_space<vmem>>[vector<16xi32>, vector<16xi32>], vector<16xf32>,
      %mul3A_1167 = arith.mulf %get3A_1163, %get3A_1163 : vector<16xf32>
      %add3A_1168 = arith.addf %add3A_1156, %mul3A_1167 : vector<16xf32>
      %mul3A_1169 = arith.constant 16 : i32
      %mul3A_1170 = arith.muli %scan3A_45, %mul3A_1169 : i32
      %add3A_1171 = arith.constant 9 : i32
      %add3A_1172 = arith.addi %mul3A_1170, %add3A_1171 : i32
      %get3A_1173 = arith.index_cast %add3A_1172 : i32 to index
      %get3A_1174 = arith.constant 64 : index
      %get3A_1175 = tpu.vector_load %arg5[%get3A_1173, %get3A_1174] {strides = array<i32>} : memref<64x128xf32, #tpu.memory_space<vmem>>, vector<16xf32>,
      %add3A_1176 = arith.constant 64 : i32
      %add3A_1177 = vector.broadcast %add3A_1176 : i32 to vector<16xi32>
      %add3A_1178 = arith.addi %iota3A, %add3A_1177 : vector<16xi32>
      tpu.vector_store_idx %arg7[%broadcast_in_dim3A_1120, %add3A_1178], %get3A_1175 {add = true} : memref<128x128xf32, #tpu.memory_space<vmem>>[vector<16xi32>, vector<16xi32>], vector<16xf32>,
      %mul3A_1179 = arith.mulf %get3A_1175, %get3A_1175 : vector<16xf32>
      %add3A_1180 = arith.addf %add3A_1168, %mul3A_1179 : vector<16xf32>
      %mul3A_1181 = arith.constant 16 : i32
      %mul3A_1182 = arith.muli %scan3A_45, %mul3A_1181 : i32
      %add3A_1183 = arith.constant 9 : i32
      %add3A_1184 = arith.addi %mul3A_1182, %add3A_1183 : i32
      %get3A_1185 = arith.index_cast %add3A_1184 : i32 to index
      %get3A_1186 = arith.constant 80 : index
      %get3A_1187 = tpu.vector_load %arg5[%get3A_1185, %get3A_1186] {strides = array<i32>} : memref<64x128xf32, #tpu.memory_space<vmem>>, vector<16xf32>,
      %add3A_1188 = arith.constant 80 : i32
      %add3A_1189 = vector.broadcast %add3A_1188 : i32 to vector<16xi32>
      %add3A_1190 = arith.addi %iota3A, %add3A_1189 : vector<16xi32>
      tpu.vector_store_idx %arg7[%broadcast_in_dim3A_1120, %add3A_1190], %get3A_1187 {add = true} : memref<128x128xf32, #tpu.memory_space<vmem>>[vector<16xi32>, vector<16xi32>], vector<16xf32>,
      %mul3A_1191 = arith.mulf %get3A_1187, %get3A_1187 : vector<16xf32>
      %add3A_1192 = arith.addf %add3A_1180, %mul3A_1191 : vector<16xf32>
      %mul3A_1193 = arith.constant 16 : i32
      %mul3A_1194 = arith.muli %scan3A_45, %mul3A_1193 : i32
      %add3A_1195 = arith.constant 9 : i32
      %add3A_1196 = arith.addi %mul3A_1194, %add3A_1195 : i32
      %get3A_1197 = arith.index_cast %add3A_1196 : i32 to index
      %get3A_1198 = arith.constant 96 : index
      %get3A_1199 = tpu.vector_load %arg5[%get3A_1197, %get3A_1198] {strides = array<i32>} : memref<64x128xf32, #tpu.memory_space<vmem>>, vector<16xf32>,
      %add3A_1200 = arith.constant 96 : i32
      %add3A_1201 = vector.broadcast %add3A_1200 : i32 to vector<16xi32>
      %add3A_1202 = arith.addi %iota3A, %add3A_1201 : vector<16xi32>
      tpu.vector_store_idx %arg7[%broadcast_in_dim3A_1120, %add3A_1202], %get3A_1199 {add = true} : memref<128x128xf32, #tpu.memory_space<vmem>>[vector<16xi32>, vector<16xi32>], vector<16xf32>,
      %mul3A_1203 = arith.mulf %get3A_1199, %get3A_1199 : vector<16xf32>
      %add3A_1204 = arith.addf %add3A_1192, %mul3A_1203 : vector<16xf32>
      %mul3A_1205 = arith.constant 16 : i32
      %mul3A_1206 = arith.muli %scan3A_45, %mul3A_1205 : i32
      %add3A_1207 = arith.constant 9 : i32
      %add3A_1208 = arith.addi %mul3A_1206, %add3A_1207 : i32
      %get3A_1209 = arith.index_cast %add3A_1208 : i32 to index
      %get3A_1210 = arith.constant 112 : index
      %get3A_1211 = tpu.vector_load %arg5[%get3A_1209, %get3A_1210] {strides = array<i32>} : memref<64x128xf32, #tpu.memory_space<vmem>>, vector<16xf32>,
      %add3A_1212 = arith.constant 112 : i32
      %add3A_1213 = vector.broadcast %add3A_1212 : i32 to vector<16xi32>
      %add3A_1214 = arith.addi %iota3A, %add3A_1213 : vector<16xi32>
      tpu.vector_store_idx %arg7[%broadcast_in_dim3A_1120, %add3A_1214], %get3A_1211 {add = true} : memref<128x128xf32, #tpu.memory_space<vmem>>[vector<16xi32>, vector<16xi32>], vector<16xf32>,
      %mul3A_1215 = arith.mulf %get3A_1211, %get3A_1211 : vector<16xf32>
      %add3A_1216 = arith.addf %add3A_1204, %mul3A_1215 : vector<16xf32>
      %reduce_sum3A_1217 = arith.constant true
      %reduce_sum3A_1218 = vector.broadcast %reduce_sum3A_1217 : i1 to vector<16xi1>
      %reduce_sum3A_1219 = tpu.scan <sum>, %add3A_1216 masked %reduce_sum3A_1218 : vector<16xf32>, vector<16xi1> -> vector<16xf32>
      %reduce_sum3A_1220 = vector.extract %reduce_sum3A_1219[15] : f32 from vector<16xf32>
      %eq3A_1221 = arith.constant 0 : i32
      %eq3A_1222 = vector.broadcast %eq3A_1221 : i32 to vector<16xi32>
      %eq3A_1223 = arith.cmpi eq, %iota3A, %eq3A_1222 : vector<16xi32>
      %jit3A_1224 = arith.constant 1.000000e+00 : f32
      %jit3A_1225 = arith.constant 0.000000e+00 : f32
      %broadcast_in_dim3A_1226 = vector.broadcast %jit3A_1224 : f32 to vector<16xf32>
      %broadcast_in_dim3A_1227 = vector.broadcast %jit3A_1225 : f32 to vector<16xf32>
      %select_n3A_1228 = arith.select %eq3A_1223, %broadcast_in_dim3A_1226, %broadcast_in_dim3A_1227 : vector<16xi1>, vector<16xf32>
      %eq3A_1229 = arith.constant 1 : i32
      %eq3A_1230 = vector.broadcast %eq3A_1229 : i32 to vector<16xi32>
      %eq3A_1231 = arith.cmpi eq, %iota3A, %eq3A_1230 : vector<16xi32>
      %jit3A_1232 = arith.constant 0.000000e+00 : f32
      %broadcast_in_dim3A_1233 = vector.broadcast %reduce_sum3A_1220 : f32 to vector<16xf32>
      %broadcast_in_dim3A_1234 = vector.broadcast %jit3A_1232 : f32 to vector<16xf32>
      %select_n3A_1235 = arith.select %eq3A_1231, %broadcast_in_dim3A_1233, %broadcast_in_dim3A_1234 : vector<16xi1>, vector<16xf32>
      %add3A_1236 = arith.addf %select_n3A_1228, %select_n3A_1235 : vector<16xf32>
      tpu.vector_store_idx %arg8[%broadcast_in_dim3A_1120, %iota3A], %add3A_1236 {add = true} : memref<128x16xf32, #tpu.memory_space<vmem>>[vector<16xi32>, vector<16xi32>], vector<16xf32>,
      %slice3A_1237 = vector.extract_strided_slice %get3A_49 {offsets = [10], sizes = [1], strides = [1]} : vector<16xi32> to vector<1xi32>
      %squeeze3A_1238 = vector.extract %slice3A_1237[0] : i32 from vector<1xi32>
      %broadcast_in_dim3A_1239 = vector.broadcast %squeeze3A_1238 : i32 to vector<16xi32>
      %mul3A_1240 = arith.constant 16 : i32
      %mul3A_1241 = arith.muli %scan3A_45, %mul3A_1240 : i32
      %add3A_1242 = arith.constant 10 : i32
      %add3A_1243 = arith.addi %mul3A_1241, %add3A_1242 : i32
      %get3A_1244 = arith.index_cast %add3A_1243 : i32 to index
      %get3A_1245 = arith.constant 0 : index
      %get3A_1246 = tpu.vector_load %arg5[%get3A_1244, %get3A_1245] {strides = array<i32>} : memref<64x128xf32, #tpu.memory_space<vmem>>, vector<16xf32>,
      %add3A_1247 = arith.constant 0 : i32
      %add3A_1248 = vector.broadcast %add3A_1247 : i32 to vector<16xi32>
      %add3A_1249 = arith.addi %iota3A, %add3A_1248 : vector<16xi32>
      tpu.vector_store_idx %arg7[%broadcast_in_dim3A_1239, %add3A_1249], %get3A_1246 {add = true} : memref<128x128xf32, #tpu.memory_space<vmem>>[vector<16xi32>, vector<16xi32>], vector<16xf32>,
      %mul3A_1250 = arith.mulf %get3A_1246, %get3A_1246 : vector<16xf32>
      %add3A_1251 = arith.addf %broadcast_in_dim3A_1, %mul3A_1250 : vector<16xf32>
      %mul3A_1252 = arith.constant 16 : i32
      %mul3A_1253 = arith.muli %scan3A_45, %mul3A_1252 : i32
      %add3A_1254 = arith.constant 10 : i32
      %add3A_1255 = arith.addi %mul3A_1253, %add3A_1254 : i32
      %get3A_1256 = arith.index_cast %add3A_1255 : i32 to index
      %get3A_1257 = arith.constant 16 : index
      %get3A_1258 = tpu.vector_load %arg5[%get3A_1256, %get3A_1257] {strides = array<i32>} : memref<64x128xf32, #tpu.memory_space<vmem>>, vector<16xf32>,
      %add3A_1259 = arith.constant 16 : i32
      %add3A_1260 = vector.broadcast %add3A_1259 : i32 to vector<16xi32>
      %add3A_1261 = arith.addi %iota3A, %add3A_1260 : vector<16xi32>
      tpu.vector_store_idx %arg7[%broadcast_in_dim3A_1239, %add3A_1261], %get3A_1258 {add = true} : memref<128x128xf32, #tpu.memory_space<vmem>>[vector<16xi32>, vector<16xi32>], vector<16xf32>,
      %mul3A_1262 = arith.mulf %get3A_1258, %get3A_1258 : vector<16xf32>
      %add3A_1263 = arith.addf %add3A_1251, %mul3A_1262 : vector<16xf32>
      %mul3A_1264 = arith.constant 16 : i32
      %mul3A_1265 = arith.muli %scan3A_45, %mul3A_1264 : i32
      %add3A_1266 = arith.constant 10 : i32
      %add3A_1267 = arith.addi %mul3A_1265, %add3A_1266 : i32
      %get3A_1268 = arith.index_cast %add3A_1267 : i32 to index
      %get3A_1269 = arith.constant 32 : index
      %get3A_1270 = tpu.vector_load %arg5[%get3A_1268, %get3A_1269] {strides = array<i32>} : memref<64x128xf32, #tpu.memory_space<vmem>>, vector<16xf32>,
      %add3A_1271 = arith.constant 32 : i32
      %add3A_1272 = vector.broadcast %add3A_1271 : i32 to vector<16xi32>
      %add3A_1273 = arith.addi %iota3A, %add3A_1272 : vector<16xi32>
      tpu.vector_store_idx %arg7[%broadcast_in_dim3A_1239, %add3A_1273], %get3A_1270 {add = true} : memref<128x128xf32, #tpu.memory_space<vmem>>[vector<16xi32>, vector<16xi32>], vector<16xf32>,
      %mul3A_1274 = arith.mulf %get3A_1270, %get3A_1270 : vector<16xf32>
      %add3A_1275 = arith.addf %add3A_1263, %mul3A_1274 : vector<16xf32>
      %mul3A_1276 = arith.constant 16 : i32
      %mul3A_1277 = arith.muli %scan3A_45, %mul3A_1276 : i32
      %add3A_1278 = arith.constant 10 : i32
      %add3A_1279 = arith.addi %mul3A_1277, %add3A_1278 : i32
      %get3A_1280 = arith.index_cast %add3A_1279 : i32 to index
      %get3A_1281 = arith.constant 48 : index
      %get3A_1282 = tpu.vector_load %arg5[%get3A_1280, %get3A_1281] {strides = array<i32>} : memref<64x128xf32, #tpu.memory_space<vmem>>, vector<16xf32>,
      %add3A_1283 = arith.constant 48 : i32
      %add3A_1284 = vector.broadcast %add3A_1283 : i32 to vector<16xi32>
      %add3A_1285 = arith.addi %iota3A, %add3A_1284 : vector<16xi32>
      tpu.vector_store_idx %arg7[%broadcast_in_dim3A_1239, %add3A_1285], %get3A_1282 {add = true} : memref<128x128xf32, #tpu.memory_space<vmem>>[vector<16xi32>, vector<16xi32>], vector<16xf32>,
      %mul3A_1286 = arith.mulf %get3A_1282, %get3A_1282 : vector<16xf32>
      %add3A_1287 = arith.addf %add3A_1275, %mul3A_1286 : vector<16xf32>
      %mul3A_1288 = arith.constant 16 : i32
      %mul3A_1289 = arith.muli %scan3A_45, %mul3A_1288 : i32
      %add3A_1290 = arith.constant 10 : i32
      %add3A_1291 = arith.addi %mul3A_1289, %add3A_1290 : i32
      %get3A_1292 = arith.index_cast %add3A_1291 : i32 to index
      %get3A_1293 = arith.constant 64 : index
      %get3A_1294 = tpu.vector_load %arg5[%get3A_1292, %get3A_1293] {strides = array<i32>} : memref<64x128xf32, #tpu.memory_space<vmem>>, vector<16xf32>,
      %add3A_1295 = arith.constant 64 : i32
      %add3A_1296 = vector.broadcast %add3A_1295 : i32 to vector<16xi32>
      %add3A_1297 = arith.addi %iota3A, %add3A_1296 : vector<16xi32>
      tpu.vector_store_idx %arg7[%broadcast_in_dim3A_1239, %add3A_1297], %get3A_1294 {add = true} : memref<128x128xf32, #tpu.memory_space<vmem>>[vector<16xi32>, vector<16xi32>], vector<16xf32>,
      %mul3A_1298 = arith.mulf %get3A_1294, %get3A_1294 : vector<16xf32>
      %add3A_1299 = arith.addf %add3A_1287, %mul3A_1298 : vector<16xf32>
      %mul3A_1300 = arith.constant 16 : i32
      %mul3A_1301 = arith.muli %scan3A_45, %mul3A_1300 : i32
      %add3A_1302 = arith.constant 10 : i32
      %add3A_1303 = arith.addi %mul3A_1301, %add3A_1302 : i32
      %get3A_1304 = arith.index_cast %add3A_1303 : i32 to index
      %get3A_1305 = arith.constant 80 : index
      %get3A_1306 = tpu.vector_load %arg5[%get3A_1304, %get3A_1305] {strides = array<i32>} : memref<64x128xf32, #tpu.memory_space<vmem>>, vector<16xf32>,
      %add3A_1307 = arith.constant 80 : i32
      %add3A_1308 = vector.broadcast %add3A_1307 : i32 to vector<16xi32>
      %add3A_1309 = arith.addi %iota3A, %add3A_1308 : vector<16xi32>
      tpu.vector_store_idx %arg7[%broadcast_in_dim3A_1239, %add3A_1309], %get3A_1306 {add = true} : memref<128x128xf32, #tpu.memory_space<vmem>>[vector<16xi32>, vector<16xi32>], vector<16xf32>,
      %mul3A_1310 = arith.mulf %get3A_1306, %get3A_1306 : vector<16xf32>
      %add3A_1311 = arith.addf %add3A_1299, %mul3A_1310 : vector<16xf32>
      %mul3A_1312 = arith.constant 16 : i32
      %mul3A_1313 = arith.muli %scan3A_45, %mul3A_1312 : i32
      %add3A_1314 = arith.constant 10 : i32
      %add3A_1315 = arith.addi %mul3A_1313, %add3A_1314 : i32
      %get3A_1316 = arith.index_cast %add3A_1315 : i32 to index
      %get3A_1317 = arith.constant 96 : index
      %get3A_1318 = tpu.vector_load %arg5[%get3A_1316, %get3A_1317] {strides = array<i32>} : memref<64x128xf32, #tpu.memory_space<vmem>>, vector<16xf32>,
      %add3A_1319 = arith.constant 96 : i32
      %add3A_1320 = vector.broadcast %add3A_1319 : i32 to vector<16xi32>
      %add3A_1321 = arith.addi %iota3A, %add3A_1320 : vector<16xi32>
      tpu.vector_store_idx %arg7[%broadcast_in_dim3A_1239, %add3A_1321], %get3A_1318 {add = true} : memref<128x128xf32, #tpu.memory_space<vmem>>[vector<16xi32>, vector<16xi32>], vector<16xf32>,
      %mul3A_1322 = arith.mulf %get3A_1318, %get3A_1318 : vector<16xf32>
      %add3A_1323 = arith.addf %add3A_1311, %mul3A_1322 : vector<16xf32>
      %mul3A_1324 = arith.constant 16 : i32
      %mul3A_1325 = arith.muli %scan3A_45, %mul3A_1324 : i32
      %add3A_1326 = arith.constant 10 : i32
      %add3A_1327 = arith.addi %mul3A_1325, %add3A_1326 : i32
      %get3A_1328 = arith.index_cast %add3A_1327 : i32 to index
      %get3A_1329 = arith.constant 112 : index
      %get3A_1330 = tpu.vector_load %arg5[%get3A_1328, %get3A_1329] {strides = array<i32>} : memref<64x128xf32, #tpu.memory_space<vmem>>, vector<16xf32>,
      %add3A_1331 = arith.constant 112 : i32
      %add3A_1332 = vector.broadcast %add3A_1331 : i32 to vector<16xi32>
      %add3A_1333 = arith.addi %iota3A, %add3A_1332 : vector<16xi32>
      tpu.vector_store_idx %arg7[%broadcast_in_dim3A_1239, %add3A_1333], %get3A_1330 {add = true} : memref<128x128xf32, #tpu.memory_space<vmem>>[vector<16xi32>, vector<16xi32>], vector<16xf32>,
      %mul3A_1334 = arith.mulf %get3A_1330, %get3A_1330 : vector<16xf32>
      %add3A_1335 = arith.addf %add3A_1323, %mul3A_1334 : vector<16xf32>
      %reduce_sum3A_1336 = arith.constant true
      %reduce_sum3A_1337 = vector.broadcast %reduce_sum3A_1336 : i1 to vector<16xi1>
      %reduce_sum3A_1338 = tpu.scan <sum>, %add3A_1335 masked %reduce_sum3A_1337 : vector<16xf32>, vector<16xi1> -> vector<16xf32>
      %reduce_sum3A_1339 = vector.extract %reduce_sum3A_1338[15] : f32 from vector<16xf32>
      %eq3A_1340 = arith.constant 0 : i32
      %eq3A_1341 = vector.broadcast %eq3A_1340 : i32 to vector<16xi32>
      %eq3A_1342 = arith.cmpi eq, %iota3A, %eq3A_1341 : vector<16xi32>
      %jit3A_1343 = arith.constant 1.000000e+00 : f32
      %jit3A_1344 = arith.constant 0.000000e+00 : f32
      %broadcast_in_dim3A_1345 = vector.broadcast %jit3A_1343 : f32 to vector<16xf32>
      %broadcast_in_dim3A_1346 = vector.broadcast %jit3A_1344 : f32 to vector<16xf32>
      %select_n3A_1347 = arith.select %eq3A_1342, %broadcast_in_dim3A_1345, %broadcast_in_dim3A_1346 : vector<16xi1>, vector<16xf32>
      %eq3A_1348 = arith.constant 1 : i32
      %eq3A_1349 = vector.broadcast %eq3A_1348 : i32 to vector<16xi32>
      %eq3A_1350 = arith.cmpi eq, %iota3A, %eq3A_1349 : vector<16xi32>
      %jit3A_1351 = arith.constant 0.000000e+00 : f32
      %broadcast_in_dim3A_1352 = vector.broadcast %reduce_sum3A_1339 : f32 to vector<16xf32>
      %broadcast_in_dim3A_1353 = vector.broadcast %jit3A_1351 : f32 to vector<16xf32>
      %select_n3A_1354 = arith.select %eq3A_1350, %broadcast_in_dim3A_1352, %broadcast_in_dim3A_1353 : vector<16xi1>, vector<16xf32>
      %add3A_1355 = arith.addf %select_n3A_1347, %select_n3A_1354 : vector<16xf32>
      tpu.vector_store_idx %arg8[%broadcast_in_dim3A_1239, %iota3A], %add3A_1355 {add = true} : memref<128x16xf32, #tpu.memory_space<vmem>>[vector<16xi32>, vector<16xi32>], vector<16xf32>,
      %slice3A_1356 = vector.extract_strided_slice %get3A_49 {offsets = [11], sizes = [1], strides = [1]} : vector<16xi32> to vector<1xi32>
      %squeeze3A_1357 = vector.extract %slice3A_1356[0] : i32 from vector<1xi32>
      %broadcast_in_dim3A_1358 = vector.broadcast %squeeze3A_1357 : i32 to vector<16xi32>
      %mul3A_1359 = arith.constant 16 : i32
      %mul3A_1360 = arith.muli %scan3A_45, %mul3A_1359 : i32
      %add3A_1361 = arith.constant 11 : i32
      %add3A_1362 = arith.addi %mul3A_1360, %add3A_1361 : i32
      %get3A_1363 = arith.index_cast %add3A_1362 : i32 to index
      %get3A_1364 = arith.constant 0 : index
      %get3A_1365 = tpu.vector_load %arg5[%get3A_1363, %get3A_1364] {strides = array<i32>} : memref<64x128xf32, #tpu.memory_space<vmem>>, vector<16xf32>,
      %add3A_1366 = arith.constant 0 : i32
      %add3A_1367 = vector.broadcast %add3A_1366 : i32 to vector<16xi32>
      %add3A_1368 = arith.addi %iota3A, %add3A_1367 : vector<16xi32>
      tpu.vector_store_idx %arg7[%broadcast_in_dim3A_1358, %add3A_1368], %get3A_1365 {add = true} : memref<128x128xf32, #tpu.memory_space<vmem>>[vector<16xi32>, vector<16xi32>], vector<16xf32>,
      %mul3A_1369 = arith.mulf %get3A_1365, %get3A_1365 : vector<16xf32>
      %add3A_1370 = arith.addf %broadcast_in_dim3A_1, %mul3A_1369 : vector<16xf32>
      %mul3A_1371 = arith.constant 16 : i32
      %mul3A_1372 = arith.muli %scan3A_45, %mul3A_1371 : i32
      %add3A_1373 = arith.constant 11 : i32
      %add3A_1374 = arith.addi %mul3A_1372, %add3A_1373 : i32
      %get3A_1375 = arith.index_cast %add3A_1374 : i32 to index
      %get3A_1376 = arith.constant 16 : index
      %get3A_1377 = tpu.vector_load %arg5[%get3A_1375, %get3A_1376] {strides = array<i32>} : memref<64x128xf32, #tpu.memory_space<vmem>>, vector<16xf32>,
      %add3A_1378 = arith.constant 16 : i32
      %add3A_1379 = vector.broadcast %add3A_1378 : i32 to vector<16xi32>
      %add3A_1380 = arith.addi %iota3A, %add3A_1379 : vector<16xi32>
      tpu.vector_store_idx %arg7[%broadcast_in_dim3A_1358, %add3A_1380], %get3A_1377 {add = true} : memref<128x128xf32, #tpu.memory_space<vmem>>[vector<16xi32>, vector<16xi32>], vector<16xf32>,
      %mul3A_1381 = arith.mulf %get3A_1377, %get3A_1377 : vector<16xf32>
      %add3A_1382 = arith.addf %add3A_1370, %mul3A_1381 : vector<16xf32>
      %mul3A_1383 = arith.constant 16 : i32
      %mul3A_1384 = arith.muli %scan3A_45, %mul3A_1383 : i32
      %add3A_1385 = arith.constant 11 : i32
      %add3A_1386 = arith.addi %mul3A_1384, %add3A_1385 : i32
      %get3A_1387 = arith.index_cast %add3A_1386 : i32 to index
      %get3A_1388 = arith.constant 32 : index
      %get3A_1389 = tpu.vector_load %arg5[%get3A_1387, %get3A_1388] {strides = array<i32>} : memref<64x128xf32, #tpu.memory_space<vmem>>, vector<16xf32>,
      %add3A_1390 = arith.constant 32 : i32
      %add3A_1391 = vector.broadcast %add3A_1390 : i32 to vector<16xi32>
      %add3A_1392 = arith.addi %iota3A, %add3A_1391 : vector<16xi32>
      tpu.vector_store_idx %arg7[%broadcast_in_dim3A_1358, %add3A_1392], %get3A_1389 {add = true} : memref<128x128xf32, #tpu.memory_space<vmem>>[vector<16xi32>, vector<16xi32>], vector<16xf32>,
      %mul3A_1393 = arith.mulf %get3A_1389, %get3A_1389 : vector<16xf32>
      %add3A_1394 = arith.addf %add3A_1382, %mul3A_1393 : vector<16xf32>
      %mul3A_1395 = arith.constant 16 : i32
      %mul3A_1396 = arith.muli %scan3A_45, %mul3A_1395 : i32
      %add3A_1397 = arith.constant 11 : i32
      %add3A_1398 = arith.addi %mul3A_1396, %add3A_1397 : i32
      %get3A_1399 = arith.index_cast %add3A_1398 : i32 to index
      %get3A_1400 = arith.constant 48 : index
      %get3A_1401 = tpu.vector_load %arg5[%get3A_1399, %get3A_1400] {strides = array<i32>} : memref<64x128xf32, #tpu.memory_space<vmem>>, vector<16xf32>,
      %add3A_1402 = arith.constant 48 : i32
      %add3A_1403 = vector.broadcast %add3A_1402 : i32 to vector<16xi32>
      %add3A_1404 = arith.addi %iota3A, %add3A_1403 : vector<16xi32>
      tpu.vector_store_idx %arg7[%broadcast_in_dim3A_1358, %add3A_1404], %get3A_1401 {add = true} : memref<128x128xf32, #tpu.memory_space<vmem>>[vector<16xi32>, vector<16xi32>], vector<16xf32>,
      %mul3A_1405 = arith.mulf %get3A_1401, %get3A_1401 : vector<16xf32>
      %add3A_1406 = arith.addf %add3A_1394, %mul3A_1405 : vector<16xf32>
      %mul3A_1407 = arith.constant 16 : i32
      %mul3A_1408 = arith.muli %scan3A_45, %mul3A_1407 : i32
      %add3A_1409 = arith.constant 11 : i32
      %add3A_1410 = arith.addi %mul3A_1408, %add3A_1409 : i32
      %get3A_1411 = arith.index_cast %add3A_1410 : i32 to index
      %get3A_1412 = arith.constant 64 : index
      %get3A_1413 = tpu.vector_load %arg5[%get3A_1411, %get3A_1412] {strides = array<i32>} : memref<64x128xf32, #tpu.memory_space<vmem>>, vector<16xf32>,
      %add3A_1414 = arith.constant 64 : i32
      %add3A_1415 = vector.broadcast %add3A_1414 : i32 to vector<16xi32>
      %add3A_1416 = arith.addi %iota3A, %add3A_1415 : vector<16xi32>
      tpu.vector_store_idx %arg7[%broadcast_in_dim3A_1358, %add3A_1416], %get3A_1413 {add = true} : memref<128x128xf32, #tpu.memory_space<vmem>>[vector<16xi32>, vector<16xi32>], vector<16xf32>,
      %mul3A_1417 = arith.mulf %get3A_1413, %get3A_1413 : vector<16xf32>
      %add3A_1418 = arith.addf %add3A_1406, %mul3A_1417 : vector<16xf32>
      %mul3A_1419 = arith.constant 16 : i32
      %mul3A_1420 = arith.muli %scan3A_45, %mul3A_1419 : i32
      %add3A_1421 = arith.constant 11 : i32
      %add3A_1422 = arith.addi %mul3A_1420, %add3A_1421 : i32
      %get3A_1423 = arith.index_cast %add3A_1422 : i32 to index
      %get3A_1424 = arith.constant 80 : index
      %get3A_1425 = tpu.vector_load %arg5[%get3A_1423, %get3A_1424] {strides = array<i32>} : memref<64x128xf32, #tpu.memory_space<vmem>>, vector<16xf32>,
      %add3A_1426 = arith.constant 80 : i32
      %add3A_1427 = vector.broadcast %add3A_1426 : i32 to vector<16xi32>
      %add3A_1428 = arith.addi %iota3A, %add3A_1427 : vector<16xi32>
      tpu.vector_store_idx %arg7[%broadcast_in_dim3A_1358, %add3A_1428], %get3A_1425 {add = true} : memref<128x128xf32, #tpu.memory_space<vmem>>[vector<16xi32>, vector<16xi32>], vector<16xf32>,
      %mul3A_1429 = arith.mulf %get3A_1425, %get3A_1425 : vector<16xf32>
      %add3A_1430 = arith.addf %add3A_1418, %mul3A_1429 : vector<16xf32>
      %mul3A_1431 = arith.constant 16 : i32
      %mul3A_1432 = arith.muli %scan3A_45, %mul3A_1431 : i32
      %add3A_1433 = arith.constant 11 : i32
      %add3A_1434 = arith.addi %mul3A_1432, %add3A_1433 : i32
      %get3A_1435 = arith.index_cast %add3A_1434 : i32 to index
      %get3A_1436 = arith.constant 96 : index
      %get3A_1437 = tpu.vector_load %arg5[%get3A_1435, %get3A_1436] {strides = array<i32>} : memref<64x128xf32, #tpu.memory_space<vmem>>, vector<16xf32>,
      %add3A_1438 = arith.constant 96 : i32
      %add3A_1439 = vector.broadcast %add3A_1438 : i32 to vector<16xi32>
      %add3A_1440 = arith.addi %iota3A, %add3A_1439 : vector<16xi32>
      tpu.vector_store_idx %arg7[%broadcast_in_dim3A_1358, %add3A_1440], %get3A_1437 {add = true} : memref<128x128xf32, #tpu.memory_space<vmem>>[vector<16xi32>, vector<16xi32>], vector<16xf32>,
      %mul3A_1441 = arith.mulf %get3A_1437, %get3A_1437 : vector<16xf32>
      %add3A_1442 = arith.addf %add3A_1430, %mul3A_1441 : vector<16xf32>
      %mul3A_1443 = arith.constant 16 : i32
      %mul3A_1444 = arith.muli %scan3A_45, %mul3A_1443 : i32
      %add3A_1445 = arith.constant 11 : i32
      %add3A_1446 = arith.addi %mul3A_1444, %add3A_1445 : i32
      %get3A_1447 = arith.index_cast %add3A_1446 : i32 to index
      %get3A_1448 = arith.constant 112 : index
      %get3A_1449 = tpu.vector_load %arg5[%get3A_1447, %get3A_1448] {strides = array<i32>} : memref<64x128xf32, #tpu.memory_space<vmem>>, vector<16xf32>,
      %add3A_1450 = arith.constant 112 : i32
      %add3A_1451 = vector.broadcast %add3A_1450 : i32 to vector<16xi32>
      %add3A_1452 = arith.addi %iota3A, %add3A_1451 : vector<16xi32>
      tpu.vector_store_idx %arg7[%broadcast_in_dim3A_1358, %add3A_1452], %get3A_1449 {add = true} : memref<128x128xf32, #tpu.memory_space<vmem>>[vector<16xi32>, vector<16xi32>], vector<16xf32>,
      %mul3A_1453 = arith.mulf %get3A_1449, %get3A_1449 : vector<16xf32>
      %add3A_1454 = arith.addf %add3A_1442, %mul3A_1453 : vector<16xf32>
      %reduce_sum3A_1455 = arith.constant true
      %reduce_sum3A_1456 = vector.broadcast %reduce_sum3A_1455 : i1 to vector<16xi1>
      %reduce_sum3A_1457 = tpu.scan <sum>, %add3A_1454 masked %reduce_sum3A_1456 : vector<16xf32>, vector<16xi1> -> vector<16xf32>
      %reduce_sum3A_1458 = vector.extract %reduce_sum3A_1457[15] : f32 from vector<16xf32>
      %eq3A_1459 = arith.constant 0 : i32
      %eq3A_1460 = vector.broadcast %eq3A_1459 : i32 to vector<16xi32>
      %eq3A_1461 = arith.cmpi eq, %iota3A, %eq3A_1460 : vector<16xi32>
      %jit3A_1462 = arith.constant 1.000000e+00 : f32
      %jit3A_1463 = arith.constant 0.000000e+00 : f32
      %broadcast_in_dim3A_1464 = vector.broadcast %jit3A_1462 : f32 to vector<16xf32>
      %broadcast_in_dim3A_1465 = vector.broadcast %jit3A_1463 : f32 to vector<16xf32>
      %select_n3A_1466 = arith.select %eq3A_1461, %broadcast_in_dim3A_1464, %broadcast_in_dim3A_1465 : vector<16xi1>, vector<16xf32>
      %eq3A_1467 = arith.constant 1 : i32
      %eq3A_1468 = vector.broadcast %eq3A_1467 : i32 to vector<16xi32>
      %eq3A_1469 = arith.cmpi eq, %iota3A, %eq3A_1468 : vector<16xi32>
      %jit3A_1470 = arith.constant 0.000000e+00 : f32
      %broadcast_in_dim3A_1471 = vector.broadcast %reduce_sum3A_1458 : f32 to vector<16xf32>
      %broadcast_in_dim3A_1472 = vector.broadcast %jit3A_1470 : f32 to vector<16xf32>
      %select_n3A_1473 = arith.select %eq3A_1469, %broadcast_in_dim3A_1471, %broadcast_in_dim3A_1472 : vector<16xi1>, vector<16xf32>
      %add3A_1474 = arith.addf %select_n3A_1466, %select_n3A_1473 : vector<16xf32>
      tpu.vector_store_idx %arg8[%broadcast_in_dim3A_1358, %iota3A], %add3A_1474 {add = true} : memref<128x16xf32, #tpu.memory_space<vmem>>[vector<16xi32>, vector<16xi32>], vector<16xf32>,
      %slice3A_1475 = vector.extract_strided_slice %get3A_49 {offsets = [12], sizes = [1], strides = [1]} : vector<16xi32> to vector<1xi32>
      %squeeze3A_1476 = vector.extract %slice3A_1475[0] : i32 from vector<1xi32>
      %broadcast_in_dim3A_1477 = vector.broadcast %squeeze3A_1476 : i32 to vector<16xi32>
      %mul3A_1478 = arith.constant 16 : i32
      %mul3A_1479 = arith.muli %scan3A_45, %mul3A_1478 : i32
      %add3A_1480 = arith.constant 12 : i32
      %add3A_1481 = arith.addi %mul3A_1479, %add3A_1480 : i32
      %get3A_1482 = arith.index_cast %add3A_1481 : i32 to index
      %get3A_1483 = arith.constant 0 : index
      %get3A_1484 = tpu.vector_load %arg5[%get3A_1482, %get3A_1483] {strides = array<i32>} : memref<64x128xf32, #tpu.memory_space<vmem>>, vector<16xf32>,
      %add3A_1485 = arith.constant 0 : i32
      %add3A_1486 = vector.broadcast %add3A_1485 : i32 to vector<16xi32>
      %add3A_1487 = arith.addi %iota3A, %add3A_1486 : vector<16xi32>
      tpu.vector_store_idx %arg7[%broadcast_in_dim3A_1477, %add3A_1487], %get3A_1484 {add = true} : memref<128x128xf32, #tpu.memory_space<vmem>>[vector<16xi32>, vector<16xi32>], vector<16xf32>,
      %mul3A_1488 = arith.mulf %get3A_1484, %get3A_1484 : vector<16xf32>
      %add3A_1489 = arith.addf %broadcast_in_dim3A_1, %mul3A_1488 : vector<16xf32>
      %mul3A_1490 = arith.constant 16 : i32
      %mul3A_1491 = arith.muli %scan3A_45, %mul3A_1490 : i32
      %add3A_1492 = arith.constant 12 : i32
      %add3A_1493 = arith.addi %mul3A_1491, %add3A_1492 : i32
      %get3A_1494 = arith.index_cast %add3A_1493 : i32 to index
      %get3A_1495 = arith.constant 16 : index
      %get3A_1496 = tpu.vector_load %arg5[%get3A_1494, %get3A_1495] {strides = array<i32>} : memref<64x128xf32, #tpu.memory_space<vmem>>, vector<16xf32>,
      %add3A_1497 = arith.constant 16 : i32
      %add3A_1498 = vector.broadcast %add3A_1497 : i32 to vector<16xi32>
      %add3A_1499 = arith.addi %iota3A, %add3A_1498 : vector<16xi32>
      tpu.vector_store_idx %arg7[%broadcast_in_dim3A_1477, %add3A_1499], %get3A_1496 {add = true} : memref<128x128xf32, #tpu.memory_space<vmem>>[vector<16xi32>, vector<16xi32>], vector<16xf32>,
      %mul3A_1500 = arith.mulf %get3A_1496, %get3A_1496 : vector<16xf32>
      %add3A_1501 = arith.addf %add3A_1489, %mul3A_1500 : vector<16xf32>
      %mul3A_1502 = arith.constant 16 : i32
      %mul3A_1503 = arith.muli %scan3A_45, %mul3A_1502 : i32
      %add3A_1504 = arith.constant 12 : i32
      %add3A_1505 = arith.addi %mul3A_1503, %add3A_1504 : i32
      %get3A_1506 = arith.index_cast %add3A_1505 : i32 to index
      %get3A_1507 = arith.constant 32 : index
      %get3A_1508 = tpu.vector_load %arg5[%get3A_1506, %get3A_1507] {strides = array<i32>} : memref<64x128xf32, #tpu.memory_space<vmem>>, vector<16xf32>,
      %add3A_1509 = arith.constant 32 : i32
      %add3A_1510 = vector.broadcast %add3A_1509 : i32 to vector<16xi32>
      %add3A_1511 = arith.addi %iota3A, %add3A_1510 : vector<16xi32>
      tpu.vector_store_idx %arg7[%broadcast_in_dim3A_1477, %add3A_1511], %get3A_1508 {add = true} : memref<128x128xf32, #tpu.memory_space<vmem>>[vector<16xi32>, vector<16xi32>], vector<16xf32>,
      %mul3A_1512 = arith.mulf %get3A_1508, %get3A_1508 : vector<16xf32>
      %add3A_1513 = arith.addf %add3A_1501, %mul3A_1512 : vector<16xf32>
      %mul3A_1514 = arith.constant 16 : i32
      %mul3A_1515 = arith.muli %scan3A_45, %mul3A_1514 : i32
      %add3A_1516 = arith.constant 12 : i32
      %add3A_1517 = arith.addi %mul3A_1515, %add3A_1516 : i32
      %get3A_1518 = arith.index_cast %add3A_1517 : i32 to index
      %get3A_1519 = arith.constant 48 : index
      %get3A_1520 = tpu.vector_load %arg5[%get3A_1518, %get3A_1519] {strides = array<i32>} : memref<64x128xf32, #tpu.memory_space<vmem>>, vector<16xf32>,
      %add3A_1521 = arith.constant 48 : i32
      %add3A_1522 = vector.broadcast %add3A_1521 : i32 to vector<16xi32>
      %add3A_1523 = arith.addi %iota3A, %add3A_1522 : vector<16xi32>
      tpu.vector_store_idx %arg7[%broadcast_in_dim3A_1477, %add3A_1523], %get3A_1520 {add = true} : memref<128x128xf32, #tpu.memory_space<vmem>>[vector<16xi32>, vector<16xi32>], vector<16xf32>,
      %mul3A_1524 = arith.mulf %get3A_1520, %get3A_1520 : vector<16xf32>
      %add3A_1525 = arith.addf %add3A_1513, %mul3A_1524 : vector<16xf32>
      %mul3A_1526 = arith.constant 16 : i32
      %mul3A_1527 = arith.muli %scan3A_45, %mul3A_1526 : i32
      %add3A_1528 = arith.constant 12 : i32
      %add3A_1529 = arith.addi %mul3A_1527, %add3A_1528 : i32
      %get3A_1530 = arith.index_cast %add3A_1529 : i32 to index
      %get3A_1531 = arith.constant 64 : index
      %get3A_1532 = tpu.vector_load %arg5[%get3A_1530, %get3A_1531] {strides = array<i32>} : memref<64x128xf32, #tpu.memory_space<vmem>>, vector<16xf32>,
      %add3A_1533 = arith.constant 64 : i32
      %add3A_1534 = vector.broadcast %add3A_1533 : i32 to vector<16xi32>
      %add3A_1535 = arith.addi %iota3A, %add3A_1534 : vector<16xi32>
      tpu.vector_store_idx %arg7[%broadcast_in_dim3A_1477, %add3A_1535], %get3A_1532 {add = true} : memref<128x128xf32, #tpu.memory_space<vmem>>[vector<16xi32>, vector<16xi32>], vector<16xf32>,
      %mul3A_1536 = arith.mulf %get3A_1532, %get3A_1532 : vector<16xf32>
      %add3A_1537 = arith.addf %add3A_1525, %mul3A_1536 : vector<16xf32>
      %mul3A_1538 = arith.constant 16 : i32
      %mul3A_1539 = arith.muli %scan3A_45, %mul3A_1538 : i32
      %add3A_1540 = arith.constant 12 : i32
      %add3A_1541 = arith.addi %mul3A_1539, %add3A_1540 : i32
      %get3A_1542 = arith.index_cast %add3A_1541 : i32 to index
      %get3A_1543 = arith.constant 80 : index
      %get3A_1544 = tpu.vector_load %arg5[%get3A_1542, %get3A_1543] {strides = array<i32>} : memref<64x128xf32, #tpu.memory_space<vmem>>, vector<16xf32>,
      %add3A_1545 = arith.constant 80 : i32
      %add3A_1546 = vector.broadcast %add3A_1545 : i32 to vector<16xi32>
      %add3A_1547 = arith.addi %iota3A, %add3A_1546 : vector<16xi32>
      tpu.vector_store_idx %arg7[%broadcast_in_dim3A_1477, %add3A_1547], %get3A_1544 {add = true} : memref<128x128xf32, #tpu.memory_space<vmem>>[vector<16xi32>, vector<16xi32>], vector<16xf32>,
      %mul3A_1548 = arith.mulf %get3A_1544, %get3A_1544 : vector<16xf32>
      %add3A_1549 = arith.addf %add3A_1537, %mul3A_1548 : vector<16xf32>
      %mul3A_1550 = arith.constant 16 : i32
      %mul3A_1551 = arith.muli %scan3A_45, %mul3A_1550 : i32
      %add3A_1552 = arith.constant 12 : i32
      %add3A_1553 = arith.addi %mul3A_1551, %add3A_1552 : i32
      %get3A_1554 = arith.index_cast %add3A_1553 : i32 to index
      %get3A_1555 = arith.constant 96 : index
      %get3A_1556 = tpu.vector_load %arg5[%get3A_1554, %get3A_1555] {strides = array<i32>} : memref<64x128xf32, #tpu.memory_space<vmem>>, vector<16xf32>,
      %add3A_1557 = arith.constant 96 : i32
      %add3A_1558 = vector.broadcast %add3A_1557 : i32 to vector<16xi32>
      %add3A_1559 = arith.addi %iota3A, %add3A_1558 : vector<16xi32>
      tpu.vector_store_idx %arg7[%broadcast_in_dim3A_1477, %add3A_1559], %get3A_1556 {add = true} : memref<128x128xf32, #tpu.memory_space<vmem>>[vector<16xi32>, vector<16xi32>], vector<16xf32>,
      %mul3A_1560 = arith.mulf %get3A_1556, %get3A_1556 : vector<16xf32>
      %add3A_1561 = arith.addf %add3A_1549, %mul3A_1560 : vector<16xf32>
      %mul3A_1562 = arith.constant 16 : i32
      %mul3A_1563 = arith.muli %scan3A_45, %mul3A_1562 : i32
      %add3A_1564 = arith.constant 12 : i32
      %add3A_1565 = arith.addi %mul3A_1563, %add3A_1564 : i32
      %get3A_1566 = arith.index_cast %add3A_1565 : i32 to index
      %get3A_1567 = arith.constant 112 : index
      %get3A_1568 = tpu.vector_load %arg5[%get3A_1566, %get3A_1567] {strides = array<i32>} : memref<64x128xf32, #tpu.memory_space<vmem>>, vector<16xf32>,
      %add3A_1569 = arith.constant 112 : i32
      %add3A_1570 = vector.broadcast %add3A_1569 : i32 to vector<16xi32>
      %add3A_1571 = arith.addi %iota3A, %add3A_1570 : vector<16xi32>
      tpu.vector_store_idx %arg7[%broadcast_in_dim3A_1477, %add3A_1571], %get3A_1568 {add = true} : memref<128x128xf32, #tpu.memory_space<vmem>>[vector<16xi32>, vector<16xi32>], vector<16xf32>,
      %mul3A_1572 = arith.mulf %get3A_1568, %get3A_1568 : vector<16xf32>
      %add3A_1573 = arith.addf %add3A_1561, %mul3A_1572 : vector<16xf32>
      %reduce_sum3A_1574 = arith.constant true
      %reduce_sum3A_1575 = vector.broadcast %reduce_sum3A_1574 : i1 to vector<16xi1>
      %reduce_sum3A_1576 = tpu.scan <sum>, %add3A_1573 masked %reduce_sum3A_1575 : vector<16xf32>, vector<16xi1> -> vector<16xf32>
      %reduce_sum3A_1577 = vector.extract %reduce_sum3A_1576[15] : f32 from vector<16xf32>
      %eq3A_1578 = arith.constant 0 : i32
      %eq3A_1579 = vector.broadcast %eq3A_1578 : i32 to vector<16xi32>
      %eq3A_1580 = arith.cmpi eq, %iota3A, %eq3A_1579 : vector<16xi32>
      %jit3A_1581 = arith.constant 1.000000e+00 : f32
      %jit3A_1582 = arith.constant 0.000000e+00 : f32
      %broadcast_in_dim3A_1583 = vector.broadcast %jit3A_1581 : f32 to vector<16xf32>
      %broadcast_in_dim3A_1584 = vector.broadcast %jit3A_1582 : f32 to vector<16xf32>
      %select_n3A_1585 = arith.select %eq3A_1580, %broadcast_in_dim3A_1583, %broadcast_in_dim3A_1584 : vector<16xi1>, vector<16xf32>
      %eq3A_1586 = arith.constant 1 : i32
      %eq3A_1587 = vector.broadcast %eq3A_1586 : i32 to vector<16xi32>
      %eq3A_1588 = arith.cmpi eq, %iota3A, %eq3A_1587 : vector<16xi32>
      %jit3A_1589 = arith.constant 0.000000e+00 : f32
      %broadcast_in_dim3A_1590 = vector.broadcast %reduce_sum3A_1577 : f32 to vector<16xf32>
      %broadcast_in_dim3A_1591 = vector.broadcast %jit3A_1589 : f32 to vector<16xf32>
      %select_n3A_1592 = arith.select %eq3A_1588, %broadcast_in_dim3A_1590, %broadcast_in_dim3A_1591 : vector<16xi1>, vector<16xf32>
      %add3A_1593 = arith.addf %select_n3A_1585, %select_n3A_1592 : vector<16xf32>
      tpu.vector_store_idx %arg8[%broadcast_in_dim3A_1477, %iota3A], %add3A_1593 {add = true} : memref<128x16xf32, #tpu.memory_space<vmem>>[vector<16xi32>, vector<16xi32>], vector<16xf32>,
      %slice3A_1594 = vector.extract_strided_slice %get3A_49 {offsets = [13], sizes = [1], strides = [1]} : vector<16xi32> to vector<1xi32>
      %squeeze3A_1595 = vector.extract %slice3A_1594[0] : i32 from vector<1xi32>
      %broadcast_in_dim3A_1596 = vector.broadcast %squeeze3A_1595 : i32 to vector<16xi32>
      %mul3A_1597 = arith.constant 16 : i32
      %mul3A_1598 = arith.muli %scan3A_45, %mul3A_1597 : i32
      %add3A_1599 = arith.constant 13 : i32
      %add3A_1600 = arith.addi %mul3A_1598, %add3A_1599 : i32
      %get3A_1601 = arith.index_cast %add3A_1600 : i32 to index
      %get3A_1602 = arith.constant 0 : index
      %get3A_1603 = tpu.vector_load %arg5[%get3A_1601, %get3A_1602] {strides = array<i32>} : memref<64x128xf32, #tpu.memory_space<vmem>>, vector<16xf32>,
      %add3A_1604 = arith.constant 0 : i32
      %add3A_1605 = vector.broadcast %add3A_1604 : i32 to vector<16xi32>
      %add3A_1606 = arith.addi %iota3A, %add3A_1605 : vector<16xi32>
      tpu.vector_store_idx %arg7[%broadcast_in_dim3A_1596, %add3A_1606], %get3A_1603 {add = true} : memref<128x128xf32, #tpu.memory_space<vmem>>[vector<16xi32>, vector<16xi32>], vector<16xf32>,
      %mul3A_1607 = arith.mulf %get3A_1603, %get3A_1603 : vector<16xf32>
      %add3A_1608 = arith.addf %broadcast_in_dim3A_1, %mul3A_1607 : vector<16xf32>
      %mul3A_1609 = arith.constant 16 : i32
      %mul3A_1610 = arith.muli %scan3A_45, %mul3A_1609 : i32
      %add3A_1611 = arith.constant 13 : i32
      %add3A_1612 = arith.addi %mul3A_1610, %add3A_1611 : i32
      %get3A_1613 = arith.index_cast %add3A_1612 : i32 to index
      %get3A_1614 = arith.constant 16 : index
      %get3A_1615 = tpu.vector_load %arg5[%get3A_1613, %get3A_1614] {strides = array<i32>} : memref<64x128xf32, #tpu.memory_space<vmem>>, vector<16xf32>,
      %add3A_1616 = arith.constant 16 : i32
      %add3A_1617 = vector.broadcast %add3A_1616 : i32 to vector<16xi32>
      %add3A_1618 = arith.addi %iota3A, %add3A_1617 : vector<16xi32>
      tpu.vector_store_idx %arg7[%broadcast_in_dim3A_1596, %add3A_1618], %get3A_1615 {add = true} : memref<128x128xf32, #tpu.memory_space<vmem>>[vector<16xi32>, vector<16xi32>], vector<16xf32>,
      %mul3A_1619 = arith.mulf %get3A_1615, %get3A_1615 : vector<16xf32>
      %add3A_1620 = arith.addf %add3A_1608, %mul3A_1619 : vector<16xf32>
      %mul3A_1621 = arith.constant 16 : i32
      %mul3A_1622 = arith.muli %scan3A_45, %mul3A_1621 : i32
      %add3A_1623 = arith.constant 13 : i32
      %add3A_1624 = arith.addi %mul3A_1622, %add3A_1623 : i32
      %get3A_1625 = arith.index_cast %add3A_1624 : i32 to index
      %get3A_1626 = arith.constant 32 : index
      %get3A_1627 = tpu.vector_load %arg5[%get3A_1625, %get3A_1626] {strides = array<i32>} : memref<64x128xf32, #tpu.memory_space<vmem>>, vector<16xf32>,
      %add3A_1628 = arith.constant 32 : i32
      %add3A_1629 = vector.broadcast %add3A_1628 : i32 to vector<16xi32>
      %add3A_1630 = arith.addi %iota3A, %add3A_1629 : vector<16xi32>
      tpu.vector_store_idx %arg7[%broadcast_in_dim3A_1596, %add3A_1630], %get3A_1627 {add = true} : memref<128x128xf32, #tpu.memory_space<vmem>>[vector<16xi32>, vector<16xi32>], vector<16xf32>,
      %mul3A_1631 = arith.mulf %get3A_1627, %get3A_1627 : vector<16xf32>
      %add3A_1632 = arith.addf %add3A_1620, %mul3A_1631 : vector<16xf32>
      %mul3A_1633 = arith.constant 16 : i32
      %mul3A_1634 = arith.muli %scan3A_45, %mul3A_1633 : i32
      %add3A_1635 = arith.constant 13 : i32
      %add3A_1636 = arith.addi %mul3A_1634, %add3A_1635 : i32
      %get3A_1637 = arith.index_cast %add3A_1636 : i32 to index
      %get3A_1638 = arith.constant 48 : index
      %get3A_1639 = tpu.vector_load %arg5[%get3A_1637, %get3A_1638] {strides = array<i32>} : memref<64x128xf32, #tpu.memory_space<vmem>>, vector<16xf32>,
      %add3A_1640 = arith.constant 48 : i32
      %add3A_1641 = vector.broadcast %add3A_1640 : i32 to vector<16xi32>
      %add3A_1642 = arith.addi %iota3A, %add3A_1641 : vector<16xi32>
      tpu.vector_store_idx %arg7[%broadcast_in_dim3A_1596, %add3A_1642], %get3A_1639 {add = true} : memref<128x128xf32, #tpu.memory_space<vmem>>[vector<16xi32>, vector<16xi32>], vector<16xf32>,
      %mul3A_1643 = arith.mulf %get3A_1639, %get3A_1639 : vector<16xf32>
      %add3A_1644 = arith.addf %add3A_1632, %mul3A_1643 : vector<16xf32>
      %mul3A_1645 = arith.constant 16 : i32
      %mul3A_1646 = arith.muli %scan3A_45, %mul3A_1645 : i32
      %add3A_1647 = arith.constant 13 : i32
      %add3A_1648 = arith.addi %mul3A_1646, %add3A_1647 : i32
      %get3A_1649 = arith.index_cast %add3A_1648 : i32 to index
      %get3A_1650 = arith.constant 64 : index
      %get3A_1651 = tpu.vector_load %arg5[%get3A_1649, %get3A_1650] {strides = array<i32>} : memref<64x128xf32, #tpu.memory_space<vmem>>, vector<16xf32>,
      %add3A_1652 = arith.constant 64 : i32
      %add3A_1653 = vector.broadcast %add3A_1652 : i32 to vector<16xi32>
      %add3A_1654 = arith.addi %iota3A, %add3A_1653 : vector<16xi32>
      tpu.vector_store_idx %arg7[%broadcast_in_dim3A_1596, %add3A_1654], %get3A_1651 {add = true} : memref<128x128xf32, #tpu.memory_space<vmem>>[vector<16xi32>, vector<16xi32>], vector<16xf32>,
      %mul3A_1655 = arith.mulf %get3A_1651, %get3A_1651 : vector<16xf32>
      %add3A_1656 = arith.addf %add3A_1644, %mul3A_1655 : vector<16xf32>
      %mul3A_1657 = arith.constant 16 : i32
      %mul3A_1658 = arith.muli %scan3A_45, %mul3A_1657 : i32
      %add3A_1659 = arith.constant 13 : i32
      %add3A_1660 = arith.addi %mul3A_1658, %add3A_1659 : i32
      %get3A_1661 = arith.index_cast %add3A_1660 : i32 to index
      %get3A_1662 = arith.constant 80 : index
      %get3A_1663 = tpu.vector_load %arg5[%get3A_1661, %get3A_1662] {strides = array<i32>} : memref<64x128xf32, #tpu.memory_space<vmem>>, vector<16xf32>,
      %add3A_1664 = arith.constant 80 : i32
      %add3A_1665 = vector.broadcast %add3A_1664 : i32 to vector<16xi32>
      %add3A_1666 = arith.addi %iota3A, %add3A_1665 : vector<16xi32>
      tpu.vector_store_idx %arg7[%broadcast_in_dim3A_1596, %add3A_1666], %get3A_1663 {add = true} : memref<128x128xf32, #tpu.memory_space<vmem>>[vector<16xi32>, vector<16xi32>], vector<16xf32>,
      %mul3A_1667 = arith.mulf %get3A_1663, %get3A_1663 : vector<16xf32>
      %add3A_1668 = arith.addf %add3A_1656, %mul3A_1667 : vector<16xf32>
      %mul3A_1669 = arith.constant 16 : i32
      %mul3A_1670 = arith.muli %scan3A_45, %mul3A_1669 : i32
      %add3A_1671 = arith.constant 13 : i32
      %add3A_1672 = arith.addi %mul3A_1670, %add3A_1671 : i32
      %get3A_1673 = arith.index_cast %add3A_1672 : i32 to index
      %get3A_1674 = arith.constant 96 : index
      %get3A_1675 = tpu.vector_load %arg5[%get3A_1673, %get3A_1674] {strides = array<i32>} : memref<64x128xf32, #tpu.memory_space<vmem>>, vector<16xf32>,
      %add3A_1676 = arith.constant 96 : i32
      %add3A_1677 = vector.broadcast %add3A_1676 : i32 to vector<16xi32>
      %add3A_1678 = arith.addi %iota3A, %add3A_1677 : vector<16xi32>
      tpu.vector_store_idx %arg7[%broadcast_in_dim3A_1596, %add3A_1678], %get3A_1675 {add = true} : memref<128x128xf32, #tpu.memory_space<vmem>>[vector<16xi32>, vector<16xi32>], vector<16xf32>,
      %mul3A_1679 = arith.mulf %get3A_1675, %get3A_1675 : vector<16xf32>
      %add3A_1680 = arith.addf %add3A_1668, %mul3A_1679 : vector<16xf32>
      %mul3A_1681 = arith.constant 16 : i32
      %mul3A_1682 = arith.muli %scan3A_45, %mul3A_1681 : i32
      %add3A_1683 = arith.constant 13 : i32
      %add3A_1684 = arith.addi %mul3A_1682, %add3A_1683 : i32
      %get3A_1685 = arith.index_cast %add3A_1684 : i32 to index
      %get3A_1686 = arith.constant 112 : index
      %get3A_1687 = tpu.vector_load %arg5[%get3A_1685, %get3A_1686] {strides = array<i32>} : memref<64x128xf32, #tpu.memory_space<vmem>>, vector<16xf32>,
      %add3A_1688 = arith.constant 112 : i32
      %add3A_1689 = vector.broadcast %add3A_1688 : i32 to vector<16xi32>
      %add3A_1690 = arith.addi %iota3A, %add3A_1689 : vector<16xi32>
      tpu.vector_store_idx %arg7[%broadcast_in_dim3A_1596, %add3A_1690], %get3A_1687 {add = true} : memref<128x128xf32, #tpu.memory_space<vmem>>[vector<16xi32>, vector<16xi32>], vector<16xf32>,
      %mul3A_1691 = arith.mulf %get3A_1687, %get3A_1687 : vector<16xf32>
      %add3A_1692 = arith.addf %add3A_1680, %mul3A_1691 : vector<16xf32>
      %reduce_sum3A_1693 = arith.constant true
      %reduce_sum3A_1694 = vector.broadcast %reduce_sum3A_1693 : i1 to vector<16xi1>
      %reduce_sum3A_1695 = tpu.scan <sum>, %add3A_1692 masked %reduce_sum3A_1694 : vector<16xf32>, vector<16xi1> -> vector<16xf32>
      %reduce_sum3A_1696 = vector.extract %reduce_sum3A_1695[15] : f32 from vector<16xf32>
      %eq3A_1697 = arith.constant 0 : i32
      %eq3A_1698 = vector.broadcast %eq3A_1697 : i32 to vector<16xi32>
      %eq3A_1699 = arith.cmpi eq, %iota3A, %eq3A_1698 : vector<16xi32>
      %jit3A_1700 = arith.constant 1.000000e+00 : f32
      %jit3A_1701 = arith.constant 0.000000e+00 : f32
      %broadcast_in_dim3A_1702 = vector.broadcast %jit3A_1700 : f32 to vector<16xf32>
      %broadcast_in_dim3A_1703 = vector.broadcast %jit3A_1701 : f32 to vector<16xf32>
      %select_n3A_1704 = arith.select %eq3A_1699, %broadcast_in_dim3A_1702, %broadcast_in_dim3A_1703 : vector<16xi1>, vector<16xf32>
      %eq3A_1705 = arith.constant 1 : i32
      %eq3A_1706 = vector.broadcast %eq3A_1705 : i32 to vector<16xi32>
      %eq3A_1707 = arith.cmpi eq, %iota3A, %eq3A_1706 : vector<16xi32>
      %jit3A_1708 = arith.constant 0.000000e+00 : f32
      %broadcast_in_dim3A_1709 = vector.broadcast %reduce_sum3A_1696 : f32 to vector<16xf32>
      %broadcast_in_dim3A_1710 = vector.broadcast %jit3A_1708 : f32 to vector<16xf32>
      %select_n3A_1711 = arith.select %eq3A_1707, %broadcast_in_dim3A_1709, %broadcast_in_dim3A_1710 : vector<16xi1>, vector<16xf32>
      %add3A_1712 = arith.addf %select_n3A_1704, %select_n3A_1711 : vector<16xf32>
      tpu.vector_store_idx %arg8[%broadcast_in_dim3A_1596, %iota3A], %add3A_1712 {add = true} : memref<128x16xf32, #tpu.memory_space<vmem>>[vector<16xi32>, vector<16xi32>], vector<16xf32>,
      %slice3A_1713 = vector.extract_strided_slice %get3A_49 {offsets = [14], sizes = [1], strides = [1]} : vector<16xi32> to vector<1xi32>
      %squeeze3A_1714 = vector.extract %slice3A_1713[0] : i32 from vector<1xi32>
      %broadcast_in_dim3A_1715 = vector.broadcast %squeeze3A_1714 : i32 to vector<16xi32>
      %mul3A_1716 = arith.constant 16 : i32
      %mul3A_1717 = arith.muli %scan3A_45, %mul3A_1716 : i32
      %add3A_1718 = arith.constant 14 : i32
      %add3A_1719 = arith.addi %mul3A_1717, %add3A_1718 : i32
      %get3A_1720 = arith.index_cast %add3A_1719 : i32 to index
      %get3A_1721 = arith.constant 0 : index
      %get3A_1722 = tpu.vector_load %arg5[%get3A_1720, %get3A_1721] {strides = array<i32>} : memref<64x128xf32, #tpu.memory_space<vmem>>, vector<16xf32>,
      %add3A_1723 = arith.constant 0 : i32
      %add3A_1724 = vector.broadcast %add3A_1723 : i32 to vector<16xi32>
      %add3A_1725 = arith.addi %iota3A, %add3A_1724 : vector<16xi32>
      tpu.vector_store_idx %arg7[%broadcast_in_dim3A_1715, %add3A_1725], %get3A_1722 {add = true} : memref<128x128xf32, #tpu.memory_space<vmem>>[vector<16xi32>, vector<16xi32>], vector<16xf32>,
      %mul3A_1726 = arith.mulf %get3A_1722, %get3A_1722 : vector<16xf32>
      %add3A_1727 = arith.addf %broadcast_in_dim3A_1, %mul3A_1726 : vector<16xf32>
      %mul3A_1728 = arith.constant 16 : i32
      %mul3A_1729 = arith.muli %scan3A_45, %mul3A_1728 : i32
      %add3A_1730 = arith.constant 14 : i32
      %add3A_1731 = arith.addi %mul3A_1729, %add3A_1730 : i32
      %get3A_1732 = arith.index_cast %add3A_1731 : i32 to index
      %get3A_1733 = arith.constant 16 : index
      %get3A_1734 = tpu.vector_load %arg5[%get3A_1732, %get3A_1733] {strides = array<i32>} : memref<64x128xf32, #tpu.memory_space<vmem>>, vector<16xf32>,
      %add3A_1735 = arith.constant 16 : i32
      %add3A_1736 = vector.broadcast %add3A_1735 : i32 to vector<16xi32>
      %add3A_1737 = arith.addi %iota3A, %add3A_1736 : vector<16xi32>
      tpu.vector_store_idx %arg7[%broadcast_in_dim3A_1715, %add3A_1737], %get3A_1734 {add = true} : memref<128x128xf32, #tpu.memory_space<vmem>>[vector<16xi32>, vector<16xi32>], vector<16xf32>,
      %mul3A_1738 = arith.mulf %get3A_1734, %get3A_1734 : vector<16xf32>
      %add3A_1739 = arith.addf %add3A_1727, %mul3A_1738 : vector<16xf32>
      %mul3A_1740 = arith.constant 16 : i32
      %mul3A_1741 = arith.muli %scan3A_45, %mul3A_1740 : i32
      %add3A_1742 = arith.constant 14 : i32
      %add3A_1743 = arith.addi %mul3A_1741, %add3A_1742 : i32
      %get3A_1744 = arith.index_cast %add3A_1743 : i32 to index
      %get3A_1745 = arith.constant 32 : index
      %get3A_1746 = tpu.vector_load %arg5[%get3A_1744, %get3A_1745] {strides = array<i32>} : memref<64x128xf32, #tpu.memory_space<vmem>>, vector<16xf32>,
      %add3A_1747 = arith.constant 32 : i32
      %add3A_1748 = vector.broadcast %add3A_1747 : i32 to vector<16xi32>
      %add3A_1749 = arith.addi %iota3A, %add3A_1748 : vector<16xi32>
      tpu.vector_store_idx %arg7[%broadcast_in_dim3A_1715, %add3A_1749], %get3A_1746 {add = true} : memref<128x128xf32, #tpu.memory_space<vmem>>[vector<16xi32>, vector<16xi32>], vector<16xf32>,
      %mul3A_1750 = arith.mulf %get3A_1746, %get3A_1746 : vector<16xf32>
      %add3A_1751 = arith.addf %add3A_1739, %mul3A_1750 : vector<16xf32>
      %mul3A_1752 = arith.constant 16 : i32
      %mul3A_1753 = arith.muli %scan3A_45, %mul3A_1752 : i32
      %add3A_1754 = arith.constant 14 : i32
      %add3A_1755 = arith.addi %mul3A_1753, %add3A_1754 : i32
      %get3A_1756 = arith.index_cast %add3A_1755 : i32 to index
      %get3A_1757 = arith.constant 48 : index
      %get3A_1758 = tpu.vector_load %arg5[%get3A_1756, %get3A_1757] {strides = array<i32>} : memref<64x128xf32, #tpu.memory_space<vmem>>, vector<16xf32>,
      %add3A_1759 = arith.constant 48 : i32
      %add3A_1760 = vector.broadcast %add3A_1759 : i32 to vector<16xi32>
      %add3A_1761 = arith.addi %iota3A, %add3A_1760 : vector<16xi32>
      tpu.vector_store_idx %arg7[%broadcast_in_dim3A_1715, %add3A_1761], %get3A_1758 {add = true} : memref<128x128xf32, #tpu.memory_space<vmem>>[vector<16xi32>, vector<16xi32>], vector<16xf32>,
      %mul3A_1762 = arith.mulf %get3A_1758, %get3A_1758 : vector<16xf32>
      %add3A_1763 = arith.addf %add3A_1751, %mul3A_1762 : vector<16xf32>
      %mul3A_1764 = arith.constant 16 : i32
      %mul3A_1765 = arith.muli %scan3A_45, %mul3A_1764 : i32
      %add3A_1766 = arith.constant 14 : i32
      %add3A_1767 = arith.addi %mul3A_1765, %add3A_1766 : i32
      %get3A_1768 = arith.index_cast %add3A_1767 : i32 to index
      %get3A_1769 = arith.constant 64 : index
      %get3A_1770 = tpu.vector_load %arg5[%get3A_1768, %get3A_1769] {strides = array<i32>} : memref<64x128xf32, #tpu.memory_space<vmem>>, vector<16xf32>,
      %add3A_1771 = arith.constant 64 : i32
      %add3A_1772 = vector.broadcast %add3A_1771 : i32 to vector<16xi32>
      %add3A_1773 = arith.addi %iota3A, %add3A_1772 : vector<16xi32>
      tpu.vector_store_idx %arg7[%broadcast_in_dim3A_1715, %add3A_1773], %get3A_1770 {add = true} : memref<128x128xf32, #tpu.memory_space<vmem>>[vector<16xi32>, vector<16xi32>], vector<16xf32>,
      %mul3A_1774 = arith.mulf %get3A_1770, %get3A_1770 : vector<16xf32>
      %add3A_1775 = arith.addf %add3A_1763, %mul3A_1774 : vector<16xf32>
      %mul3A_1776 = arith.constant 16 : i32
      %mul3A_1777 = arith.muli %scan3A_45, %mul3A_1776 : i32
      %add3A_1778 = arith.constant 14 : i32
      %add3A_1779 = arith.addi %mul3A_1777, %add3A_1778 : i32
      %get3A_1780 = arith.index_cast %add3A_1779 : i32 to index
      %get3A_1781 = arith.constant 80 : index
      %get3A_1782 = tpu.vector_load %arg5[%get3A_1780, %get3A_1781] {strides = array<i32>} : memref<64x128xf32, #tpu.memory_space<vmem>>, vector<16xf32>,
      %add3A_1783 = arith.constant 80 : i32
      %add3A_1784 = vector.broadcast %add3A_1783 : i32 to vector<16xi32>
      %add3A_1785 = arith.addi %iota3A, %add3A_1784 : vector<16xi32>
      tpu.vector_store_idx %arg7[%broadcast_in_dim3A_1715, %add3A_1785], %get3A_1782 {add = true} : memref<128x128xf32, #tpu.memory_space<vmem>>[vector<16xi32>, vector<16xi32>], vector<16xf32>,
      %mul3A_1786 = arith.mulf %get3A_1782, %get3A_1782 : vector<16xf32>
      %add3A_1787 = arith.addf %add3A_1775, %mul3A_1786 : vector<16xf32>
      %mul3A_1788 = arith.constant 16 : i32
      %mul3A_1789 = arith.muli %scan3A_45, %mul3A_1788 : i32
      %add3A_1790 = arith.constant 14 : i32
      %add3A_1791 = arith.addi %mul3A_1789, %add3A_1790 : i32
      %get3A_1792 = arith.index_cast %add3A_1791 : i32 to index
      %get3A_1793 = arith.constant 96 : index
      %get3A_1794 = tpu.vector_load %arg5[%get3A_1792, %get3A_1793] {strides = array<i32>} : memref<64x128xf32, #tpu.memory_space<vmem>>, vector<16xf32>,
      %add3A_1795 = arith.constant 96 : i32
      %add3A_1796 = vector.broadcast %add3A_1795 : i32 to vector<16xi32>
      %add3A_1797 = arith.addi %iota3A, %add3A_1796 : vector<16xi32>
      tpu.vector_store_idx %arg7[%broadcast_in_dim3A_1715, %add3A_1797], %get3A_1794 {add = true} : memref<128x128xf32, #tpu.memory_space<vmem>>[vector<16xi32>, vector<16xi32>], vector<16xf32>,
      %mul3A_1798 = arith.mulf %get3A_1794, %get3A_1794 : vector<16xf32>
      %add3A_1799 = arith.addf %add3A_1787, %mul3A_1798 : vector<16xf32>
      %mul3A_1800 = arith.constant 16 : i32
      %mul3A_1801 = arith.muli %scan3A_45, %mul3A_1800 : i32
      %add3A_1802 = arith.constant 14 : i32
      %add3A_1803 = arith.addi %mul3A_1801, %add3A_1802 : i32
      %get3A_1804 = arith.index_cast %add3A_1803 : i32 to index
      %get3A_1805 = arith.constant 112 : index
      %get3A_1806 = tpu.vector_load %arg5[%get3A_1804, %get3A_1805] {strides = array<i32>} : memref<64x128xf32, #tpu.memory_space<vmem>>, vector<16xf32>,
      %add3A_1807 = arith.constant 112 : i32
      %add3A_1808 = vector.broadcast %add3A_1807 : i32 to vector<16xi32>
      %add3A_1809 = arith.addi %iota3A, %add3A_1808 : vector<16xi32>
      tpu.vector_store_idx %arg7[%broadcast_in_dim3A_1715, %add3A_1809], %get3A_1806 {add = true} : memref<128x128xf32, #tpu.memory_space<vmem>>[vector<16xi32>, vector<16xi32>], vector<16xf32>,
      %mul3A_1810 = arith.mulf %get3A_1806, %get3A_1806 : vector<16xf32>
      %add3A_1811 = arith.addf %add3A_1799, %mul3A_1810 : vector<16xf32>
      %reduce_sum3A_1812 = arith.constant true
      %reduce_sum3A_1813 = vector.broadcast %reduce_sum3A_1812 : i1 to vector<16xi1>
      %reduce_sum3A_1814 = tpu.scan <sum>, %add3A_1811 masked %reduce_sum3A_1813 : vector<16xf32>, vector<16xi1> -> vector<16xf32>
      %reduce_sum3A_1815 = vector.extract %reduce_sum3A_1814[15] : f32 from vector<16xf32>
      %eq3A_1816 = arith.constant 0 : i32
      %eq3A_1817 = vector.broadcast %eq3A_1816 : i32 to vector<16xi32>
      %eq3A_1818 = arith.cmpi eq, %iota3A, %eq3A_1817 : vector<16xi32>
      %jit3A_1819 = arith.constant 1.000000e+00 : f32
      %jit3A_1820 = arith.constant 0.000000e+00 : f32
      %broadcast_in_dim3A_1821 = vector.broadcast %jit3A_1819 : f32 to vector<16xf32>
      %broadcast_in_dim3A_1822 = vector.broadcast %jit3A_1820 : f32 to vector<16xf32>
      %select_n3A_1823 = arith.select %eq3A_1818, %broadcast_in_dim3A_1821, %broadcast_in_dim3A_1822 : vector<16xi1>, vector<16xf32>
      %eq3A_1824 = arith.constant 1 : i32
      %eq3A_1825 = vector.broadcast %eq3A_1824 : i32 to vector<16xi32>
      %eq3A_1826 = arith.cmpi eq, %iota3A, %eq3A_1825 : vector<16xi32>
      %jit3A_1827 = arith.constant 0.000000e+00 : f32
      %broadcast_in_dim3A_1828 = vector.broadcast %reduce_sum3A_1815 : f32 to vector<16xf32>
      %broadcast_in_dim3A_1829 = vector.broadcast %jit3A_1827 : f32 to vector<16xf32>
      %select_n3A_1830 = arith.select %eq3A_1826, %broadcast_in_dim3A_1828, %broadcast_in_dim3A_1829 : vector<16xi1>, vector<16xf32>
      %add3A_1831 = arith.addf %select_n3A_1823, %select_n3A_1830 : vector<16xf32>
      tpu.vector_store_idx %arg8[%broadcast_in_dim3A_1715, %iota3A], %add3A_1831 {add = true} : memref<128x16xf32, #tpu.memory_space<vmem>>[vector<16xi32>, vector<16xi32>], vector<16xf32>,
      %slice3A_1832 = vector.extract_strided_slice %get3A_49 {offsets = [15], sizes = [1], strides = [1]} : vector<16xi32> to vector<1xi32>
      %squeeze3A_1833 = vector.extract %slice3A_1832[0] : i32 from vector<1xi32>
      %broadcast_in_dim3A_1834 = vector.broadcast %squeeze3A_1833 : i32 to vector<16xi32>
      %mul3A_1835 = arith.constant 16 : i32
      %mul3A_1836 = arith.muli %scan3A_45, %mul3A_1835 : i32
      %add3A_1837 = arith.constant 15 : i32
      %add3A_1838 = arith.addi %mul3A_1836, %add3A_1837 : i32
      %get3A_1839 = arith.index_cast %add3A_1838 : i32 to index
      %get3A_1840 = arith.constant 0 : index
      %get3A_1841 = tpu.vector_load %arg5[%get3A_1839, %get3A_1840] {strides = array<i32>} : memref<64x128xf32, #tpu.memory_space<vmem>>, vector<16xf32>,
      %add3A_1842 = arith.constant 0 : i32
      %add3A_1843 = vector.broadcast %add3A_1842 : i32 to vector<16xi32>
      %add3A_1844 = arith.addi %iota3A, %add3A_1843 : vector<16xi32>
      tpu.vector_store_idx %arg7[%broadcast_in_dim3A_1834, %add3A_1844], %get3A_1841 {add = true} : memref<128x128xf32, #tpu.memory_space<vmem>>[vector<16xi32>, vector<16xi32>], vector<16xf32>,
      %mul3A_1845 = arith.mulf %get3A_1841, %get3A_1841 : vector<16xf32>
      %add3A_1846 = arith.addf %broadcast_in_dim3A_1, %mul3A_1845 : vector<16xf32>
      %mul3A_1847 = arith.constant 16 : i32
      %mul3A_1848 = arith.muli %scan3A_45, %mul3A_1847 : i32
      %add3A_1849 = arith.constant 15 : i32
      %add3A_1850 = arith.addi %mul3A_1848, %add3A_1849 : i32
      %get3A_1851 = arith.index_cast %add3A_1850 : i32 to index
      %get3A_1852 = arith.constant 16 : index
      %get3A_1853 = tpu.vector_load %arg5[%get3A_1851, %get3A_1852] {strides = array<i32>} : memref<64x128xf32, #tpu.memory_space<vmem>>, vector<16xf32>,
      %add3A_1854 = arith.constant 16 : i32
      %add3A_1855 = vector.broadcast %add3A_1854 : i32 to vector<16xi32>
      %add3A_1856 = arith.addi %iota3A, %add3A_1855 : vector<16xi32>
      tpu.vector_store_idx %arg7[%broadcast_in_dim3A_1834, %add3A_1856], %get3A_1853 {add = true} : memref<128x128xf32, #tpu.memory_space<vmem>>[vector<16xi32>, vector<16xi32>], vector<16xf32>,
      %mul3A_1857 = arith.mulf %get3A_1853, %get3A_1853 : vector<16xf32>
      %add3A_1858 = arith.addf %add3A_1846, %mul3A_1857 : vector<16xf32>
      %mul3A_1859 = arith.constant 16 : i32
      %mul3A_1860 = arith.muli %scan3A_45, %mul3A_1859 : i32
      %add3A_1861 = arith.constant 15 : i32
      %add3A_1862 = arith.addi %mul3A_1860, %add3A_1861 : i32
      %get3A_1863 = arith.index_cast %add3A_1862 : i32 to index
      %get3A_1864 = arith.constant 32 : index
      %get3A_1865 = tpu.vector_load %arg5[%get3A_1863, %get3A_1864] {strides = array<i32>} : memref<64x128xf32, #tpu.memory_space<vmem>>, vector<16xf32>,
      %add3A_1866 = arith.constant 32 : i32
      %add3A_1867 = vector.broadcast %add3A_1866 : i32 to vector<16xi32>
      %add3A_1868 = arith.addi %iota3A, %add3A_1867 : vector<16xi32>
      tpu.vector_store_idx %arg7[%broadcast_in_dim3A_1834, %add3A_1868], %get3A_1865 {add = true} : memref<128x128xf32, #tpu.memory_space<vmem>>[vector<16xi32>, vector<16xi32>], vector<16xf32>,
      %mul3A_1869 = arith.mulf %get3A_1865, %get3A_1865 : vector<16xf32>
      %add3A_1870 = arith.addf %add3A_1858, %mul3A_1869 : vector<16xf32>
      %mul3A_1871 = arith.constant 16 : i32
      %mul3A_1872 = arith.muli %scan3A_45, %mul3A_1871 : i32
      %add3A_1873 = arith.constant 15 : i32
      %add3A_1874 = arith.addi %mul3A_1872, %add3A_1873 : i32
      %get3A_1875 = arith.index_cast %add3A_1874 : i32 to index
      %get3A_1876 = arith.constant 48 : index
      %get3A_1877 = tpu.vector_load %arg5[%get3A_1875, %get3A_1876] {strides = array<i32>} : memref<64x128xf32, #tpu.memory_space<vmem>>, vector<16xf32>,
      %add3A_1878 = arith.constant 48 : i32
      %add3A_1879 = vector.broadcast %add3A_1878 : i32 to vector<16xi32>
      %add3A_1880 = arith.addi %iota3A, %add3A_1879 : vector<16xi32>
      tpu.vector_store_idx %arg7[%broadcast_in_dim3A_1834, %add3A_1880], %get3A_1877 {add = true} : memref<128x128xf32, #tpu.memory_space<vmem>>[vector<16xi32>, vector<16xi32>], vector<16xf32>,
      %mul3A_1881 = arith.mulf %get3A_1877, %get3A_1877 : vector<16xf32>
      %add3A_1882 = arith.addf %add3A_1870, %mul3A_1881 : vector<16xf32>
      %mul3A_1883 = arith.constant 16 : i32
      %mul3A_1884 = arith.muli %scan3A_45, %mul3A_1883 : i32
      %add3A_1885 = arith.constant 15 : i32
      %add3A_1886 = arith.addi %mul3A_1884, %add3A_1885 : i32
      %get3A_1887 = arith.index_cast %add3A_1886 : i32 to index
      %get3A_1888 = arith.constant 64 : index
      %get3A_1889 = tpu.vector_load %arg5[%get3A_1887, %get3A_1888] {strides = array<i32>} : memref<64x128xf32, #tpu.memory_space<vmem>>, vector<16xf32>,
      %add3A_1890 = arith.constant 64 : i32
      %add3A_1891 = vector.broadcast %add3A_1890 : i32 to vector<16xi32>
      %add3A_1892 = arith.addi %iota3A, %add3A_1891 : vector<16xi32>
      tpu.vector_store_idx %arg7[%broadcast_in_dim3A_1834, %add3A_1892], %get3A_1889 {add = true} : memref<128x128xf32, #tpu.memory_space<vmem>>[vector<16xi32>, vector<16xi32>], vector<16xf32>,
      %mul3A_1893 = arith.mulf %get3A_1889, %get3A_1889 : vector<16xf32>
      %add3A_1894 = arith.addf %add3A_1882, %mul3A_1893 : vector<16xf32>
      %mul3A_1895 = arith.constant 16 : i32
      %mul3A_1896 = arith.muli %scan3A_45, %mul3A_1895 : i32
      %add3A_1897 = arith.constant 15 : i32
      %add3A_1898 = arith.addi %mul3A_1896, %add3A_1897 : i32
      %get3A_1899 = arith.index_cast %add3A_1898 : i32 to index
      %get3A_1900 = arith.constant 80 : index
      %get3A_1901 = tpu.vector_load %arg5[%get3A_1899, %get3A_1900] {strides = array<i32>} : memref<64x128xf32, #tpu.memory_space<vmem>>, vector<16xf32>,
      %add3A_1902 = arith.constant 80 : i32
      %add3A_1903 = vector.broadcast %add3A_1902 : i32 to vector<16xi32>
      %add3A_1904 = arith.addi %iota3A, %add3A_1903 : vector<16xi32>
      tpu.vector_store_idx %arg7[%broadcast_in_dim3A_1834, %add3A_1904], %get3A_1901 {add = true} : memref<128x128xf32, #tpu.memory_space<vmem>>[vector<16xi32>, vector<16xi32>], vector<16xf32>,
      %mul3A_1905 = arith.mulf %get3A_1901, %get3A_1901 : vector<16xf32>
      %add3A_1906 = arith.addf %add3A_1894, %mul3A_1905 : vector<16xf32>
      %mul3A_1907 = arith.constant 16 : i32
      %mul3A_1908 = arith.muli %scan3A_45, %mul3A_1907 : i32
      %add3A_1909 = arith.constant 15 : i32
      %add3A_1910 = arith.addi %mul3A_1908, %add3A_1909 : i32
      %get3A_1911 = arith.index_cast %add3A_1910 : i32 to index
      %get3A_1912 = arith.constant 96 : index
      %get3A_1913 = tpu.vector_load %arg5[%get3A_1911, %get3A_1912] {strides = array<i32>} : memref<64x128xf32, #tpu.memory_space<vmem>>, vector<16xf32>,
      %add3A_1914 = arith.constant 96 : i32
      %add3A_1915 = vector.broadcast %add3A_1914 : i32 to vector<16xi32>
      %add3A_1916 = arith.addi %iota3A, %add3A_1915 : vector<16xi32>
      tpu.vector_store_idx %arg7[%broadcast_in_dim3A_1834, %add3A_1916], %get3A_1913 {add = true} : memref<128x128xf32, #tpu.memory_space<vmem>>[vector<16xi32>, vector<16xi32>], vector<16xf32>,
      %mul3A_1917 = arith.mulf %get3A_1913, %get3A_1913 : vector<16xf32>
      %add3A_1918 = arith.addf %add3A_1906, %mul3A_1917 : vector<16xf32>
      %mul3A_1919 = arith.constant 16 : i32
      %mul3A_1920 = arith.muli %scan3A_45, %mul3A_1919 : i32
      %add3A_1921 = arith.constant 15 : i32
      %add3A_1922 = arith.addi %mul3A_1920, %add3A_1921 : i32
      %get3A_1923 = arith.index_cast %add3A_1922 : i32 to index
      %get3A_1924 = arith.constant 112 : index
      %get3A_1925 = tpu.vector_load %arg5[%get3A_1923, %get3A_1924] {strides = array<i32>} : memref<64x128xf32, #tpu.memory_space<vmem>>, vector<16xf32>,
      %add3A_1926 = arith.constant 112 : i32
      %add3A_1927 = vector.broadcast %add3A_1926 : i32 to vector<16xi32>
      %add3A_1928 = arith.addi %iota3A, %add3A_1927 : vector<16xi32>
      tpu.vector_store_idx %arg7[%broadcast_in_dim3A_1834, %add3A_1928], %get3A_1925 {add = true} : memref<128x128xf32, #tpu.memory_space<vmem>>[vector<16xi32>, vector<16xi32>], vector<16xf32>,
      %mul3A_1929 = arith.mulf %get3A_1925, %get3A_1925 : vector<16xf32>
      %add3A_1930 = arith.addf %add3A_1918, %mul3A_1929 : vector<16xf32>
      %reduce_sum3A_1931 = arith.constant true
      %reduce_sum3A_1932 = vector.broadcast %reduce_sum3A_1931 : i1 to vector<16xi1>
      %reduce_sum3A_1933 = tpu.scan <sum>, %add3A_1930 masked %reduce_sum3A_1932 : vector<16xf32>, vector<16xi1> -> vector<16xf32>
      %reduce_sum3A_1934 = vector.extract %reduce_sum3A_1933[15] : f32 from vector<16xf32>
      %eq3A_1935 = arith.constant 0 : i32
      %eq3A_1936 = vector.broadcast %eq3A_1935 : i32 to vector<16xi32>
      %eq3A_1937 = arith.cmpi eq, %iota3A, %eq3A_1936 : vector<16xi32>
      %jit3A_1938 = arith.constant 1.000000e+00 : f32
      %jit3A_1939 = arith.constant 0.000000e+00 : f32
      %broadcast_in_dim3A_1940 = vector.broadcast %jit3A_1938 : f32 to vector<16xf32>
      %broadcast_in_dim3A_1941 = vector.broadcast %jit3A_1939 : f32 to vector<16xf32>
      %select_n3A_1942 = arith.select %eq3A_1937, %broadcast_in_dim3A_1940, %broadcast_in_dim3A_1941 : vector<16xi1>, vector<16xf32>
      %eq3A_1943 = arith.constant 1 : i32
      %eq3A_1944 = vector.broadcast %eq3A_1943 : i32 to vector<16xi32>
      %eq3A_1945 = arith.cmpi eq, %iota3A, %eq3A_1944 : vector<16xi32>
      %jit3A_1946 = arith.constant 0.000000e+00 : f32
      %broadcast_in_dim3A_1947 = vector.broadcast %reduce_sum3A_1934 : f32 to vector<16xf32>
      %broadcast_in_dim3A_1948 = vector.broadcast %jit3A_1946 : f32 to vector<16xf32>
      %select_n3A_1949 = arith.select %eq3A_1945, %broadcast_in_dim3A_1947, %broadcast_in_dim3A_1948 : vector<16xi1>, vector<16xf32>
      %add3A_1950 = arith.addf %select_n3A_1942, %select_n3A_1949 : vector<16xf32>
      tpu.vector_store_idx %arg8[%broadcast_in_dim3A_1834, %iota3A], %add3A_1950 {add = true} : memref<128x16xf32, #tpu.memory_space<vmem>>[vector<16xi32>, vector<16xi32>], vector<16xf32>,
    }
    %scan3A_14 = arith.constant 4 : i32
    %mul3A_15 = arith.constant 128 : i32
    %mul3A_16 = arith.muli %add3A, %mul3A_15 : i32
    "tpu.region"() ({
      %run_scoped3A = tpu.sem_alloc : memref<!tpu.dma_semaphore, #tpu.memory_space<semaphore_mem>>
      %dma_start3A = arith.constant 0 : i32
      %dma_start3A_45 = tpu.memref_slice %arg14[%mul3A_16, %dma_start3A] : memref<4096x128xf32, #tpu.memory_space<vmem_shared>> -> memref<128x128xf32, #tpu.memory_space<vmem_shared>>
      %dma_start3A_46 = arith.constant 0 : i32
      %dma_start3A_47 = tpu.memref_slice %arg14[%mul3A_16, %dma_start3A_46] : memref<4096x128xf32, #tpu.memory_space<vmem_shared>> -> memref<128x128xf32, #tpu.memory_space<vmem_shared>>
      tpu.enqueue_dma source(%arg7 : memref<128x128xf32, #tpu.memory_space<vmem>>) target(%dma_start3A_47 : memref<128x128xf32, #tpu.memory_space<vmem_shared>>) target_semaphore(%run_scoped3A : memref<!tpu.dma_semaphore, #tpu.memory_space<semaphore_mem>>)
      %dma_wait3A = arith.constant 0 : i32
      %dma_wait3A_48 = tpu.memref_slice %arg14[%mul3A_16, %dma_wait3A] : memref<4096x128xf32, #tpu.memory_space<vmem_shared>> -> memref<128x128xf32, #tpu.memory_space<vmem_shared>>
      %dma_wait3A_49 = arith.constant 0 : i32
      %dma_wait3A_50 = tpu.memref_slice %arg14[%mul3A_16, %dma_wait3A_49] : memref<4096x128xf32, #tpu.memory_space<vmem_shared>> -> memref<128x128xf32, #tpu.memory_space<vmem_shared>>
      tpu.wait_dma2 semaphore(%run_scoped3A : memref<!tpu.dma_semaphore, #tpu.memory_space<semaphore_mem>>) src(%arg7 : memref<128x128xf32, #tpu.memory_space<vmem>>) dst(%dma_wait3A_50 : memref<128x128xf32, #tpu.memory_space<vmem_shared>>)
      tpu.yield
    }) : () -> ()
    %mul3A_17 = arith.constant 128 : i32
    %mul3A_18 = arith.muli %add3A, %mul3A_17 : i32
    "tpu.region"() ({
      %run_scoped3A = tpu.sem_alloc : memref<!tpu.dma_semaphore, #tpu.memory_space<semaphore_mem>>
      %dma_start3A = arith.constant 0 : i32
      %dma_start3A_45 = tpu.memref_slice %arg15[%mul3A_18, %dma_start3A] : memref<4096x16xf32, #tpu.memory_space<vmem_shared>> -> memref<128x16xf32, #tpu.memory_space<vmem_shared>>
      %dma_start3A_46 = arith.constant 0 : i32
      %dma_start3A_47 = tpu.memref_slice %arg15[%mul3A_18, %dma_start3A_46] : memref<4096x16xf32, #tpu.memory_space<vmem_shared>> -> memref<128x16xf32, #tpu.memory_space<vmem_shared>>
      tpu.enqueue_dma source(%arg8 : memref<128x16xf32, #tpu.memory_space<vmem>>) target(%dma_start3A_47 : memref<128x16xf32, #tpu.memory_space<vmem_shared>>) target_semaphore(%run_scoped3A : memref<!tpu.dma_semaphore, #tpu.memory_space<semaphore_mem>>)
      %dma_wait3A = arith.constant 0 : i32
      %dma_wait3A_48 = tpu.memref_slice %arg15[%mul3A_18, %dma_wait3A] : memref<4096x16xf32, #tpu.memory_space<vmem_shared>> -> memref<128x16xf32, #tpu.memory_space<vmem_shared>>
      %dma_wait3A_49 = arith.constant 0 : i32
      %dma_wait3A_50 = tpu.memref_slice %arg15[%mul3A_18, %dma_wait3A_49] : memref<4096x16xf32, #tpu.memory_space<vmem_shared>> -> memref<128x16xf32, #tpu.memory_space<vmem_shared>>
      tpu.wait_dma2 semaphore(%run_scoped3A : memref<!tpu.dma_semaphore, #tpu.memory_space<semaphore_mem>>) src(%arg8 : memref<128x16xf32, #tpu.memory_space<vmem>>) dst(%dma_wait3A_50 : memref<128x16xf32, #tpu.memory_space<vmem_shared>>)
      tpu.yield
    }) : () -> ()
    %barrier3A = arith.constant 0 : index
    tpu.barrier barrier_id(%barrier3A)
    %mul3A_19 = arith.constant 8 : i32
    %mul3A_20 = arith.muli %arg1, %mul3A_19 : i32
    %scan3A_21 = arith.constant 0 : i32
    %scan3A_22 = arith.constant 0 : i32
    %scan3A_23 = arith.constant 8 : i32
    %scan3A_24 = arith.addi %scan3A_22, %scan3A_23 : i32
    %scan3A_25 = arith.constant 1 : i32
    scf.for %scan3A_45 = %scan3A_22 to %scan3A_24 step %scan3A_25  : i32 {
      %swap3A_46 = arith.index_cast %scan3A_45 : i32 to index
      %swap3A_47 = arith.constant 0 : index
      %swap3A_48 = tpu.vector_load %arg12[%swap3A_46, %swap3A_47] {strides = array<i32>} : memref<8x128xf32, #tpu.memory_space<vmem>>, vector<16xf32>,
      tpu.vector_store %arg12[%swap3A_46, %swap3A_47], %broadcast_in_dim3A_1 {strides = array<i32>} : memref<8x128xf32, #tpu.memory_space<vmem>>, vector<16xf32>,
      %swap3A_49 = arith.index_cast %scan3A_45 : i32 to index
      %swap3A_50 = arith.constant 16 : index
      %swap3A_51 = tpu.vector_load %arg12[%swap3A_49, %swap3A_50] {strides = array<i32>} : memref<8x128xf32, #tpu.memory_space<vmem>>, vector<16xf32>,
      tpu.vector_store %arg12[%swap3A_49, %swap3A_50], %broadcast_in_dim3A_1 {strides = array<i32>} : memref<8x128xf32, #tpu.memory_space<vmem>>, vector<16xf32>,
      %swap3A_52 = arith.index_cast %scan3A_45 : i32 to index
      %swap3A_53 = arith.constant 32 : index
      %swap3A_54 = tpu.vector_load %arg12[%swap3A_52, %swap3A_53] {strides = array<i32>} : memref<8x128xf32, #tpu.memory_space<vmem>>, vector<16xf32>,
      tpu.vector_store %arg12[%swap3A_52, %swap3A_53], %broadcast_in_dim3A_1 {strides = array<i32>} : memref<8x128xf32, #tpu.memory_space<vmem>>, vector<16xf32>,
      %swap3A_55 = arith.index_cast %scan3A_45 : i32 to index
      %swap3A_56 = arith.constant 48 : index
      %swap3A_57 = tpu.vector_load %arg12[%swap3A_55, %swap3A_56] {strides = array<i32>} : memref<8x128xf32, #tpu.memory_space<vmem>>, vector<16xf32>,
      tpu.vector_store %arg12[%swap3A_55, %swap3A_56], %broadcast_in_dim3A_1 {strides = array<i32>} : memref<8x128xf32, #tpu.memory_space<vmem>>, vector<16xf32>,
      %swap3A_58 = arith.index_cast %scan3A_45 : i32 to index
      %swap3A_59 = arith.constant 64 : index
      %swap3A_60 = tpu.vector_load %arg12[%swap3A_58, %swap3A_59] {strides = array<i32>} : memref<8x128xf32, #tpu.memory_space<vmem>>, vector<16xf32>,
      tpu.vector_store %arg12[%swap3A_58, %swap3A_59], %broadcast_in_dim3A_1 {strides = array<i32>} : memref<8x128xf32, #tpu.memory_space<vmem>>, vector<16xf32>,
      %swap3A_61 = arith.index_cast %scan3A_45 : i32 to index
      %swap3A_62 = arith.constant 80 : index
      %swap3A_63 = tpu.vector_load %arg12[%swap3A_61, %swap3A_62] {strides = array<i32>} : memref<8x128xf32, #tpu.memory_space<vmem>>, vector<16xf32>,
      tpu.vector_store %arg12[%swap3A_61, %swap3A_62], %broadcast_in_dim3A_1 {strides = array<i32>} : memref<8x128xf32, #tpu.memory_space<vmem>>, vector<16xf32>,
      %swap3A_64 = arith.index_cast %scan3A_45 : i32 to index
      %swap3A_65 = arith.constant 96 : index
      %swap3A_66 = tpu.vector_load %arg12[%swap3A_64, %swap3A_65] {strides = array<i32>} : memref<8x128xf32, #tpu.memory_space<vmem>>, vector<16xf32>,
      tpu.vector_store %arg12[%swap3A_64, %swap3A_65], %broadcast_in_dim3A_1 {strides = array<i32>} : memref<8x128xf32, #tpu.memory_space<vmem>>, vector<16xf32>,
      %swap3A_67 = arith.index_cast %scan3A_45 : i32 to index
      %swap3A_68 = arith.constant 112 : index
      %swap3A_69 = tpu.vector_load %arg12[%swap3A_67, %swap3A_68] {strides = array<i32>} : memref<8x128xf32, #tpu.memory_space<vmem>>, vector<16xf32>,
      tpu.vector_store %arg12[%swap3A_67, %swap3A_68], %broadcast_in_dim3A_1 {strides = array<i32>} : memref<8x128xf32, #tpu.memory_space<vmem>>, vector<16xf32>,
      %swap3A_70 = arith.index_cast %scan3A_45 : i32 to index
      %swap3A_71 = arith.constant 0 : index
      %swap3A_72 = tpu.vector_load %arg13[%swap3A_70, %swap3A_71] {strides = array<i32>} : memref<8x16xf32, #tpu.memory_space<vmem>>, vector<16xf32>,
      tpu.vector_store %arg13[%swap3A_70, %swap3A_71], %broadcast_in_dim3A_1 {strides = array<i32>} : memref<8x16xf32, #tpu.memory_space<vmem>>, vector<16xf32>,
    }
    %scan3A_26 = arith.constant 8 : i32
    %scan3A_27 = arith.constant 0 : i32
    %scan3A_28 = arith.constant 0 : i32
    %scan3A_29 = arith.constant 16 : i32
    %scan3A_30 = arith.addi %scan3A_28, %scan3A_29 : i32
    %scan3A_31 = arith.constant 1 : i32
    scf.for %scan3A_45 = %scan3A_28 to %scan3A_30 step %scan3A_31  : i32 {
      %mul3A_46 = arith.constant 16 : i32
      %mul3A_47 = arith.muli %arg0, %mul3A_46 : i32
      %add3A_48 = arith.addi %mul3A_47, %scan3A_45 : i32
      %mul3A_49 = arith.constant 128 : i32
      %mul3A_50 = arith.muli %add3A_48, %mul3A_49 : i32
      %add3A_51 = arith.addi %mul3A_50, %mul3A_20 : i32
      "tpu.region"() ({
        %run_scoped3A = tpu.sem_alloc : memref<!tpu.dma_semaphore, #tpu.memory_space<semaphore_mem>>
        %dma_start3A = arith.constant 0 : i32
        %dma_start3A_63 = tpu.memref_slice %arg14[%add3A_51, %dma_start3A] : memref<4096x128xf32, #tpu.memory_space<vmem_shared>> -> memref<8x128xf32, #tpu.memory_space<vmem_shared>>
        %dma_start3A_64 = arith.constant 0 : i32
        %dma_start3A_65 = tpu.memref_slice %arg14[%add3A_51, %dma_start3A_64] : memref<4096x128xf32, #tpu.memory_space<vmem_shared>> -> memref<8x128xf32, #tpu.memory_space<vmem_shared>>
        tpu.enqueue_dma source(%dma_start3A_65 : memref<8x128xf32, #tpu.memory_space<vmem_shared>>) target(%arg10 : memref<8x128xf32, #tpu.memory_space<vmem>>) target_semaphore(%run_scoped3A : memref<!tpu.dma_semaphore, #tpu.memory_space<semaphore_mem>>)
        %dma_wait3A = arith.constant 0 : i32
        %dma_wait3A_66 = tpu.memref_slice %arg14[%add3A_51, %dma_wait3A] : memref<4096x128xf32, #tpu.memory_space<vmem_shared>> -> memref<8x128xf32, #tpu.memory_space<vmem_shared>>
        %dma_wait3A_67 = arith.constant 0 : i32
        %dma_wait3A_68 = tpu.memref_slice %arg14[%add3A_51, %dma_wait3A_67] : memref<4096x128xf32, #tpu.memory_space<vmem_shared>> -> memref<8x128xf32, #tpu.memory_space<vmem_shared>>
        tpu.wait_dma2 semaphore(%run_scoped3A : memref<!tpu.dma_semaphore, #tpu.memory_space<semaphore_mem>>) src(%dma_wait3A_68 : memref<8x128xf32, #tpu.memory_space<vmem_shared>>) dst(%arg10 : memref<8x128xf32, #tpu.memory_space<vmem>>)
        tpu.yield
      }) : () -> ()
      %mul3A_52 = arith.constant 16 : i32
      %mul3A_53 = arith.muli %arg0, %mul3A_52 : i32
      %add3A_54 = arith.addi %mul3A_53, %scan3A_45 : i32
      %mul3A_55 = arith.constant 128 : i32
      %mul3A_56 = arith.muli %add3A_54, %mul3A_55 : i32
      %add3A_57 = arith.addi %mul3A_56, %mul3A_20 : i32
      "tpu.region"() ({
        %run_scoped3A = tpu.sem_alloc : memref<!tpu.dma_semaphore, #tpu.memory_space<semaphore_mem>>
        %dma_start3A = arith.constant 0 : i32
        %dma_start3A_63 = tpu.memref_slice %arg15[%add3A_57, %dma_start3A] : memref<4096x16xf32, #tpu.memory_space<vmem_shared>> -> memref<8x16xf32, #tpu.memory_space<vmem_shared>>
        %dma_start3A_64 = arith.constant 0 : i32
        %dma_start3A_65 = tpu.memref_slice %arg15[%add3A_57, %dma_start3A_64] : memref<4096x16xf32, #tpu.memory_space<vmem_shared>> -> memref<8x16xf32, #tpu.memory_space<vmem_shared>>
        tpu.enqueue_dma source(%dma_start3A_65 : memref<8x16xf32, #tpu.memory_space<vmem_shared>>) target(%arg11 : memref<8x16xf32, #tpu.memory_space<vmem>>) target_semaphore(%run_scoped3A : memref<!tpu.dma_semaphore, #tpu.memory_space<semaphore_mem>>)
        %dma_wait3A = arith.constant 0 : i32
        %dma_wait3A_66 = tpu.memref_slice %arg15[%add3A_57, %dma_wait3A] : memref<4096x16xf32, #tpu.memory_space<vmem_shared>> -> memref<8x16xf32, #tpu.memory_space<vmem_shared>>
        %dma_wait3A_67 = arith.constant 0 : i32
        %dma_wait3A_68 = tpu.memref_slice %arg15[%add3A_57, %dma_wait3A_67] : memref<4096x16xf32, #tpu.memory_space<vmem_shared>> -> memref<8x16xf32, #tpu.memory_space<vmem_shared>>
        tpu.wait_dma2 semaphore(%run_scoped3A : memref<!tpu.dma_semaphore, #tpu.memory_space<semaphore_mem>>) src(%dma_wait3A_68 : memref<8x16xf32, #tpu.memory_space<vmem_shared>>) dst(%arg11 : memref<8x16xf32, #tpu.memory_space<vmem>>)
        tpu.yield
      }) : () -> ()
      %scan3A_58 = arith.constant 0 : i32
      %scan3A_59 = arith.constant 8 : i32
      %scan3A_60 = arith.addi %scan3A_58, %scan3A_59 : i32
      %scan3A_61 = arith.constant 1 : i32
      scf.for %scan3A_63 = %scan3A_58 to %scan3A_60 step %scan3A_61  : i32 {
        %get3A = arith.index_cast %scan3A_63 : i32 to index
        %get3A_64 = arith.constant 0 : index
        %get3A_65 = tpu.vector_load %arg12[%get3A, %get3A_64] {strides = array<i32>} : memref<8x128xf32, #tpu.memory_space<vmem>>, vector<16xf32>,
        %get3A_66 = arith.index_cast %scan3A_63 : i32 to index
        %get3A_67 = arith.constant 0 : index
        %get3A_68 = tpu.vector_load %arg10[%get3A_66, %get3A_67] {strides = array<i32>} : memref<8x128xf32, #tpu.memory_space<vmem>>, vector<16xf32>,
        %add3A_69 = arith.addf %get3A_65, %get3A_68 : vector<16xf32>
        %swap3A_70 = arith.index_cast %scan3A_63 : i32 to index
        %swap3A_71 = arith.constant 0 : index
        %swap3A_72 = tpu.vector_load %arg12[%swap3A_70, %swap3A_71] {strides = array<i32>} : memref<8x128xf32, #tpu.memory_space<vmem>>, vector<16xf32>,
        tpu.vector_store %arg12[%swap3A_70, %swap3A_71], %add3A_69 {strides = array<i32>} : memref<8x128xf32, #tpu.memory_space<vmem>>, vector<16xf32>,
        %get3A_73 = arith.index_cast %scan3A_63 : i32 to index
        %get3A_74 = arith.constant 16 : index
        %get3A_75 = tpu.vector_load %arg12[%get3A_73, %get3A_74] {strides = array<i32>} : memref<8x128xf32, #tpu.memory_space<vmem>>, vector<16xf32>,
        %get3A_76 = arith.index_cast %scan3A_63 : i32 to index
        %get3A_77 = arith.constant 16 : index
        %get3A_78 = tpu.vector_load %arg10[%get3A_76, %get3A_77] {strides = array<i32>} : memref<8x128xf32, #tpu.memory_space<vmem>>, vector<16xf32>,
        %add3A_79 = arith.addf %get3A_75, %get3A_78 : vector<16xf32>
        %swap3A_80 = arith.index_cast %scan3A_63 : i32 to index
        %swap3A_81 = arith.constant 16 : index
        %swap3A_82 = tpu.vector_load %arg12[%swap3A_80, %swap3A_81] {strides = array<i32>} : memref<8x128xf32, #tpu.memory_space<vmem>>, vector<16xf32>,
        tpu.vector_store %arg12[%swap3A_80, %swap3A_81], %add3A_79 {strides = array<i32>} : memref<8x128xf32, #tpu.memory_space<vmem>>, vector<16xf32>,
        %get3A_83 = arith.index_cast %scan3A_63 : i32 to index
        %get3A_84 = arith.constant 32 : index
        %get3A_85 = tpu.vector_load %arg12[%get3A_83, %get3A_84] {strides = array<i32>} : memref<8x128xf32, #tpu.memory_space<vmem>>, vector<16xf32>,
        %get3A_86 = arith.index_cast %scan3A_63 : i32 to index
        %get3A_87 = arith.constant 32 : index
        %get3A_88 = tpu.vector_load %arg10[%get3A_86, %get3A_87] {strides = array<i32>} : memref<8x128xf32, #tpu.memory_space<vmem>>, vector<16xf32>,
        %add3A_89 = arith.addf %get3A_85, %get3A_88 : vector<16xf32>
        %swap3A_90 = arith.index_cast %scan3A_63 : i32 to index
        %swap3A_91 = arith.constant 32 : index
        %swap3A_92 = tpu.vector_load %arg12[%swap3A_90, %swap3A_91] {strides = array<i32>} : memref<8x128xf32, #tpu.memory_space<vmem>>, vector<16xf32>,
        tpu.vector_store %arg12[%swap3A_90, %swap3A_91], %add3A_89 {strides = array<i32>} : memref<8x128xf32, #tpu.memory_space<vmem>>, vector<16xf32>,
        %get3A_93 = arith.index_cast %scan3A_63 : i32 to index
        %get3A_94 = arith.constant 48 : index
        %get3A_95 = tpu.vector_load %arg12[%get3A_93, %get3A_94] {strides = array<i32>} : memref<8x128xf32, #tpu.memory_space<vmem>>, vector<16xf32>,
        %get3A_96 = arith.index_cast %scan3A_63 : i32 to index
        %get3A_97 = arith.constant 48 : index
        %get3A_98 = tpu.vector_load %arg10[%get3A_96, %get3A_97] {strides = array<i32>} : memref<8x128xf32, #tpu.memory_space<vmem>>, vector<16xf32>,
        %add3A_99 = arith.addf %get3A_95, %get3A_98 : vector<16xf32>
        %swap3A_100 = arith.index_cast %scan3A_63 : i32 to index
        %swap3A_101 = arith.constant 48 : index
        %swap3A_102 = tpu.vector_load %arg12[%swap3A_100, %swap3A_101] {strides = array<i32>} : memref<8x128xf32, #tpu.memory_space<vmem>>, vector<16xf32>,
        tpu.vector_store %arg12[%swap3A_100, %swap3A_101], %add3A_99 {strides = array<i32>} : memref<8x128xf32, #tpu.memory_space<vmem>>, vector<16xf32>,
        %get3A_103 = arith.index_cast %scan3A_63 : i32 to index
        %get3A_104 = arith.constant 64 : index
        %get3A_105 = tpu.vector_load %arg12[%get3A_103, %get3A_104] {strides = array<i32>} : memref<8x128xf32, #tpu.memory_space<vmem>>, vector<16xf32>,
        %get3A_106 = arith.index_cast %scan3A_63 : i32 to index
        %get3A_107 = arith.constant 64 : index
        %get3A_108 = tpu.vector_load %arg10[%get3A_106, %get3A_107] {strides = array<i32>} : memref<8x128xf32, #tpu.memory_space<vmem>>, vector<16xf32>,
        %add3A_109 = arith.addf %get3A_105, %get3A_108 : vector<16xf32>
        %swap3A_110 = arith.index_cast %scan3A_63 : i32 to index
        %swap3A_111 = arith.constant 64 : index
        %swap3A_112 = tpu.vector_load %arg12[%swap3A_110, %swap3A_111] {strides = array<i32>} : memref<8x128xf32, #tpu.memory_space<vmem>>, vector<16xf32>,
        tpu.vector_store %arg12[%swap3A_110, %swap3A_111], %add3A_109 {strides = array<i32>} : memref<8x128xf32, #tpu.memory_space<vmem>>, vector<16xf32>,
        %get3A_113 = arith.index_cast %scan3A_63 : i32 to index
        %get3A_114 = arith.constant 80 : index
        %get3A_115 = tpu.vector_load %arg12[%get3A_113, %get3A_114] {strides = array<i32>} : memref<8x128xf32, #tpu.memory_space<vmem>>, vector<16xf32>,
        %get3A_116 = arith.index_cast %scan3A_63 : i32 to index
        %get3A_117 = arith.constant 80 : index
        %get3A_118 = tpu.vector_load %arg10[%get3A_116, %get3A_117] {strides = array<i32>} : memref<8x128xf32, #tpu.memory_space<vmem>>, vector<16xf32>,
        %add3A_119 = arith.addf %get3A_115, %get3A_118 : vector<16xf32>
        %swap3A_120 = arith.index_cast %scan3A_63 : i32 to index
        %swap3A_121 = arith.constant 80 : index
        %swap3A_122 = tpu.vector_load %arg12[%swap3A_120, %swap3A_121] {strides = array<i32>} : memref<8x128xf32, #tpu.memory_space<vmem>>, vector<16xf32>,
        tpu.vector_store %arg12[%swap3A_120, %swap3A_121], %add3A_119 {strides = array<i32>} : memref<8x128xf32, #tpu.memory_space<vmem>>, vector<16xf32>,
        %get3A_123 = arith.index_cast %scan3A_63 : i32 to index
        %get3A_124 = arith.constant 96 : index
        %get3A_125 = tpu.vector_load %arg12[%get3A_123, %get3A_124] {strides = array<i32>} : memref<8x128xf32, #tpu.memory_space<vmem>>, vector<16xf32>,
        %get3A_126 = arith.index_cast %scan3A_63 : i32 to index
        %get3A_127 = arith.constant 96 : index
        %get3A_128 = tpu.vector_load %arg10[%get3A_126, %get3A_127] {strides = array<i32>} : memref<8x128xf32, #tpu.memory_space<vmem>>, vector<16xf32>,
        %add3A_129 = arith.addf %get3A_125, %get3A_128 : vector<16xf32>
        %swap3A_130 = arith.index_cast %scan3A_63 : i32 to index
        %swap3A_131 = arith.constant 96 : index
        %swap3A_132 = tpu.vector_load %arg12[%swap3A_130, %swap3A_131] {strides = array<i32>} : memref<8x128xf32, #tpu.memory_space<vmem>>, vector<16xf32>,
        tpu.vector_store %arg12[%swap3A_130, %swap3A_131], %add3A_129 {strides = array<i32>} : memref<8x128xf32, #tpu.memory_space<vmem>>, vector<16xf32>,
        %get3A_133 = arith.index_cast %scan3A_63 : i32 to index
        %get3A_134 = arith.constant 112 : index
        %get3A_135 = tpu.vector_load %arg12[%get3A_133, %get3A_134] {strides = array<i32>} : memref<8x128xf32, #tpu.memory_space<vmem>>, vector<16xf32>,
        %get3A_136 = arith.index_cast %scan3A_63 : i32 to index
        %get3A_137 = arith.constant 112 : index
        %get3A_138 = tpu.vector_load %arg10[%get3A_136, %get3A_137] {strides = array<i32>} : memref<8x128xf32, #tpu.memory_space<vmem>>, vector<16xf32>,
        %add3A_139 = arith.addf %get3A_135, %get3A_138 : vector<16xf32>
        %swap3A_140 = arith.index_cast %scan3A_63 : i32 to index
        %swap3A_141 = arith.constant 112 : index
        %swap3A_142 = tpu.vector_load %arg12[%swap3A_140, %swap3A_141] {strides = array<i32>} : memref<8x128xf32, #tpu.memory_space<vmem>>, vector<16xf32>,
        tpu.vector_store %arg12[%swap3A_140, %swap3A_141], %add3A_139 {strides = array<i32>} : memref<8x128xf32, #tpu.memory_space<vmem>>, vector<16xf32>,
        %get3A_143 = arith.index_cast %scan3A_63 : i32 to index
        %get3A_144 = arith.constant 0 : index
        %get3A_145 = tpu.vector_load %arg13[%get3A_143, %get3A_144] {strides = array<i32>} : memref<8x16xf32, #tpu.memory_space<vmem>>, vector<16xf32>,
        %get3A_146 = arith.index_cast %scan3A_63 : i32 to index
        %get3A_147 = arith.constant 0 : index
        %get3A_148 = tpu.vector_load %arg11[%get3A_146, %get3A_147] {strides = array<i32>} : memref<8x16xf32, #tpu.memory_space<vmem>>, vector<16xf32>,
        %add3A_149 = arith.addf %get3A_145, %get3A_148 : vector<16xf32>
        %swap3A_150 = arith.index_cast %scan3A_63 : i32 to index
        %swap3A_151 = arith.constant 0 : index
        %swap3A_152 = tpu.vector_load %arg13[%swap3A_150, %swap3A_151] {strides = array<i32>} : memref<8x16xf32, #tpu.memory_space<vmem>>, vector<16xf32>,
        tpu.vector_store %arg13[%swap3A_150, %swap3A_151], %add3A_149 {strides = array<i32>} : memref<8x16xf32, #tpu.memory_space<vmem>>, vector<16xf32>,
      }
      %scan3A_62 = arith.constant 8 : i32
    }
    %scan3A_32 = arith.constant 16 : i32
    %scan3A_33 = arith.constant 0.000000e+00 : f32
    %scan3A_34 = arith.constant 0 : i32
    %scan3A_35 = arith.constant 8 : i32
    %scan3A_36 = arith.addi %scan3A_34, %scan3A_35 : i32
    %scan3A_37 = arith.constant 1 : i32
    %scan3A_38 = scf.for %scan3A_45 = %scan3A_34 to %scan3A_36 step %scan3A_37 iter_args(%scan3A_46 = %scan3A_33) -> (f32)  : i32 {
      %get3A = arith.index_cast %scan3A_45 : i32 to index
      %get3A_47 = arith.constant 0 : index
      %get3A_48 = tpu.vector_load %arg13[%get3A, %get3A_47] {strides = array<i32>} : memref<8x16xf32, #tpu.memory_space<vmem>>, vector<16xf32>,
      %slice3A = vector.extract_strided_slice %get3A_48 {offsets = [0], sizes = [1], strides = [1]} : vector<16xf32> to vector<1xf32>
      %squeeze3A = vector.extract %slice3A[0] : f32 from vector<1xf32>
      %slice3A_49 = vector.extract_strided_slice %get3A_48 {offsets = [1], sizes = [1], strides = [1]} : vector<16xf32> to vector<1xf32>
      %squeeze3A_50 = vector.extract %slice3A_49[0] : f32 from vector<1xf32>
      %get3A_51 = arith.index_cast %scan3A_45 : i32 to index
      %get3A_52 = arith.constant 0 : index
      %get3A_53 = tpu.vector_load %arg12[%get3A_51, %get3A_52] {strides = array<i32>} : memref<8x128xf32, #tpu.memory_space<vmem>>, vector<16xf32>,
      %mul3A_54 = arith.mulf %get3A_53, %get3A_53 : vector<16xf32>
      %add3A_55 = arith.addf %broadcast_in_dim3A_1, %mul3A_54 : vector<16xf32>
      %get3A_56 = arith.index_cast %scan3A_45 : i32 to index
      %get3A_57 = arith.constant 16 : index
      %get3A_58 = tpu.vector_load %arg12[%get3A_56, %get3A_57] {strides = array<i32>} : memref<8x128xf32, #tpu.memory_space<vmem>>, vector<16xf32>,
      %mul3A_59 = arith.mulf %get3A_58, %get3A_58 : vector<16xf32>
      %add3A_60 = arith.addf %add3A_55, %mul3A_59 : vector<16xf32>
      %get3A_61 = arith.index_cast %scan3A_45 : i32 to index
      %get3A_62 = arith.constant 32 : index
      %get3A_63 = tpu.vector_load %arg12[%get3A_61, %get3A_62] {strides = array<i32>} : memref<8x128xf32, #tpu.memory_space<vmem>>, vector<16xf32>,
      %mul3A_64 = arith.mulf %get3A_63, %get3A_63 : vector<16xf32>
      %add3A_65 = arith.addf %add3A_60, %mul3A_64 : vector<16xf32>
      %get3A_66 = arith.index_cast %scan3A_45 : i32 to index
      %get3A_67 = arith.constant 48 : index
      %get3A_68 = tpu.vector_load %arg12[%get3A_66, %get3A_67] {strides = array<i32>} : memref<8x128xf32, #tpu.memory_space<vmem>>, vector<16xf32>,
      %mul3A_69 = arith.mulf %get3A_68, %get3A_68 : vector<16xf32>
      %add3A_70 = arith.addf %add3A_65, %mul3A_69 : vector<16xf32>
      %get3A_71 = arith.index_cast %scan3A_45 : i32 to index
      %get3A_72 = arith.constant 64 : index
      %get3A_73 = tpu.vector_load %arg12[%get3A_71, %get3A_72] {strides = array<i32>} : memref<8x128xf32, #tpu.memory_space<vmem>>, vector<16xf32>,
      %mul3A_74 = arith.mulf %get3A_73, %get3A_73 : vector<16xf32>
      %add3A_75 = arith.addf %add3A_70, %mul3A_74 : vector<16xf32>
      %get3A_76 = arith.index_cast %scan3A_45 : i32 to index
      %get3A_77 = arith.constant 80 : index
      %get3A_78 = tpu.vector_load %arg12[%get3A_76, %get3A_77] {strides = array<i32>} : memref<8x128xf32, #tpu.memory_space<vmem>>, vector<16xf32>,
      %mul3A_79 = arith.mulf %get3A_78, %get3A_78 : vector<16xf32>
      %add3A_80 = arith.addf %add3A_75, %mul3A_79 : vector<16xf32>
      %get3A_81 = arith.index_cast %scan3A_45 : i32 to index
      %get3A_82 = arith.constant 96 : index
      %get3A_83 = tpu.vector_load %arg12[%get3A_81, %get3A_82] {strides = array<i32>} : memref<8x128xf32, #tpu.memory_space<vmem>>, vector<16xf32>,
      %mul3A_84 = arith.mulf %get3A_83, %get3A_83 : vector<16xf32>
      %add3A_85 = arith.addf %add3A_80, %mul3A_84 : vector<16xf32>
      %get3A_86 = arith.index_cast %scan3A_45 : i32 to index
      %get3A_87 = arith.constant 112 : index
      %get3A_88 = tpu.vector_load %arg12[%get3A_86, %get3A_87] {strides = array<i32>} : memref<8x128xf32, #tpu.memory_space<vmem>>, vector<16xf32>,
      %mul3A_89 = arith.mulf %get3A_88, %get3A_88 : vector<16xf32>
      %add3A_90 = arith.addf %add3A_85, %mul3A_89 : vector<16xf32>
      %reduce_sum3A = arith.constant true
      %reduce_sum3A_91 = vector.broadcast %reduce_sum3A : i1 to vector<16xi1>
      %reduce_sum3A_92 = tpu.scan <sum>, %add3A_90 masked %reduce_sum3A_91 : vector<16xf32>, vector<16xi1> -> vector<16xf32>
      %reduce_sum3A_93 = vector.extract %reduce_sum3A_92[15] : f32 from vector<16xf32>
      %sub3A = arith.constant 1.000000e+00 : f32
      %sub3A_94 = arith.subf %squeeze3A, %sub3A : f32
      %min3A = arith.constant 2.000000e+01 : f32
      %min3A_95 = arith.minimumf %sub3A_94, %min3A : f32
      %max3A = arith.constant 1.000000e+00 : f32
      %max3A_96 = arith.maximumf %min3A_95, %max3A : f32
      %eq3A_97 = arith.constant 2.000000e+00 : f32
      %eq3A_98 = arith.cmpf oeq, %max3A_96, %eq3A_97 : f32
      %jit3A_99 = arith.constant 5.000000e-01 : f32
      %jit3A_100 = arith.constant 1.000000e+00 : f32
      %select_n3A_101 = arith.select %eq3A_98, %jit3A_99, %jit3A_100 : f32
      %eq3A_102 = arith.constant 3.000000e+00 : f32
      %eq3A_103 = arith.cmpf oeq, %max3A_96, %eq3A_102 : f32
      %jit3A_104 = arith.constant 0.333333343 : f32
      %select_n3A_105 = arith.select %eq3A_103, %jit3A_104, %select_n3A_101 : f32
      %eq3A_106 = arith.constant 4.000000e+00 : f32
      %eq3A_107 = arith.cmpf oeq, %max3A_96, %eq3A_106 : f32
      %jit3A_108 = arith.constant 2.500000e-01 : f32
      %select_n3A_109 = arith.select %eq3A_107, %jit3A_108, %select_n3A_105 : f32
      %eq3A_110 = arith.constant 5.000000e+00 : f32
      %eq3A_111 = arith.cmpf oeq, %max3A_96, %eq3A_110 : f32
      %jit3A_112 = arith.constant 2.000000e-01 : f32
      %select_n3A_113 = arith.select %eq3A_111, %jit3A_112, %select_n3A_109 : f32
      %eq3A_114 = arith.constant 6.000000e+00 : f32
      %eq3A_115 = arith.cmpf oeq, %max3A_96, %eq3A_114 : f32
      %jit3A_116 = arith.constant 0.166666672 : f32
      %select_n3A_117 = arith.select %eq3A_115, %jit3A_116, %select_n3A_113 : f32
      %eq3A_118 = arith.constant 7.000000e+00 : f32
      %eq3A_119 = arith.cmpf oeq, %max3A_96, %eq3A_118 : f32
      %jit3A_120 = arith.constant 0.142857149 : f32
      %select_n3A_121 = arith.select %eq3A_119, %jit3A_120, %select_n3A_117 : f32
      %eq3A_122 = arith.constant 8.000000e+00 : f32
      %eq3A_123 = arith.cmpf oeq, %max3A_96, %eq3A_122 : f32
      %jit3A_124 = arith.constant 1.250000e-01 : f32
      %select_n3A_125 = arith.select %eq3A_123, %jit3A_124, %select_n3A_121 : f32
      %eq3A_126 = arith.constant 9.000000e+00 : f32
      %eq3A_127 = arith.cmpf oeq, %max3A_96, %eq3A_126 : f32
      %jit3A_128 = arith.constant 0.111111112 : f32
      %select_n3A_129 = arith.select %eq3A_127, %jit3A_128, %select_n3A_125 : f32
      %eq3A_130 = arith.constant 1.000000e+01 : f32
      %eq3A_131 = arith.cmpf oeq, %max3A_96, %eq3A_130 : f32
      %jit3A_132 = arith.constant 1.000000e-01 : f32
      %select_n3A_133 = arith.select %eq3A_131, %jit3A_132, %select_n3A_129 : f32
      %eq3A_134 = arith.constant 1.100000e+01 : f32
      %eq3A_135 = arith.cmpf oeq, %max3A_96, %eq3A_134 : f32
      %jit3A_136 = arith.constant 0.0909090936 : f32
      %select_n3A_137 = arith.select %eq3A_135, %jit3A_136, %select_n3A_133 : f32
      %eq3A_138 = arith.constant 1.200000e+01 : f32
      %eq3A_139 = arith.cmpf oeq, %max3A_96, %eq3A_138 : f32
      %jit3A_140 = arith.constant 0.0833333358 : f32
      %select_n3A_141 = arith.select %eq3A_139, %jit3A_140, %select_n3A_137 : f32
      %eq3A_142 = arith.constant 1.300000e+01 : f32
      %eq3A_143 = arith.cmpf oeq, %max3A_96, %eq3A_142 : f32
      %jit3A_144 = arith.constant 0.0769230798 : f32
      %select_n3A_145 = arith.select %eq3A_143, %jit3A_144, %select_n3A_141 : f32
      %eq3A_146 = arith.constant 1.400000e+01 : f32
      %eq3A_147 = arith.cmpf oeq, %max3A_96, %eq3A_146 : f32
      %jit3A_148 = arith.constant 0.0714285746 : f32
      %select_n3A_149 = arith.select %eq3A_147, %jit3A_148, %select_n3A_145 : f32
      %eq3A_150 = arith.constant 1.500000e+01 : f32
      %eq3A_151 = arith.cmpf oeq, %max3A_96, %eq3A_150 : f32
      %jit3A_152 = arith.constant 0.0666666701 : f32
      %select_n3A_153 = arith.select %eq3A_151, %jit3A_152, %select_n3A_149 : f32
      %eq3A_154 = arith.constant 1.600000e+01 : f32
      %eq3A_155 = arith.cmpf oeq, %max3A_96, %eq3A_154 : f32
      %jit3A_156 = arith.constant 6.250000e-02 : f32
      %select_n3A_157 = arith.select %eq3A_155, %jit3A_156, %select_n3A_153 : f32
      %eq3A_158 = arith.constant 1.700000e+01 : f32
      %eq3A_159 = arith.cmpf oeq, %max3A_96, %eq3A_158 : f32
      %jit3A_160 = arith.constant 0.0588235296 : f32
      %select_n3A_161 = arith.select %eq3A_159, %jit3A_160, %select_n3A_157 : f32
      %eq3A_162 = arith.constant 1.800000e+01 : f32
      %eq3A_163 = arith.cmpf oeq, %max3A_96, %eq3A_162 : f32
      %jit3A_164 = arith.constant 0.055555556 : f32
      %select_n3A_165 = arith.select %eq3A_163, %jit3A_164, %select_n3A_161 : f32
      %eq3A_166 = arith.constant 1.900000e+01 : f32
      %eq3A_167 = arith.cmpf oeq, %max3A_96, %eq3A_166 : f32
      %jit3A_168 = arith.constant 0.0526315793 : f32
      %select_n3A_169 = arith.select %eq3A_167, %jit3A_168, %select_n3A_165 : f32
      %eq3A_170 = arith.constant 2.000000e+01 : f32
      %eq3A_171 = arith.cmpf oeq, %max3A_96, %eq3A_170 : f32
      %jit3A_172 = arith.constant 5.000000e-02 : f32
      %select_n3A_173 = arith.select %eq3A_171, %jit3A_172, %select_n3A_169 : f32
      %mul3A_174 = arith.mulf %min3A_95, %squeeze3A_50 : f32
      %mul3A_175 = arith.constant 2.000000e+00 : f32
      %mul3A_176 = arith.mulf %mul3A_175, %select_n3A_173 : f32
      %sub3A_177 = arith.subf %reduce_sum3A_93, %squeeze3A_50 : f32
      %mul3A_178 = arith.mulf %mul3A_176, %sub3A_177 : f32
      %sub3A_179 = arith.subf %mul3A_174, %mul3A_178 : f32
      %mul3A_180 = arith.mulf %squeeze3A_50, %sub3A_94 : f32
      %mul3A_181 = arith.mulf %select_n3A_173, %select_n3A_173 : f32
      %mul3A_182 = arith.mulf %mul3A_180, %mul3A_181 : f32
      %add3A_183 = arith.addf %sub3A_179, %mul3A_182 : f32
      %add3A_184 = arith.addf %scan3A_46, %add3A_183 : f32
      scf.yield %add3A_184 : f32
    }
    %scan3A_39 = arith.constant 8 : i32
    %eq3A = arith.constant 0 : i32
    %eq3A_40 = vector.broadcast %eq3A : i32 to vector<16xi32>
    %eq3A_41 = arith.cmpi eq, %iota3A, %eq3A_40 : vector<16xi32>
    %jit3A = arith.constant 0.000000e+00 : f32
    %broadcast_in_dim3A_42 = vector.broadcast %scan3A_38 : f32 to vector<16xf32>
    %broadcast_in_dim3A_43 = vector.broadcast %jit3A : f32 to vector<16xf32>
    %select_n3A = arith.select %eq3A_41, %broadcast_in_dim3A_42, %broadcast_in_dim3A_43 : vector<16xi1>, vector<16xf32>
    %swap3A = arith.constant 0 : index
    %swap3A_44 = tpu.vector_load %arg9[%swap3A] {strides = array<i32>} : memref<16xf32, #tpu.memory_space<vmem>>, vector<16xf32>,
    tpu.vector_store %arg9[%swap3A], %select_n3A {strides = array<i32>} : memref<16xf32, #tpu.memory_space<vmem>>, vector<16xf32>,
    "tpu.region"() ({
      %run_scoped3A = tpu.sem_alloc : memref<!tpu.dma_semaphore, #tpu.memory_space<semaphore_mem>>
      %dma_start3A = arith.constant 0 : i32
      %dma_start3A_45 = tpu.memref_slice %arg4[%add3A, %dma_start3A] : memref<32x16xf32, #tpu.memory_space<hbm>> -> memref<1x16xf32, #tpu.memory_space<hbm>>
      %dma_start3A_46 = tpu.memref_squeeze %dma_start3A_45 : memref<1x16xf32, #tpu.memory_space<hbm>> -> memref<16xf32, #tpu.memory_space<hbm>>
      %dma_start3A_47 = arith.constant 0 : i32
      %dma_start3A_48 = tpu.memref_slice %arg4[%add3A, %dma_start3A_47] : memref<32x16xf32, #tpu.memory_space<hbm>> -> memref<1x16xf32, #tpu.memory_space<hbm>>
      %dma_start3A_49 = tpu.memref_squeeze %dma_start3A_48 : memref<1x16xf32, #tpu.memory_space<hbm>> -> memref<16xf32, #tpu.memory_space<hbm>>
      tpu.enqueue_dma source(%arg9 : memref<16xf32, #tpu.memory_space<vmem>>) target(%dma_start3A_49 : memref<16xf32, #tpu.memory_space<hbm>>) target_semaphore(%run_scoped3A : memref<!tpu.dma_semaphore, #tpu.memory_space<semaphore_mem>>)
      %dma_wait3A = arith.constant 0 : i32
      %dma_wait3A_50 = tpu.memref_slice %arg4[%add3A, %dma_wait3A] : memref<32x16xf32, #tpu.memory_space<hbm>> -> memref<1x16xf32, #tpu.memory_space<hbm>>
      %dma_wait3A_51 = tpu.memref_squeeze %dma_wait3A_50 : memref<1x16xf32, #tpu.memory_space<hbm>> -> memref<16xf32, #tpu.memory_space<hbm>>
      %dma_wait3A_52 = arith.constant 0 : i32
      %dma_wait3A_53 = tpu.memref_slice %arg4[%add3A, %dma_wait3A_52] : memref<32x16xf32, #tpu.memory_space<hbm>> -> memref<1x16xf32, #tpu.memory_space<hbm>>
      %dma_wait3A_54 = tpu.memref_squeeze %dma_wait3A_53 : memref<1x16xf32, #tpu.memory_space<hbm>> -> memref<16xf32, #tpu.memory_space<hbm>>
      tpu.wait_dma2 semaphore(%run_scoped3A : memref<!tpu.dma_semaphore, #tpu.memory_space<semaphore_mem>>) src(%arg9 : memref<16xf32, #tpu.memory_space<vmem>>) dst(%dma_wait3A_54 : memref<16xf32, #tpu.memory_space<hbm>>)
      tpu.yield
    }) : () -> ()
    return
  }
}

module attributes {stable_mosaic.version = 14 : i64} {
  func.func @_tc_kernel(%arg0: memref<1024x128xf32, #tpu.memory_space<vmem>>, %arg1: memref<1024x128xf32, #tpu.memory_space<vmem>>, %arg2: memref<1024x1xi32, #tpu.memory_space<vmem>>, %arg3: memref<1x1024xi32, #tpu.memory_space<vmem>>, %arg4: memref<1x1xf32, #tpu.memory_space<vmem>>) attributes {dimension_semantics = [], scalar_prefetch = 0 : i64, scratch_operands = 0 : i64, tpu.core_type = #tpu.core_type<tc>} {
    %get3A = arith.constant 0 : index
    %get3A_0 = arith.constant 0 : index
    %get3A_1 = vector.load %arg0[%get3A, %get3A_0] : memref<1024x128xf32, #tpu.memory_space<vmem>>, vector<1024x128xf32>
    %get3A_2 = arith.constant 0 : index
    %get3A_3 = arith.constant 0 : index
    %get3A_4 = vector.load %arg2[%get3A_2, %get3A_3] : memref<1024x1xi32, #tpu.memory_space<vmem>>, vector<1024x1xi32>
    %get3A_5 = arith.constant 0 : index
    %get3A_6 = arith.constant 0 : index
    %get3A_7 = vector.load %arg3[%get3A_5, %get3A_6] : memref<1x1024xi32, #tpu.memory_space<vmem>>, vector<1x1024xi32>
    %iota3A = tpu.iota {dimensions = array<i32: 0>} : vector<128x1xi32>
    %iota3A_8 = tpu.iota {dimensions = array<i32: 1>} : vector<1x128xi32>
    %eq3A = vector.broadcast %iota3A : vector<128x1xi32> to vector<128x1024xi32>
    %eq3A_9 = vector.broadcast %get3A_7 : vector<1x1024xi32> to vector<128x1024xi32>
    %eq3A_10 = arith.cmpi eq, %eq3A, %eq3A_9 : vector<128x1024xi32>
    %convert_element_type3A = arith.extui %eq3A_10 : vector<128x1024xi1> to vector<128x1024xi32>
    %convert_element_type3A_11 = arith.sitofp %convert_element_type3A : vector<128x1024xi32> to vector<128x1024xf32>
    %eq3A_12 = vector.broadcast %get3A_4 : vector<1024x1xi32> to vector<1024x128xi32>
    %eq3A_13 = vector.broadcast %iota3A_8 : vector<1x128xi32> to vector<1024x128xi32>
    %eq3A_14 = arith.cmpi eq, %eq3A_12, %eq3A_13 : vector<1024x128xi32>
    %convert_element_type3A_15 = arith.extui %eq3A_14 : vector<1024x128xi1> to vector<1024x128xi32>
    %convert_element_type3A_16 = arith.sitofp %convert_element_type3A_15 : vector<1024x128xi32> to vector<1024x128xf32>
    %mul3A = arith.mulf %get3A_1, %get3A_1 : vector<1024x128xf32>
    %reduce_sum3A = arith.constant dense<0.000000e+00> : vector<1024xf32>
    %reduce_sum3A_17 = vector.multi_reduction <add>, %mul3A, %reduce_sum3A [1] : vector<1024x128xf32> to vector<1024xf32>
    %broadcast_in_dim3A = vector.shape_cast %reduce_sum3A_17 : vector<1024xf32> to vector<1024x1xf32>
    %reduce_sum3A_18 = arith.constant dense<0.000000e+00> : vector<128xf32>
    %reduce_sum3A_19 = vector.multi_reduction <add>, %convert_element_type3A_11, %reduce_sum3A_18 [1] : vector<128x1024xf32> to vector<128xf32>
    %broadcast_in_dim3A_20 = vector.shape_cast %reduce_sum3A_19 : vector<128xf32> to vector<128x1xf32>
    %dot_general3A = arith.constant dense<0.000000e+00> : vector<1024x1xf32>
    %dot_general3A_21 = tpu.matmul %convert_element_type3A_16, %broadcast_in_dim3A_20, %dot_general3A {dimension_numbers = #tpu.dot_dimension_numbers<[1], [0], [0], [1], [0, 0, 1, 1], [], []>, precision = #tpu.contract_precision<fp32>, transpose_lhs_hint = false} : vector<1024x128xf32>, vector<128x1xf32>, vector<1024x1xf32> -> vector<1024x1xf32>
    %sub3A = arith.constant 1.000000e+00 : f32
    %sub3A_22 = vector.broadcast %sub3A : f32 to vector<1024x1xf32>
    %sub3A_23 = arith.subf %dot_general3A_21, %sub3A_22 : vector<1024x1xf32>
    %get3A_24 = arith.constant 0 : index
    %get3A_25 = arith.constant 0 : index
    %get3A_26 = vector.load %arg1[%get3A_24, %get3A_25] : memref<1024x128xf32, #tpu.memory_space<vmem>>, vector<1024x128xf32>
    %reduce_max3A = arith.constant dense<0xFF800000> : vector<1024xf32>
    %reduce_max3A_27 = vector.multi_reduction <maximumf>, %get3A_26, %reduce_max3A [1] : vector<1024x128xf32> to vector<1024xf32>
    %broadcast_in_dim3A_28 = vector.shape_cast %reduce_max3A_27 : vector<1024xf32> to vector<1024x1xf32>
    %sub3A_29 = vector.broadcast %broadcast_in_dim3A_28 : vector<1024x1xf32> to vector<1024x128xf32>
    %sub3A_30 = arith.subf %get3A_26, %sub3A_29 : vector<1024x128xf32>
    %exp3A = math.exp %sub3A_30 : vector<1024x128xf32>
    %reduce_sum3A_31 = arith.constant dense<0.000000e+00> : vector<1024xf32>
    %reduce_sum3A_32 = vector.multi_reduction <add>, %exp3A, %reduce_sum3A_31 [1] : vector<1024x128xf32> to vector<1024xf32>
    %broadcast_in_dim3A_33 = vector.shape_cast %reduce_sum3A_32 : vector<1024xf32> to vector<1024x1xf32>
    %log3A = math.log %broadcast_in_dim3A_33 : vector<1024x1xf32>
    %add3A = arith.addf %log3A, %broadcast_in_dim3A_28 : vector<1024x1xf32>
    %eq3A_34 = vector.broadcast %get3A_4 : vector<1024x1xi32> to vector<1024x128xi32>
    %eq3A_35 = vector.broadcast %iota3A_8 : vector<1x128xi32> to vector<1024x128xi32>
    %eq3A_36 = arith.cmpi eq, %eq3A_34, %eq3A_35 : vector<1024x128xi32>
    %jit3A = arith.constant 0.000000e+00 : f32
    %broadcast_in_dim3A_37 = vector.broadcast %jit3A : f32 to vector<1024x128xf32>
    %select_n3A = arith.select %eq3A_36, %get3A_26, %broadcast_in_dim3A_37 : vector<1024x128xi1>, vector<1024x128xf32>
    %reduce_sum3A_38 = arith.constant dense<0.000000e+00> : vector<1024xf32>
    %reduce_sum3A_39 = vector.multi_reduction <add>, %select_n3A, %reduce_sum3A_38 [1] : vector<1024x128xf32> to vector<1024xf32>
    %broadcast_in_dim3A_40 = vector.shape_cast %reduce_sum3A_39 : vector<1024xf32> to vector<1024x1xf32>
    %sub3A_41 = arith.subf %add3A, %broadcast_in_dim3A_40 : vector<1024x1xf32>
    %reduce_sum3A_42 = vector.shape_cast %sub3A_41 : vector<1024x1xf32> to vector<1x1024x1xf32>
    %reduce_sum3A_43 = arith.constant dense<0.000000e+00> : vector<1xf32>
    %reduce_sum3A_44 = vector.multi_reduction <add>, %reduce_sum3A_42, %reduce_sum3A_43 [1, 2] : vector<1x1024x1xf32> to vector<1xf32>
    %reduce_sum3A_45 = vector.shape_cast %reduce_sum3A_44 : vector<1xf32> to vector<1x1x1xf32>
    %reduce_sum3A_46 = vector.extract %reduce_sum3A_45[0, 0, 0] : f32 from vector<1x1x1xf32>
    %mul3A_47 = arith.constant 9.765625E-4 : f32
    %mul3A_48 = arith.mulf %reduce_sum3A_46, %mul3A_47 : f32
    %gt3A = arith.constant 2.000000e+01 : f32
    %gt3A_49 = vector.broadcast %gt3A : f32 to vector<1024x1xf32>
    %gt3A_50 = arith.cmpf ogt, %sub3A_23, %gt3A_49 : vector<1024x1xf32>
    %reduce_or3A = arith.constant 1.000000e+00 : f32
    %reduce_or3A_51 = arith.constant 0.000000e+00 : f32
    %reduce_or3A_52 = vector.broadcast %reduce_or3A : f32 to vector<1024x1xf32>
    %reduce_or3A_53 = vector.broadcast %reduce_or3A_51 : f32 to vector<1024x1xf32>
    %reduce_or3A_54 = arith.select %gt3A_50, %reduce_or3A_52, %reduce_or3A_53 : vector<1024x1xi1>, vector<1024x1xf32>
    %reduce_or3A_55 = vector.shape_cast %reduce_or3A_54 : vector<1024x1xf32> to vector<1x1024x1xf32>
    %reduce_or3A_56 = arith.constant dense<0xFF800000> : vector<1xf32>
    %reduce_or3A_57 = vector.multi_reduction <maximumf>, %reduce_or3A_55, %reduce_or3A_56 [1, 2] : vector<1x1024x1xf32> to vector<1xf32>
    %reduce_or3A_58 = vector.shape_cast %reduce_or3A_57 : vector<1xf32> to vector<1x1x1xf32>
    %reduce_or3A_59 = vector.extract %reduce_or3A_58[0, 0, 0] : f32 from vector<1x1x1xf32>
    %reduce_or3A_60 = arith.constant 0.000000e+00 : f32
    %reduce_or3A_61 = arith.cmpf ogt, %reduce_or3A_59, %reduce_or3A_60 : f32
    %convert_element_type3A_62 = arith.extui %reduce_or3A_61 : i1 to i32
    %cond3A = arith.constant 0 : i32
    %cond3A_63 = arith.cmpi ne, %convert_element_type3A_62, %cond3A : i32
    %cond3A_64 = scf.if %cond3A_63 -> (f32) {
      %dot_general3A_71 = arith.constant dense<0.000000e+00> : vector<128x128xf32>
      %dot_general3A_72 = tpu.matmul %convert_element_type3A_11, %get3A_1, %dot_general3A_71 {dimension_numbers = #tpu.dot_dimension_numbers<[1], [0], [0], [1], [0, 0, 1, 1], [], []>, precision = #tpu.contract_precision<fp32>, transpose_lhs_hint = false} : vector<128x1024xf32>, vector<1024x128xf32>, vector<128x128xf32> -> vector<128x128xf32>
      %dot_general3A_73 = arith.constant dense<0.000000e+00> : vector<128x1xf32>
      %dot_general3A_74 = tpu.matmul %convert_element_type3A_11, %broadcast_in_dim3A, %dot_general3A_73 {dimension_numbers = #tpu.dot_dimension_numbers<[1], [0], [0], [1], [0, 0, 1, 1], [], []>, precision = #tpu.contract_precision<fp32>, transpose_lhs_hint = false} : vector<128x1024xf32>, vector<1024x1xf32>, vector<128x1xf32> -> vector<128x1xf32>
      %min3A = arith.constant 2.000000e+01 : f32
      %min3A_75 = vector.broadcast %min3A : f32 to vector<1024x1xf32>
      %min3A_76 = arith.minimumf %sub3A_23, %min3A_75 : vector<1024x1xf32>
      %max3A = arith.constant 1.000000e+00 : f32
      %max3A_77 = vector.broadcast %max3A : f32 to vector<1024x1xf32>
      %max3A_78 = arith.maximumf %min3A_76, %max3A_77 : vector<1024x1xf32>
      %dot_general3A_79 = arith.constant dense<0.000000e+00> : vector<1024x128xf32>
      %dot_general3A_80 = tpu.matmul %convert_element_type3A_16, %dot_general3A_72, %dot_general3A_79 {dimension_numbers = #tpu.dot_dimension_numbers<[1], [0], [0], [1], [0, 0, 1, 1], [], []>, precision = #tpu.contract_precision<fp32>, transpose_lhs_hint = false} : vector<1024x128xf32>, vector<128x128xf32>, vector<1024x128xf32> -> vector<1024x128xf32>
      %sub3A_81 = arith.subf %dot_general3A_80, %get3A_1 : vector<1024x128xf32>
      %dot_general3A_82 = arith.constant dense<0.000000e+00> : vector<1024x1xf32>
      %dot_general3A_83 = tpu.matmul %convert_element_type3A_16, %dot_general3A_74, %dot_general3A_82 {dimension_numbers = #tpu.dot_dimension_numbers<[1], [0], [0], [1], [0, 0, 1, 1], [], []>, precision = #tpu.contract_precision<fp32>, transpose_lhs_hint = false} : vector<1024x128xf32>, vector<128x1xf32>, vector<1024x1xf32> -> vector<1024x1xf32>
      %sub3A_84 = arith.subf %dot_general3A_83, %broadcast_in_dim3A : vector<1024x1xf32>
      %mul3A_85 = arith.mulf %min3A_76, %broadcast_in_dim3A : vector<1024x1xf32>
      %div3A = arith.constant 2.000000e+00 : f32
      %div3A_86 = vector.broadcast %div3A : f32 to vector<1024x1xf32>
      %div3A_87 = arith.divf %div3A_86, %max3A_78 : vector<1024x1xf32>
      %mul3A_88 = arith.mulf %get3A_1, %sub3A_81 : vector<1024x128xf32>
      %reduce_sum3A_89 = arith.constant dense<0.000000e+00> : vector<1024xf32>
      %reduce_sum3A_90 = vector.multi_reduction <add>, %mul3A_88, %reduce_sum3A_89 [1] : vector<1024x128xf32> to vector<1024xf32>
      %broadcast_in_dim3A_91 = vector.shape_cast %reduce_sum3A_90 : vector<1024xf32> to vector<1024x1xf32>
      %mul3A_92 = arith.mulf %div3A_87, %broadcast_in_dim3A_91 : vector<1024x1xf32>
      %sub3A_93 = arith.subf %mul3A_85, %mul3A_92 : vector<1024x1xf32>
      %mul3A_94 = arith.mulf %max3A_78, %max3A_78 : vector<1024x1xf32>
      %div3A_95 = arith.divf %sub3A_84, %mul3A_94 : vector<1024x1xf32>
      %add3A_96 = arith.addf %sub3A_93, %div3A_95 : vector<1024x1xf32>
      %transpose3A = tpu.transpose %get3A_1, [1, 0] : vector<1024x128xf32> -> vector<128x1024xf32>
      %iota3A_97 = tpu.iota {dimensions = array<i32: 1>} : vector<128x1024xi32>
      %slice3A = vector.extract_strided_slice %sub3A_23 {offsets = [0, 0], sizes = [128, 1], strides = [1, 1]} : vector<1024x1xf32> to vector<128x1xf32>
      %gt3A_98 = arith.constant 2.000000e+01 : f32
      %gt3A_99 = vector.broadcast %gt3A_98 : f32 to vector<128x1xf32>
      %gt3A_100 = arith.cmpf ogt, %slice3A, %gt3A_99 : vector<128x1xf32>
      %reduce_or3A_101 = arith.constant 1.000000e+00 : f32
      %reduce_or3A_102 = arith.constant 0.000000e+00 : f32
      %reduce_or3A_103 = vector.broadcast %reduce_or3A_101 : f32 to vector<128x1xf32>
      %reduce_or3A_104 = vector.broadcast %reduce_or3A_102 : f32 to vector<128x1xf32>
      %reduce_or3A_105 = arith.select %gt3A_100, %reduce_or3A_103, %reduce_or3A_104 : vector<128x1xi1>, vector<128x1xf32>
      %reduce_or3A_106 = vector.shape_cast %reduce_or3A_105 : vector<128x1xf32> to vector<1x128x1xf32>
      %reduce_or3A_107 = arith.constant dense<0xFF800000> : vector<1xf32>
      %reduce_or3A_108 = vector.multi_reduction <maximumf>, %reduce_or3A_106, %reduce_or3A_107 [1, 2] : vector<1x128x1xf32> to vector<1xf32>
      %reduce_or3A_109 = vector.shape_cast %reduce_or3A_108 : vector<1xf32> to vector<1x1x1xf32>
      %reduce_or3A_110 = vector.extract %reduce_or3A_109[0, 0, 0] : f32 from vector<1x1x1xf32>
      %reduce_or3A_111 = arith.constant 0.000000e+00 : f32
      %reduce_or3A_112 = arith.cmpf ogt, %reduce_or3A_110, %reduce_or3A_111 : f32
      %convert_element_type3A_113 = arith.extui %reduce_or3A_112 : i1 to i32
      %cond3A_114 = arith.constant 0 : i32
      %cond3A_115 = arith.cmpi ne, %convert_element_type3A_113, %cond3A_114 : i32
      %cond3A_116 = scf.if %cond3A_115 -> (f32) {
        %slice3A_266 = vector.extract_strided_slice %get3A_1 {offsets = [0, 0], sizes = [128, 128], strides = [1, 1]} : vector<1024x128xf32> to vector<128x128xf32>
        %slice3A_267 = vector.extract_strided_slice %get3A_4 {offsets = [0, 0], sizes = [128, 1], strides = [1, 1]} : vector<1024x1xi32> to vector<128x1xi32>
        %slice3A_268 = vector.extract_strided_slice %transpose3A {offsets = [0, 0], sizes = [128, 128], strides = [1, 1]} : vector<128x1024xf32> to vector<128x128xf32>
        %broadcast_in_dim3A_269 = vector.shape_cast %slice3A_266 : vector<128x128xf32> to vector<128x128x1xf32>
        %broadcast_in_dim3A_270 = vector.shape_cast %slice3A_268 : vector<128x128xf32> to vector<1x128x128xf32>
        %sub3A_271 = vector.broadcast %broadcast_in_dim3A_269 : vector<128x128x1xf32> to vector<128x128x128xf32>
        %sub3A_272 = vector.broadcast %broadcast_in_dim3A_270 : vector<1x128x128xf32> to vector<128x128x128xf32>
        %sub3A_273 = arith.subf %sub3A_271, %sub3A_272 : vector<128x128x128xf32>
        %add3A_274 = arith.constant 9.99999997E-7 : f32
        %add3A_275 = vector.broadcast %add3A_274 : f32 to vector<128x128x128xf32>
        %add3A_276 = arith.addf %sub3A_273, %add3A_275 : vector<128x128x128xf32>
        %abs3A = math.absf %add3A_276 : vector<128x128x128xf32>
        %reduce_sum3A_277 = arith.constant dense<0.000000e+00> : vector<128x128xf32>
        %reduce_sum3A_278 = vector.multi_reduction <add>, %abs3A, %reduce_sum3A_277 [1] : vector<128x128x128xf32> to vector<128x128xf32>
        %slice3A_279 = vector.extract_strided_slice %transpose3A {offsets = [0, 128], sizes = [128, 128], strides = [1, 1]} : vector<128x1024xf32> to vector<128x128xf32>
        %broadcast_in_dim3A_280 = vector.shape_cast %slice3A_266 : vector<128x128xf32> to vector<128x128x1xf32>
        %broadcast_in_dim3A_281 = vector.shape_cast %slice3A_279 : vector<128x128xf32> to vector<1x128x128xf32>
        %sub3A_282 = vector.broadcast %broadcast_in_dim3A_280 : vector<128x128x1xf32> to vector<128x128x128xf32>
        %sub3A_283 = vector.broadcast %broadcast_in_dim3A_281 : vector<1x128x128xf32> to vector<128x128x128xf32>
        %sub3A_284 = arith.subf %sub3A_282, %sub3A_283 : vector<128x128x128xf32>
        %add3A_285 = arith.constant 9.99999997E-7 : f32
        %add3A_286 = vector.broadcast %add3A_285 : f32 to vector<128x128x128xf32>
        %add3A_287 = arith.addf %sub3A_284, %add3A_286 : vector<128x128x128xf32>
        %abs3A_288 = math.absf %add3A_287 : vector<128x128x128xf32>
        %reduce_sum3A_289 = arith.constant dense<0.000000e+00> : vector<128x128xf32>
        %reduce_sum3A_290 = vector.multi_reduction <add>, %abs3A_288, %reduce_sum3A_289 [1] : vector<128x128x128xf32> to vector<128x128xf32>
        %slice3A_291 = vector.extract_strided_slice %transpose3A {offsets = [0, 256], sizes = [128, 128], strides = [1, 1]} : vector<128x1024xf32> to vector<128x128xf32>
        %broadcast_in_dim3A_292 = vector.shape_cast %slice3A_266 : vector<128x128xf32> to vector<128x128x1xf32>
        %broadcast_in_dim3A_293 = vector.shape_cast %slice3A_291 : vector<128x128xf32> to vector<1x128x128xf32>
        %sub3A_294 = vector.broadcast %broadcast_in_dim3A_292 : vector<128x128x1xf32> to vector<128x128x128xf32>
        %sub3A_295 = vector.broadcast %broadcast_in_dim3A_293 : vector<1x128x128xf32> to vector<128x128x128xf32>
        %sub3A_296 = arith.subf %sub3A_294, %sub3A_295 : vector<128x128x128xf32>
        %add3A_297 = arith.constant 9.99999997E-7 : f32
        %add3A_298 = vector.broadcast %add3A_297 : f32 to vector<128x128x128xf32>
        %add3A_299 = arith.addf %sub3A_296, %add3A_298 : vector<128x128x128xf32>
        %abs3A_300 = math.absf %add3A_299 : vector<128x128x128xf32>
        %reduce_sum3A_301 = arith.constant dense<0.000000e+00> : vector<128x128xf32>
        %reduce_sum3A_302 = vector.multi_reduction <add>, %abs3A_300, %reduce_sum3A_301 [1] : vector<128x128x128xf32> to vector<128x128xf32>
        %slice3A_303 = vector.extract_strided_slice %transpose3A {offsets = [0, 384], sizes = [128, 128], strides = [1, 1]} : vector<128x1024xf32> to vector<128x128xf32>
        %broadcast_in_dim3A_304 = vector.shape_cast %slice3A_266 : vector<128x128xf32> to vector<128x128x1xf32>
        %broadcast_in_dim3A_305 = vector.shape_cast %slice3A_303 : vector<128x128xf32> to vector<1x128x128xf32>
        %sub3A_306 = vector.broadcast %broadcast_in_dim3A_304 : vector<128x128x1xf32> to vector<128x128x128xf32>
        %sub3A_307 = vector.broadcast %broadcast_in_dim3A_305 : vector<1x128x128xf32> to vector<128x128x128xf32>
        %sub3A_308 = arith.subf %sub3A_306, %sub3A_307 : vector<128x128x128xf32>
        %add3A_309 = arith.constant 9.99999997E-7 : f32
        %add3A_310 = vector.broadcast %add3A_309 : f32 to vector<128x128x128xf32>
        %add3A_311 = arith.addf %sub3A_308, %add3A_310 : vector<128x128x128xf32>
        %abs3A_312 = math.absf %add3A_311 : vector<128x128x128xf32>
        %reduce_sum3A_313 = arith.constant dense<0.000000e+00> : vector<128x128xf32>
        %reduce_sum3A_314 = vector.multi_reduction <add>, %abs3A_312, %reduce_sum3A_313 [1] : vector<128x128x128xf32> to vector<128x128xf32>
        %slice3A_315 = vector.extract_strided_slice %transpose3A {offsets = [0, 512], sizes = [128, 128], strides = [1, 1]} : vector<128x1024xf32> to vector<128x128xf32>
        %broadcast_in_dim3A_316 = vector.shape_cast %slice3A_266 : vector<128x128xf32> to vector<128x128x1xf32>
        %broadcast_in_dim3A_317 = vector.shape_cast %slice3A_315 : vector<128x128xf32> to vector<1x128x128xf32>
        %sub3A_318 = vector.broadcast %broadcast_in_dim3A_316 : vector<128x128x1xf32> to vector<128x128x128xf32>
        %sub3A_319 = vector.broadcast %broadcast_in_dim3A_317 : vector<1x128x128xf32> to vector<128x128x128xf32>
        %sub3A_320 = arith.subf %sub3A_318, %sub3A_319 : vector<128x128x128xf32>
        %add3A_321 = arith.constant 9.99999997E-7 : f32
        %add3A_322 = vector.broadcast %add3A_321 : f32 to vector<128x128x128xf32>
        %add3A_323 = arith.addf %sub3A_320, %add3A_322 : vector<128x128x128xf32>
        %abs3A_324 = math.absf %add3A_323 : vector<128x128x128xf32>
        %reduce_sum3A_325 = arith.constant dense<0.000000e+00> : vector<128x128xf32>
        %reduce_sum3A_326 = vector.multi_reduction <add>, %abs3A_324, %reduce_sum3A_325 [1] : vector<128x128x128xf32> to vector<128x128xf32>
        %slice3A_327 = vector.extract_strided_slice %transpose3A {offsets = [0, 640], sizes = [128, 128], strides = [1, 1]} : vector<128x1024xf32> to vector<128x128xf32>
        %broadcast_in_dim3A_328 = vector.shape_cast %slice3A_266 : vector<128x128xf32> to vector<128x128x1xf32>
        %broadcast_in_dim3A_329 = vector.shape_cast %slice3A_327 : vector<128x128xf32> to vector<1x128x128xf32>
        %sub3A_330 = vector.broadcast %broadcast_in_dim3A_328 : vector<128x128x1xf32> to vector<128x128x128xf32>
        %sub3A_331 = vector.broadcast %broadcast_in_dim3A_329 : vector<1x128x128xf32> to vector<128x128x128xf32>
        %sub3A_332 = arith.subf %sub3A_330, %sub3A_331 : vector<128x128x128xf32>
        %add3A_333 = arith.constant 9.99999997E-7 : f32
        %add3A_334 = vector.broadcast %add3A_333 : f32 to vector<128x128x128xf32>
        %add3A_335 = arith.addf %sub3A_332, %add3A_334 : vector<128x128x128xf32>
        %abs3A_336 = math.absf %add3A_335 : vector<128x128x128xf32>
        %reduce_sum3A_337 = arith.constant dense<0.000000e+00> : vector<128x128xf32>
        %reduce_sum3A_338 = vector.multi_reduction <add>, %abs3A_336, %reduce_sum3A_337 [1] : vector<128x128x128xf32> to vector<128x128xf32>
        %slice3A_339 = vector.extract_strided_slice %transpose3A {offsets = [0, 768], sizes = [128, 128], strides = [1, 1]} : vector<128x1024xf32> to vector<128x128xf32>
        %broadcast_in_dim3A_340 = vector.shape_cast %slice3A_266 : vector<128x128xf32> to vector<128x128x1xf32>
        %broadcast_in_dim3A_341 = vector.shape_cast %slice3A_339 : vector<128x128xf32> to vector<1x128x128xf32>
        %sub3A_342 = vector.broadcast %broadcast_in_dim3A_340 : vector<128x128x1xf32> to vector<128x128x128xf32>
        %sub3A_343 = vector.broadcast %broadcast_in_dim3A_341 : vector<1x128x128xf32> to vector<128x128x128xf32>
        %sub3A_344 = arith.subf %sub3A_342, %sub3A_343 : vector<128x128x128xf32>
        %add3A_345 = arith.constant 9.99999997E-7 : f32
        %add3A_346 = vector.broadcast %add3A_345 : f32 to vector<128x128x128xf32>
        %add3A_347 = arith.addf %sub3A_344, %add3A_346 : vector<128x128x128xf32>
        %abs3A_348 = math.absf %add3A_347 : vector<128x128x128xf32>
        %reduce_sum3A_349 = arith.constant dense<0.000000e+00> : vector<128x128xf32>
        %reduce_sum3A_350 = vector.multi_reduction <add>, %abs3A_348, %reduce_sum3A_349 [1] : vector<128x128x128xf32> to vector<128x128xf32>
        %slice3A_351 = vector.extract_strided_slice %transpose3A {offsets = [0, 896], sizes = [128, 128], strides = [1, 1]} : vector<128x1024xf32> to vector<128x128xf32>
        %broadcast_in_dim3A_352 = vector.shape_cast %slice3A_266 : vector<128x128xf32> to vector<128x128x1xf32>
        %broadcast_in_dim3A_353 = vector.shape_cast %slice3A_351 : vector<128x128xf32> to vector<1x128x128xf32>
        %sub3A_354 = vector.broadcast %broadcast_in_dim3A_352 : vector<128x128x1xf32> to vector<128x128x128xf32>
        %sub3A_355 = vector.broadcast %broadcast_in_dim3A_353 : vector<1x128x128xf32> to vector<128x128x128xf32>
        %sub3A_356 = arith.subf %sub3A_354, %sub3A_355 : vector<128x128x128xf32>
        %add3A_357 = arith.constant 9.99999997E-7 : f32
        %add3A_358 = vector.broadcast %add3A_357 : f32 to vector<128x128x128xf32>
        %add3A_359 = arith.addf %sub3A_356, %add3A_358 : vector<128x128x128xf32>
        %abs3A_360 = math.absf %add3A_359 : vector<128x128x128xf32>
        %reduce_sum3A_361 = arith.constant dense<0.000000e+00> : vector<128x128xf32>
        %reduce_sum3A_362 = vector.multi_reduction <add>, %abs3A_360, %reduce_sum3A_361 [1] : vector<128x128x128xf32> to vector<128x128xf32>
        %concatenate3A = tpu.concatenate %reduce_sum3A_278, %reduce_sum3A_290, %reduce_sum3A_302, %reduce_sum3A_314, %reduce_sum3A_326, %reduce_sum3A_338, %reduce_sum3A_350, %reduce_sum3A_362 in 1 : vector<128x128xf32>, vector<128x128xf32>, vector<128x128xf32>, vector<128x128xf32>, vector<128x128xf32>, vector<128x128xf32>, vector<128x128xf32>, vector<128x128xf32> -> vector<128x1024xf32>
        %iota3A_363 = tpu.iota {dimensions = array<i32: 0>} : vector<128x1xi32>
        %add3A_364 = arith.constant 0 : i32
        %add3A_365 = vector.broadcast %add3A_364 : i32 to vector<128x1xi32>
        %add3A_366 = arith.addi %add3A_365, %iota3A_363 : vector<128x1xi32>
        %eq3A_367 = vector.broadcast %slice3A_267 : vector<128x1xi32> to vector<128x1024xi32>
        %eq3A_368 = vector.broadcast %get3A_7 : vector<1x1024xi32> to vector<128x1024xi32>
        %eq3A_369 = arith.cmpi eq, %eq3A_367, %eq3A_368 : vector<128x1024xi32>
        %ne3A = vector.broadcast %add3A_366 : vector<128x1xi32> to vector<128x1024xi32>
        %ne3A_370 = arith.cmpi ne, %ne3A, %iota3A_97 : vector<128x1024xi32>
        %and3A = arith.andi %eq3A_369, %ne3A_370 : vector<128x1024xi1>
        %jit3A_371 = arith.constant 3.000000e+38 : f32
        %broadcast_in_dim3A_372 = vector.broadcast %jit3A_371 : f32 to vector<128x1024xf32>
        %select_n3A_373 = arith.select %and3A, %concatenate3A, %broadcast_in_dim3A_372 : vector<128x1024xi1>, vector<128x1024xf32>
        %min3A_374 = arith.constant 2.000000e+01 : f32
        %min3A_375 = vector.broadcast %min3A_374 : f32 to vector<128x1xf32>
        %min3A_376 = arith.minimumf %slice3A, %min3A_375 : vector<128x1xf32>
        %max3A_377 = arith.constant 1.000000e+00 : f32
        %max3A_378 = vector.broadcast %max3A_377 : f32 to vector<128x1xf32>
        %max3A_379 = arith.maximumf %min3A_376, %max3A_378 : vector<128x1xf32>
        %broadcast_in_dim3A_380 = arith.constant 0.000000e+00 : f32
        %broadcast_in_dim3A_381 = vector.broadcast %broadcast_in_dim3A_380 : f32 to vector<128x1024xf32>
        %scan3A = arith.constant 0 : i32
        %scan3A_382 = arith.constant 20 : i32
        %scan3A_383 = arith.addi %scan3A, %scan3A_382 : i32
        %scan3A_384 = arith.constant 1 : i32
        %scan3A_385:2 = scf.for %scan3A_418 = %scan3A to %scan3A_383 step %scan3A_384 iter_args(%scan3A_419 = %select_n3A_373, %scan3A_420 = %broadcast_in_dim3A_381) -> (vector<128x1024xf32>, vector<128x1024xf32>)  : i32 {
          %reduce_min3A = arith.constant dense<0x7F800000> : vector<128xf32>
          %reduce_min3A_421 = vector.multi_reduction <minimumf>, %scan3A_419, %reduce_min3A [1] : vector<128x1024xf32> to vector<128xf32>
          %broadcast_in_dim3A_422 = vector.shape_cast %reduce_min3A_421 : vector<128xf32> to vector<128x1xf32>
          %eq3A_423 = vector.broadcast %broadcast_in_dim3A_422 : vector<128x1xf32> to vector<128x1024xf32>
          %eq3A_424 = arith.cmpf oeq, %scan3A_419, %eq3A_423 : vector<128x1024xf32>
          %jit3A_425 = arith.constant 1073741824 : i32
          %broadcast_in_dim3A_426 = vector.broadcast %jit3A_425 : i32 to vector<128x1024xi32>
          %select_n3A_427 = arith.select %eq3A_424, %iota3A_97, %broadcast_in_dim3A_426 : vector<128x1024xi1>, vector<128x1024xi32>
          %reduce_min3A_428 = arith.constant dense<2147483647> : vector<128xi32>
          %reduce_min3A_429 = vector.multi_reduction <minsi>, %select_n3A_427, %reduce_min3A_428 [1] : vector<128x1024xi32> to vector<128xi32>
          %broadcast_in_dim3A_430 = vector.shape_cast %reduce_min3A_429 : vector<128xi32> to vector<128x1xi32>
          %eq3A_431 = vector.broadcast %broadcast_in_dim3A_430 : vector<128x1xi32> to vector<128x1024xi32>
          %eq3A_432 = arith.cmpi eq, %iota3A_97, %eq3A_431 : vector<128x1024xi32>
          %convert_element_type3A_433 = arith.sitofp %scan3A_418 : i32 to f32
          %lt3A = vector.broadcast %convert_element_type3A_433 : f32 to vector<128x1xf32>
          %lt3A_434 = arith.cmpf olt, %lt3A, %min3A_376 : vector<128x1xf32>
          %and3A_435 = vector.broadcast %lt3A_434 : vector<128x1xi1> to vector<128x1024xi1>
          %and3A_436 = arith.andi %eq3A_432, %and3A_435 : vector<128x1024xi1>
          %jit3A_437 = arith.constant 1.000000e+00 : f32
          %jit3A_438 = arith.constant 0.000000e+00 : f32
          %broadcast_in_dim3A_439 = vector.broadcast %jit3A_437 : f32 to vector<128x1024xf32>
          %broadcast_in_dim3A_440 = vector.broadcast %jit3A_438 : f32 to vector<128x1024xf32>
          %select_n3A_441 = arith.select %and3A_436, %broadcast_in_dim3A_439, %broadcast_in_dim3A_440 : vector<128x1024xi1>, vector<128x1024xf32>
          %add3A_442 = arith.addf %scan3A_420, %select_n3A_441 : vector<128x1024xf32>
          %jit3A_443 = arith.constant 3.000000e+38 : f32
          %broadcast_in_dim3A_444 = vector.broadcast %jit3A_443 : f32 to vector<128x1024xf32>
          %select_n3A_445 = arith.select %eq3A_432, %broadcast_in_dim3A_444, %scan3A_419 : vector<128x1024xi1>, vector<128x1024xf32>
          scf.yield %select_n3A_445, %add3A_442 : vector<128x1024xf32>, vector<128x1024xf32>
        }
        %scan3A_386 = arith.constant 20 : i32
        %dot_general3A_387 = arith.constant dense<0.000000e+00> : vector<128x128xf32>
        %dot_general3A_388 = tpu.matmul %scan3A_385#1, %get3A_1, %dot_general3A_387 {dimension_numbers = #tpu.dot_dimension_numbers<[1], [0], [0], [1], [0, 0, 1, 1], [], []>, precision = #tpu.contract_precision<fp32>, transpose_lhs_hint = false} : vector<128x1024xf32>, vector<1024x128xf32>, vector<128x128xf32> -> vector<128x128xf32>
        %dot_general3A_389 = arith.constant dense<0.000000e+00> : vector<128x1xf32>
        %dot_general3A_390 = tpu.matmul %scan3A_385#1, %broadcast_in_dim3A, %dot_general3A_389 {dimension_numbers = #tpu.dot_dimension_numbers<[1], [0], [0], [1], [0, 0, 1, 1], [], []>, precision = #tpu.contract_precision<fp32>, transpose_lhs_hint = false} : vector<128x1024xf32>, vector<1024x1xf32>, vector<128x1xf32> -> vector<128x1xf32>
        %slice3A_391 = vector.extract_strided_slice %broadcast_in_dim3A {offsets = [0, 0], sizes = [128, 1], strides = [1, 1]} : vector<1024x1xf32> to vector<128x1xf32>
        %mul3A_392 = arith.mulf %min3A_376, %slice3A_391 : vector<128x1xf32>
        %div3A_393 = arith.constant 2.000000e+00 : f32
        %div3A_394 = vector.broadcast %div3A_393 : f32 to vector<128x1xf32>
        %div3A_395 = arith.divf %div3A_394, %max3A_379 : vector<128x1xf32>
        %mul3A_396 = arith.mulf %slice3A_266, %dot_general3A_388 : vector<128x128xf32>
        %reduce_sum3A_397 = arith.constant dense<0.000000e+00> : vector<128xf32>
        %reduce_sum3A_398 = vector.multi_reduction <add>, %mul3A_396, %reduce_sum3A_397 [1] : vector<128x128xf32> to vector<128xf32>
        %broadcast_in_dim3A_399 = vector.shape_cast %reduce_sum3A_398 : vector<128xf32> to vector<128x1xf32>
        %mul3A_400 = arith.mulf %div3A_395, %broadcast_in_dim3A_399 : vector<128x1xf32>
        %sub3A_401 = arith.subf %mul3A_392, %mul3A_400 : vector<128x1xf32>
        %mul3A_402 = arith.mulf %max3A_379, %max3A_379 : vector<128x1xf32>
        %div3A_403 = arith.divf %dot_general3A_390, %mul3A_402 : vector<128x1xf32>
        %add3A_404 = arith.addf %sub3A_401, %div3A_403 : vector<128x1xf32>
        %slice3A_405 = vector.extract_strided_slice %add3A_96 {offsets = [0, 0], sizes = [128, 1], strides = [1, 1]} : vector<1024x1xf32> to vector<128x1xf32>
        %gt3A_406 = arith.constant 2.000000e+01 : f32
        %gt3A_407 = vector.broadcast %gt3A_406 : f32 to vector<128x1xf32>
        %gt3A_408 = arith.cmpf ogt, %slice3A, %gt3A_407 : vector<128x1xf32>
        %sub3A_409 = arith.subf %add3A_404, %slice3A_405 : vector<128x1xf32>
        %jit3A_410 = arith.constant 0.000000e+00 : f32
        %broadcast_in_dim3A_411 = vector.broadcast %jit3A_410 : f32 to vector<128x1xf32>
        %select_n3A_412 = arith.select %gt3A_408, %sub3A_409, %broadcast_in_dim3A_411 : vector<128x1xi1>, vector<128x1xf32>
        %reduce_sum3A_413 = vector.shape_cast %select_n3A_412 : vector<128x1xf32> to vector<1x128x1xf32>
        %reduce_sum3A_414 = arith.constant dense<0.000000e+00> : vector<1xf32>
        %reduce_sum3A_415 = vector.multi_reduction <add>, %reduce_sum3A_413, %reduce_sum3A_414 [1, 2] : vector<1x128x1xf32> to vector<1xf32>
        %reduce_sum3A_416 = vector.shape_cast %reduce_sum3A_415 : vector<1xf32> to vector<1x1x1xf32>
        %reduce_sum3A_417 = vector.extract %reduce_sum3A_416[0, 0, 0] : f32 from vector<1x1x1xf32>
        scf.yield %reduce_sum3A_417 : f32
      } else {
        %cond3A_266 = arith.constant 0.000000e+00 : f32
        scf.yield %cond3A_266 : f32
      }
      %add3A_117 = arith.constant 0.000000e+00 : f32
      %add3A_118 = arith.addf %add3A_117, %cond3A_116 : f32
      %slice3A_119 = vector.extract_strided_slice %sub3A_23 {offsets = [128, 0], sizes = [128, 1], strides = [1, 1]} : vector<1024x1xf32> to vector<128x1xf32>
      %gt3A_120 = arith.constant 2.000000e+01 : f32
      %gt3A_121 = vector.broadcast %gt3A_120 : f32 to vector<128x1xf32>
      %gt3A_122 = arith.cmpf ogt, %slice3A_119, %gt3A_121 : vector<128x1xf32>
      %reduce_or3A_123 = arith.constant 1.000000e+00 : f32
      %reduce_or3A_124 = arith.constant 0.000000e+00 : f32
      %reduce_or3A_125 = vector.broadcast %reduce_or3A_123 : f32 to vector<128x1xf32>
      %reduce_or3A_126 = vector.broadcast %reduce_or3A_124 : f32 to vector<128x1xf32>
      %reduce_or3A_127 = arith.select %gt3A_122, %reduce_or3A_125, %reduce_or3A_126 : vector<128x1xi1>, vector<128x1xf32>
      %reduce_or3A_128 = vector.shape_cast %reduce_or3A_127 : vector<128x1xf32> to vector<1x128x1xf32>
      %reduce_or3A_129 = arith.constant dense<0xFF800000> : vector<1xf32>
      %reduce_or3A_130 = vector.multi_reduction <maximumf>, %reduce_or3A_128, %reduce_or3A_129 [1, 2] : vector<1x128x1xf32> to vector<1xf32>
      %reduce_or3A_131 = vector.shape_cast %reduce_or3A_130 : vector<1xf32> to vector<1x1x1xf32>
      %reduce_or3A_132 = vector.extract %reduce_or3A_131[0, 0, 0] : f32 from vector<1x1x1xf32>
      %reduce_or3A_133 = arith.constant 0.000000e+00 : f32
      %reduce_or3A_134 = arith.cmpf ogt, %reduce_or3A_132, %reduce_or3A_133 : f32
      %convert_element_type3A_135 = arith.extui %reduce_or3A_134 : i1 to i32
      %cond3A_136 = arith.constant 0 : i32
      %cond3A_137 = arith.cmpi ne, %convert_element_type3A_135, %cond3A_136 : i32
      %cond3A_138 = scf.if %cond3A_137 -> (f32) {
        %slice3A_266 = vector.extract_strided_slice %get3A_1 {offsets = [128, 0], sizes = [128, 128], strides = [1, 1]} : vector<1024x128xf32> to vector<128x128xf32>
        %slice3A_267 = vector.extract_strided_slice %get3A_4 {offsets = [128, 0], sizes = [128, 1], strides = [1, 1]} : vector<1024x1xi32> to vector<128x1xi32>
        %slice3A_268 = vector.extract_strided_slice %transpose3A {offsets = [0, 0], sizes = [128, 128], strides = [1, 1]} : vector<128x1024xf32> to vector<128x128xf32>
        %broadcast_in_dim3A_269 = vector.shape_cast %slice3A_266 : vector<128x128xf32> to vector<128x128x1xf32>
        %broadcast_in_dim3A_270 = vector.shape_cast %slice3A_268 : vector<128x128xf32> to vector<1x128x128xf32>
        %sub3A_271 = vector.broadcast %broadcast_in_dim3A_269 : vector<128x128x1xf32> to vector<128x128x128xf32>
        %sub3A_272 = vector.broadcast %broadcast_in_dim3A_270 : vector<1x128x128xf32> to vector<128x128x128xf32>
        %sub3A_273 = arith.subf %sub3A_271, %sub3A_272 : vector<128x128x128xf32>
        %add3A_274 = arith.constant 9.99999997E-7 : f32
        %add3A_275 = vector.broadcast %add3A_274 : f32 to vector<128x128x128xf32>
        %add3A_276 = arith.addf %sub3A_273, %add3A_275 : vector<128x128x128xf32>
        %abs3A = math.absf %add3A_276 : vector<128x128x128xf32>
        %reduce_sum3A_277 = arith.constant dense<0.000000e+00> : vector<128x128xf32>
        %reduce_sum3A_278 = vector.multi_reduction <add>, %abs3A, %reduce_sum3A_277 [1] : vector<128x128x128xf32> to vector<128x128xf32>
        %slice3A_279 = vector.extract_strided_slice %transpose3A {offsets = [0, 128], sizes = [128, 128], strides = [1, 1]} : vector<128x1024xf32> to vector<128x128xf32>
        %broadcast_in_dim3A_280 = vector.shape_cast %slice3A_266 : vector<128x128xf32> to vector<128x128x1xf32>
        %broadcast_in_dim3A_281 = vector.shape_cast %slice3A_279 : vector<128x128xf32> to vector<1x128x128xf32>
        %sub3A_282 = vector.broadcast %broadcast_in_dim3A_280 : vector<128x128x1xf32> to vector<128x128x128xf32>
        %sub3A_283 = vector.broadcast %broadcast_in_dim3A_281 : vector<1x128x128xf32> to vector<128x128x128xf32>
        %sub3A_284 = arith.subf %sub3A_282, %sub3A_283 : vector<128x128x128xf32>
        %add3A_285 = arith.constant 9.99999997E-7 : f32
        %add3A_286 = vector.broadcast %add3A_285 : f32 to vector<128x128x128xf32>
        %add3A_287 = arith.addf %sub3A_284, %add3A_286 : vector<128x128x128xf32>
        %abs3A_288 = math.absf %add3A_287 : vector<128x128x128xf32>
        %reduce_sum3A_289 = arith.constant dense<0.000000e+00> : vector<128x128xf32>
        %reduce_sum3A_290 = vector.multi_reduction <add>, %abs3A_288, %reduce_sum3A_289 [1] : vector<128x128x128xf32> to vector<128x128xf32>
        %slice3A_291 = vector.extract_strided_slice %transpose3A {offsets = [0, 256], sizes = [128, 128], strides = [1, 1]} : vector<128x1024xf32> to vector<128x128xf32>
        %broadcast_in_dim3A_292 = vector.shape_cast %slice3A_266 : vector<128x128xf32> to vector<128x128x1xf32>
        %broadcast_in_dim3A_293 = vector.shape_cast %slice3A_291 : vector<128x128xf32> to vector<1x128x128xf32>
        %sub3A_294 = vector.broadcast %broadcast_in_dim3A_292 : vector<128x128x1xf32> to vector<128x128x128xf32>
        %sub3A_295 = vector.broadcast %broadcast_in_dim3A_293 : vector<1x128x128xf32> to vector<128x128x128xf32>
        %sub3A_296 = arith.subf %sub3A_294, %sub3A_295 : vector<128x128x128xf32>
        %add3A_297 = arith.constant 9.99999997E-7 : f32
        %add3A_298 = vector.broadcast %add3A_297 : f32 to vector<128x128x128xf32>
        %add3A_299 = arith.addf %sub3A_296, %add3A_298 : vector<128x128x128xf32>
        %abs3A_300 = math.absf %add3A_299 : vector<128x128x128xf32>
        %reduce_sum3A_301 = arith.constant dense<0.000000e+00> : vector<128x128xf32>
        %reduce_sum3A_302 = vector.multi_reduction <add>, %abs3A_300, %reduce_sum3A_301 [1] : vector<128x128x128xf32> to vector<128x128xf32>
        %slice3A_303 = vector.extract_strided_slice %transpose3A {offsets = [0, 384], sizes = [128, 128], strides = [1, 1]} : vector<128x1024xf32> to vector<128x128xf32>
        %broadcast_in_dim3A_304 = vector.shape_cast %slice3A_266 : vector<128x128xf32> to vector<128x128x1xf32>
        %broadcast_in_dim3A_305 = vector.shape_cast %slice3A_303 : vector<128x128xf32> to vector<1x128x128xf32>
        %sub3A_306 = vector.broadcast %broadcast_in_dim3A_304 : vector<128x128x1xf32> to vector<128x128x128xf32>
        %sub3A_307 = vector.broadcast %broadcast_in_dim3A_305 : vector<1x128x128xf32> to vector<128x128x128xf32>
        %sub3A_308 = arith.subf %sub3A_306, %sub3A_307 : vector<128x128x128xf32>
        %add3A_309 = arith.constant 9.99999997E-7 : f32
        %add3A_310 = vector.broadcast %add3A_309 : f32 to vector<128x128x128xf32>
        %add3A_311 = arith.addf %sub3A_308, %add3A_310 : vector<128x128x128xf32>
        %abs3A_312 = math.absf %add3A_311 : vector<128x128x128xf32>
        %reduce_sum3A_313 = arith.constant dense<0.000000e+00> : vector<128x128xf32>
        %reduce_sum3A_314 = vector.multi_reduction <add>, %abs3A_312, %reduce_sum3A_313 [1] : vector<128x128x128xf32> to vector<128x128xf32>
        %slice3A_315 = vector.extract_strided_slice %transpose3A {offsets = [0, 512], sizes = [128, 128], strides = [1, 1]} : vector<128x1024xf32> to vector<128x128xf32>
        %broadcast_in_dim3A_316 = vector.shape_cast %slice3A_266 : vector<128x128xf32> to vector<128x128x1xf32>
        %broadcast_in_dim3A_317 = vector.shape_cast %slice3A_315 : vector<128x128xf32> to vector<1x128x128xf32>
        %sub3A_318 = vector.broadcast %broadcast_in_dim3A_316 : vector<128x128x1xf32> to vector<128x128x128xf32>
        %sub3A_319 = vector.broadcast %broadcast_in_dim3A_317 : vector<1x128x128xf32> to vector<128x128x128xf32>
        %sub3A_320 = arith.subf %sub3A_318, %sub3A_319 : vector<128x128x128xf32>
        %add3A_321 = arith.constant 9.99999997E-7 : f32
        %add3A_322 = vector.broadcast %add3A_321 : f32 to vector<128x128x128xf32>
        %add3A_323 = arith.addf %sub3A_320, %add3A_322 : vector<128x128x128xf32>
        %abs3A_324 = math.absf %add3A_323 : vector<128x128x128xf32>
        %reduce_sum3A_325 = arith.constant dense<0.000000e+00> : vector<128x128xf32>
        %reduce_sum3A_326 = vector.multi_reduction <add>, %abs3A_324, %reduce_sum3A_325 [1] : vector<128x128x128xf32> to vector<128x128xf32>
        %slice3A_327 = vector.extract_strided_slice %transpose3A {offsets = [0, 640], sizes = [128, 128], strides = [1, 1]} : vector<128x1024xf32> to vector<128x128xf32>
        %broadcast_in_dim3A_328 = vector.shape_cast %slice3A_266 : vector<128x128xf32> to vector<128x128x1xf32>
        %broadcast_in_dim3A_329 = vector.shape_cast %slice3A_327 : vector<128x128xf32> to vector<1x128x128xf32>
        %sub3A_330 = vector.broadcast %broadcast_in_dim3A_328 : vector<128x128x1xf32> to vector<128x128x128xf32>
        %sub3A_331 = vector.broadcast %broadcast_in_dim3A_329 : vector<1x128x128xf32> to vector<128x128x128xf32>
        %sub3A_332 = arith.subf %sub3A_330, %sub3A_331 : vector<128x128x128xf32>
        %add3A_333 = arith.constant 9.99999997E-7 : f32
        %add3A_334 = vector.broadcast %add3A_333 : f32 to vector<128x128x128xf32>
        %add3A_335 = arith.addf %sub3A_332, %add3A_334 : vector<128x128x128xf32>
        %abs3A_336 = math.absf %add3A_335 : vector<128x128x128xf32>
        %reduce_sum3A_337 = arith.constant dense<0.000000e+00> : vector<128x128xf32>
        %reduce_sum3A_338 = vector.multi_reduction <add>, %abs3A_336, %reduce_sum3A_337 [1] : vector<128x128x128xf32> to vector<128x128xf32>
        %slice3A_339 = vector.extract_strided_slice %transpose3A {offsets = [0, 768], sizes = [128, 128], strides = [1, 1]} : vector<128x1024xf32> to vector<128x128xf32>
        %broadcast_in_dim3A_340 = vector.shape_cast %slice3A_266 : vector<128x128xf32> to vector<128x128x1xf32>
        %broadcast_in_dim3A_341 = vector.shape_cast %slice3A_339 : vector<128x128xf32> to vector<1x128x128xf32>
        %sub3A_342 = vector.broadcast %broadcast_in_dim3A_340 : vector<128x128x1xf32> to vector<128x128x128xf32>
        %sub3A_343 = vector.broadcast %broadcast_in_dim3A_341 : vector<1x128x128xf32> to vector<128x128x128xf32>
        %sub3A_344 = arith.subf %sub3A_342, %sub3A_343 : vector<128x128x128xf32>
        %add3A_345 = arith.constant 9.99999997E-7 : f32
        %add3A_346 = vector.broadcast %add3A_345 : f32 to vector<128x128x128xf32>
        %add3A_347 = arith.addf %sub3A_344, %add3A_346 : vector<128x128x128xf32>
        %abs3A_348 = math.absf %add3A_347 : vector<128x128x128xf32>
        %reduce_sum3A_349 = arith.constant dense<0.000000e+00> : vector<128x128xf32>
        %reduce_sum3A_350 = vector.multi_reduction <add>, %abs3A_348, %reduce_sum3A_349 [1] : vector<128x128x128xf32> to vector<128x128xf32>
        %slice3A_351 = vector.extract_strided_slice %transpose3A {offsets = [0, 896], sizes = [128, 128], strides = [1, 1]} : vector<128x1024xf32> to vector<128x128xf32>
        %broadcast_in_dim3A_352 = vector.shape_cast %slice3A_266 : vector<128x128xf32> to vector<128x128x1xf32>
        %broadcast_in_dim3A_353 = vector.shape_cast %slice3A_351 : vector<128x128xf32> to vector<1x128x128xf32>
        %sub3A_354 = vector.broadcast %broadcast_in_dim3A_352 : vector<128x128x1xf32> to vector<128x128x128xf32>
        %sub3A_355 = vector.broadcast %broadcast_in_dim3A_353 : vector<1x128x128xf32> to vector<128x128x128xf32>
        %sub3A_356 = arith.subf %sub3A_354, %sub3A_355 : vector<128x128x128xf32>
        %add3A_357 = arith.constant 9.99999997E-7 : f32
        %add3A_358 = vector.broadcast %add3A_357 : f32 to vector<128x128x128xf32>
        %add3A_359 = arith.addf %sub3A_356, %add3A_358 : vector<128x128x128xf32>
        %abs3A_360 = math.absf %add3A_359 : vector<128x128x128xf32>
        %reduce_sum3A_361 = arith.constant dense<0.000000e+00> : vector<128x128xf32>
        %reduce_sum3A_362 = vector.multi_reduction <add>, %abs3A_360, %reduce_sum3A_361 [1] : vector<128x128x128xf32> to vector<128x128xf32>
        %concatenate3A = tpu.concatenate %reduce_sum3A_278, %reduce_sum3A_290, %reduce_sum3A_302, %reduce_sum3A_314, %reduce_sum3A_326, %reduce_sum3A_338, %reduce_sum3A_350, %reduce_sum3A_362 in 1 : vector<128x128xf32>, vector<128x128xf32>, vector<128x128xf32>, vector<128x128xf32>, vector<128x128xf32>, vector<128x128xf32>, vector<128x128xf32>, vector<128x128xf32> -> vector<128x1024xf32>
        %iota3A_363 = tpu.iota {dimensions = array<i32: 0>} : vector<128x1xi32>
        %add3A_364 = arith.constant 128 : i32
        %add3A_365 = vector.broadcast %add3A_364 : i32 to vector<128x1xi32>
        %add3A_366 = arith.addi %add3A_365, %iota3A_363 : vector<128x1xi32>
        %eq3A_367 = vector.broadcast %slice3A_267 : vector<128x1xi32> to vector<128x1024xi32>
        %eq3A_368 = vector.broadcast %get3A_7 : vector<1x1024xi32> to vector<128x1024xi32>
        %eq3A_369 = arith.cmpi eq, %eq3A_367, %eq3A_368 : vector<128x1024xi32>
        %ne3A = vector.broadcast %add3A_366 : vector<128x1xi32> to vector<128x1024xi32>
        %ne3A_370 = arith.cmpi ne, %ne3A, %iota3A_97 : vector<128x1024xi32>
        %and3A = arith.andi %eq3A_369, %ne3A_370 : vector<128x1024xi1>
        %jit3A_371 = arith.constant 3.000000e+38 : f32
        %broadcast_in_dim3A_372 = vector.broadcast %jit3A_371 : f32 to vector<128x1024xf32>
        %select_n3A_373 = arith.select %and3A, %concatenate3A, %broadcast_in_dim3A_372 : vector<128x1024xi1>, vector<128x1024xf32>
        %min3A_374 = arith.constant 2.000000e+01 : f32
        %min3A_375 = vector.broadcast %min3A_374 : f32 to vector<128x1xf32>
        %min3A_376 = arith.minimumf %slice3A_119, %min3A_375 : vector<128x1xf32>
        %max3A_377 = arith.constant 1.000000e+00 : f32
        %max3A_378 = vector.broadcast %max3A_377 : f32 to vector<128x1xf32>
        %max3A_379 = arith.maximumf %min3A_376, %max3A_378 : vector<128x1xf32>
        %broadcast_in_dim3A_380 = arith.constant 0.000000e+00 : f32
        %broadcast_in_dim3A_381 = vector.broadcast %broadcast_in_dim3A_380 : f32 to vector<128x1024xf32>
        %scan3A = arith.constant 0 : i32
        %scan3A_382 = arith.constant 20 : i32
        %scan3A_383 = arith.addi %scan3A, %scan3A_382 : i32
        %scan3A_384 = arith.constant 1 : i32
        %scan3A_385:2 = scf.for %scan3A_418 = %scan3A to %scan3A_383 step %scan3A_384 iter_args(%scan3A_419 = %select_n3A_373, %scan3A_420 = %broadcast_in_dim3A_381) -> (vector<128x1024xf32>, vector<128x1024xf32>)  : i32 {
          %reduce_min3A = arith.constant dense<0x7F800000> : vector<128xf32>
          %reduce_min3A_421 = vector.multi_reduction <minimumf>, %scan3A_419, %reduce_min3A [1] : vector<128x1024xf32> to vector<128xf32>
          %broadcast_in_dim3A_422 = vector.shape_cast %reduce_min3A_421 : vector<128xf32> to vector<128x1xf32>
          %eq3A_423 = vector.broadcast %broadcast_in_dim3A_422 : vector<128x1xf32> to vector<128x1024xf32>
          %eq3A_424 = arith.cmpf oeq, %scan3A_419, %eq3A_423 : vector<128x1024xf32>
          %jit3A_425 = arith.constant 1073741824 : i32
          %broadcast_in_dim3A_426 = vector.broadcast %jit3A_425 : i32 to vector<128x1024xi32>
          %select_n3A_427 = arith.select %eq3A_424, %iota3A_97, %broadcast_in_dim3A_426 : vector<128x1024xi1>, vector<128x1024xi32>
          %reduce_min3A_428 = arith.constant dense<2147483647> : vector<128xi32>
          %reduce_min3A_429 = vector.multi_reduction <minsi>, %select_n3A_427, %reduce_min3A_428 [1] : vector<128x1024xi32> to vector<128xi32>
          %broadcast_in_dim3A_430 = vector.shape_cast %reduce_min3A_429 : vector<128xi32> to vector<128x1xi32>
          %eq3A_431 = vector.broadcast %broadcast_in_dim3A_430 : vector<128x1xi32> to vector<128x1024xi32>
          %eq3A_432 = arith.cmpi eq, %iota3A_97, %eq3A_431 : vector<128x1024xi32>
          %convert_element_type3A_433 = arith.sitofp %scan3A_418 : i32 to f32
          %lt3A = vector.broadcast %convert_element_type3A_433 : f32 to vector<128x1xf32>
          %lt3A_434 = arith.cmpf olt, %lt3A, %min3A_376 : vector<128x1xf32>
          %and3A_435 = vector.broadcast %lt3A_434 : vector<128x1xi1> to vector<128x1024xi1>
          %and3A_436 = arith.andi %eq3A_432, %and3A_435 : vector<128x1024xi1>
          %jit3A_437 = arith.constant 1.000000e+00 : f32
          %jit3A_438 = arith.constant 0.000000e+00 : f32
          %broadcast_in_dim3A_439 = vector.broadcast %jit3A_437 : f32 to vector<128x1024xf32>
          %broadcast_in_dim3A_440 = vector.broadcast %jit3A_438 : f32 to vector<128x1024xf32>
          %select_n3A_441 = arith.select %and3A_436, %broadcast_in_dim3A_439, %broadcast_in_dim3A_440 : vector<128x1024xi1>, vector<128x1024xf32>
          %add3A_442 = arith.addf %scan3A_420, %select_n3A_441 : vector<128x1024xf32>
          %jit3A_443 = arith.constant 3.000000e+38 : f32
          %broadcast_in_dim3A_444 = vector.broadcast %jit3A_443 : f32 to vector<128x1024xf32>
          %select_n3A_445 = arith.select %eq3A_432, %broadcast_in_dim3A_444, %scan3A_419 : vector<128x1024xi1>, vector<128x1024xf32>
          scf.yield %select_n3A_445, %add3A_442 : vector<128x1024xf32>, vector<128x1024xf32>
        }
        %scan3A_386 = arith.constant 20 : i32
        %dot_general3A_387 = arith.constant dense<0.000000e+00> : vector<128x128xf32>
        %dot_general3A_388 = tpu.matmul %scan3A_385#1, %get3A_1, %dot_general3A_387 {dimension_numbers = #tpu.dot_dimension_numbers<[1], [0], [0], [1], [0, 0, 1, 1], [], []>, precision = #tpu.contract_precision<fp32>, transpose_lhs_hint = false} : vector<128x1024xf32>, vector<1024x128xf32>, vector<128x128xf32> -> vector<128x128xf32>
        %dot_general3A_389 = arith.constant dense<0.000000e+00> : vector<128x1xf32>
        %dot_general3A_390 = tpu.matmul %scan3A_385#1, %broadcast_in_dim3A, %dot_general3A_389 {dimension_numbers = #tpu.dot_dimension_numbers<[1], [0], [0], [1], [0, 0, 1, 1], [], []>, precision = #tpu.contract_precision<fp32>, transpose_lhs_hint = false} : vector<128x1024xf32>, vector<1024x1xf32>, vector<128x1xf32> -> vector<128x1xf32>
        %slice3A_391 = vector.extract_strided_slice %broadcast_in_dim3A {offsets = [128, 0], sizes = [128, 1], strides = [1, 1]} : vector<1024x1xf32> to vector<128x1xf32>
        %mul3A_392 = arith.mulf %min3A_376, %slice3A_391 : vector<128x1xf32>
        %div3A_393 = arith.constant 2.000000e+00 : f32
        %div3A_394 = vector.broadcast %div3A_393 : f32 to vector<128x1xf32>
        %div3A_395 = arith.divf %div3A_394, %max3A_379 : vector<128x1xf32>
        %mul3A_396 = arith.mulf %slice3A_266, %dot_general3A_388 : vector<128x128xf32>
        %reduce_sum3A_397 = arith.constant dense<0.000000e+00> : vector<128xf32>
        %reduce_sum3A_398 = vector.multi_reduction <add>, %mul3A_396, %reduce_sum3A_397 [1] : vector<128x128xf32> to vector<128xf32>
        %broadcast_in_dim3A_399 = vector.shape_cast %reduce_sum3A_398 : vector<128xf32> to vector<128x1xf32>
        %mul3A_400 = arith.mulf %div3A_395, %broadcast_in_dim3A_399 : vector<128x1xf32>
        %sub3A_401 = arith.subf %mul3A_392, %mul3A_400 : vector<128x1xf32>
        %mul3A_402 = arith.mulf %max3A_379, %max3A_379 : vector<128x1xf32>
        %div3A_403 = arith.divf %dot_general3A_390, %mul3A_402 : vector<128x1xf32>
        %add3A_404 = arith.addf %sub3A_401, %div3A_403 : vector<128x1xf32>
        %slice3A_405 = vector.extract_strided_slice %add3A_96 {offsets = [128, 0], sizes = [128, 1], strides = [1, 1]} : vector<1024x1xf32> to vector<128x1xf32>
        %gt3A_406 = arith.constant 2.000000e+01 : f32
        %gt3A_407 = vector.broadcast %gt3A_406 : f32 to vector<128x1xf32>
        %gt3A_408 = arith.cmpf ogt, %slice3A_119, %gt3A_407 : vector<128x1xf32>
        %sub3A_409 = arith.subf %add3A_404, %slice3A_405 : vector<128x1xf32>
        %jit3A_410 = arith.constant 0.000000e+00 : f32
        %broadcast_in_dim3A_411 = vector.broadcast %jit3A_410 : f32 to vector<128x1xf32>
        %select_n3A_412 = arith.select %gt3A_408, %sub3A_409, %broadcast_in_dim3A_411 : vector<128x1xi1>, vector<128x1xf32>
        %reduce_sum3A_413 = vector.shape_cast %select_n3A_412 : vector<128x1xf32> to vector<1x128x1xf32>
        %reduce_sum3A_414 = arith.constant dense<0.000000e+00> : vector<1xf32>
        %reduce_sum3A_415 = vector.multi_reduction <add>, %reduce_sum3A_413, %reduce_sum3A_414 [1, 2] : vector<1x128x1xf32> to vector<1xf32>
        %reduce_sum3A_416 = vector.shape_cast %reduce_sum3A_415 : vector<1xf32> to vector<1x1x1xf32>
        %reduce_sum3A_417 = vector.extract %reduce_sum3A_416[0, 0, 0] : f32 from vector<1x1x1xf32>
        scf.yield %reduce_sum3A_417 : f32
      } else {
        %cond3A_266 = arith.constant 0.000000e+00 : f32
        scf.yield %cond3A_266 : f32
      }
      %add3A_139 = arith.addf %add3A_118, %cond3A_138 : f32
      %slice3A_140 = vector.extract_strided_slice %sub3A_23 {offsets = [256, 0], sizes = [128, 1], strides = [1, 1]} : vector<1024x1xf32> to vector<128x1xf32>
      %gt3A_141 = arith.constant 2.000000e+01 : f32
      %gt3A_142 = vector.broadcast %gt3A_141 : f32 to vector<128x1xf32>
      %gt3A_143 = arith.cmpf ogt, %slice3A_140, %gt3A_142 : vector<128x1xf32>
      %reduce_or3A_144 = arith.constant 1.000000e+00 : f32
      %reduce_or3A_145 = arith.constant 0.000000e+00 : f32
      %reduce_or3A_146 = vector.broadcast %reduce_or3A_144 : f32 to vector<128x1xf32>
      %reduce_or3A_147 = vector.broadcast %reduce_or3A_145 : f32 to vector<128x1xf32>
      %reduce_or3A_148 = arith.select %gt3A_143, %reduce_or3A_146, %reduce_or3A_147 : vector<128x1xi1>, vector<128x1xf32>
      %reduce_or3A_149 = vector.shape_cast %reduce_or3A_148 : vector<128x1xf32> to vector<1x128x1xf32>
      %reduce_or3A_150 = arith.constant dense<0xFF800000> : vector<1xf32>
      %reduce_or3A_151 = vector.multi_reduction <maximumf>, %reduce_or3A_149, %reduce_or3A_150 [1, 2] : vector<1x128x1xf32> to vector<1xf32>
      %reduce_or3A_152 = vector.shape_cast %reduce_or3A_151 : vector<1xf32> to vector<1x1x1xf32>
      %reduce_or3A_153 = vector.extract %reduce_or3A_152[0, 0, 0] : f32 from vector<1x1x1xf32>
      %reduce_or3A_154 = arith.constant 0.000000e+00 : f32
      %reduce_or3A_155 = arith.cmpf ogt, %reduce_or3A_153, %reduce_or3A_154 : f32
      %convert_element_type3A_156 = arith.extui %reduce_or3A_155 : i1 to i32
      %cond3A_157 = arith.constant 0 : i32
      %cond3A_158 = arith.cmpi ne, %convert_element_type3A_156, %cond3A_157 : i32
      %cond3A_159 = scf.if %cond3A_158 -> (f32) {
        %slice3A_266 = vector.extract_strided_slice %get3A_1 {offsets = [256, 0], sizes = [128, 128], strides = [1, 1]} : vector<1024x128xf32> to vector<128x128xf32>
        %slice3A_267 = vector.extract_strided_slice %get3A_4 {offsets = [256, 0], sizes = [128, 1], strides = [1, 1]} : vector<1024x1xi32> to vector<128x1xi32>
        %slice3A_268 = vector.extract_strided_slice %transpose3A {offsets = [0, 0], sizes = [128, 128], strides = [1, 1]} : vector<128x1024xf32> to vector<128x128xf32>
        %broadcast_in_dim3A_269 = vector.shape_cast %slice3A_266 : vector<128x128xf32> to vector<128x128x1xf32>
        %broadcast_in_dim3A_270 = vector.shape_cast %slice3A_268 : vector<128x128xf32> to vector<1x128x128xf32>
        %sub3A_271 = vector.broadcast %broadcast_in_dim3A_269 : vector<128x128x1xf32> to vector<128x128x128xf32>
        %sub3A_272 = vector.broadcast %broadcast_in_dim3A_270 : vector<1x128x128xf32> to vector<128x128x128xf32>
        %sub3A_273 = arith.subf %sub3A_271, %sub3A_272 : vector<128x128x128xf32>
        %add3A_274 = arith.constant 9.99999997E-7 : f32
        %add3A_275 = vector.broadcast %add3A_274 : f32 to vector<128x128x128xf32>
        %add3A_276 = arith.addf %sub3A_273, %add3A_275 : vector<128x128x128xf32>
        %abs3A = math.absf %add3A_276 : vector<128x128x128xf32>
        %reduce_sum3A_277 = arith.constant dense<0.000000e+00> : vector<128x128xf32>
        %reduce_sum3A_278 = vector.multi_reduction <add>, %abs3A, %reduce_sum3A_277 [1] : vector<128x128x128xf32> to vector<128x128xf32>
        %slice3A_279 = vector.extract_strided_slice %transpose3A {offsets = [0, 128], sizes = [128, 128], strides = [1, 1]} : vector<128x1024xf32> to vector<128x128xf32>
        %broadcast_in_dim3A_280 = vector.shape_cast %slice3A_266 : vector<128x128xf32> to vector<128x128x1xf32>
        %broadcast_in_dim3A_281 = vector.shape_cast %slice3A_279 : vector<128x128xf32> to vector<1x128x128xf32>
        %sub3A_282 = vector.broadcast %broadcast_in_dim3A_280 : vector<128x128x1xf32> to vector<128x128x128xf32>
        %sub3A_283 = vector.broadcast %broadcast_in_dim3A_281 : vector<1x128x128xf32> to vector<128x128x128xf32>
        %sub3A_284 = arith.subf %sub3A_282, %sub3A_283 : vector<128x128x128xf32>
        %add3A_285 = arith.constant 9.99999997E-7 : f32
        %add3A_286 = vector.broadcast %add3A_285 : f32 to vector<128x128x128xf32>
        %add3A_287 = arith.addf %sub3A_284, %add3A_286 : vector<128x128x128xf32>
        %abs3A_288 = math.absf %add3A_287 : vector<128x128x128xf32>
        %reduce_sum3A_289 = arith.constant dense<0.000000e+00> : vector<128x128xf32>
        %reduce_sum3A_290 = vector.multi_reduction <add>, %abs3A_288, %reduce_sum3A_289 [1] : vector<128x128x128xf32> to vector<128x128xf32>
        %slice3A_291 = vector.extract_strided_slice %transpose3A {offsets = [0, 256], sizes = [128, 128], strides = [1, 1]} : vector<128x1024xf32> to vector<128x128xf32>
        %broadcast_in_dim3A_292 = vector.shape_cast %slice3A_266 : vector<128x128xf32> to vector<128x128x1xf32>
        %broadcast_in_dim3A_293 = vector.shape_cast %slice3A_291 : vector<128x128xf32> to vector<1x128x128xf32>
        %sub3A_294 = vector.broadcast %broadcast_in_dim3A_292 : vector<128x128x1xf32> to vector<128x128x128xf32>
        %sub3A_295 = vector.broadcast %broadcast_in_dim3A_293 : vector<1x128x128xf32> to vector<128x128x128xf32>
        %sub3A_296 = arith.subf %sub3A_294, %sub3A_295 : vector<128x128x128xf32>
        %add3A_297 = arith.constant 9.99999997E-7 : f32
        %add3A_298 = vector.broadcast %add3A_297 : f32 to vector<128x128x128xf32>
        %add3A_299 = arith.addf %sub3A_296, %add3A_298 : vector<128x128x128xf32>
        %abs3A_300 = math.absf %add3A_299 : vector<128x128x128xf32>
        %reduce_sum3A_301 = arith.constant dense<0.000000e+00> : vector<128x128xf32>
        %reduce_sum3A_302 = vector.multi_reduction <add>, %abs3A_300, %reduce_sum3A_301 [1] : vector<128x128x128xf32> to vector<128x128xf32>
        %slice3A_303 = vector.extract_strided_slice %transpose3A {offsets = [0, 384], sizes = [128, 128], strides = [1, 1]} : vector<128x1024xf32> to vector<128x128xf32>
        %broadcast_in_dim3A_304 = vector.shape_cast %slice3A_266 : vector<128x128xf32> to vector<128x128x1xf32>
        %broadcast_in_dim3A_305 = vector.shape_cast %slice3A_303 : vector<128x128xf32> to vector<1x128x128xf32>
        %sub3A_306 = vector.broadcast %broadcast_in_dim3A_304 : vector<128x128x1xf32> to vector<128x128x128xf32>
        %sub3A_307 = vector.broadcast %broadcast_in_dim3A_305 : vector<1x128x128xf32> to vector<128x128x128xf32>
        %sub3A_308 = arith.subf %sub3A_306, %sub3A_307 : vector<128x128x128xf32>
        %add3A_309 = arith.constant 9.99999997E-7 : f32
        %add3A_310 = vector.broadcast %add3A_309 : f32 to vector<128x128x128xf32>
        %add3A_311 = arith.addf %sub3A_308, %add3A_310 : vector<128x128x128xf32>
        %abs3A_312 = math.absf %add3A_311 : vector<128x128x128xf32>
        %reduce_sum3A_313 = arith.constant dense<0.000000e+00> : vector<128x128xf32>
        %reduce_sum3A_314 = vector.multi_reduction <add>, %abs3A_312, %reduce_sum3A_313 [1] : vector<128x128x128xf32> to vector<128x128xf32>
        %slice3A_315 = vector.extract_strided_slice %transpose3A {offsets = [0, 512], sizes = [128, 128], strides = [1, 1]} : vector<128x1024xf32> to vector<128x128xf32>
        %broadcast_in_dim3A_316 = vector.shape_cast %slice3A_266 : vector<128x128xf32> to vector<128x128x1xf32>
        %broadcast_in_dim3A_317 = vector.shape_cast %slice3A_315 : vector<128x128xf32> to vector<1x128x128xf32>
        %sub3A_318 = vector.broadcast %broadcast_in_dim3A_316 : vector<128x128x1xf32> to vector<128x128x128xf32>
        %sub3A_319 = vector.broadcast %broadcast_in_dim3A_317 : vector<1x128x128xf32> to vector<128x128x128xf32>
        %sub3A_320 = arith.subf %sub3A_318, %sub3A_319 : vector<128x128x128xf32>
        %add3A_321 = arith.constant 9.99999997E-7 : f32
        %add3A_322 = vector.broadcast %add3A_321 : f32 to vector<128x128x128xf32>
        %add3A_323 = arith.addf %sub3A_320, %add3A_322 : vector<128x128x128xf32>
        %abs3A_324 = math.absf %add3A_323 : vector<128x128x128xf32>
        %reduce_sum3A_325 = arith.constant dense<0.000000e+00> : vector<128x128xf32>
        %reduce_sum3A_326 = vector.multi_reduction <add>, %abs3A_324, %reduce_sum3A_325 [1] : vector<128x128x128xf32> to vector<128x128xf32>
        %slice3A_327 = vector.extract_strided_slice %transpose3A {offsets = [0, 640], sizes = [128, 128], strides = [1, 1]} : vector<128x1024xf32> to vector<128x128xf32>
        %broadcast_in_dim3A_328 = vector.shape_cast %slice3A_266 : vector<128x128xf32> to vector<128x128x1xf32>
        %broadcast_in_dim3A_329 = vector.shape_cast %slice3A_327 : vector<128x128xf32> to vector<1x128x128xf32>
        %sub3A_330 = vector.broadcast %broadcast_in_dim3A_328 : vector<128x128x1xf32> to vector<128x128x128xf32>
        %sub3A_331 = vector.broadcast %broadcast_in_dim3A_329 : vector<1x128x128xf32> to vector<128x128x128xf32>
        %sub3A_332 = arith.subf %sub3A_330, %sub3A_331 : vector<128x128x128xf32>
        %add3A_333 = arith.constant 9.99999997E-7 : f32
        %add3A_334 = vector.broadcast %add3A_333 : f32 to vector<128x128x128xf32>
        %add3A_335 = arith.addf %sub3A_332, %add3A_334 : vector<128x128x128xf32>
        %abs3A_336 = math.absf %add3A_335 : vector<128x128x128xf32>
        %reduce_sum3A_337 = arith.constant dense<0.000000e+00> : vector<128x128xf32>
        %reduce_sum3A_338 = vector.multi_reduction <add>, %abs3A_336, %reduce_sum3A_337 [1] : vector<128x128x128xf32> to vector<128x128xf32>
        %slice3A_339 = vector.extract_strided_slice %transpose3A {offsets = [0, 768], sizes = [128, 128], strides = [1, 1]} : vector<128x1024xf32> to vector<128x128xf32>
        %broadcast_in_dim3A_340 = vector.shape_cast %slice3A_266 : vector<128x128xf32> to vector<128x128x1xf32>
        %broadcast_in_dim3A_341 = vector.shape_cast %slice3A_339 : vector<128x128xf32> to vector<1x128x128xf32>
        %sub3A_342 = vector.broadcast %broadcast_in_dim3A_340 : vector<128x128x1xf32> to vector<128x128x128xf32>
        %sub3A_343 = vector.broadcast %broadcast_in_dim3A_341 : vector<1x128x128xf32> to vector<128x128x128xf32>
        %sub3A_344 = arith.subf %sub3A_342, %sub3A_343 : vector<128x128x128xf32>
        %add3A_345 = arith.constant 9.99999997E-7 : f32
        %add3A_346 = vector.broadcast %add3A_345 : f32 to vector<128x128x128xf32>
        %add3A_347 = arith.addf %sub3A_344, %add3A_346 : vector<128x128x128xf32>
        %abs3A_348 = math.absf %add3A_347 : vector<128x128x128xf32>
        %reduce_sum3A_349 = arith.constant dense<0.000000e+00> : vector<128x128xf32>
        %reduce_sum3A_350 = vector.multi_reduction <add>, %abs3A_348, %reduce_sum3A_349 [1] : vector<128x128x128xf32> to vector<128x128xf32>
        %slice3A_351 = vector.extract_strided_slice %transpose3A {offsets = [0, 896], sizes = [128, 128], strides = [1, 1]} : vector<128x1024xf32> to vector<128x128xf32>
        %broadcast_in_dim3A_352 = vector.shape_cast %slice3A_266 : vector<128x128xf32> to vector<128x128x1xf32>
        %broadcast_in_dim3A_353 = vector.shape_cast %slice3A_351 : vector<128x128xf32> to vector<1x128x128xf32>
        %sub3A_354 = vector.broadcast %broadcast_in_dim3A_352 : vector<128x128x1xf32> to vector<128x128x128xf32>
        %sub3A_355 = vector.broadcast %broadcast_in_dim3A_353 : vector<1x128x128xf32> to vector<128x128x128xf32>
        %sub3A_356 = arith.subf %sub3A_354, %sub3A_355 : vector<128x128x128xf32>
        %add3A_357 = arith.constant 9.99999997E-7 : f32
        %add3A_358 = vector.broadcast %add3A_357 : f32 to vector<128x128x128xf32>
        %add3A_359 = arith.addf %sub3A_356, %add3A_358 : vector<128x128x128xf32>
        %abs3A_360 = math.absf %add3A_359 : vector<128x128x128xf32>
        %reduce_sum3A_361 = arith.constant dense<0.000000e+00> : vector<128x128xf32>
        %reduce_sum3A_362 = vector.multi_reduction <add>, %abs3A_360, %reduce_sum3A_361 [1] : vector<128x128x128xf32> to vector<128x128xf32>
        %concatenate3A = tpu.concatenate %reduce_sum3A_278, %reduce_sum3A_290, %reduce_sum3A_302, %reduce_sum3A_314, %reduce_sum3A_326, %reduce_sum3A_338, %reduce_sum3A_350, %reduce_sum3A_362 in 1 : vector<128x128xf32>, vector<128x128xf32>, vector<128x128xf32>, vector<128x128xf32>, vector<128x128xf32>, vector<128x128xf32>, vector<128x128xf32>, vector<128x128xf32> -> vector<128x1024xf32>
        %iota3A_363 = tpu.iota {dimensions = array<i32: 0>} : vector<128x1xi32>
        %add3A_364 = arith.constant 256 : i32
        %add3A_365 = vector.broadcast %add3A_364 : i32 to vector<128x1xi32>
        %add3A_366 = arith.addi %add3A_365, %iota3A_363 : vector<128x1xi32>
        %eq3A_367 = vector.broadcast %slice3A_267 : vector<128x1xi32> to vector<128x1024xi32>
        %eq3A_368 = vector.broadcast %get3A_7 : vector<1x1024xi32> to vector<128x1024xi32>
        %eq3A_369 = arith.cmpi eq, %eq3A_367, %eq3A_368 : vector<128x1024xi32>
        %ne3A = vector.broadcast %add3A_366 : vector<128x1xi32> to vector<128x1024xi32>
        %ne3A_370 = arith.cmpi ne, %ne3A, %iota3A_97 : vector<128x1024xi32>
        %and3A = arith.andi %eq3A_369, %ne3A_370 : vector<128x1024xi1>
        %jit3A_371 = arith.constant 3.000000e+38 : f32
        %broadcast_in_dim3A_372 = vector.broadcast %jit3A_371 : f32 to vector<128x1024xf32>
        %select_n3A_373 = arith.select %and3A, %concatenate3A, %broadcast_in_dim3A_372 : vector<128x1024xi1>, vector<128x1024xf32>
        %min3A_374 = arith.constant 2.000000e+01 : f32
        %min3A_375 = vector.broadcast %min3A_374 : f32 to vector<128x1xf32>
        %min3A_376 = arith.minimumf %slice3A_140, %min3A_375 : vector<128x1xf32>
        %max3A_377 = arith.constant 1.000000e+00 : f32
        %max3A_378 = vector.broadcast %max3A_377 : f32 to vector<128x1xf32>
        %max3A_379 = arith.maximumf %min3A_376, %max3A_378 : vector<128x1xf32>
        %broadcast_in_dim3A_380 = arith.constant 0.000000e+00 : f32
        %broadcast_in_dim3A_381 = vector.broadcast %broadcast_in_dim3A_380 : f32 to vector<128x1024xf32>
        %scan3A = arith.constant 0 : i32
        %scan3A_382 = arith.constant 20 : i32
        %scan3A_383 = arith.addi %scan3A, %scan3A_382 : i32
        %scan3A_384 = arith.constant 1 : i32
        %scan3A_385:2 = scf.for %scan3A_418 = %scan3A to %scan3A_383 step %scan3A_384 iter_args(%scan3A_419 = %select_n3A_373, %scan3A_420 = %broadcast_in_dim3A_381) -> (vector<128x1024xf32>, vector<128x1024xf32>)  : i32 {
          %reduce_min3A = arith.constant dense<0x7F800000> : vector<128xf32>
          %reduce_min3A_421 = vector.multi_reduction <minimumf>, %scan3A_419, %reduce_min3A [1] : vector<128x1024xf32> to vector<128xf32>
          %broadcast_in_dim3A_422 = vector.shape_cast %reduce_min3A_421 : vector<128xf32> to vector<128x1xf32>
          %eq3A_423 = vector.broadcast %broadcast_in_dim3A_422 : vector<128x1xf32> to vector<128x1024xf32>
          %eq3A_424 = arith.cmpf oeq, %scan3A_419, %eq3A_423 : vector<128x1024xf32>
          %jit3A_425 = arith.constant 1073741824 : i32
          %broadcast_in_dim3A_426 = vector.broadcast %jit3A_425 : i32 to vector<128x1024xi32>
          %select_n3A_427 = arith.select %eq3A_424, %iota3A_97, %broadcast_in_dim3A_426 : vector<128x1024xi1>, vector<128x1024xi32>
          %reduce_min3A_428 = arith.constant dense<2147483647> : vector<128xi32>
          %reduce_min3A_429 = vector.multi_reduction <minsi>, %select_n3A_427, %reduce_min3A_428 [1] : vector<128x1024xi32> to vector<128xi32>
          %broadcast_in_dim3A_430 = vector.shape_cast %reduce_min3A_429 : vector<128xi32> to vector<128x1xi32>
          %eq3A_431 = vector.broadcast %broadcast_in_dim3A_430 : vector<128x1xi32> to vector<128x1024xi32>
          %eq3A_432 = arith.cmpi eq, %iota3A_97, %eq3A_431 : vector<128x1024xi32>
          %convert_element_type3A_433 = arith.sitofp %scan3A_418 : i32 to f32
          %lt3A = vector.broadcast %convert_element_type3A_433 : f32 to vector<128x1xf32>
          %lt3A_434 = arith.cmpf olt, %lt3A, %min3A_376 : vector<128x1xf32>
          %and3A_435 = vector.broadcast %lt3A_434 : vector<128x1xi1> to vector<128x1024xi1>
          %and3A_436 = arith.andi %eq3A_432, %and3A_435 : vector<128x1024xi1>
          %jit3A_437 = arith.constant 1.000000e+00 : f32
          %jit3A_438 = arith.constant 0.000000e+00 : f32
          %broadcast_in_dim3A_439 = vector.broadcast %jit3A_437 : f32 to vector<128x1024xf32>
          %broadcast_in_dim3A_440 = vector.broadcast %jit3A_438 : f32 to vector<128x1024xf32>
          %select_n3A_441 = arith.select %and3A_436, %broadcast_in_dim3A_439, %broadcast_in_dim3A_440 : vector<128x1024xi1>, vector<128x1024xf32>
          %add3A_442 = arith.addf %scan3A_420, %select_n3A_441 : vector<128x1024xf32>
          %jit3A_443 = arith.constant 3.000000e+38 : f32
          %broadcast_in_dim3A_444 = vector.broadcast %jit3A_443 : f32 to vector<128x1024xf32>
          %select_n3A_445 = arith.select %eq3A_432, %broadcast_in_dim3A_444, %scan3A_419 : vector<128x1024xi1>, vector<128x1024xf32>
          scf.yield %select_n3A_445, %add3A_442 : vector<128x1024xf32>, vector<128x1024xf32>
        }
        %scan3A_386 = arith.constant 20 : i32
        %dot_general3A_387 = arith.constant dense<0.000000e+00> : vector<128x128xf32>
        %dot_general3A_388 = tpu.matmul %scan3A_385#1, %get3A_1, %dot_general3A_387 {dimension_numbers = #tpu.dot_dimension_numbers<[1], [0], [0], [1], [0, 0, 1, 1], [], []>, precision = #tpu.contract_precision<fp32>, transpose_lhs_hint = false} : vector<128x1024xf32>, vector<1024x128xf32>, vector<128x128xf32> -> vector<128x128xf32>
        %dot_general3A_389 = arith.constant dense<0.000000e+00> : vector<128x1xf32>
        %dot_general3A_390 = tpu.matmul %scan3A_385#1, %broadcast_in_dim3A, %dot_general3A_389 {dimension_numbers = #tpu.dot_dimension_numbers<[1], [0], [0], [1], [0, 0, 1, 1], [], []>, precision = #tpu.contract_precision<fp32>, transpose_lhs_hint = false} : vector<128x1024xf32>, vector<1024x1xf32>, vector<128x1xf32> -> vector<128x1xf32>
        %slice3A_391 = vector.extract_strided_slice %broadcast_in_dim3A {offsets = [256, 0], sizes = [128, 1], strides = [1, 1]} : vector<1024x1xf32> to vector<128x1xf32>
        %mul3A_392 = arith.mulf %min3A_376, %slice3A_391 : vector<128x1xf32>
        %div3A_393 = arith.constant 2.000000e+00 : f32
        %div3A_394 = vector.broadcast %div3A_393 : f32 to vector<128x1xf32>
        %div3A_395 = arith.divf %div3A_394, %max3A_379 : vector<128x1xf32>
        %mul3A_396 = arith.mulf %slice3A_266, %dot_general3A_388 : vector<128x128xf32>
        %reduce_sum3A_397 = arith.constant dense<0.000000e+00> : vector<128xf32>
        %reduce_sum3A_398 = vector.multi_reduction <add>, %mul3A_396, %reduce_sum3A_397 [1] : vector<128x128xf32> to vector<128xf32>
        %broadcast_in_dim3A_399 = vector.shape_cast %reduce_sum3A_398 : vector<128xf32> to vector<128x1xf32>
        %mul3A_400 = arith.mulf %div3A_395, %broadcast_in_dim3A_399 : vector<128x1xf32>
        %sub3A_401 = arith.subf %mul3A_392, %mul3A_400 : vector<128x1xf32>
        %mul3A_402 = arith.mulf %max3A_379, %max3A_379 : vector<128x1xf32>
        %div3A_403 = arith.divf %dot_general3A_390, %mul3A_402 : vector<128x1xf32>
        %add3A_404 = arith.addf %sub3A_401, %div3A_403 : vector<128x1xf32>
        %slice3A_405 = vector.extract_strided_slice %add3A_96 {offsets = [256, 0], sizes = [128, 1], strides = [1, 1]} : vector<1024x1xf32> to vector<128x1xf32>
        %gt3A_406 = arith.constant 2.000000e+01 : f32
        %gt3A_407 = vector.broadcast %gt3A_406 : f32 to vector<128x1xf32>
        %gt3A_408 = arith.cmpf ogt, %slice3A_140, %gt3A_407 : vector<128x1xf32>
        %sub3A_409 = arith.subf %add3A_404, %slice3A_405 : vector<128x1xf32>
        %jit3A_410 = arith.constant 0.000000e+00 : f32
        %broadcast_in_dim3A_411 = vector.broadcast %jit3A_410 : f32 to vector<128x1xf32>
        %select_n3A_412 = arith.select %gt3A_408, %sub3A_409, %broadcast_in_dim3A_411 : vector<128x1xi1>, vector<128x1xf32>
        %reduce_sum3A_413 = vector.shape_cast %select_n3A_412 : vector<128x1xf32> to vector<1x128x1xf32>
        %reduce_sum3A_414 = arith.constant dense<0.000000e+00> : vector<1xf32>
        %reduce_sum3A_415 = vector.multi_reduction <add>, %reduce_sum3A_413, %reduce_sum3A_414 [1, 2] : vector<1x128x1xf32> to vector<1xf32>
        %reduce_sum3A_416 = vector.shape_cast %reduce_sum3A_415 : vector<1xf32> to vector<1x1x1xf32>
        %reduce_sum3A_417 = vector.extract %reduce_sum3A_416[0, 0, 0] : f32 from vector<1x1x1xf32>
        scf.yield %reduce_sum3A_417 : f32
      } else {
        %cond3A_266 = arith.constant 0.000000e+00 : f32
        scf.yield %cond3A_266 : f32
      }
      %add3A_160 = arith.addf %add3A_139, %cond3A_159 : f32
      %slice3A_161 = vector.extract_strided_slice %sub3A_23 {offsets = [384, 0], sizes = [128, 1], strides = [1, 1]} : vector<1024x1xf32> to vector<128x1xf32>
      %gt3A_162 = arith.constant 2.000000e+01 : f32
      %gt3A_163 = vector.broadcast %gt3A_162 : f32 to vector<128x1xf32>
      %gt3A_164 = arith.cmpf ogt, %slice3A_161, %gt3A_163 : vector<128x1xf32>
      %reduce_or3A_165 = arith.constant 1.000000e+00 : f32
      %reduce_or3A_166 = arith.constant 0.000000e+00 : f32
      %reduce_or3A_167 = vector.broadcast %reduce_or3A_165 : f32 to vector<128x1xf32>
      %reduce_or3A_168 = vector.broadcast %reduce_or3A_166 : f32 to vector<128x1xf32>
      %reduce_or3A_169 = arith.select %gt3A_164, %reduce_or3A_167, %reduce_or3A_168 : vector<128x1xi1>, vector<128x1xf32>
      %reduce_or3A_170 = vector.shape_cast %reduce_or3A_169 : vector<128x1xf32> to vector<1x128x1xf32>
      %reduce_or3A_171 = arith.constant dense<0xFF800000> : vector<1xf32>
      %reduce_or3A_172 = vector.multi_reduction <maximumf>, %reduce_or3A_170, %reduce_or3A_171 [1, 2] : vector<1x128x1xf32> to vector<1xf32>
      %reduce_or3A_173 = vector.shape_cast %reduce_or3A_172 : vector<1xf32> to vector<1x1x1xf32>
      %reduce_or3A_174 = vector.extract %reduce_or3A_173[0, 0, 0] : f32 from vector<1x1x1xf32>
      %reduce_or3A_175 = arith.constant 0.000000e+00 : f32
      %reduce_or3A_176 = arith.cmpf ogt, %reduce_or3A_174, %reduce_or3A_175 : f32
      %convert_element_type3A_177 = arith.extui %reduce_or3A_176 : i1 to i32
      %cond3A_178 = arith.constant 0 : i32
      %cond3A_179 = arith.cmpi ne, %convert_element_type3A_177, %cond3A_178 : i32
      %cond3A_180 = scf.if %cond3A_179 -> (f32) {
        %slice3A_266 = vector.extract_strided_slice %get3A_1 {offsets = [384, 0], sizes = [128, 128], strides = [1, 1]} : vector<1024x128xf32> to vector<128x128xf32>
        %slice3A_267 = vector.extract_strided_slice %get3A_4 {offsets = [384, 0], sizes = [128, 1], strides = [1, 1]} : vector<1024x1xi32> to vector<128x1xi32>
        %slice3A_268 = vector.extract_strided_slice %transpose3A {offsets = [0, 0], sizes = [128, 128], strides = [1, 1]} : vector<128x1024xf32> to vector<128x128xf32>
        %broadcast_in_dim3A_269 = vector.shape_cast %slice3A_266 : vector<128x128xf32> to vector<128x128x1xf32>
        %broadcast_in_dim3A_270 = vector.shape_cast %slice3A_268 : vector<128x128xf32> to vector<1x128x128xf32>
        %sub3A_271 = vector.broadcast %broadcast_in_dim3A_269 : vector<128x128x1xf32> to vector<128x128x128xf32>
        %sub3A_272 = vector.broadcast %broadcast_in_dim3A_270 : vector<1x128x128xf32> to vector<128x128x128xf32>
        %sub3A_273 = arith.subf %sub3A_271, %sub3A_272 : vector<128x128x128xf32>
        %add3A_274 = arith.constant 9.99999997E-7 : f32
        %add3A_275 = vector.broadcast %add3A_274 : f32 to vector<128x128x128xf32>
        %add3A_276 = arith.addf %sub3A_273, %add3A_275 : vector<128x128x128xf32>
        %abs3A = math.absf %add3A_276 : vector<128x128x128xf32>
        %reduce_sum3A_277 = arith.constant dense<0.000000e+00> : vector<128x128xf32>
        %reduce_sum3A_278 = vector.multi_reduction <add>, %abs3A, %reduce_sum3A_277 [1] : vector<128x128x128xf32> to vector<128x128xf32>
        %slice3A_279 = vector.extract_strided_slice %transpose3A {offsets = [0, 128], sizes = [128, 128], strides = [1, 1]} : vector<128x1024xf32> to vector<128x128xf32>
        %broadcast_in_dim3A_280 = vector.shape_cast %slice3A_266 : vector<128x128xf32> to vector<128x128x1xf32>
        %broadcast_in_dim3A_281 = vector.shape_cast %slice3A_279 : vector<128x128xf32> to vector<1x128x128xf32>
        %sub3A_282 = vector.broadcast %broadcast_in_dim3A_280 : vector<128x128x1xf32> to vector<128x128x128xf32>
        %sub3A_283 = vector.broadcast %broadcast_in_dim3A_281 : vector<1x128x128xf32> to vector<128x128x128xf32>
        %sub3A_284 = arith.subf %sub3A_282, %sub3A_283 : vector<128x128x128xf32>
        %add3A_285 = arith.constant 9.99999997E-7 : f32
        %add3A_286 = vector.broadcast %add3A_285 : f32 to vector<128x128x128xf32>
        %add3A_287 = arith.addf %sub3A_284, %add3A_286 : vector<128x128x128xf32>
        %abs3A_288 = math.absf %add3A_287 : vector<128x128x128xf32>
        %reduce_sum3A_289 = arith.constant dense<0.000000e+00> : vector<128x128xf32>
        %reduce_sum3A_290 = vector.multi_reduction <add>, %abs3A_288, %reduce_sum3A_289 [1] : vector<128x128x128xf32> to vector<128x128xf32>
        %slice3A_291 = vector.extract_strided_slice %transpose3A {offsets = [0, 256], sizes = [128, 128], strides = [1, 1]} : vector<128x1024xf32> to vector<128x128xf32>
        %broadcast_in_dim3A_292 = vector.shape_cast %slice3A_266 : vector<128x128xf32> to vector<128x128x1xf32>
        %broadcast_in_dim3A_293 = vector.shape_cast %slice3A_291 : vector<128x128xf32> to vector<1x128x128xf32>
        %sub3A_294 = vector.broadcast %broadcast_in_dim3A_292 : vector<128x128x1xf32> to vector<128x128x128xf32>
        %sub3A_295 = vector.broadcast %broadcast_in_dim3A_293 : vector<1x128x128xf32> to vector<128x128x128xf32>
        %sub3A_296 = arith.subf %sub3A_294, %sub3A_295 : vector<128x128x128xf32>
        %add3A_297 = arith.constant 9.99999997E-7 : f32
        %add3A_298 = vector.broadcast %add3A_297 : f32 to vector<128x128x128xf32>
        %add3A_299 = arith.addf %sub3A_296, %add3A_298 : vector<128x128x128xf32>
        %abs3A_300 = math.absf %add3A_299 : vector<128x128x128xf32>
        %reduce_sum3A_301 = arith.constant dense<0.000000e+00> : vector<128x128xf32>
        %reduce_sum3A_302 = vector.multi_reduction <add>, %abs3A_300, %reduce_sum3A_301 [1] : vector<128x128x128xf32> to vector<128x128xf32>
        %slice3A_303 = vector.extract_strided_slice %transpose3A {offsets = [0, 384], sizes = [128, 128], strides = [1, 1]} : vector<128x1024xf32> to vector<128x128xf32>
        %broadcast_in_dim3A_304 = vector.shape_cast %slice3A_266 : vector<128x128xf32> to vector<128x128x1xf32>
        %broadcast_in_dim3A_305 = vector.shape_cast %slice3A_303 : vector<128x128xf32> to vector<1x128x128xf32>
        %sub3A_306 = vector.broadcast %broadcast_in_dim3A_304 : vector<128x128x1xf32> to vector<128x128x128xf32>
        %sub3A_307 = vector.broadcast %broadcast_in_dim3A_305 : vector<1x128x128xf32> to vector<128x128x128xf32>
        %sub3A_308 = arith.subf %sub3A_306, %sub3A_307 : vector<128x128x128xf32>
        %add3A_309 = arith.constant 9.99999997E-7 : f32
        %add3A_310 = vector.broadcast %add3A_309 : f32 to vector<128x128x128xf32>
        %add3A_311 = arith.addf %sub3A_308, %add3A_310 : vector<128x128x128xf32>
        %abs3A_312 = math.absf %add3A_311 : vector<128x128x128xf32>
        %reduce_sum3A_313 = arith.constant dense<0.000000e+00> : vector<128x128xf32>
        %reduce_sum3A_314 = vector.multi_reduction <add>, %abs3A_312, %reduce_sum3A_313 [1] : vector<128x128x128xf32> to vector<128x128xf32>
        %slice3A_315 = vector.extract_strided_slice %transpose3A {offsets = [0, 512], sizes = [128, 128], strides = [1, 1]} : vector<128x1024xf32> to vector<128x128xf32>
        %broadcast_in_dim3A_316 = vector.shape_cast %slice3A_266 : vector<128x128xf32> to vector<128x128x1xf32>
        %broadcast_in_dim3A_317 = vector.shape_cast %slice3A_315 : vector<128x128xf32> to vector<1x128x128xf32>
        %sub3A_318 = vector.broadcast %broadcast_in_dim3A_316 : vector<128x128x1xf32> to vector<128x128x128xf32>
        %sub3A_319 = vector.broadcast %broadcast_in_dim3A_317 : vector<1x128x128xf32> to vector<128x128x128xf32>
        %sub3A_320 = arith.subf %sub3A_318, %sub3A_319 : vector<128x128x128xf32>
        %add3A_321 = arith.constant 9.99999997E-7 : f32
        %add3A_322 = vector.broadcast %add3A_321 : f32 to vector<128x128x128xf32>
        %add3A_323 = arith.addf %sub3A_320, %add3A_322 : vector<128x128x128xf32>
        %abs3A_324 = math.absf %add3A_323 : vector<128x128x128xf32>
        %reduce_sum3A_325 = arith.constant dense<0.000000e+00> : vector<128x128xf32>
        %reduce_sum3A_326 = vector.multi_reduction <add>, %abs3A_324, %reduce_sum3A_325 [1] : vector<128x128x128xf32> to vector<128x128xf32>
        %slice3A_327 = vector.extract_strided_slice %transpose3A {offsets = [0, 640], sizes = [128, 128], strides = [1, 1]} : vector<128x1024xf32> to vector<128x128xf32>
        %broadcast_in_dim3A_328 = vector.shape_cast %slice3A_266 : vector<128x128xf32> to vector<128x128x1xf32>
        %broadcast_in_dim3A_329 = vector.shape_cast %slice3A_327 : vector<128x128xf32> to vector<1x128x128xf32>
        %sub3A_330 = vector.broadcast %broadcast_in_dim3A_328 : vector<128x128x1xf32> to vector<128x128x128xf32>
        %sub3A_331 = vector.broadcast %broadcast_in_dim3A_329 : vector<1x128x128xf32> to vector<128x128x128xf32>
        %sub3A_332 = arith.subf %sub3A_330, %sub3A_331 : vector<128x128x128xf32>
        %add3A_333 = arith.constant 9.99999997E-7 : f32
        %add3A_334 = vector.broadcast %add3A_333 : f32 to vector<128x128x128xf32>
        %add3A_335 = arith.addf %sub3A_332, %add3A_334 : vector<128x128x128xf32>
        %abs3A_336 = math.absf %add3A_335 : vector<128x128x128xf32>
        %reduce_sum3A_337 = arith.constant dense<0.000000e+00> : vector<128x128xf32>
        %reduce_sum3A_338 = vector.multi_reduction <add>, %abs3A_336, %reduce_sum3A_337 [1] : vector<128x128x128xf32> to vector<128x128xf32>
        %slice3A_339 = vector.extract_strided_slice %transpose3A {offsets = [0, 768], sizes = [128, 128], strides = [1, 1]} : vector<128x1024xf32> to vector<128x128xf32>
        %broadcast_in_dim3A_340 = vector.shape_cast %slice3A_266 : vector<128x128xf32> to vector<128x128x1xf32>
        %broadcast_in_dim3A_341 = vector.shape_cast %slice3A_339 : vector<128x128xf32> to vector<1x128x128xf32>
        %sub3A_342 = vector.broadcast %broadcast_in_dim3A_340 : vector<128x128x1xf32> to vector<128x128x128xf32>
        %sub3A_343 = vector.broadcast %broadcast_in_dim3A_341 : vector<1x128x128xf32> to vector<128x128x128xf32>
        %sub3A_344 = arith.subf %sub3A_342, %sub3A_343 : vector<128x128x128xf32>
        %add3A_345 = arith.constant 9.99999997E-7 : f32
        %add3A_346 = vector.broadcast %add3A_345 : f32 to vector<128x128x128xf32>
        %add3A_347 = arith.addf %sub3A_344, %add3A_346 : vector<128x128x128xf32>
        %abs3A_348 = math.absf %add3A_347 : vector<128x128x128xf32>
        %reduce_sum3A_349 = arith.constant dense<0.000000e+00> : vector<128x128xf32>
        %reduce_sum3A_350 = vector.multi_reduction <add>, %abs3A_348, %reduce_sum3A_349 [1] : vector<128x128x128xf32> to vector<128x128xf32>
        %slice3A_351 = vector.extract_strided_slice %transpose3A {offsets = [0, 896], sizes = [128, 128], strides = [1, 1]} : vector<128x1024xf32> to vector<128x128xf32>
        %broadcast_in_dim3A_352 = vector.shape_cast %slice3A_266 : vector<128x128xf32> to vector<128x128x1xf32>
        %broadcast_in_dim3A_353 = vector.shape_cast %slice3A_351 : vector<128x128xf32> to vector<1x128x128xf32>
        %sub3A_354 = vector.broadcast %broadcast_in_dim3A_352 : vector<128x128x1xf32> to vector<128x128x128xf32>
        %sub3A_355 = vector.broadcast %broadcast_in_dim3A_353 : vector<1x128x128xf32> to vector<128x128x128xf32>
        %sub3A_356 = arith.subf %sub3A_354, %sub3A_355 : vector<128x128x128xf32>
        %add3A_357 = arith.constant 9.99999997E-7 : f32
        %add3A_358 = vector.broadcast %add3A_357 : f32 to vector<128x128x128xf32>
        %add3A_359 = arith.addf %sub3A_356, %add3A_358 : vector<128x128x128xf32>
        %abs3A_360 = math.absf %add3A_359 : vector<128x128x128xf32>
        %reduce_sum3A_361 = arith.constant dense<0.000000e+00> : vector<128x128xf32>
        %reduce_sum3A_362 = vector.multi_reduction <add>, %abs3A_360, %reduce_sum3A_361 [1] : vector<128x128x128xf32> to vector<128x128xf32>
        %concatenate3A = tpu.concatenate %reduce_sum3A_278, %reduce_sum3A_290, %reduce_sum3A_302, %reduce_sum3A_314, %reduce_sum3A_326, %reduce_sum3A_338, %reduce_sum3A_350, %reduce_sum3A_362 in 1 : vector<128x128xf32>, vector<128x128xf32>, vector<128x128xf32>, vector<128x128xf32>, vector<128x128xf32>, vector<128x128xf32>, vector<128x128xf32>, vector<128x128xf32> -> vector<128x1024xf32>
        %iota3A_363 = tpu.iota {dimensions = array<i32: 0>} : vector<128x1xi32>
        %add3A_364 = arith.constant 384 : i32
        %add3A_365 = vector.broadcast %add3A_364 : i32 to vector<128x1xi32>
        %add3A_366 = arith.addi %add3A_365, %iota3A_363 : vector<128x1xi32>
        %eq3A_367 = vector.broadcast %slice3A_267 : vector<128x1xi32> to vector<128x1024xi32>
        %eq3A_368 = vector.broadcast %get3A_7 : vector<1x1024xi32> to vector<128x1024xi32>
        %eq3A_369 = arith.cmpi eq, %eq3A_367, %eq3A_368 : vector<128x1024xi32>
        %ne3A = vector.broadcast %add3A_366 : vector<128x1xi32> to vector<128x1024xi32>
        %ne3A_370 = arith.cmpi ne, %ne3A, %iota3A_97 : vector<128x1024xi32>
        %and3A = arith.andi %eq3A_369, %ne3A_370 : vector<128x1024xi1>
        %jit3A_371 = arith.constant 3.000000e+38 : f32
        %broadcast_in_dim3A_372 = vector.broadcast %jit3A_371 : f32 to vector<128x1024xf32>
        %select_n3A_373 = arith.select %and3A, %concatenate3A, %broadcast_in_dim3A_372 : vector<128x1024xi1>, vector<128x1024xf32>
        %min3A_374 = arith.constant 2.000000e+01 : f32
        %min3A_375 = vector.broadcast %min3A_374 : f32 to vector<128x1xf32>
        %min3A_376 = arith.minimumf %slice3A_161, %min3A_375 : vector<128x1xf32>
        %max3A_377 = arith.constant 1.000000e+00 : f32
        %max3A_378 = vector.broadcast %max3A_377 : f32 to vector<128x1xf32>
        %max3A_379 = arith.maximumf %min3A_376, %max3A_378 : vector<128x1xf32>
        %broadcast_in_dim3A_380 = arith.constant 0.000000e+00 : f32
        %broadcast_in_dim3A_381 = vector.broadcast %broadcast_in_dim3A_380 : f32 to vector<128x1024xf32>
        %scan3A = arith.constant 0 : i32
        %scan3A_382 = arith.constant 20 : i32
        %scan3A_383 = arith.addi %scan3A, %scan3A_382 : i32
        %scan3A_384 = arith.constant 1 : i32
        %scan3A_385:2 = scf.for %scan3A_418 = %scan3A to %scan3A_383 step %scan3A_384 iter_args(%scan3A_419 = %select_n3A_373, %scan3A_420 = %broadcast_in_dim3A_381) -> (vector<128x1024xf32>, vector<128x1024xf32>)  : i32 {
          %reduce_min3A = arith.constant dense<0x7F800000> : vector<128xf32>
          %reduce_min3A_421 = vector.multi_reduction <minimumf>, %scan3A_419, %reduce_min3A [1] : vector<128x1024xf32> to vector<128xf32>
          %broadcast_in_dim3A_422 = vector.shape_cast %reduce_min3A_421 : vector<128xf32> to vector<128x1xf32>
          %eq3A_423 = vector.broadcast %broadcast_in_dim3A_422 : vector<128x1xf32> to vector<128x1024xf32>
          %eq3A_424 = arith.cmpf oeq, %scan3A_419, %eq3A_423 : vector<128x1024xf32>
          %jit3A_425 = arith.constant 1073741824 : i32
          %broadcast_in_dim3A_426 = vector.broadcast %jit3A_425 : i32 to vector<128x1024xi32>
          %select_n3A_427 = arith.select %eq3A_424, %iota3A_97, %broadcast_in_dim3A_426 : vector<128x1024xi1>, vector<128x1024xi32>
          %reduce_min3A_428 = arith.constant dense<2147483647> : vector<128xi32>
          %reduce_min3A_429 = vector.multi_reduction <minsi>, %select_n3A_427, %reduce_min3A_428 [1] : vector<128x1024xi32> to vector<128xi32>
          %broadcast_in_dim3A_430 = vector.shape_cast %reduce_min3A_429 : vector<128xi32> to vector<128x1xi32>
          %eq3A_431 = vector.broadcast %broadcast_in_dim3A_430 : vector<128x1xi32> to vector<128x1024xi32>
          %eq3A_432 = arith.cmpi eq, %iota3A_97, %eq3A_431 : vector<128x1024xi32>
          %convert_element_type3A_433 = arith.sitofp %scan3A_418 : i32 to f32
          %lt3A = vector.broadcast %convert_element_type3A_433 : f32 to vector<128x1xf32>
          %lt3A_434 = arith.cmpf olt, %lt3A, %min3A_376 : vector<128x1xf32>
          %and3A_435 = vector.broadcast %lt3A_434 : vector<128x1xi1> to vector<128x1024xi1>
          %and3A_436 = arith.andi %eq3A_432, %and3A_435 : vector<128x1024xi1>
          %jit3A_437 = arith.constant 1.000000e+00 : f32
          %jit3A_438 = arith.constant 0.000000e+00 : f32
          %broadcast_in_dim3A_439 = vector.broadcast %jit3A_437 : f32 to vector<128x1024xf32>
          %broadcast_in_dim3A_440 = vector.broadcast %jit3A_438 : f32 to vector<128x1024xf32>
          %select_n3A_441 = arith.select %and3A_436, %broadcast_in_dim3A_439, %broadcast_in_dim3A_440 : vector<128x1024xi1>, vector<128x1024xf32>
          %add3A_442 = arith.addf %scan3A_420, %select_n3A_441 : vector<128x1024xf32>
          %jit3A_443 = arith.constant 3.000000e+38 : f32
          %broadcast_in_dim3A_444 = vector.broadcast %jit3A_443 : f32 to vector<128x1024xf32>
          %select_n3A_445 = arith.select %eq3A_432, %broadcast_in_dim3A_444, %scan3A_419 : vector<128x1024xi1>, vector<128x1024xf32>
          scf.yield %select_n3A_445, %add3A_442 : vector<128x1024xf32>, vector<128x1024xf32>
        }
        %scan3A_386 = arith.constant 20 : i32
        %dot_general3A_387 = arith.constant dense<0.000000e+00> : vector<128x128xf32>
        %dot_general3A_388 = tpu.matmul %scan3A_385#1, %get3A_1, %dot_general3A_387 {dimension_numbers = #tpu.dot_dimension_numbers<[1], [0], [0], [1], [0, 0, 1, 1], [], []>, precision = #tpu.contract_precision<fp32>, transpose_lhs_hint = false} : vector<128x1024xf32>, vector<1024x128xf32>, vector<128x128xf32> -> vector<128x128xf32>
        %dot_general3A_389 = arith.constant dense<0.000000e+00> : vector<128x1xf32>
        %dot_general3A_390 = tpu.matmul %scan3A_385#1, %broadcast_in_dim3A, %dot_general3A_389 {dimension_numbers = #tpu.dot_dimension_numbers<[1], [0], [0], [1], [0, 0, 1, 1], [], []>, precision = #tpu.contract_precision<fp32>, transpose_lhs_hint = false} : vector<128x1024xf32>, vector<1024x1xf32>, vector<128x1xf32> -> vector<128x1xf32>
        %slice3A_391 = vector.extract_strided_slice %broadcast_in_dim3A {offsets = [384, 0], sizes = [128, 1], strides = [1, 1]} : vector<1024x1xf32> to vector<128x1xf32>
        %mul3A_392 = arith.mulf %min3A_376, %slice3A_391 : vector<128x1xf32>
        %div3A_393 = arith.constant 2.000000e+00 : f32
        %div3A_394 = vector.broadcast %div3A_393 : f32 to vector<128x1xf32>
        %div3A_395 = arith.divf %div3A_394, %max3A_379 : vector<128x1xf32>
        %mul3A_396 = arith.mulf %slice3A_266, %dot_general3A_388 : vector<128x128xf32>
        %reduce_sum3A_397 = arith.constant dense<0.000000e+00> : vector<128xf32>
        %reduce_sum3A_398 = vector.multi_reduction <add>, %mul3A_396, %reduce_sum3A_397 [1] : vector<128x128xf32> to vector<128xf32>
        %broadcast_in_dim3A_399 = vector.shape_cast %reduce_sum3A_398 : vector<128xf32> to vector<128x1xf32>
        %mul3A_400 = arith.mulf %div3A_395, %broadcast_in_dim3A_399 : vector<128x1xf32>
        %sub3A_401 = arith.subf %mul3A_392, %mul3A_400 : vector<128x1xf32>
        %mul3A_402 = arith.mulf %max3A_379, %max3A_379 : vector<128x1xf32>
        %div3A_403 = arith.divf %dot_general3A_390, %mul3A_402 : vector<128x1xf32>
        %add3A_404 = arith.addf %sub3A_401, %div3A_403 : vector<128x1xf32>
        %slice3A_405 = vector.extract_strided_slice %add3A_96 {offsets = [384, 0], sizes = [128, 1], strides = [1, 1]} : vector<1024x1xf32> to vector<128x1xf32>
        %gt3A_406 = arith.constant 2.000000e+01 : f32
        %gt3A_407 = vector.broadcast %gt3A_406 : f32 to vector<128x1xf32>
        %gt3A_408 = arith.cmpf ogt, %slice3A_161, %gt3A_407 : vector<128x1xf32>
        %sub3A_409 = arith.subf %add3A_404, %slice3A_405 : vector<128x1xf32>
        %jit3A_410 = arith.constant 0.000000e+00 : f32
        %broadcast_in_dim3A_411 = vector.broadcast %jit3A_410 : f32 to vector<128x1xf32>
        %select_n3A_412 = arith.select %gt3A_408, %sub3A_409, %broadcast_in_dim3A_411 : vector<128x1xi1>, vector<128x1xf32>
        %reduce_sum3A_413 = vector.shape_cast %select_n3A_412 : vector<128x1xf32> to vector<1x128x1xf32>
        %reduce_sum3A_414 = arith.constant dense<0.000000e+00> : vector<1xf32>
        %reduce_sum3A_415 = vector.multi_reduction <add>, %reduce_sum3A_413, %reduce_sum3A_414 [1, 2] : vector<1x128x1xf32> to vector<1xf32>
        %reduce_sum3A_416 = vector.shape_cast %reduce_sum3A_415 : vector<1xf32> to vector<1x1x1xf32>
        %reduce_sum3A_417 = vector.extract %reduce_sum3A_416[0, 0, 0] : f32 from vector<1x1x1xf32>
        scf.yield %reduce_sum3A_417 : f32
      } else {
        %cond3A_266 = arith.constant 0.000000e+00 : f32
        scf.yield %cond3A_266 : f32
      }
      %add3A_181 = arith.addf %add3A_160, %cond3A_180 : f32
      %slice3A_182 = vector.extract_strided_slice %sub3A_23 {offsets = [512, 0], sizes = [128, 1], strides = [1, 1]} : vector<1024x1xf32> to vector<128x1xf32>
      %gt3A_183 = arith.constant 2.000000e+01 : f32
      %gt3A_184 = vector.broadcast %gt3A_183 : f32 to vector<128x1xf32>
      %gt3A_185 = arith.cmpf ogt, %slice3A_182, %gt3A_184 : vector<128x1xf32>
      %reduce_or3A_186 = arith.constant 1.000000e+00 : f32
      %reduce_or3A_187 = arith.constant 0.000000e+00 : f32
      %reduce_or3A_188 = vector.broadcast %reduce_or3A_186 : f32 to vector<128x1xf32>
      %reduce_or3A_189 = vector.broadcast %reduce_or3A_187 : f32 to vector<128x1xf32>
      %reduce_or3A_190 = arith.select %gt3A_185, %reduce_or3A_188, %reduce_or3A_189 : vector<128x1xi1>, vector<128x1xf32>
      %reduce_or3A_191 = vector.shape_cast %reduce_or3A_190 : vector<128x1xf32> to vector<1x128x1xf32>
      %reduce_or3A_192 = arith.constant dense<0xFF800000> : vector<1xf32>
      %reduce_or3A_193 = vector.multi_reduction <maximumf>, %reduce_or3A_191, %reduce_or3A_192 [1, 2] : vector<1x128x1xf32> to vector<1xf32>
      %reduce_or3A_194 = vector.shape_cast %reduce_or3A_193 : vector<1xf32> to vector<1x1x1xf32>
      %reduce_or3A_195 = vector.extract %reduce_or3A_194[0, 0, 0] : f32 from vector<1x1x1xf32>
      %reduce_or3A_196 = arith.constant 0.000000e+00 : f32
      %reduce_or3A_197 = arith.cmpf ogt, %reduce_or3A_195, %reduce_or3A_196 : f32
      %convert_element_type3A_198 = arith.extui %reduce_or3A_197 : i1 to i32
      %cond3A_199 = arith.constant 0 : i32
      %cond3A_200 = arith.cmpi ne, %convert_element_type3A_198, %cond3A_199 : i32
      %cond3A_201 = scf.if %cond3A_200 -> (f32) {
        %slice3A_266 = vector.extract_strided_slice %get3A_1 {offsets = [512, 0], sizes = [128, 128], strides = [1, 1]} : vector<1024x128xf32> to vector<128x128xf32>
        %slice3A_267 = vector.extract_strided_slice %get3A_4 {offsets = [512, 0], sizes = [128, 1], strides = [1, 1]} : vector<1024x1xi32> to vector<128x1xi32>
        %slice3A_268 = vector.extract_strided_slice %transpose3A {offsets = [0, 0], sizes = [128, 128], strides = [1, 1]} : vector<128x1024xf32> to vector<128x128xf32>
        %broadcast_in_dim3A_269 = vector.shape_cast %slice3A_266 : vector<128x128xf32> to vector<128x128x1xf32>
        %broadcast_in_dim3A_270 = vector.shape_cast %slice3A_268 : vector<128x128xf32> to vector<1x128x128xf32>
        %sub3A_271 = vector.broadcast %broadcast_in_dim3A_269 : vector<128x128x1xf32> to vector<128x128x128xf32>
        %sub3A_272 = vector.broadcast %broadcast_in_dim3A_270 : vector<1x128x128xf32> to vector<128x128x128xf32>
        %sub3A_273 = arith.subf %sub3A_271, %sub3A_272 : vector<128x128x128xf32>
        %add3A_274 = arith.constant 9.99999997E-7 : f32
        %add3A_275 = vector.broadcast %add3A_274 : f32 to vector<128x128x128xf32>
        %add3A_276 = arith.addf %sub3A_273, %add3A_275 : vector<128x128x128xf32>
        %abs3A = math.absf %add3A_276 : vector<128x128x128xf32>
        %reduce_sum3A_277 = arith.constant dense<0.000000e+00> : vector<128x128xf32>
        %reduce_sum3A_278 = vector.multi_reduction <add>, %abs3A, %reduce_sum3A_277 [1] : vector<128x128x128xf32> to vector<128x128xf32>
        %slice3A_279 = vector.extract_strided_slice %transpose3A {offsets = [0, 128], sizes = [128, 128], strides = [1, 1]} : vector<128x1024xf32> to vector<128x128xf32>
        %broadcast_in_dim3A_280 = vector.shape_cast %slice3A_266 : vector<128x128xf32> to vector<128x128x1xf32>
        %broadcast_in_dim3A_281 = vector.shape_cast %slice3A_279 : vector<128x128xf32> to vector<1x128x128xf32>
        %sub3A_282 = vector.broadcast %broadcast_in_dim3A_280 : vector<128x128x1xf32> to vector<128x128x128xf32>
        %sub3A_283 = vector.broadcast %broadcast_in_dim3A_281 : vector<1x128x128xf32> to vector<128x128x128xf32>
        %sub3A_284 = arith.subf %sub3A_282, %sub3A_283 : vector<128x128x128xf32>
        %add3A_285 = arith.constant 9.99999997E-7 : f32
        %add3A_286 = vector.broadcast %add3A_285 : f32 to vector<128x128x128xf32>
        %add3A_287 = arith.addf %sub3A_284, %add3A_286 : vector<128x128x128xf32>
        %abs3A_288 = math.absf %add3A_287 : vector<128x128x128xf32>
        %reduce_sum3A_289 = arith.constant dense<0.000000e+00> : vector<128x128xf32>
        %reduce_sum3A_290 = vector.multi_reduction <add>, %abs3A_288, %reduce_sum3A_289 [1] : vector<128x128x128xf32> to vector<128x128xf32>
        %slice3A_291 = vector.extract_strided_slice %transpose3A {offsets = [0, 256], sizes = [128, 128], strides = [1, 1]} : vector<128x1024xf32> to vector<128x128xf32>
        %broadcast_in_dim3A_292 = vector.shape_cast %slice3A_266 : vector<128x128xf32> to vector<128x128x1xf32>
        %broadcast_in_dim3A_293 = vector.shape_cast %slice3A_291 : vector<128x128xf32> to vector<1x128x128xf32>
        %sub3A_294 = vector.broadcast %broadcast_in_dim3A_292 : vector<128x128x1xf32> to vector<128x128x128xf32>
        %sub3A_295 = vector.broadcast %broadcast_in_dim3A_293 : vector<1x128x128xf32> to vector<128x128x128xf32>
        %sub3A_296 = arith.subf %sub3A_294, %sub3A_295 : vector<128x128x128xf32>
        %add3A_297 = arith.constant 9.99999997E-7 : f32
        %add3A_298 = vector.broadcast %add3A_297 : f32 to vector<128x128x128xf32>
        %add3A_299 = arith.addf %sub3A_296, %add3A_298 : vector<128x128x128xf32>
        %abs3A_300 = math.absf %add3A_299 : vector<128x128x128xf32>
        %reduce_sum3A_301 = arith.constant dense<0.000000e+00> : vector<128x128xf32>
        %reduce_sum3A_302 = vector.multi_reduction <add>, %abs3A_300, %reduce_sum3A_301 [1] : vector<128x128x128xf32> to vector<128x128xf32>
        %slice3A_303 = vector.extract_strided_slice %transpose3A {offsets = [0, 384], sizes = [128, 128], strides = [1, 1]} : vector<128x1024xf32> to vector<128x128xf32>
        %broadcast_in_dim3A_304 = vector.shape_cast %slice3A_266 : vector<128x128xf32> to vector<128x128x1xf32>
        %broadcast_in_dim3A_305 = vector.shape_cast %slice3A_303 : vector<128x128xf32> to vector<1x128x128xf32>
        %sub3A_306 = vector.broadcast %broadcast_in_dim3A_304 : vector<128x128x1xf32> to vector<128x128x128xf32>
        %sub3A_307 = vector.broadcast %broadcast_in_dim3A_305 : vector<1x128x128xf32> to vector<128x128x128xf32>
        %sub3A_308 = arith.subf %sub3A_306, %sub3A_307 : vector<128x128x128xf32>
        %add3A_309 = arith.constant 9.99999997E-7 : f32
        %add3A_310 = vector.broadcast %add3A_309 : f32 to vector<128x128x128xf32>
        %add3A_311 = arith.addf %sub3A_308, %add3A_310 : vector<128x128x128xf32>
        %abs3A_312 = math.absf %add3A_311 : vector<128x128x128xf32>
        %reduce_sum3A_313 = arith.constant dense<0.000000e+00> : vector<128x128xf32>
        %reduce_sum3A_314 = vector.multi_reduction <add>, %abs3A_312, %reduce_sum3A_313 [1] : vector<128x128x128xf32> to vector<128x128xf32>
        %slice3A_315 = vector.extract_strided_slice %transpose3A {offsets = [0, 512], sizes = [128, 128], strides = [1, 1]} : vector<128x1024xf32> to vector<128x128xf32>
        %broadcast_in_dim3A_316 = vector.shape_cast %slice3A_266 : vector<128x128xf32> to vector<128x128x1xf32>
        %broadcast_in_dim3A_317 = vector.shape_cast %slice3A_315 : vector<128x128xf32> to vector<1x128x128xf32>
        %sub3A_318 = vector.broadcast %broadcast_in_dim3A_316 : vector<128x128x1xf32> to vector<128x128x128xf32>
        %sub3A_319 = vector.broadcast %broadcast_in_dim3A_317 : vector<1x128x128xf32> to vector<128x128x128xf32>
        %sub3A_320 = arith.subf %sub3A_318, %sub3A_319 : vector<128x128x128xf32>
        %add3A_321 = arith.constant 9.99999997E-7 : f32
        %add3A_322 = vector.broadcast %add3A_321 : f32 to vector<128x128x128xf32>
        %add3A_323 = arith.addf %sub3A_320, %add3A_322 : vector<128x128x128xf32>
        %abs3A_324 = math.absf %add3A_323 : vector<128x128x128xf32>
        %reduce_sum3A_325 = arith.constant dense<0.000000e+00> : vector<128x128xf32>
        %reduce_sum3A_326 = vector.multi_reduction <add>, %abs3A_324, %reduce_sum3A_325 [1] : vector<128x128x128xf32> to vector<128x128xf32>
        %slice3A_327 = vector.extract_strided_slice %transpose3A {offsets = [0, 640], sizes = [128, 128], strides = [1, 1]} : vector<128x1024xf32> to vector<128x128xf32>
        %broadcast_in_dim3A_328 = vector.shape_cast %slice3A_266 : vector<128x128xf32> to vector<128x128x1xf32>
        %broadcast_in_dim3A_329 = vector.shape_cast %slice3A_327 : vector<128x128xf32> to vector<1x128x128xf32>
        %sub3A_330 = vector.broadcast %broadcast_in_dim3A_328 : vector<128x128x1xf32> to vector<128x128x128xf32>
        %sub3A_331 = vector.broadcast %broadcast_in_dim3A_329 : vector<1x128x128xf32> to vector<128x128x128xf32>
        %sub3A_332 = arith.subf %sub3A_330, %sub3A_331 : vector<128x128x128xf32>
        %add3A_333 = arith.constant 9.99999997E-7 : f32
        %add3A_334 = vector.broadcast %add3A_333 : f32 to vector<128x128x128xf32>
        %add3A_335 = arith.addf %sub3A_332, %add3A_334 : vector<128x128x128xf32>
        %abs3A_336 = math.absf %add3A_335 : vector<128x128x128xf32>
        %reduce_sum3A_337 = arith.constant dense<0.000000e+00> : vector<128x128xf32>
        %reduce_sum3A_338 = vector.multi_reduction <add>, %abs3A_336, %reduce_sum3A_337 [1] : vector<128x128x128xf32> to vector<128x128xf32>
        %slice3A_339 = vector.extract_strided_slice %transpose3A {offsets = [0, 768], sizes = [128, 128], strides = [1, 1]} : vector<128x1024xf32> to vector<128x128xf32>
        %broadcast_in_dim3A_340 = vector.shape_cast %slice3A_266 : vector<128x128xf32> to vector<128x128x1xf32>
        %broadcast_in_dim3A_341 = vector.shape_cast %slice3A_339 : vector<128x128xf32> to vector<1x128x128xf32>
        %sub3A_342 = vector.broadcast %broadcast_in_dim3A_340 : vector<128x128x1xf32> to vector<128x128x128xf32>
        %sub3A_343 = vector.broadcast %broadcast_in_dim3A_341 : vector<1x128x128xf32> to vector<128x128x128xf32>
        %sub3A_344 = arith.subf %sub3A_342, %sub3A_343 : vector<128x128x128xf32>
        %add3A_345 = arith.constant 9.99999997E-7 : f32
        %add3A_346 = vector.broadcast %add3A_345 : f32 to vector<128x128x128xf32>
        %add3A_347 = arith.addf %sub3A_344, %add3A_346 : vector<128x128x128xf32>
        %abs3A_348 = math.absf %add3A_347 : vector<128x128x128xf32>
        %reduce_sum3A_349 = arith.constant dense<0.000000e+00> : vector<128x128xf32>
        %reduce_sum3A_350 = vector.multi_reduction <add>, %abs3A_348, %reduce_sum3A_349 [1] : vector<128x128x128xf32> to vector<128x128xf32>
        %slice3A_351 = vector.extract_strided_slice %transpose3A {offsets = [0, 896], sizes = [128, 128], strides = [1, 1]} : vector<128x1024xf32> to vector<128x128xf32>
        %broadcast_in_dim3A_352 = vector.shape_cast %slice3A_266 : vector<128x128xf32> to vector<128x128x1xf32>
        %broadcast_in_dim3A_353 = vector.shape_cast %slice3A_351 : vector<128x128xf32> to vector<1x128x128xf32>
        %sub3A_354 = vector.broadcast %broadcast_in_dim3A_352 : vector<128x128x1xf32> to vector<128x128x128xf32>
        %sub3A_355 = vector.broadcast %broadcast_in_dim3A_353 : vector<1x128x128xf32> to vector<128x128x128xf32>
        %sub3A_356 = arith.subf %sub3A_354, %sub3A_355 : vector<128x128x128xf32>
        %add3A_357 = arith.constant 9.99999997E-7 : f32
        %add3A_358 = vector.broadcast %add3A_357 : f32 to vector<128x128x128xf32>
        %add3A_359 = arith.addf %sub3A_356, %add3A_358 : vector<128x128x128xf32>
        %abs3A_360 = math.absf %add3A_359 : vector<128x128x128xf32>
        %reduce_sum3A_361 = arith.constant dense<0.000000e+00> : vector<128x128xf32>
        %reduce_sum3A_362 = vector.multi_reduction <add>, %abs3A_360, %reduce_sum3A_361 [1] : vector<128x128x128xf32> to vector<128x128xf32>
        %concatenate3A = tpu.concatenate %reduce_sum3A_278, %reduce_sum3A_290, %reduce_sum3A_302, %reduce_sum3A_314, %reduce_sum3A_326, %reduce_sum3A_338, %reduce_sum3A_350, %reduce_sum3A_362 in 1 : vector<128x128xf32>, vector<128x128xf32>, vector<128x128xf32>, vector<128x128xf32>, vector<128x128xf32>, vector<128x128xf32>, vector<128x128xf32>, vector<128x128xf32> -> vector<128x1024xf32>
        %iota3A_363 = tpu.iota {dimensions = array<i32: 0>} : vector<128x1xi32>
        %add3A_364 = arith.constant 512 : i32
        %add3A_365 = vector.broadcast %add3A_364 : i32 to vector<128x1xi32>
        %add3A_366 = arith.addi %add3A_365, %iota3A_363 : vector<128x1xi32>
        %eq3A_367 = vector.broadcast %slice3A_267 : vector<128x1xi32> to vector<128x1024xi32>
        %eq3A_368 = vector.broadcast %get3A_7 : vector<1x1024xi32> to vector<128x1024xi32>
        %eq3A_369 = arith.cmpi eq, %eq3A_367, %eq3A_368 : vector<128x1024xi32>
        %ne3A = vector.broadcast %add3A_366 : vector<128x1xi32> to vector<128x1024xi32>
        %ne3A_370 = arith.cmpi ne, %ne3A, %iota3A_97 : vector<128x1024xi32>
        %and3A = arith.andi %eq3A_369, %ne3A_370 : vector<128x1024xi1>
        %jit3A_371 = arith.constant 3.000000e+38 : f32
        %broadcast_in_dim3A_372 = vector.broadcast %jit3A_371 : f32 to vector<128x1024xf32>
        %select_n3A_373 = arith.select %and3A, %concatenate3A, %broadcast_in_dim3A_372 : vector<128x1024xi1>, vector<128x1024xf32>
        %min3A_374 = arith.constant 2.000000e+01 : f32
        %min3A_375 = vector.broadcast %min3A_374 : f32 to vector<128x1xf32>
        %min3A_376 = arith.minimumf %slice3A_182, %min3A_375 : vector<128x1xf32>
        %max3A_377 = arith.constant 1.000000e+00 : f32
        %max3A_378 = vector.broadcast %max3A_377 : f32 to vector<128x1xf32>
        %max3A_379 = arith.maximumf %min3A_376, %max3A_378 : vector<128x1xf32>
        %broadcast_in_dim3A_380 = arith.constant 0.000000e+00 : f32
        %broadcast_in_dim3A_381 = vector.broadcast %broadcast_in_dim3A_380 : f32 to vector<128x1024xf32>
        %scan3A = arith.constant 0 : i32
        %scan3A_382 = arith.constant 20 : i32
        %scan3A_383 = arith.addi %scan3A, %scan3A_382 : i32
        %scan3A_384 = arith.constant 1 : i32
        %scan3A_385:2 = scf.for %scan3A_418 = %scan3A to %scan3A_383 step %scan3A_384 iter_args(%scan3A_419 = %select_n3A_373, %scan3A_420 = %broadcast_in_dim3A_381) -> (vector<128x1024xf32>, vector<128x1024xf32>)  : i32 {
          %reduce_min3A = arith.constant dense<0x7F800000> : vector<128xf32>
          %reduce_min3A_421 = vector.multi_reduction <minimumf>, %scan3A_419, %reduce_min3A [1] : vector<128x1024xf32> to vector<128xf32>
          %broadcast_in_dim3A_422 = vector.shape_cast %reduce_min3A_421 : vector<128xf32> to vector<128x1xf32>
          %eq3A_423 = vector.broadcast %broadcast_in_dim3A_422 : vector<128x1xf32> to vector<128x1024xf32>
          %eq3A_424 = arith.cmpf oeq, %scan3A_419, %eq3A_423 : vector<128x1024xf32>
          %jit3A_425 = arith.constant 1073741824 : i32
          %broadcast_in_dim3A_426 = vector.broadcast %jit3A_425 : i32 to vector<128x1024xi32>
          %select_n3A_427 = arith.select %eq3A_424, %iota3A_97, %broadcast_in_dim3A_426 : vector<128x1024xi1>, vector<128x1024xi32>
          %reduce_min3A_428 = arith.constant dense<2147483647> : vector<128xi32>
          %reduce_min3A_429 = vector.multi_reduction <minsi>, %select_n3A_427, %reduce_min3A_428 [1] : vector<128x1024xi32> to vector<128xi32>
          %broadcast_in_dim3A_430 = vector.shape_cast %reduce_min3A_429 : vector<128xi32> to vector<128x1xi32>
          %eq3A_431 = vector.broadcast %broadcast_in_dim3A_430 : vector<128x1xi32> to vector<128x1024xi32>
          %eq3A_432 = arith.cmpi eq, %iota3A_97, %eq3A_431 : vector<128x1024xi32>
          %convert_element_type3A_433 = arith.sitofp %scan3A_418 : i32 to f32
          %lt3A = vector.broadcast %convert_element_type3A_433 : f32 to vector<128x1xf32>
          %lt3A_434 = arith.cmpf olt, %lt3A, %min3A_376 : vector<128x1xf32>
          %and3A_435 = vector.broadcast %lt3A_434 : vector<128x1xi1> to vector<128x1024xi1>
          %and3A_436 = arith.andi %eq3A_432, %and3A_435 : vector<128x1024xi1>
          %jit3A_437 = arith.constant 1.000000e+00 : f32
          %jit3A_438 = arith.constant 0.000000e+00 : f32
          %broadcast_in_dim3A_439 = vector.broadcast %jit3A_437 : f32 to vector<128x1024xf32>
          %broadcast_in_dim3A_440 = vector.broadcast %jit3A_438 : f32 to vector<128x1024xf32>
          %select_n3A_441 = arith.select %and3A_436, %broadcast_in_dim3A_439, %broadcast_in_dim3A_440 : vector<128x1024xi1>, vector<128x1024xf32>
          %add3A_442 = arith.addf %scan3A_420, %select_n3A_441 : vector<128x1024xf32>
          %jit3A_443 = arith.constant 3.000000e+38 : f32
          %broadcast_in_dim3A_444 = vector.broadcast %jit3A_443 : f32 to vector<128x1024xf32>
          %select_n3A_445 = arith.select %eq3A_432, %broadcast_in_dim3A_444, %scan3A_419 : vector<128x1024xi1>, vector<128x1024xf32>
          scf.yield %select_n3A_445, %add3A_442 : vector<128x1024xf32>, vector<128x1024xf32>
        }
        %scan3A_386 = arith.constant 20 : i32
        %dot_general3A_387 = arith.constant dense<0.000000e+00> : vector<128x128xf32>
        %dot_general3A_388 = tpu.matmul %scan3A_385#1, %get3A_1, %dot_general3A_387 {dimension_numbers = #tpu.dot_dimension_numbers<[1], [0], [0], [1], [0, 0, 1, 1], [], []>, precision = #tpu.contract_precision<fp32>, transpose_lhs_hint = false} : vector<128x1024xf32>, vector<1024x128xf32>, vector<128x128xf32> -> vector<128x128xf32>
        %dot_general3A_389 = arith.constant dense<0.000000e+00> : vector<128x1xf32>
        %dot_general3A_390 = tpu.matmul %scan3A_385#1, %broadcast_in_dim3A, %dot_general3A_389 {dimension_numbers = #tpu.dot_dimension_numbers<[1], [0], [0], [1], [0, 0, 1, 1], [], []>, precision = #tpu.contract_precision<fp32>, transpose_lhs_hint = false} : vector<128x1024xf32>, vector<1024x1xf32>, vector<128x1xf32> -> vector<128x1xf32>
        %slice3A_391 = vector.extract_strided_slice %broadcast_in_dim3A {offsets = [512, 0], sizes = [128, 1], strides = [1, 1]} : vector<1024x1xf32> to vector<128x1xf32>
        %mul3A_392 = arith.mulf %min3A_376, %slice3A_391 : vector<128x1xf32>
        %div3A_393 = arith.constant 2.000000e+00 : f32
        %div3A_394 = vector.broadcast %div3A_393 : f32 to vector<128x1xf32>
        %div3A_395 = arith.divf %div3A_394, %max3A_379 : vector<128x1xf32>
        %mul3A_396 = arith.mulf %slice3A_266, %dot_general3A_388 : vector<128x128xf32>
        %reduce_sum3A_397 = arith.constant dense<0.000000e+00> : vector<128xf32>
        %reduce_sum3A_398 = vector.multi_reduction <add>, %mul3A_396, %reduce_sum3A_397 [1] : vector<128x128xf32> to vector<128xf32>
        %broadcast_in_dim3A_399 = vector.shape_cast %reduce_sum3A_398 : vector<128xf32> to vector<128x1xf32>
        %mul3A_400 = arith.mulf %div3A_395, %broadcast_in_dim3A_399 : vector<128x1xf32>
        %sub3A_401 = arith.subf %mul3A_392, %mul3A_400 : vector<128x1xf32>
        %mul3A_402 = arith.mulf %max3A_379, %max3A_379 : vector<128x1xf32>
        %div3A_403 = arith.divf %dot_general3A_390, %mul3A_402 : vector<128x1xf32>
        %add3A_404 = arith.addf %sub3A_401, %div3A_403 : vector<128x1xf32>
        %slice3A_405 = vector.extract_strided_slice %add3A_96 {offsets = [512, 0], sizes = [128, 1], strides = [1, 1]} : vector<1024x1xf32> to vector<128x1xf32>
        %gt3A_406 = arith.constant 2.000000e+01 : f32
        %gt3A_407 = vector.broadcast %gt3A_406 : f32 to vector<128x1xf32>
        %gt3A_408 = arith.cmpf ogt, %slice3A_182, %gt3A_407 : vector<128x1xf32>
        %sub3A_409 = arith.subf %add3A_404, %slice3A_405 : vector<128x1xf32>
        %jit3A_410 = arith.constant 0.000000e+00 : f32
        %broadcast_in_dim3A_411 = vector.broadcast %jit3A_410 : f32 to vector<128x1xf32>
        %select_n3A_412 = arith.select %gt3A_408, %sub3A_409, %broadcast_in_dim3A_411 : vector<128x1xi1>, vector<128x1xf32>
        %reduce_sum3A_413 = vector.shape_cast %select_n3A_412 : vector<128x1xf32> to vector<1x128x1xf32>
        %reduce_sum3A_414 = arith.constant dense<0.000000e+00> : vector<1xf32>
        %reduce_sum3A_415 = vector.multi_reduction <add>, %reduce_sum3A_413, %reduce_sum3A_414 [1, 2] : vector<1x128x1xf32> to vector<1xf32>
        %reduce_sum3A_416 = vector.shape_cast %reduce_sum3A_415 : vector<1xf32> to vector<1x1x1xf32>
        %reduce_sum3A_417 = vector.extract %reduce_sum3A_416[0, 0, 0] : f32 from vector<1x1x1xf32>
        scf.yield %reduce_sum3A_417 : f32
      } else {
        %cond3A_266 = arith.constant 0.000000e+00 : f32
        scf.yield %cond3A_266 : f32
      }
      %add3A_202 = arith.addf %add3A_181, %cond3A_201 : f32
      %slice3A_203 = vector.extract_strided_slice %sub3A_23 {offsets = [640, 0], sizes = [128, 1], strides = [1, 1]} : vector<1024x1xf32> to vector<128x1xf32>
      %gt3A_204 = arith.constant 2.000000e+01 : f32
      %gt3A_205 = vector.broadcast %gt3A_204 : f32 to vector<128x1xf32>
      %gt3A_206 = arith.cmpf ogt, %slice3A_203, %gt3A_205 : vector<128x1xf32>
      %reduce_or3A_207 = arith.constant 1.000000e+00 : f32
      %reduce_or3A_208 = arith.constant 0.000000e+00 : f32
      %reduce_or3A_209 = vector.broadcast %reduce_or3A_207 : f32 to vector<128x1xf32>
      %reduce_or3A_210 = vector.broadcast %reduce_or3A_208 : f32 to vector<128x1xf32>
      %reduce_or3A_211 = arith.select %gt3A_206, %reduce_or3A_209, %reduce_or3A_210 : vector<128x1xi1>, vector<128x1xf32>
      %reduce_or3A_212 = vector.shape_cast %reduce_or3A_211 : vector<128x1xf32> to vector<1x128x1xf32>
      %reduce_or3A_213 = arith.constant dense<0xFF800000> : vector<1xf32>
      %reduce_or3A_214 = vector.multi_reduction <maximumf>, %reduce_or3A_212, %reduce_or3A_213 [1, 2] : vector<1x128x1xf32> to vector<1xf32>
      %reduce_or3A_215 = vector.shape_cast %reduce_or3A_214 : vector<1xf32> to vector<1x1x1xf32>
      %reduce_or3A_216 = vector.extract %reduce_or3A_215[0, 0, 0] : f32 from vector<1x1x1xf32>
      %reduce_or3A_217 = arith.constant 0.000000e+00 : f32
      %reduce_or3A_218 = arith.cmpf ogt, %reduce_or3A_216, %reduce_or3A_217 : f32
      %convert_element_type3A_219 = arith.extui %reduce_or3A_218 : i1 to i32
      %cond3A_220 = arith.constant 0 : i32
      %cond3A_221 = arith.cmpi ne, %convert_element_type3A_219, %cond3A_220 : i32
      %cond3A_222 = scf.if %cond3A_221 -> (f32) {
        %slice3A_266 = vector.extract_strided_slice %get3A_1 {offsets = [640, 0], sizes = [128, 128], strides = [1, 1]} : vector<1024x128xf32> to vector<128x128xf32>
        %slice3A_267 = vector.extract_strided_slice %get3A_4 {offsets = [640, 0], sizes = [128, 1], strides = [1, 1]} : vector<1024x1xi32> to vector<128x1xi32>
        %slice3A_268 = vector.extract_strided_slice %transpose3A {offsets = [0, 0], sizes = [128, 128], strides = [1, 1]} : vector<128x1024xf32> to vector<128x128xf32>
        %broadcast_in_dim3A_269 = vector.shape_cast %slice3A_266 : vector<128x128xf32> to vector<128x128x1xf32>
        %broadcast_in_dim3A_270 = vector.shape_cast %slice3A_268 : vector<128x128xf32> to vector<1x128x128xf32>
        %sub3A_271 = vector.broadcast %broadcast_in_dim3A_269 : vector<128x128x1xf32> to vector<128x128x128xf32>
        %sub3A_272 = vector.broadcast %broadcast_in_dim3A_270 : vector<1x128x128xf32> to vector<128x128x128xf32>
        %sub3A_273 = arith.subf %sub3A_271, %sub3A_272 : vector<128x128x128xf32>
        %add3A_274 = arith.constant 9.99999997E-7 : f32
        %add3A_275 = vector.broadcast %add3A_274 : f32 to vector<128x128x128xf32>
        %add3A_276 = arith.addf %sub3A_273, %add3A_275 : vector<128x128x128xf32>
        %abs3A = math.absf %add3A_276 : vector<128x128x128xf32>
        %reduce_sum3A_277 = arith.constant dense<0.000000e+00> : vector<128x128xf32>
        %reduce_sum3A_278 = vector.multi_reduction <add>, %abs3A, %reduce_sum3A_277 [1] : vector<128x128x128xf32> to vector<128x128xf32>
        %slice3A_279 = vector.extract_strided_slice %transpose3A {offsets = [0, 128], sizes = [128, 128], strides = [1, 1]} : vector<128x1024xf32> to vector<128x128xf32>
        %broadcast_in_dim3A_280 = vector.shape_cast %slice3A_266 : vector<128x128xf32> to vector<128x128x1xf32>
        %broadcast_in_dim3A_281 = vector.shape_cast %slice3A_279 : vector<128x128xf32> to vector<1x128x128xf32>
        %sub3A_282 = vector.broadcast %broadcast_in_dim3A_280 : vector<128x128x1xf32> to vector<128x128x128xf32>
        %sub3A_283 = vector.broadcast %broadcast_in_dim3A_281 : vector<1x128x128xf32> to vector<128x128x128xf32>
        %sub3A_284 = arith.subf %sub3A_282, %sub3A_283 : vector<128x128x128xf32>
        %add3A_285 = arith.constant 9.99999997E-7 : f32
        %add3A_286 = vector.broadcast %add3A_285 : f32 to vector<128x128x128xf32>
        %add3A_287 = arith.addf %sub3A_284, %add3A_286 : vector<128x128x128xf32>
        %abs3A_288 = math.absf %add3A_287 : vector<128x128x128xf32>
        %reduce_sum3A_289 = arith.constant dense<0.000000e+00> : vector<128x128xf32>
        %reduce_sum3A_290 = vector.multi_reduction <add>, %abs3A_288, %reduce_sum3A_289 [1] : vector<128x128x128xf32> to vector<128x128xf32>
        %slice3A_291 = vector.extract_strided_slice %transpose3A {offsets = [0, 256], sizes = [128, 128], strides = [1, 1]} : vector<128x1024xf32> to vector<128x128xf32>
        %broadcast_in_dim3A_292 = vector.shape_cast %slice3A_266 : vector<128x128xf32> to vector<128x128x1xf32>
        %broadcast_in_dim3A_293 = vector.shape_cast %slice3A_291 : vector<128x128xf32> to vector<1x128x128xf32>
        %sub3A_294 = vector.broadcast %broadcast_in_dim3A_292 : vector<128x128x1xf32> to vector<128x128x128xf32>
        %sub3A_295 = vector.broadcast %broadcast_in_dim3A_293 : vector<1x128x128xf32> to vector<128x128x128xf32>
        %sub3A_296 = arith.subf %sub3A_294, %sub3A_295 : vector<128x128x128xf32>
        %add3A_297 = arith.constant 9.99999997E-7 : f32
        %add3A_298 = vector.broadcast %add3A_297 : f32 to vector<128x128x128xf32>
        %add3A_299 = arith.addf %sub3A_296, %add3A_298 : vector<128x128x128xf32>
        %abs3A_300 = math.absf %add3A_299 : vector<128x128x128xf32>
        %reduce_sum3A_301 = arith.constant dense<0.000000e+00> : vector<128x128xf32>
        %reduce_sum3A_302 = vector.multi_reduction <add>, %abs3A_300, %reduce_sum3A_301 [1] : vector<128x128x128xf32> to vector<128x128xf32>
        %slice3A_303 = vector.extract_strided_slice %transpose3A {offsets = [0, 384], sizes = [128, 128], strides = [1, 1]} : vector<128x1024xf32> to vector<128x128xf32>
        %broadcast_in_dim3A_304 = vector.shape_cast %slice3A_266 : vector<128x128xf32> to vector<128x128x1xf32>
        %broadcast_in_dim3A_305 = vector.shape_cast %slice3A_303 : vector<128x128xf32> to vector<1x128x128xf32>
        %sub3A_306 = vector.broadcast %broadcast_in_dim3A_304 : vector<128x128x1xf32> to vector<128x128x128xf32>
        %sub3A_307 = vector.broadcast %broadcast_in_dim3A_305 : vector<1x128x128xf32> to vector<128x128x128xf32>
        %sub3A_308 = arith.subf %sub3A_306, %sub3A_307 : vector<128x128x128xf32>
        %add3A_309 = arith.constant 9.99999997E-7 : f32
        %add3A_310 = vector.broadcast %add3A_309 : f32 to vector<128x128x128xf32>
        %add3A_311 = arith.addf %sub3A_308, %add3A_310 : vector<128x128x128xf32>
        %abs3A_312 = math.absf %add3A_311 : vector<128x128x128xf32>
        %reduce_sum3A_313 = arith.constant dense<0.000000e+00> : vector<128x128xf32>
        %reduce_sum3A_314 = vector.multi_reduction <add>, %abs3A_312, %reduce_sum3A_313 [1] : vector<128x128x128xf32> to vector<128x128xf32>
        %slice3A_315 = vector.extract_strided_slice %transpose3A {offsets = [0, 512], sizes = [128, 128], strides = [1, 1]} : vector<128x1024xf32> to vector<128x128xf32>
        %broadcast_in_dim3A_316 = vector.shape_cast %slice3A_266 : vector<128x128xf32> to vector<128x128x1xf32>
        %broadcast_in_dim3A_317 = vector.shape_cast %slice3A_315 : vector<128x128xf32> to vector<1x128x128xf32>
        %sub3A_318 = vector.broadcast %broadcast_in_dim3A_316 : vector<128x128x1xf32> to vector<128x128x128xf32>
        %sub3A_319 = vector.broadcast %broadcast_in_dim3A_317 : vector<1x128x128xf32> to vector<128x128x128xf32>
        %sub3A_320 = arith.subf %sub3A_318, %sub3A_319 : vector<128x128x128xf32>
        %add3A_321 = arith.constant 9.99999997E-7 : f32
        %add3A_322 = vector.broadcast %add3A_321 : f32 to vector<128x128x128xf32>
        %add3A_323 = arith.addf %sub3A_320, %add3A_322 : vector<128x128x128xf32>
        %abs3A_324 = math.absf %add3A_323 : vector<128x128x128xf32>
        %reduce_sum3A_325 = arith.constant dense<0.000000e+00> : vector<128x128xf32>
        %reduce_sum3A_326 = vector.multi_reduction <add>, %abs3A_324, %reduce_sum3A_325 [1] : vector<128x128x128xf32> to vector<128x128xf32>
        %slice3A_327 = vector.extract_strided_slice %transpose3A {offsets = [0, 640], sizes = [128, 128], strides = [1, 1]} : vector<128x1024xf32> to vector<128x128xf32>
        %broadcast_in_dim3A_328 = vector.shape_cast %slice3A_266 : vector<128x128xf32> to vector<128x128x1xf32>
        %broadcast_in_dim3A_329 = vector.shape_cast %slice3A_327 : vector<128x128xf32> to vector<1x128x128xf32>
        %sub3A_330 = vector.broadcast %broadcast_in_dim3A_328 : vector<128x128x1xf32> to vector<128x128x128xf32>
        %sub3A_331 = vector.broadcast %broadcast_in_dim3A_329 : vector<1x128x128xf32> to vector<128x128x128xf32>
        %sub3A_332 = arith.subf %sub3A_330, %sub3A_331 : vector<128x128x128xf32>
        %add3A_333 = arith.constant 9.99999997E-7 : f32
        %add3A_334 = vector.broadcast %add3A_333 : f32 to vector<128x128x128xf32>
        %add3A_335 = arith.addf %sub3A_332, %add3A_334 : vector<128x128x128xf32>
        %abs3A_336 = math.absf %add3A_335 : vector<128x128x128xf32>
        %reduce_sum3A_337 = arith.constant dense<0.000000e+00> : vector<128x128xf32>
        %reduce_sum3A_338 = vector.multi_reduction <add>, %abs3A_336, %reduce_sum3A_337 [1] : vector<128x128x128xf32> to vector<128x128xf32>
        %slice3A_339 = vector.extract_strided_slice %transpose3A {offsets = [0, 768], sizes = [128, 128], strides = [1, 1]} : vector<128x1024xf32> to vector<128x128xf32>
        %broadcast_in_dim3A_340 = vector.shape_cast %slice3A_266 : vector<128x128xf32> to vector<128x128x1xf32>
        %broadcast_in_dim3A_341 = vector.shape_cast %slice3A_339 : vector<128x128xf32> to vector<1x128x128xf32>
        %sub3A_342 = vector.broadcast %broadcast_in_dim3A_340 : vector<128x128x1xf32> to vector<128x128x128xf32>
        %sub3A_343 = vector.broadcast %broadcast_in_dim3A_341 : vector<1x128x128xf32> to vector<128x128x128xf32>
        %sub3A_344 = arith.subf %sub3A_342, %sub3A_343 : vector<128x128x128xf32>
        %add3A_345 = arith.constant 9.99999997E-7 : f32
        %add3A_346 = vector.broadcast %add3A_345 : f32 to vector<128x128x128xf32>
        %add3A_347 = arith.addf %sub3A_344, %add3A_346 : vector<128x128x128xf32>
        %abs3A_348 = math.absf %add3A_347 : vector<128x128x128xf32>
        %reduce_sum3A_349 = arith.constant dense<0.000000e+00> : vector<128x128xf32>
        %reduce_sum3A_350 = vector.multi_reduction <add>, %abs3A_348, %reduce_sum3A_349 [1] : vector<128x128x128xf32> to vector<128x128xf32>
        %slice3A_351 = vector.extract_strided_slice %transpose3A {offsets = [0, 896], sizes = [128, 128], strides = [1, 1]} : vector<128x1024xf32> to vector<128x128xf32>
        %broadcast_in_dim3A_352 = vector.shape_cast %slice3A_266 : vector<128x128xf32> to vector<128x128x1xf32>
        %broadcast_in_dim3A_353 = vector.shape_cast %slice3A_351 : vector<128x128xf32> to vector<1x128x128xf32>
        %sub3A_354 = vector.broadcast %broadcast_in_dim3A_352 : vector<128x128x1xf32> to vector<128x128x128xf32>
        %sub3A_355 = vector.broadcast %broadcast_in_dim3A_353 : vector<1x128x128xf32> to vector<128x128x128xf32>
        %sub3A_356 = arith.subf %sub3A_354, %sub3A_355 : vector<128x128x128xf32>
        %add3A_357 = arith.constant 9.99999997E-7 : f32
        %add3A_358 = vector.broadcast %add3A_357 : f32 to vector<128x128x128xf32>
        %add3A_359 = arith.addf %sub3A_356, %add3A_358 : vector<128x128x128xf32>
        %abs3A_360 = math.absf %add3A_359 : vector<128x128x128xf32>
        %reduce_sum3A_361 = arith.constant dense<0.000000e+00> : vector<128x128xf32>
        %reduce_sum3A_362 = vector.multi_reduction <add>, %abs3A_360, %reduce_sum3A_361 [1] : vector<128x128x128xf32> to vector<128x128xf32>
        %concatenate3A = tpu.concatenate %reduce_sum3A_278, %reduce_sum3A_290, %reduce_sum3A_302, %reduce_sum3A_314, %reduce_sum3A_326, %reduce_sum3A_338, %reduce_sum3A_350, %reduce_sum3A_362 in 1 : vector<128x128xf32>, vector<128x128xf32>, vector<128x128xf32>, vector<128x128xf32>, vector<128x128xf32>, vector<128x128xf32>, vector<128x128xf32>, vector<128x128xf32> -> vector<128x1024xf32>
        %iota3A_363 = tpu.iota {dimensions = array<i32: 0>} : vector<128x1xi32>
        %add3A_364 = arith.constant 640 : i32
        %add3A_365 = vector.broadcast %add3A_364 : i32 to vector<128x1xi32>
        %add3A_366 = arith.addi %add3A_365, %iota3A_363 : vector<128x1xi32>
        %eq3A_367 = vector.broadcast %slice3A_267 : vector<128x1xi32> to vector<128x1024xi32>
        %eq3A_368 = vector.broadcast %get3A_7 : vector<1x1024xi32> to vector<128x1024xi32>
        %eq3A_369 = arith.cmpi eq, %eq3A_367, %eq3A_368 : vector<128x1024xi32>
        %ne3A = vector.broadcast %add3A_366 : vector<128x1xi32> to vector<128x1024xi32>
        %ne3A_370 = arith.cmpi ne, %ne3A, %iota3A_97 : vector<128x1024xi32>
        %and3A = arith.andi %eq3A_369, %ne3A_370 : vector<128x1024xi1>
        %jit3A_371 = arith.constant 3.000000e+38 : f32
        %broadcast_in_dim3A_372 = vector.broadcast %jit3A_371 : f32 to vector<128x1024xf32>
        %select_n3A_373 = arith.select %and3A, %concatenate3A, %broadcast_in_dim3A_372 : vector<128x1024xi1>, vector<128x1024xf32>
        %min3A_374 = arith.constant 2.000000e+01 : f32
        %min3A_375 = vector.broadcast %min3A_374 : f32 to vector<128x1xf32>
        %min3A_376 = arith.minimumf %slice3A_203, %min3A_375 : vector<128x1xf32>
        %max3A_377 = arith.constant 1.000000e+00 : f32
        %max3A_378 = vector.broadcast %max3A_377 : f32 to vector<128x1xf32>
        %max3A_379 = arith.maximumf %min3A_376, %max3A_378 : vector<128x1xf32>
        %broadcast_in_dim3A_380 = arith.constant 0.000000e+00 : f32
        %broadcast_in_dim3A_381 = vector.broadcast %broadcast_in_dim3A_380 : f32 to vector<128x1024xf32>
        %scan3A = arith.constant 0 : i32
        %scan3A_382 = arith.constant 20 : i32
        %scan3A_383 = arith.addi %scan3A, %scan3A_382 : i32
        %scan3A_384 = arith.constant 1 : i32
        %scan3A_385:2 = scf.for %scan3A_418 = %scan3A to %scan3A_383 step %scan3A_384 iter_args(%scan3A_419 = %select_n3A_373, %scan3A_420 = %broadcast_in_dim3A_381) -> (vector<128x1024xf32>, vector<128x1024xf32>)  : i32 {
          %reduce_min3A = arith.constant dense<0x7F800000> : vector<128xf32>
          %reduce_min3A_421 = vector.multi_reduction <minimumf>, %scan3A_419, %reduce_min3A [1] : vector<128x1024xf32> to vector<128xf32>
          %broadcast_in_dim3A_422 = vector.shape_cast %reduce_min3A_421 : vector<128xf32> to vector<128x1xf32>
          %eq3A_423 = vector.broadcast %broadcast_in_dim3A_422 : vector<128x1xf32> to vector<128x1024xf32>
          %eq3A_424 = arith.cmpf oeq, %scan3A_419, %eq3A_423 : vector<128x1024xf32>
          %jit3A_425 = arith.constant 1073741824 : i32
          %broadcast_in_dim3A_426 = vector.broadcast %jit3A_425 : i32 to vector<128x1024xi32>
          %select_n3A_427 = arith.select %eq3A_424, %iota3A_97, %broadcast_in_dim3A_426 : vector<128x1024xi1>, vector<128x1024xi32>
          %reduce_min3A_428 = arith.constant dense<2147483647> : vector<128xi32>
          %reduce_min3A_429 = vector.multi_reduction <minsi>, %select_n3A_427, %reduce_min3A_428 [1] : vector<128x1024xi32> to vector<128xi32>
          %broadcast_in_dim3A_430 = vector.shape_cast %reduce_min3A_429 : vector<128xi32> to vector<128x1xi32>
          %eq3A_431 = vector.broadcast %broadcast_in_dim3A_430 : vector<128x1xi32> to vector<128x1024xi32>
          %eq3A_432 = arith.cmpi eq, %iota3A_97, %eq3A_431 : vector<128x1024xi32>
          %convert_element_type3A_433 = arith.sitofp %scan3A_418 : i32 to f32
          %lt3A = vector.broadcast %convert_element_type3A_433 : f32 to vector<128x1xf32>
          %lt3A_434 = arith.cmpf olt, %lt3A, %min3A_376 : vector<128x1xf32>
          %and3A_435 = vector.broadcast %lt3A_434 : vector<128x1xi1> to vector<128x1024xi1>
          %and3A_436 = arith.andi %eq3A_432, %and3A_435 : vector<128x1024xi1>
          %jit3A_437 = arith.constant 1.000000e+00 : f32
          %jit3A_438 = arith.constant 0.000000e+00 : f32
          %broadcast_in_dim3A_439 = vector.broadcast %jit3A_437 : f32 to vector<128x1024xf32>
          %broadcast_in_dim3A_440 = vector.broadcast %jit3A_438 : f32 to vector<128x1024xf32>
          %select_n3A_441 = arith.select %and3A_436, %broadcast_in_dim3A_439, %broadcast_in_dim3A_440 : vector<128x1024xi1>, vector<128x1024xf32>
          %add3A_442 = arith.addf %scan3A_420, %select_n3A_441 : vector<128x1024xf32>
          %jit3A_443 = arith.constant 3.000000e+38 : f32
          %broadcast_in_dim3A_444 = vector.broadcast %jit3A_443 : f32 to vector<128x1024xf32>
          %select_n3A_445 = arith.select %eq3A_432, %broadcast_in_dim3A_444, %scan3A_419 : vector<128x1024xi1>, vector<128x1024xf32>
          scf.yield %select_n3A_445, %add3A_442 : vector<128x1024xf32>, vector<128x1024xf32>
        }
        %scan3A_386 = arith.constant 20 : i32
        %dot_general3A_387 = arith.constant dense<0.000000e+00> : vector<128x128xf32>
        %dot_general3A_388 = tpu.matmul %scan3A_385#1, %get3A_1, %dot_general3A_387 {dimension_numbers = #tpu.dot_dimension_numbers<[1], [0], [0], [1], [0, 0, 1, 1], [], []>, precision = #tpu.contract_precision<fp32>, transpose_lhs_hint = false} : vector<128x1024xf32>, vector<1024x128xf32>, vector<128x128xf32> -> vector<128x128xf32>
        %dot_general3A_389 = arith.constant dense<0.000000e+00> : vector<128x1xf32>
        %dot_general3A_390 = tpu.matmul %scan3A_385#1, %broadcast_in_dim3A, %dot_general3A_389 {dimension_numbers = #tpu.dot_dimension_numbers<[1], [0], [0], [1], [0, 0, 1, 1], [], []>, precision = #tpu.contract_precision<fp32>, transpose_lhs_hint = false} : vector<128x1024xf32>, vector<1024x1xf32>, vector<128x1xf32> -> vector<128x1xf32>
        %slice3A_391 = vector.extract_strided_slice %broadcast_in_dim3A {offsets = [640, 0], sizes = [128, 1], strides = [1, 1]} : vector<1024x1xf32> to vector<128x1xf32>
        %mul3A_392 = arith.mulf %min3A_376, %slice3A_391 : vector<128x1xf32>
        %div3A_393 = arith.constant 2.000000e+00 : f32
        %div3A_394 = vector.broadcast %div3A_393 : f32 to vector<128x1xf32>
        %div3A_395 = arith.divf %div3A_394, %max3A_379 : vector<128x1xf32>
        %mul3A_396 = arith.mulf %slice3A_266, %dot_general3A_388 : vector<128x128xf32>
        %reduce_sum3A_397 = arith.constant dense<0.000000e+00> : vector<128xf32>
        %reduce_sum3A_398 = vector.multi_reduction <add>, %mul3A_396, %reduce_sum3A_397 [1] : vector<128x128xf32> to vector<128xf32>
        %broadcast_in_dim3A_399 = vector.shape_cast %reduce_sum3A_398 : vector<128xf32> to vector<128x1xf32>
        %mul3A_400 = arith.mulf %div3A_395, %broadcast_in_dim3A_399 : vector<128x1xf32>
        %sub3A_401 = arith.subf %mul3A_392, %mul3A_400 : vector<128x1xf32>
        %mul3A_402 = arith.mulf %max3A_379, %max3A_379 : vector<128x1xf32>
        %div3A_403 = arith.divf %dot_general3A_390, %mul3A_402 : vector<128x1xf32>
        %add3A_404 = arith.addf %sub3A_401, %div3A_403 : vector<128x1xf32>
        %slice3A_405 = vector.extract_strided_slice %add3A_96 {offsets = [640, 0], sizes = [128, 1], strides = [1, 1]} : vector<1024x1xf32> to vector<128x1xf32>
        %gt3A_406 = arith.constant 2.000000e+01 : f32
        %gt3A_407 = vector.broadcast %gt3A_406 : f32 to vector<128x1xf32>
        %gt3A_408 = arith.cmpf ogt, %slice3A_203, %gt3A_407 : vector<128x1xf32>
        %sub3A_409 = arith.subf %add3A_404, %slice3A_405 : vector<128x1xf32>
        %jit3A_410 = arith.constant 0.000000e+00 : f32
        %broadcast_in_dim3A_411 = vector.broadcast %jit3A_410 : f32 to vector<128x1xf32>
        %select_n3A_412 = arith.select %gt3A_408, %sub3A_409, %broadcast_in_dim3A_411 : vector<128x1xi1>, vector<128x1xf32>
        %reduce_sum3A_413 = vector.shape_cast %select_n3A_412 : vector<128x1xf32> to vector<1x128x1xf32>
        %reduce_sum3A_414 = arith.constant dense<0.000000e+00> : vector<1xf32>
        %reduce_sum3A_415 = vector.multi_reduction <add>, %reduce_sum3A_413, %reduce_sum3A_414 [1, 2] : vector<1x128x1xf32> to vector<1xf32>
        %reduce_sum3A_416 = vector.shape_cast %reduce_sum3A_415 : vector<1xf32> to vector<1x1x1xf32>
        %reduce_sum3A_417 = vector.extract %reduce_sum3A_416[0, 0, 0] : f32 from vector<1x1x1xf32>
        scf.yield %reduce_sum3A_417 : f32
      } else {
        %cond3A_266 = arith.constant 0.000000e+00 : f32
        scf.yield %cond3A_266 : f32
      }
      %add3A_223 = arith.addf %add3A_202, %cond3A_222 : f32
      %slice3A_224 = vector.extract_strided_slice %sub3A_23 {offsets = [768, 0], sizes = [128, 1], strides = [1, 1]} : vector<1024x1xf32> to vector<128x1xf32>
      %gt3A_225 = arith.constant 2.000000e+01 : f32
      %gt3A_226 = vector.broadcast %gt3A_225 : f32 to vector<128x1xf32>
      %gt3A_227 = arith.cmpf ogt, %slice3A_224, %gt3A_226 : vector<128x1xf32>
      %reduce_or3A_228 = arith.constant 1.000000e+00 : f32
      %reduce_or3A_229 = arith.constant 0.000000e+00 : f32
      %reduce_or3A_230 = vector.broadcast %reduce_or3A_228 : f32 to vector<128x1xf32>
      %reduce_or3A_231 = vector.broadcast %reduce_or3A_229 : f32 to vector<128x1xf32>
      %reduce_or3A_232 = arith.select %gt3A_227, %reduce_or3A_230, %reduce_or3A_231 : vector<128x1xi1>, vector<128x1xf32>
      %reduce_or3A_233 = vector.shape_cast %reduce_or3A_232 : vector<128x1xf32> to vector<1x128x1xf32>
      %reduce_or3A_234 = arith.constant dense<0xFF800000> : vector<1xf32>
      %reduce_or3A_235 = vector.multi_reduction <maximumf>, %reduce_or3A_233, %reduce_or3A_234 [1, 2] : vector<1x128x1xf32> to vector<1xf32>
      %reduce_or3A_236 = vector.shape_cast %reduce_or3A_235 : vector<1xf32> to vector<1x1x1xf32>
      %reduce_or3A_237 = vector.extract %reduce_or3A_236[0, 0, 0] : f32 from vector<1x1x1xf32>
      %reduce_or3A_238 = arith.constant 0.000000e+00 : f32
      %reduce_or3A_239 = arith.cmpf ogt, %reduce_or3A_237, %reduce_or3A_238 : f32
      %convert_element_type3A_240 = arith.extui %reduce_or3A_239 : i1 to i32
      %cond3A_241 = arith.constant 0 : i32
      %cond3A_242 = arith.cmpi ne, %convert_element_type3A_240, %cond3A_241 : i32
      %cond3A_243 = scf.if %cond3A_242 -> (f32) {
        %slice3A_266 = vector.extract_strided_slice %get3A_1 {offsets = [768, 0], sizes = [128, 128], strides = [1, 1]} : vector<1024x128xf32> to vector<128x128xf32>
        %slice3A_267 = vector.extract_strided_slice %get3A_4 {offsets = [768, 0], sizes = [128, 1], strides = [1, 1]} : vector<1024x1xi32> to vector<128x1xi32>
        %slice3A_268 = vector.extract_strided_slice %transpose3A {offsets = [0, 0], sizes = [128, 128], strides = [1, 1]} : vector<128x1024xf32> to vector<128x128xf32>
        %broadcast_in_dim3A_269 = vector.shape_cast %slice3A_266 : vector<128x128xf32> to vector<128x128x1xf32>
        %broadcast_in_dim3A_270 = vector.shape_cast %slice3A_268 : vector<128x128xf32> to vector<1x128x128xf32>
        %sub3A_271 = vector.broadcast %broadcast_in_dim3A_269 : vector<128x128x1xf32> to vector<128x128x128xf32>
        %sub3A_272 = vector.broadcast %broadcast_in_dim3A_270 : vector<1x128x128xf32> to vector<128x128x128xf32>
        %sub3A_273 = arith.subf %sub3A_271, %sub3A_272 : vector<128x128x128xf32>
        %add3A_274 = arith.constant 9.99999997E-7 : f32
        %add3A_275 = vector.broadcast %add3A_274 : f32 to vector<128x128x128xf32>
        %add3A_276 = arith.addf %sub3A_273, %add3A_275 : vector<128x128x128xf32>
        %abs3A = math.absf %add3A_276 : vector<128x128x128xf32>
        %reduce_sum3A_277 = arith.constant dense<0.000000e+00> : vector<128x128xf32>
        %reduce_sum3A_278 = vector.multi_reduction <add>, %abs3A, %reduce_sum3A_277 [1] : vector<128x128x128xf32> to vector<128x128xf32>
        %slice3A_279 = vector.extract_strided_slice %transpose3A {offsets = [0, 128], sizes = [128, 128], strides = [1, 1]} : vector<128x1024xf32> to vector<128x128xf32>
        %broadcast_in_dim3A_280 = vector.shape_cast %slice3A_266 : vector<128x128xf32> to vector<128x128x1xf32>
        %broadcast_in_dim3A_281 = vector.shape_cast %slice3A_279 : vector<128x128xf32> to vector<1x128x128xf32>
        %sub3A_282 = vector.broadcast %broadcast_in_dim3A_280 : vector<128x128x1xf32> to vector<128x128x128xf32>
        %sub3A_283 = vector.broadcast %broadcast_in_dim3A_281 : vector<1x128x128xf32> to vector<128x128x128xf32>
        %sub3A_284 = arith.subf %sub3A_282, %sub3A_283 : vector<128x128x128xf32>
        %add3A_285 = arith.constant 9.99999997E-7 : f32
        %add3A_286 = vector.broadcast %add3A_285 : f32 to vector<128x128x128xf32>
        %add3A_287 = arith.addf %sub3A_284, %add3A_286 : vector<128x128x128xf32>
        %abs3A_288 = math.absf %add3A_287 : vector<128x128x128xf32>
        %reduce_sum3A_289 = arith.constant dense<0.000000e+00> : vector<128x128xf32>
        %reduce_sum3A_290 = vector.multi_reduction <add>, %abs3A_288, %reduce_sum3A_289 [1] : vector<128x128x128xf32> to vector<128x128xf32>
        %slice3A_291 = vector.extract_strided_slice %transpose3A {offsets = [0, 256], sizes = [128, 128], strides = [1, 1]} : vector<128x1024xf32> to vector<128x128xf32>
        %broadcast_in_dim3A_292 = vector.shape_cast %slice3A_266 : vector<128x128xf32> to vector<128x128x1xf32>
        %broadcast_in_dim3A_293 = vector.shape_cast %slice3A_291 : vector<128x128xf32> to vector<1x128x128xf32>
        %sub3A_294 = vector.broadcast %broadcast_in_dim3A_292 : vector<128x128x1xf32> to vector<128x128x128xf32>
        %sub3A_295 = vector.broadcast %broadcast_in_dim3A_293 : vector<1x128x128xf32> to vector<128x128x128xf32>
        %sub3A_296 = arith.subf %sub3A_294, %sub3A_295 : vector<128x128x128xf32>
        %add3A_297 = arith.constant 9.99999997E-7 : f32
        %add3A_298 = vector.broadcast %add3A_297 : f32 to vector<128x128x128xf32>
        %add3A_299 = arith.addf %sub3A_296, %add3A_298 : vector<128x128x128xf32>
        %abs3A_300 = math.absf %add3A_299 : vector<128x128x128xf32>
        %reduce_sum3A_301 = arith.constant dense<0.000000e+00> : vector<128x128xf32>
        %reduce_sum3A_302 = vector.multi_reduction <add>, %abs3A_300, %reduce_sum3A_301 [1] : vector<128x128x128xf32> to vector<128x128xf32>
        %slice3A_303 = vector.extract_strided_slice %transpose3A {offsets = [0, 384], sizes = [128, 128], strides = [1, 1]} : vector<128x1024xf32> to vector<128x128xf32>
        %broadcast_in_dim3A_304 = vector.shape_cast %slice3A_266 : vector<128x128xf32> to vector<128x128x1xf32>
        %broadcast_in_dim3A_305 = vector.shape_cast %slice3A_303 : vector<128x128xf32> to vector<1x128x128xf32>
        %sub3A_306 = vector.broadcast %broadcast_in_dim3A_304 : vector<128x128x1xf32> to vector<128x128x128xf32>
        %sub3A_307 = vector.broadcast %broadcast_in_dim3A_305 : vector<1x128x128xf32> to vector<128x128x128xf32>
        %sub3A_308 = arith.subf %sub3A_306, %sub3A_307 : vector<128x128x128xf32>
        %add3A_309 = arith.constant 9.99999997E-7 : f32
        %add3A_310 = vector.broadcast %add3A_309 : f32 to vector<128x128x128xf32>
        %add3A_311 = arith.addf %sub3A_308, %add3A_310 : vector<128x128x128xf32>
        %abs3A_312 = math.absf %add3A_311 : vector<128x128x128xf32>
        %reduce_sum3A_313 = arith.constant dense<0.000000e+00> : vector<128x128xf32>
        %reduce_sum3A_314 = vector.multi_reduction <add>, %abs3A_312, %reduce_sum3A_313 [1] : vector<128x128x128xf32> to vector<128x128xf32>
        %slice3A_315 = vector.extract_strided_slice %transpose3A {offsets = [0, 512], sizes = [128, 128], strides = [1, 1]} : vector<128x1024xf32> to vector<128x128xf32>
        %broadcast_in_dim3A_316 = vector.shape_cast %slice3A_266 : vector<128x128xf32> to vector<128x128x1xf32>
        %broadcast_in_dim3A_317 = vector.shape_cast %slice3A_315 : vector<128x128xf32> to vector<1x128x128xf32>
        %sub3A_318 = vector.broadcast %broadcast_in_dim3A_316 : vector<128x128x1xf32> to vector<128x128x128xf32>
        %sub3A_319 = vector.broadcast %broadcast_in_dim3A_317 : vector<1x128x128xf32> to vector<128x128x128xf32>
        %sub3A_320 = arith.subf %sub3A_318, %sub3A_319 : vector<128x128x128xf32>
        %add3A_321 = arith.constant 9.99999997E-7 : f32
        %add3A_322 = vector.broadcast %add3A_321 : f32 to vector<128x128x128xf32>
        %add3A_323 = arith.addf %sub3A_320, %add3A_322 : vector<128x128x128xf32>
        %abs3A_324 = math.absf %add3A_323 : vector<128x128x128xf32>
        %reduce_sum3A_325 = arith.constant dense<0.000000e+00> : vector<128x128xf32>
        %reduce_sum3A_326 = vector.multi_reduction <add>, %abs3A_324, %reduce_sum3A_325 [1] : vector<128x128x128xf32> to vector<128x128xf32>
        %slice3A_327 = vector.extract_strided_slice %transpose3A {offsets = [0, 640], sizes = [128, 128], strides = [1, 1]} : vector<128x1024xf32> to vector<128x128xf32>
        %broadcast_in_dim3A_328 = vector.shape_cast %slice3A_266 : vector<128x128xf32> to vector<128x128x1xf32>
        %broadcast_in_dim3A_329 = vector.shape_cast %slice3A_327 : vector<128x128xf32> to vector<1x128x128xf32>
        %sub3A_330 = vector.broadcast %broadcast_in_dim3A_328 : vector<128x128x1xf32> to vector<128x128x128xf32>
        %sub3A_331 = vector.broadcast %broadcast_in_dim3A_329 : vector<1x128x128xf32> to vector<128x128x128xf32>
        %sub3A_332 = arith.subf %sub3A_330, %sub3A_331 : vector<128x128x128xf32>
        %add3A_333 = arith.constant 9.99999997E-7 : f32
        %add3A_334 = vector.broadcast %add3A_333 : f32 to vector<128x128x128xf32>
        %add3A_335 = arith.addf %sub3A_332, %add3A_334 : vector<128x128x128xf32>
        %abs3A_336 = math.absf %add3A_335 : vector<128x128x128xf32>
        %reduce_sum3A_337 = arith.constant dense<0.000000e+00> : vector<128x128xf32>
        %reduce_sum3A_338 = vector.multi_reduction <add>, %abs3A_336, %reduce_sum3A_337 [1] : vector<128x128x128xf32> to vector<128x128xf32>
        %slice3A_339 = vector.extract_strided_slice %transpose3A {offsets = [0, 768], sizes = [128, 128], strides = [1, 1]} : vector<128x1024xf32> to vector<128x128xf32>
        %broadcast_in_dim3A_340 = vector.shape_cast %slice3A_266 : vector<128x128xf32> to vector<128x128x1xf32>
        %broadcast_in_dim3A_341 = vector.shape_cast %slice3A_339 : vector<128x128xf32> to vector<1x128x128xf32>
        %sub3A_342 = vector.broadcast %broadcast_in_dim3A_340 : vector<128x128x1xf32> to vector<128x128x128xf32>
        %sub3A_343 = vector.broadcast %broadcast_in_dim3A_341 : vector<1x128x128xf32> to vector<128x128x128xf32>
        %sub3A_344 = arith.subf %sub3A_342, %sub3A_343 : vector<128x128x128xf32>
        %add3A_345 = arith.constant 9.99999997E-7 : f32
        %add3A_346 = vector.broadcast %add3A_345 : f32 to vector<128x128x128xf32>
        %add3A_347 = arith.addf %sub3A_344, %add3A_346 : vector<128x128x128xf32>
        %abs3A_348 = math.absf %add3A_347 : vector<128x128x128xf32>
        %reduce_sum3A_349 = arith.constant dense<0.000000e+00> : vector<128x128xf32>
        %reduce_sum3A_350 = vector.multi_reduction <add>, %abs3A_348, %reduce_sum3A_349 [1] : vector<128x128x128xf32> to vector<128x128xf32>
        %slice3A_351 = vector.extract_strided_slice %transpose3A {offsets = [0, 896], sizes = [128, 128], strides = [1, 1]} : vector<128x1024xf32> to vector<128x128xf32>
        %broadcast_in_dim3A_352 = vector.shape_cast %slice3A_266 : vector<128x128xf32> to vector<128x128x1xf32>
        %broadcast_in_dim3A_353 = vector.shape_cast %slice3A_351 : vector<128x128xf32> to vector<1x128x128xf32>
        %sub3A_354 = vector.broadcast %broadcast_in_dim3A_352 : vector<128x128x1xf32> to vector<128x128x128xf32>
        %sub3A_355 = vector.broadcast %broadcast_in_dim3A_353 : vector<1x128x128xf32> to vector<128x128x128xf32>
        %sub3A_356 = arith.subf %sub3A_354, %sub3A_355 : vector<128x128x128xf32>
        %add3A_357 = arith.constant 9.99999997E-7 : f32
        %add3A_358 = vector.broadcast %add3A_357 : f32 to vector<128x128x128xf32>
        %add3A_359 = arith.addf %sub3A_356, %add3A_358 : vector<128x128x128xf32>
        %abs3A_360 = math.absf %add3A_359 : vector<128x128x128xf32>
        %reduce_sum3A_361 = arith.constant dense<0.000000e+00> : vector<128x128xf32>
        %reduce_sum3A_362 = vector.multi_reduction <add>, %abs3A_360, %reduce_sum3A_361 [1] : vector<128x128x128xf32> to vector<128x128xf32>
        %concatenate3A = tpu.concatenate %reduce_sum3A_278, %reduce_sum3A_290, %reduce_sum3A_302, %reduce_sum3A_314, %reduce_sum3A_326, %reduce_sum3A_338, %reduce_sum3A_350, %reduce_sum3A_362 in 1 : vector<128x128xf32>, vector<128x128xf32>, vector<128x128xf32>, vector<128x128xf32>, vector<128x128xf32>, vector<128x128xf32>, vector<128x128xf32>, vector<128x128xf32> -> vector<128x1024xf32>
        %iota3A_363 = tpu.iota {dimensions = array<i32: 0>} : vector<128x1xi32>
        %add3A_364 = arith.constant 768 : i32
        %add3A_365 = vector.broadcast %add3A_364 : i32 to vector<128x1xi32>
        %add3A_366 = arith.addi %add3A_365, %iota3A_363 : vector<128x1xi32>
        %eq3A_367 = vector.broadcast %slice3A_267 : vector<128x1xi32> to vector<128x1024xi32>
        %eq3A_368 = vector.broadcast %get3A_7 : vector<1x1024xi32> to vector<128x1024xi32>
        %eq3A_369 = arith.cmpi eq, %eq3A_367, %eq3A_368 : vector<128x1024xi32>
        %ne3A = vector.broadcast %add3A_366 : vector<128x1xi32> to vector<128x1024xi32>
        %ne3A_370 = arith.cmpi ne, %ne3A, %iota3A_97 : vector<128x1024xi32>
        %and3A = arith.andi %eq3A_369, %ne3A_370 : vector<128x1024xi1>
        %jit3A_371 = arith.constant 3.000000e+38 : f32
        %broadcast_in_dim3A_372 = vector.broadcast %jit3A_371 : f32 to vector<128x1024xf32>
        %select_n3A_373 = arith.select %and3A, %concatenate3A, %broadcast_in_dim3A_372 : vector<128x1024xi1>, vector<128x1024xf32>
        %min3A_374 = arith.constant 2.000000e+01 : f32
        %min3A_375 = vector.broadcast %min3A_374 : f32 to vector<128x1xf32>
        %min3A_376 = arith.minimumf %slice3A_224, %min3A_375 : vector<128x1xf32>
        %max3A_377 = arith.constant 1.000000e+00 : f32
        %max3A_378 = vector.broadcast %max3A_377 : f32 to vector<128x1xf32>
        %max3A_379 = arith.maximumf %min3A_376, %max3A_378 : vector<128x1xf32>
        %broadcast_in_dim3A_380 = arith.constant 0.000000e+00 : f32
        %broadcast_in_dim3A_381 = vector.broadcast %broadcast_in_dim3A_380 : f32 to vector<128x1024xf32>
        %scan3A = arith.constant 0 : i32
        %scan3A_382 = arith.constant 20 : i32
        %scan3A_383 = arith.addi %scan3A, %scan3A_382 : i32
        %scan3A_384 = arith.constant 1 : i32
        %scan3A_385:2 = scf.for %scan3A_418 = %scan3A to %scan3A_383 step %scan3A_384 iter_args(%scan3A_419 = %select_n3A_373, %scan3A_420 = %broadcast_in_dim3A_381) -> (vector<128x1024xf32>, vector<128x1024xf32>)  : i32 {
          %reduce_min3A = arith.constant dense<0x7F800000> : vector<128xf32>
          %reduce_min3A_421 = vector.multi_reduction <minimumf>, %scan3A_419, %reduce_min3A [1] : vector<128x1024xf32> to vector<128xf32>
          %broadcast_in_dim3A_422 = vector.shape_cast %reduce_min3A_421 : vector<128xf32> to vector<128x1xf32>
          %eq3A_423 = vector.broadcast %broadcast_in_dim3A_422 : vector<128x1xf32> to vector<128x1024xf32>
          %eq3A_424 = arith.cmpf oeq, %scan3A_419, %eq3A_423 : vector<128x1024xf32>
          %jit3A_425 = arith.constant 1073741824 : i32
          %broadcast_in_dim3A_426 = vector.broadcast %jit3A_425 : i32 to vector<128x1024xi32>
          %select_n3A_427 = arith.select %eq3A_424, %iota3A_97, %broadcast_in_dim3A_426 : vector<128x1024xi1>, vector<128x1024xi32>
          %reduce_min3A_428 = arith.constant dense<2147483647> : vector<128xi32>
          %reduce_min3A_429 = vector.multi_reduction <minsi>, %select_n3A_427, %reduce_min3A_428 [1] : vector<128x1024xi32> to vector<128xi32>
          %broadcast_in_dim3A_430 = vector.shape_cast %reduce_min3A_429 : vector<128xi32> to vector<128x1xi32>
          %eq3A_431 = vector.broadcast %broadcast_in_dim3A_430 : vector<128x1xi32> to vector<128x1024xi32>
          %eq3A_432 = arith.cmpi eq, %iota3A_97, %eq3A_431 : vector<128x1024xi32>
          %convert_element_type3A_433 = arith.sitofp %scan3A_418 : i32 to f32
          %lt3A = vector.broadcast %convert_element_type3A_433 : f32 to vector<128x1xf32>
          %lt3A_434 = arith.cmpf olt, %lt3A, %min3A_376 : vector<128x1xf32>
          %and3A_435 = vector.broadcast %lt3A_434 : vector<128x1xi1> to vector<128x1024xi1>
          %and3A_436 = arith.andi %eq3A_432, %and3A_435 : vector<128x1024xi1>
          %jit3A_437 = arith.constant 1.000000e+00 : f32
          %jit3A_438 = arith.constant 0.000000e+00 : f32
          %broadcast_in_dim3A_439 = vector.broadcast %jit3A_437 : f32 to vector<128x1024xf32>
          %broadcast_in_dim3A_440 = vector.broadcast %jit3A_438 : f32 to vector<128x1024xf32>
          %select_n3A_441 = arith.select %and3A_436, %broadcast_in_dim3A_439, %broadcast_in_dim3A_440 : vector<128x1024xi1>, vector<128x1024xf32>
          %add3A_442 = arith.addf %scan3A_420, %select_n3A_441 : vector<128x1024xf32>
          %jit3A_443 = arith.constant 3.000000e+38 : f32
          %broadcast_in_dim3A_444 = vector.broadcast %jit3A_443 : f32 to vector<128x1024xf32>
          %select_n3A_445 = arith.select %eq3A_432, %broadcast_in_dim3A_444, %scan3A_419 : vector<128x1024xi1>, vector<128x1024xf32>
          scf.yield %select_n3A_445, %add3A_442 : vector<128x1024xf32>, vector<128x1024xf32>
        }
        %scan3A_386 = arith.constant 20 : i32
        %dot_general3A_387 = arith.constant dense<0.000000e+00> : vector<128x128xf32>
        %dot_general3A_388 = tpu.matmul %scan3A_385#1, %get3A_1, %dot_general3A_387 {dimension_numbers = #tpu.dot_dimension_numbers<[1], [0], [0], [1], [0, 0, 1, 1], [], []>, precision = #tpu.contract_precision<fp32>, transpose_lhs_hint = false} : vector<128x1024xf32>, vector<1024x128xf32>, vector<128x128xf32> -> vector<128x128xf32>
        %dot_general3A_389 = arith.constant dense<0.000000e+00> : vector<128x1xf32>
        %dot_general3A_390 = tpu.matmul %scan3A_385#1, %broadcast_in_dim3A, %dot_general3A_389 {dimension_numbers = #tpu.dot_dimension_numbers<[1], [0], [0], [1], [0, 0, 1, 1], [], []>, precision = #tpu.contract_precision<fp32>, transpose_lhs_hint = false} : vector<128x1024xf32>, vector<1024x1xf32>, vector<128x1xf32> -> vector<128x1xf32>
        %slice3A_391 = vector.extract_strided_slice %broadcast_in_dim3A {offsets = [768, 0], sizes = [128, 1], strides = [1, 1]} : vector<1024x1xf32> to vector<128x1xf32>
        %mul3A_392 = arith.mulf %min3A_376, %slice3A_391 : vector<128x1xf32>
        %div3A_393 = arith.constant 2.000000e+00 : f32
        %div3A_394 = vector.broadcast %div3A_393 : f32 to vector<128x1xf32>
        %div3A_395 = arith.divf %div3A_394, %max3A_379 : vector<128x1xf32>
        %mul3A_396 = arith.mulf %slice3A_266, %dot_general3A_388 : vector<128x128xf32>
        %reduce_sum3A_397 = arith.constant dense<0.000000e+00> : vector<128xf32>
        %reduce_sum3A_398 = vector.multi_reduction <add>, %mul3A_396, %reduce_sum3A_397 [1] : vector<128x128xf32> to vector<128xf32>
        %broadcast_in_dim3A_399 = vector.shape_cast %reduce_sum3A_398 : vector<128xf32> to vector<128x1xf32>
        %mul3A_400 = arith.mulf %div3A_395, %broadcast_in_dim3A_399 : vector<128x1xf32>
        %sub3A_401 = arith.subf %mul3A_392, %mul3A_400 : vector<128x1xf32>
        %mul3A_402 = arith.mulf %max3A_379, %max3A_379 : vector<128x1xf32>
        %div3A_403 = arith.divf %dot_general3A_390, %mul3A_402 : vector<128x1xf32>
        %add3A_404 = arith.addf %sub3A_401, %div3A_403 : vector<128x1xf32>
        %slice3A_405 = vector.extract_strided_slice %add3A_96 {offsets = [768, 0], sizes = [128, 1], strides = [1, 1]} : vector<1024x1xf32> to vector<128x1xf32>
        %gt3A_406 = arith.constant 2.000000e+01 : f32
        %gt3A_407 = vector.broadcast %gt3A_406 : f32 to vector<128x1xf32>
        %gt3A_408 = arith.cmpf ogt, %slice3A_224, %gt3A_407 : vector<128x1xf32>
        %sub3A_409 = arith.subf %add3A_404, %slice3A_405 : vector<128x1xf32>
        %jit3A_410 = arith.constant 0.000000e+00 : f32
        %broadcast_in_dim3A_411 = vector.broadcast %jit3A_410 : f32 to vector<128x1xf32>
        %select_n3A_412 = arith.select %gt3A_408, %sub3A_409, %broadcast_in_dim3A_411 : vector<128x1xi1>, vector<128x1xf32>
        %reduce_sum3A_413 = vector.shape_cast %select_n3A_412 : vector<128x1xf32> to vector<1x128x1xf32>
        %reduce_sum3A_414 = arith.constant dense<0.000000e+00> : vector<1xf32>
        %reduce_sum3A_415 = vector.multi_reduction <add>, %reduce_sum3A_413, %reduce_sum3A_414 [1, 2] : vector<1x128x1xf32> to vector<1xf32>
        %reduce_sum3A_416 = vector.shape_cast %reduce_sum3A_415 : vector<1xf32> to vector<1x1x1xf32>
        %reduce_sum3A_417 = vector.extract %reduce_sum3A_416[0, 0, 0] : f32 from vector<1x1x1xf32>
        scf.yield %reduce_sum3A_417 : f32
      } else {
        %cond3A_266 = arith.constant 0.000000e+00 : f32
        scf.yield %cond3A_266 : f32
      }
      %add3A_244 = arith.addf %add3A_223, %cond3A_243 : f32
      %slice3A_245 = vector.extract_strided_slice %sub3A_23 {offsets = [896, 0], sizes = [128, 1], strides = [1, 1]} : vector<1024x1xf32> to vector<128x1xf32>
      %gt3A_246 = arith.constant 2.000000e+01 : f32
      %gt3A_247 = vector.broadcast %gt3A_246 : f32 to vector<128x1xf32>
      %gt3A_248 = arith.cmpf ogt, %slice3A_245, %gt3A_247 : vector<128x1xf32>
      %reduce_or3A_249 = arith.constant 1.000000e+00 : f32
      %reduce_or3A_250 = arith.constant 0.000000e+00 : f32
      %reduce_or3A_251 = vector.broadcast %reduce_or3A_249 : f32 to vector<128x1xf32>
      %reduce_or3A_252 = vector.broadcast %reduce_or3A_250 : f32 to vector<128x1xf32>
      %reduce_or3A_253 = arith.select %gt3A_248, %reduce_or3A_251, %reduce_or3A_252 : vector<128x1xi1>, vector<128x1xf32>
      %reduce_or3A_254 = vector.shape_cast %reduce_or3A_253 : vector<128x1xf32> to vector<1x128x1xf32>
      %reduce_or3A_255 = arith.constant dense<0xFF800000> : vector<1xf32>
      %reduce_or3A_256 = vector.multi_reduction <maximumf>, %reduce_or3A_254, %reduce_or3A_255 [1, 2] : vector<1x128x1xf32> to vector<1xf32>
      %reduce_or3A_257 = vector.shape_cast %reduce_or3A_256 : vector<1xf32> to vector<1x1x1xf32>
      %reduce_or3A_258 = vector.extract %reduce_or3A_257[0, 0, 0] : f32 from vector<1x1x1xf32>
      %reduce_or3A_259 = arith.constant 0.000000e+00 : f32
      %reduce_or3A_260 = arith.cmpf ogt, %reduce_or3A_258, %reduce_or3A_259 : f32
      %convert_element_type3A_261 = arith.extui %reduce_or3A_260 : i1 to i32
      %cond3A_262 = arith.constant 0 : i32
      %cond3A_263 = arith.cmpi ne, %convert_element_type3A_261, %cond3A_262 : i32
      %cond3A_264 = scf.if %cond3A_263 -> (f32) {
        %slice3A_266 = vector.extract_strided_slice %get3A_1 {offsets = [896, 0], sizes = [128, 128], strides = [1, 1]} : vector<1024x128xf32> to vector<128x128xf32>
        %slice3A_267 = vector.extract_strided_slice %get3A_4 {offsets = [896, 0], sizes = [128, 1], strides = [1, 1]} : vector<1024x1xi32> to vector<128x1xi32>
        %slice3A_268 = vector.extract_strided_slice %transpose3A {offsets = [0, 0], sizes = [128, 128], strides = [1, 1]} : vector<128x1024xf32> to vector<128x128xf32>
        %broadcast_in_dim3A_269 = vector.shape_cast %slice3A_266 : vector<128x128xf32> to vector<128x128x1xf32>
        %broadcast_in_dim3A_270 = vector.shape_cast %slice3A_268 : vector<128x128xf32> to vector<1x128x128xf32>
        %sub3A_271 = vector.broadcast %broadcast_in_dim3A_269 : vector<128x128x1xf32> to vector<128x128x128xf32>
        %sub3A_272 = vector.broadcast %broadcast_in_dim3A_270 : vector<1x128x128xf32> to vector<128x128x128xf32>
        %sub3A_273 = arith.subf %sub3A_271, %sub3A_272 : vector<128x128x128xf32>
        %add3A_274 = arith.constant 9.99999997E-7 : f32
        %add3A_275 = vector.broadcast %add3A_274 : f32 to vector<128x128x128xf32>
        %add3A_276 = arith.addf %sub3A_273, %add3A_275 : vector<128x128x128xf32>
        %abs3A = math.absf %add3A_276 : vector<128x128x128xf32>
        %reduce_sum3A_277 = arith.constant dense<0.000000e+00> : vector<128x128xf32>
        %reduce_sum3A_278 = vector.multi_reduction <add>, %abs3A, %reduce_sum3A_277 [1] : vector<128x128x128xf32> to vector<128x128xf32>
        %slice3A_279 = vector.extract_strided_slice %transpose3A {offsets = [0, 128], sizes = [128, 128], strides = [1, 1]} : vector<128x1024xf32> to vector<128x128xf32>
        %broadcast_in_dim3A_280 = vector.shape_cast %slice3A_266 : vector<128x128xf32> to vector<128x128x1xf32>
        %broadcast_in_dim3A_281 = vector.shape_cast %slice3A_279 : vector<128x128xf32> to vector<1x128x128xf32>
        %sub3A_282 = vector.broadcast %broadcast_in_dim3A_280 : vector<128x128x1xf32> to vector<128x128x128xf32>
        %sub3A_283 = vector.broadcast %broadcast_in_dim3A_281 : vector<1x128x128xf32> to vector<128x128x128xf32>
        %sub3A_284 = arith.subf %sub3A_282, %sub3A_283 : vector<128x128x128xf32>
        %add3A_285 = arith.constant 9.99999997E-7 : f32
        %add3A_286 = vector.broadcast %add3A_285 : f32 to vector<128x128x128xf32>
        %add3A_287 = arith.addf %sub3A_284, %add3A_286 : vector<128x128x128xf32>
        %abs3A_288 = math.absf %add3A_287 : vector<128x128x128xf32>
        %reduce_sum3A_289 = arith.constant dense<0.000000e+00> : vector<128x128xf32>
        %reduce_sum3A_290 = vector.multi_reduction <add>, %abs3A_288, %reduce_sum3A_289 [1] : vector<128x128x128xf32> to vector<128x128xf32>
        %slice3A_291 = vector.extract_strided_slice %transpose3A {offsets = [0, 256], sizes = [128, 128], strides = [1, 1]} : vector<128x1024xf32> to vector<128x128xf32>
        %broadcast_in_dim3A_292 = vector.shape_cast %slice3A_266 : vector<128x128xf32> to vector<128x128x1xf32>
        %broadcast_in_dim3A_293 = vector.shape_cast %slice3A_291 : vector<128x128xf32> to vector<1x128x128xf32>
        %sub3A_294 = vector.broadcast %broadcast_in_dim3A_292 : vector<128x128x1xf32> to vector<128x128x128xf32>
        %sub3A_295 = vector.broadcast %broadcast_in_dim3A_293 : vector<1x128x128xf32> to vector<128x128x128xf32>
        %sub3A_296 = arith.subf %sub3A_294, %sub3A_295 : vector<128x128x128xf32>
        %add3A_297 = arith.constant 9.99999997E-7 : f32
        %add3A_298 = vector.broadcast %add3A_297 : f32 to vector<128x128x128xf32>
        %add3A_299 = arith.addf %sub3A_296, %add3A_298 : vector<128x128x128xf32>
        %abs3A_300 = math.absf %add3A_299 : vector<128x128x128xf32>
        %reduce_sum3A_301 = arith.constant dense<0.000000e+00> : vector<128x128xf32>
        %reduce_sum3A_302 = vector.multi_reduction <add>, %abs3A_300, %reduce_sum3A_301 [1] : vector<128x128x128xf32> to vector<128x128xf32>
        %slice3A_303 = vector.extract_strided_slice %transpose3A {offsets = [0, 384], sizes = [128, 128], strides = [1, 1]} : vector<128x1024xf32> to vector<128x128xf32>
        %broadcast_in_dim3A_304 = vector.shape_cast %slice3A_266 : vector<128x128xf32> to vector<128x128x1xf32>
        %broadcast_in_dim3A_305 = vector.shape_cast %slice3A_303 : vector<128x128xf32> to vector<1x128x128xf32>
        %sub3A_306 = vector.broadcast %broadcast_in_dim3A_304 : vector<128x128x1xf32> to vector<128x128x128xf32>
        %sub3A_307 = vector.broadcast %broadcast_in_dim3A_305 : vector<1x128x128xf32> to vector<128x128x128xf32>
        %sub3A_308 = arith.subf %sub3A_306, %sub3A_307 : vector<128x128x128xf32>
        %add3A_309 = arith.constant 9.99999997E-7 : f32
        %add3A_310 = vector.broadcast %add3A_309 : f32 to vector<128x128x128xf32>
        %add3A_311 = arith.addf %sub3A_308, %add3A_310 : vector<128x128x128xf32>
        %abs3A_312 = math.absf %add3A_311 : vector<128x128x128xf32>
        %reduce_sum3A_313 = arith.constant dense<0.000000e+00> : vector<128x128xf32>
        %reduce_sum3A_314 = vector.multi_reduction <add>, %abs3A_312, %reduce_sum3A_313 [1] : vector<128x128x128xf32> to vector<128x128xf32>
        %slice3A_315 = vector.extract_strided_slice %transpose3A {offsets = [0, 512], sizes = [128, 128], strides = [1, 1]} : vector<128x1024xf32> to vector<128x128xf32>
        %broadcast_in_dim3A_316 = vector.shape_cast %slice3A_266 : vector<128x128xf32> to vector<128x128x1xf32>
        %broadcast_in_dim3A_317 = vector.shape_cast %slice3A_315 : vector<128x128xf32> to vector<1x128x128xf32>
        %sub3A_318 = vector.broadcast %broadcast_in_dim3A_316 : vector<128x128x1xf32> to vector<128x128x128xf32>
        %sub3A_319 = vector.broadcast %broadcast_in_dim3A_317 : vector<1x128x128xf32> to vector<128x128x128xf32>
        %sub3A_320 = arith.subf %sub3A_318, %sub3A_319 : vector<128x128x128xf32>
        %add3A_321 = arith.constant 9.99999997E-7 : f32
        %add3A_322 = vector.broadcast %add3A_321 : f32 to vector<128x128x128xf32>
        %add3A_323 = arith.addf %sub3A_320, %add3A_322 : vector<128x128x128xf32>
        %abs3A_324 = math.absf %add3A_323 : vector<128x128x128xf32>
        %reduce_sum3A_325 = arith.constant dense<0.000000e+00> : vector<128x128xf32>
        %reduce_sum3A_326 = vector.multi_reduction <add>, %abs3A_324, %reduce_sum3A_325 [1] : vector<128x128x128xf32> to vector<128x128xf32>
        %slice3A_327 = vector.extract_strided_slice %transpose3A {offsets = [0, 640], sizes = [128, 128], strides = [1, 1]} : vector<128x1024xf32> to vector<128x128xf32>
        %broadcast_in_dim3A_328 = vector.shape_cast %slice3A_266 : vector<128x128xf32> to vector<128x128x1xf32>
        %broadcast_in_dim3A_329 = vector.shape_cast %slice3A_327 : vector<128x128xf32> to vector<1x128x128xf32>
        %sub3A_330 = vector.broadcast %broadcast_in_dim3A_328 : vector<128x128x1xf32> to vector<128x128x128xf32>
        %sub3A_331 = vector.broadcast %broadcast_in_dim3A_329 : vector<1x128x128xf32> to vector<128x128x128xf32>
        %sub3A_332 = arith.subf %sub3A_330, %sub3A_331 : vector<128x128x128xf32>
        %add3A_333 = arith.constant 9.99999997E-7 : f32
        %add3A_334 = vector.broadcast %add3A_333 : f32 to vector<128x128x128xf32>
        %add3A_335 = arith.addf %sub3A_332, %add3A_334 : vector<128x128x128xf32>
        %abs3A_336 = math.absf %add3A_335 : vector<128x128x128xf32>
        %reduce_sum3A_337 = arith.constant dense<0.000000e+00> : vector<128x128xf32>
        %reduce_sum3A_338 = vector.multi_reduction <add>, %abs3A_336, %reduce_sum3A_337 [1] : vector<128x128x128xf32> to vector<128x128xf32>
        %slice3A_339 = vector.extract_strided_slice %transpose3A {offsets = [0, 768], sizes = [128, 128], strides = [1, 1]} : vector<128x1024xf32> to vector<128x128xf32>
        %broadcast_in_dim3A_340 = vector.shape_cast %slice3A_266 : vector<128x128xf32> to vector<128x128x1xf32>
        %broadcast_in_dim3A_341 = vector.shape_cast %slice3A_339 : vector<128x128xf32> to vector<1x128x128xf32>
        %sub3A_342 = vector.broadcast %broadcast_in_dim3A_340 : vector<128x128x1xf32> to vector<128x128x128xf32>
        %sub3A_343 = vector.broadcast %broadcast_in_dim3A_341 : vector<1x128x128xf32> to vector<128x128x128xf32>
        %sub3A_344 = arith.subf %sub3A_342, %sub3A_343 : vector<128x128x128xf32>
        %add3A_345 = arith.constant 9.99999997E-7 : f32
        %add3A_346 = vector.broadcast %add3A_345 : f32 to vector<128x128x128xf32>
        %add3A_347 = arith.addf %sub3A_344, %add3A_346 : vector<128x128x128xf32>
        %abs3A_348 = math.absf %add3A_347 : vector<128x128x128xf32>
        %reduce_sum3A_349 = arith.constant dense<0.000000e+00> : vector<128x128xf32>
        %reduce_sum3A_350 = vector.multi_reduction <add>, %abs3A_348, %reduce_sum3A_349 [1] : vector<128x128x128xf32> to vector<128x128xf32>
        %slice3A_351 = vector.extract_strided_slice %transpose3A {offsets = [0, 896], sizes = [128, 128], strides = [1, 1]} : vector<128x1024xf32> to vector<128x128xf32>
        %broadcast_in_dim3A_352 = vector.shape_cast %slice3A_266 : vector<128x128xf32> to vector<128x128x1xf32>
        %broadcast_in_dim3A_353 = vector.shape_cast %slice3A_351 : vector<128x128xf32> to vector<1x128x128xf32>
        %sub3A_354 = vector.broadcast %broadcast_in_dim3A_352 : vector<128x128x1xf32> to vector<128x128x128xf32>
        %sub3A_355 = vector.broadcast %broadcast_in_dim3A_353 : vector<1x128x128xf32> to vector<128x128x128xf32>
        %sub3A_356 = arith.subf %sub3A_354, %sub3A_355 : vector<128x128x128xf32>
        %add3A_357 = arith.constant 9.99999997E-7 : f32
        %add3A_358 = vector.broadcast %add3A_357 : f32 to vector<128x128x128xf32>
        %add3A_359 = arith.addf %sub3A_356, %add3A_358 : vector<128x128x128xf32>
        %abs3A_360 = math.absf %add3A_359 : vector<128x128x128xf32>
        %reduce_sum3A_361 = arith.constant dense<0.000000e+00> : vector<128x128xf32>
        %reduce_sum3A_362 = vector.multi_reduction <add>, %abs3A_360, %reduce_sum3A_361 [1] : vector<128x128x128xf32> to vector<128x128xf32>
        %concatenate3A = tpu.concatenate %reduce_sum3A_278, %reduce_sum3A_290, %reduce_sum3A_302, %reduce_sum3A_314, %reduce_sum3A_326, %reduce_sum3A_338, %reduce_sum3A_350, %reduce_sum3A_362 in 1 : vector<128x128xf32>, vector<128x128xf32>, vector<128x128xf32>, vector<128x128xf32>, vector<128x128xf32>, vector<128x128xf32>, vector<128x128xf32>, vector<128x128xf32> -> vector<128x1024xf32>
        %iota3A_363 = tpu.iota {dimensions = array<i32: 0>} : vector<128x1xi32>
        %add3A_364 = arith.constant 896 : i32
        %add3A_365 = vector.broadcast %add3A_364 : i32 to vector<128x1xi32>
        %add3A_366 = arith.addi %add3A_365, %iota3A_363 : vector<128x1xi32>
        %eq3A_367 = vector.broadcast %slice3A_267 : vector<128x1xi32> to vector<128x1024xi32>
        %eq3A_368 = vector.broadcast %get3A_7 : vector<1x1024xi32> to vector<128x1024xi32>
        %eq3A_369 = arith.cmpi eq, %eq3A_367, %eq3A_368 : vector<128x1024xi32>
        %ne3A = vector.broadcast %add3A_366 : vector<128x1xi32> to vector<128x1024xi32>
        %ne3A_370 = arith.cmpi ne, %ne3A, %iota3A_97 : vector<128x1024xi32>
        %and3A = arith.andi %eq3A_369, %ne3A_370 : vector<128x1024xi1>
        %jit3A_371 = arith.constant 3.000000e+38 : f32
        %broadcast_in_dim3A_372 = vector.broadcast %jit3A_371 : f32 to vector<128x1024xf32>
        %select_n3A_373 = arith.select %and3A, %concatenate3A, %broadcast_in_dim3A_372 : vector<128x1024xi1>, vector<128x1024xf32>
        %min3A_374 = arith.constant 2.000000e+01 : f32
        %min3A_375 = vector.broadcast %min3A_374 : f32 to vector<128x1xf32>
        %min3A_376 = arith.minimumf %slice3A_245, %min3A_375 : vector<128x1xf32>
        %max3A_377 = arith.constant 1.000000e+00 : f32
        %max3A_378 = vector.broadcast %max3A_377 : f32 to vector<128x1xf32>
        %max3A_379 = arith.maximumf %min3A_376, %max3A_378 : vector<128x1xf32>
        %broadcast_in_dim3A_380 = arith.constant 0.000000e+00 : f32
        %broadcast_in_dim3A_381 = vector.broadcast %broadcast_in_dim3A_380 : f32 to vector<128x1024xf32>
        %scan3A = arith.constant 0 : i32
        %scan3A_382 = arith.constant 20 : i32
        %scan3A_383 = arith.addi %scan3A, %scan3A_382 : i32
        %scan3A_384 = arith.constant 1 : i32
        %scan3A_385:2 = scf.for %scan3A_418 = %scan3A to %scan3A_383 step %scan3A_384 iter_args(%scan3A_419 = %select_n3A_373, %scan3A_420 = %broadcast_in_dim3A_381) -> (vector<128x1024xf32>, vector<128x1024xf32>)  : i32 {
          %reduce_min3A = arith.constant dense<0x7F800000> : vector<128xf32>
          %reduce_min3A_421 = vector.multi_reduction <minimumf>, %scan3A_419, %reduce_min3A [1] : vector<128x1024xf32> to vector<128xf32>
          %broadcast_in_dim3A_422 = vector.shape_cast %reduce_min3A_421 : vector<128xf32> to vector<128x1xf32>
          %eq3A_423 = vector.broadcast %broadcast_in_dim3A_422 : vector<128x1xf32> to vector<128x1024xf32>
          %eq3A_424 = arith.cmpf oeq, %scan3A_419, %eq3A_423 : vector<128x1024xf32>
          %jit3A_425 = arith.constant 1073741824 : i32
          %broadcast_in_dim3A_426 = vector.broadcast %jit3A_425 : i32 to vector<128x1024xi32>
          %select_n3A_427 = arith.select %eq3A_424, %iota3A_97, %broadcast_in_dim3A_426 : vector<128x1024xi1>, vector<128x1024xi32>
          %reduce_min3A_428 = arith.constant dense<2147483647> : vector<128xi32>
          %reduce_min3A_429 = vector.multi_reduction <minsi>, %select_n3A_427, %reduce_min3A_428 [1] : vector<128x1024xi32> to vector<128xi32>
          %broadcast_in_dim3A_430 = vector.shape_cast %reduce_min3A_429 : vector<128xi32> to vector<128x1xi32>
          %eq3A_431 = vector.broadcast %broadcast_in_dim3A_430 : vector<128x1xi32> to vector<128x1024xi32>
          %eq3A_432 = arith.cmpi eq, %iota3A_97, %eq3A_431 : vector<128x1024xi32>
          %convert_element_type3A_433 = arith.sitofp %scan3A_418 : i32 to f32
          %lt3A = vector.broadcast %convert_element_type3A_433 : f32 to vector<128x1xf32>
          %lt3A_434 = arith.cmpf olt, %lt3A, %min3A_376 : vector<128x1xf32>
          %and3A_435 = vector.broadcast %lt3A_434 : vector<128x1xi1> to vector<128x1024xi1>
          %and3A_436 = arith.andi %eq3A_432, %and3A_435 : vector<128x1024xi1>
          %jit3A_437 = arith.constant 1.000000e+00 : f32
          %jit3A_438 = arith.constant 0.000000e+00 : f32
          %broadcast_in_dim3A_439 = vector.broadcast %jit3A_437 : f32 to vector<128x1024xf32>
          %broadcast_in_dim3A_440 = vector.broadcast %jit3A_438 : f32 to vector<128x1024xf32>
          %select_n3A_441 = arith.select %and3A_436, %broadcast_in_dim3A_439, %broadcast_in_dim3A_440 : vector<128x1024xi1>, vector<128x1024xf32>
          %add3A_442 = arith.addf %scan3A_420, %select_n3A_441 : vector<128x1024xf32>
          %jit3A_443 = arith.constant 3.000000e+38 : f32
          %broadcast_in_dim3A_444 = vector.broadcast %jit3A_443 : f32 to vector<128x1024xf32>
          %select_n3A_445 = arith.select %eq3A_432, %broadcast_in_dim3A_444, %scan3A_419 : vector<128x1024xi1>, vector<128x1024xf32>
          scf.yield %select_n3A_445, %add3A_442 : vector<128x1024xf32>, vector<128x1024xf32>
        }
        %scan3A_386 = arith.constant 20 : i32
        %dot_general3A_387 = arith.constant dense<0.000000e+00> : vector<128x128xf32>
        %dot_general3A_388 = tpu.matmul %scan3A_385#1, %get3A_1, %dot_general3A_387 {dimension_numbers = #tpu.dot_dimension_numbers<[1], [0], [0], [1], [0, 0, 1, 1], [], []>, precision = #tpu.contract_precision<fp32>, transpose_lhs_hint = false} : vector<128x1024xf32>, vector<1024x128xf32>, vector<128x128xf32> -> vector<128x128xf32>
        %dot_general3A_389 = arith.constant dense<0.000000e+00> : vector<128x1xf32>
        %dot_general3A_390 = tpu.matmul %scan3A_385#1, %broadcast_in_dim3A, %dot_general3A_389 {dimension_numbers = #tpu.dot_dimension_numbers<[1], [0], [0], [1], [0, 0, 1, 1], [], []>, precision = #tpu.contract_precision<fp32>, transpose_lhs_hint = false} : vector<128x1024xf32>, vector<1024x1xf32>, vector<128x1xf32> -> vector<128x1xf32>
        %slice3A_391 = vector.extract_strided_slice %broadcast_in_dim3A {offsets = [896, 0], sizes = [128, 1], strides = [1, 1]} : vector<1024x1xf32> to vector<128x1xf32>
        %mul3A_392 = arith.mulf %min3A_376, %slice3A_391 : vector<128x1xf32>
        %div3A_393 = arith.constant 2.000000e+00 : f32
        %div3A_394 = vector.broadcast %div3A_393 : f32 to vector<128x1xf32>
        %div3A_395 = arith.divf %div3A_394, %max3A_379 : vector<128x1xf32>
        %mul3A_396 = arith.mulf %slice3A_266, %dot_general3A_388 : vector<128x128xf32>
        %reduce_sum3A_397 = arith.constant dense<0.000000e+00> : vector<128xf32>
        %reduce_sum3A_398 = vector.multi_reduction <add>, %mul3A_396, %reduce_sum3A_397 [1] : vector<128x128xf32> to vector<128xf32>
        %broadcast_in_dim3A_399 = vector.shape_cast %reduce_sum3A_398 : vector<128xf32> to vector<128x1xf32>
        %mul3A_400 = arith.mulf %div3A_395, %broadcast_in_dim3A_399 : vector<128x1xf32>
        %sub3A_401 = arith.subf %mul3A_392, %mul3A_400 : vector<128x1xf32>
        %mul3A_402 = arith.mulf %max3A_379, %max3A_379 : vector<128x1xf32>
        %div3A_403 = arith.divf %dot_general3A_390, %mul3A_402 : vector<128x1xf32>
        %add3A_404 = arith.addf %sub3A_401, %div3A_403 : vector<128x1xf32>
        %slice3A_405 = vector.extract_strided_slice %add3A_96 {offsets = [896, 0], sizes = [128, 1], strides = [1, 1]} : vector<1024x1xf32> to vector<128x1xf32>
        %gt3A_406 = arith.constant 2.000000e+01 : f32
        %gt3A_407 = vector.broadcast %gt3A_406 : f32 to vector<128x1xf32>
        %gt3A_408 = arith.cmpf ogt, %slice3A_245, %gt3A_407 : vector<128x1xf32>
        %sub3A_409 = arith.subf %add3A_404, %slice3A_405 : vector<128x1xf32>
        %jit3A_410 = arith.constant 0.000000e+00 : f32
        %broadcast_in_dim3A_411 = vector.broadcast %jit3A_410 : f32 to vector<128x1xf32>
        %select_n3A_412 = arith.select %gt3A_408, %sub3A_409, %broadcast_in_dim3A_411 : vector<128x1xi1>, vector<128x1xf32>
        %reduce_sum3A_413 = vector.shape_cast %select_n3A_412 : vector<128x1xf32> to vector<1x128x1xf32>
        %reduce_sum3A_414 = arith.constant dense<0.000000e+00> : vector<1xf32>
        %reduce_sum3A_415 = vector.multi_reduction <add>, %reduce_sum3A_413, %reduce_sum3A_414 [1, 2] : vector<1x128x1xf32> to vector<1xf32>
        %reduce_sum3A_416 = vector.shape_cast %reduce_sum3A_415 : vector<1xf32> to vector<1x1x1xf32>
        %reduce_sum3A_417 = vector.extract %reduce_sum3A_416[0, 0, 0] : f32 from vector<1x1x1xf32>
        scf.yield %reduce_sum3A_417 : f32
      } else {
        %cond3A_266 = arith.constant 0.000000e+00 : f32
        scf.yield %cond3A_266 : f32
      }
      %add3A_265 = arith.addf %add3A_244, %cond3A_264 : f32
      scf.yield %add3A_265 : f32
    } else {
      %cond3A_71 = arith.constant 0.000000e+00 : f32
      scf.yield %cond3A_71 : f32
    }
    %mul3A_65 = arith.constant 2.500000e+01 : f32
    %mul3A_66 = arith.mulf %mul3A_65, %cond3A_64 : f32
    %add3A_67 = arith.addf %mul3A_48, %mul3A_66 : f32
    %broadcast_in_dim3A_68 = vector.broadcast %add3A_67 : f32 to vector<1x1xf32>
    %swap3A = arith.constant 0 : index
    %swap3A_69 = arith.constant 0 : index
    %swap3A_70 = vector.load %arg4[%swap3A, %swap3A_69] : memref<1x1xf32, #tpu.memory_space<vmem>>, vector<1x1xf32>
    tpu.vector_store %arg4[%swap3A, %swap3A_69], %broadcast_in_dim3A_68 {strides = array<i32>} : memref<1x1xf32, #tpu.memory_space<vmem>>, vector<1x1xf32>,
    return
  }
}

</mosaic_0001>

<sc_bundles>
// kernel: kernel.4.cloned.1.call-start
scs
__scs_entry_jumppad:
0x0: {  	(pc) =	sbr.rel $0x88, $3  }
0x1: {  	(tag) =	ssettag $0x0;
	lr =	simm.s32 $0x1  }
0x2: {  	[smem:$0x3F9E] =	sst lr;
	_ =	strace $0xD0000000  }
0x3: {  	_ = 	snop  }
0x4: {  	_ = 	snop  }
0x5: {  	_ = 	snop  }
0x6: {  	_ = 	snop  }
0x7: {  	_ = 	snop  }
__scs_overlays_trampoline_lowered:
0x8: {  	[smem:$0x3FAD] =	sst s0  }
0x9: {  	[smem:$0x3FAE] =	sst s1  }
0xa: {  	[smem:$0x3FAF] =	sst s2  }
0xb: {  	[smem:$0x3FB0] =	sst s3  }
0xc: {  	[smem:$0x3FB1] =	sst s4  }
0xd: {  	[smem:$0x3FB2] =	sst s5  }
0xe: {  	[smem:$0x3FB3] =	sst s6  }
0xf: {  	[smem:$0x3FB4] =	sst s7  }
0x10: {  	[smem:$0x3FB5] =	sst s8  }
0x11: {  	[smem:$0x3FB6] =	sst s9;
	s0 =	simm.s32 @!p0 $0x0  }
0x12: {  	s1 =	sld [smem:$0x3F9C];
	s0 =	simm.s32 @p0 $0x1  }
0x13: {  	[smem:$0x3FB7] =	sst s0;
	s0 =	simm.s32 @!p1 $0x0  }
0x14: {  	s2 =	sld [smem:$0x3F9B];
	s0 =	simm.s32 @p1 $0x1  }
0x15: {  	[smem:$0x3FB8] =	sst s0;
	s0 =	simm.s32 @!p2 $0x0  }
0x16: {  	s3 =	sld [smem:$0x3FDB];
	s0 =	simm.s32 @p2 $0x1  }
0x17: {  	s4 =	simm.s32 $0x1BF5;
	[smem:$0x3FBA] =	sst s0  }
0x18: {  	s0 =	sld [smem:$0x3F9D];
	_ =	swait.ge [sflag:s4], $0x0  }
0x19: {  	s7 =	sld [smem:$0x3F9E]  }
0x1a: {  	s8 =	sadd.s32 $0xFFFFE003, lr  }
0x1b: {  	s9 =	sadd.s32 $0xFFFFFEF7, lr;
	s5 =	simm.s32 $0xFFFFFFFF;
	p2 =	slt.u32 s8, $0xFFFFF086  }
0x1c: {  	p1 =	slt.u32 s9, $0xF7A;
	s5 =	simm.s32 @!p2 $0x0  }
0x1d: {  	s5 =	simm.s32 @p1 $0x1;
	p0 =	seq.s32 s7, s2  }
0x1e: {  	s7 =	smul.u32 @!p0 $0xF7A, s2;
	p2 =	seq.s32 @!p0 s5, $0x0  }
0x1f: {  	s9 =	smul.u32 $0xF7A, s1;
	s8 =	simm.s32 @!p0 $0x1BF5;
	p2 =	por !p2, p0  }
0x20: {  	[sflag:s8] =	ssyncset.s32 @!p0 $0xFFFFF086;
	s6 =	sadd.s32 @!p0 s3, s7;
	s7 =	simm.s32 @!p0 $0x108  }
0x21: {  	s3 =	sadd.s32 s3, s9;
	s6 =	sadd.s32 @!p0 $0x88, s6;
	s7 =	simm.s32 @p2 $0x1082  }
0x22: {  	[simem:s7], [sflag:s8] =	dma.local @!p0 [hbm:s6], $0xF7A  }
0x23: {  	s9 =	sor.u32 $0xD0000000, s2;
	s6 =	simm.s32 $0x108;
	_ =	swait.ge @!p0 [sflag:s8], $0x0  }
0x24: {  	s3 =	sadd.s32 $0x88, s3;
	s6 =	simm.s32 @!p1 $0x1082;
	[sflag:s4] =	ssyncset.s32 $0xFFFFF086  }
0x25: {  	[simem:s6], [sflag:s4] =	dma.local [hbm:s3], $0xF7A  }
0x26: {  	[smem:$0x3F9E] =	sst s1;
	(tag) =	ssettag s2;
	_ =	strace s9  }
0x27: {  	s1 =	sld [smem:$0x3FAE]  }
0x28: {  	s2 =	sld [smem:$0x3FAF]  }
0x29: {  	s4 =	sld [smem:$0x3FB1]  }
0x2a: {  	p0 =	seq.s32 s5, $0x0;
	s5 =	sld [smem:$0x3FB2]  }
0x2b: {  	s6 =	sld [smem:$0x3FB3]  }
0x2c: {  	s7 =	sld [smem:$0x3FB4]  }
0x2d: {  	s3 =	simm.s32 $0x108;
	s8 =	sld [smem:$0x3FB5]  }
0x2e: {  	s3 =	simm.s32 @!p0 $0x1082;
	s9 =	sld [smem:$0x3FB6]  }
0x2f: {  	lr =	sadd.s32 s0, s3;
	s0 =	sld [smem:$0x3FAD]  }
0x30: {  	s3 =	sld [smem:$0x3FB0]  }
0x31: {  	[smem:$0x3FB9] =	sst s10  }
0x32: {  	s10 =	sld [smem:$0x3FB7];
	_ =	sdelay $0x3  }
0x33: {  	p0 =	seq.s32 s10, $0x1;
	s10 =	sld [smem:$0x3FB9];
	_ =	sdelay $0x3  }
0x34: {  	[smem:$0x3FB9] =	sst s10  }
0x35: {  	s10 =	sld [smem:$0x3FB8];
	_ =	sdelay $0x3  }
0x36: {  	p1 =	seq.s32 s10, $0x1;
	s10 =	sld [smem:$0x3FB9];
	_ =	sdelay $0x3  }
0x37: {  	[smem:$0x3FB9] =	sst s10  }
0x38: {  	s10 =	sld [smem:$0x3FBA]  }
0x39: {  	_ = 	snop;
	(pc) =	sbr.ind lr, $3  }
0x3a: {  	_ = 	snop  }
0x3b: {  	_ = 	snop  }
0x3c: {  	p2 =	seq.s32 s10, $0x1;
	s10 =	sld [smem:$0x3FB9]  }
0x3d: {  	_ =	shalt  }
0x3e: {  	_ =	shalt  }
0x3f: {  	_ =	shalt  }
0x40: {  	_ =	shalt  }
0x41: {  	_ =	shalt  }
0x42: {  	_ =	shalt  }
0x43: {  	_ =	shalt  }
0x44: {  	_ =	shalt  }
0x45: {  	_ =	shalt  }
0x46: {  	_ =	shalt  }
0x47: {  	_ =	shalt  }
0x48: {  	_ =	shalt  }
0x49: {  	_ =	shalt  }
0x4a: {  	_ =	shalt  }
0x4b: {  	_ =	shalt  }
0x4c: {  	_ =	shalt  }
0x4d: {  	_ =	shalt  }
0x4e: {  	_ =	shalt  }
0x4f: {  	_ =	shalt  }
0x50: {  	_ =	shalt  }
0x51: {  	_ =	shalt  }
0x52: {  	_ =	shalt  }
0x53: {  	_ =	shalt  }
0x54: {  	_ =	shalt  }
0x55: {  	_ =	shalt  }
0x56: {  	_ =	shalt  }
0x57: {  	_ =	shalt  }
0x58: {  	_ =	shalt  }
0x59: {  	_ =	shalt  }
0x5a: {  	_ =	shalt  }
0x5b: {  	_ =	shalt  }
0x5c: {  	_ =	shalt  }
0x5d: {  	_ =	shalt  }
0x5e: {  	_ =	shalt  }
0x5f: {  	_ =	shalt  }
0x60: {  	_ =	shalt  }
0x61: {  	_ =	shalt  }
0x62: {  	_ =	shalt  }
0x63: {  	_ =	shalt  }
0x64: {  	_ =	shalt  }
0x65: {  	_ =	shalt  }
0x66: {  	_ =	shalt  }
0x67: {  	_ =	shalt  }
0x68: {  	_ =	shalt  }
0x69: {  	_ =	shalt  }
0x6a: {  	_ =	shalt  }
0x6b: {  	_ =	shalt  }
0x6c: {  	_ =	shalt  }
0x6d: {  	_ =	shalt  }
0x6e: {  	_ =	shalt  }
0x6f: {  	_ =	shalt  }
0x70: {  	_ =	shalt  }
0x71: {  	_ =	shalt  }
0x72: {  	_ =	shalt  }
0x73: {  	_ =	shalt  }
0x74: {  	_ =	shalt  }
0x75: {  	_ =	shalt  }
0x76: {  	_ =	shalt  }
0x77: {  	_ =	shalt  }
0x78: {  	_ =	shalt  }
0x79: {  	_ =	shalt  }
0x7a: {  	_ =	shalt  }
0x7b: {  	_ =	shalt  }
0x7c: {  	_ =	shalt  }
0x7d: {  	_ =	shalt  }
0x7e: {  	_ =	shalt  }
0x7f: {  	_ =	shalt  }
0x80: {  	_ =	shalt  }
0x81: {  	_ =	shalt  }
0x82: {  	_ =	shalt  }
0x83: {  	_ =	shalt  }
0x84: {  	_ =	shalt  }
0x85: {  	_ =	shalt  }
0x86: {  	_ =	shalt  }
0x87: {  	_ =	shalt  }
.Lfunc_end0:
.L_simem_size_0:
called_computation_lowered:
.L_overlay_start_0:
0x88: {  	s2 =	sld [smem:$0x3FD9]  }
0x89: {  	s3 =	sld [smem:$0x3FFE];
	_ =	sdelay $0x1  }
0x8a: {  	s1 =	srdreg.scid  }
0x8b: {  	s0 =	sand.u32 $0x1, s1  }
0x8c: {  	s17 =	sshll.u32 s0, $0xA;
	s2 =	sadd.s32 s3, s2  }
0x8d: {  	s2 =	sadd.s32 s2, s17  }
0x8e: {  	[smem:$0x3FC5] =	sst s2  }
0x8f: {  	_ = 	snop  }
0x90: {  	s2 =	sld [smem:$0x3FC9]  }
0x91: {  	s18 =	sld [smem:$0x3FC7];
	(tm) =	ssettm $0x1  }
0x92: {  	s4 =	sld [smem:$0x3FFB];
	_ =	sdelay $0x3  }
0x93: {  	_ =	strace s4  }
0x94: {  	s4 =	sld [smem:$0x3FFC];
	_ =	sdelay $0x3  }
0x95: {  	_ =	strace s4  }
0x96: {  	s4 =	sld [smem:$0x3FFD];
	_ =	sdelay $0x3  }
0x97: {  	_ =	strace s4  }
0x98: {  	_ =	strace $0x8FFFFFFF  }
0x99: {  	s19 =	sld [smem:$0x3FDB];
	_ =	sdelay $0x1  }
0x9a: {  	s5 =	simm.s32 $_scs_section_size  }
0x9b: {  	s6 =	simm.s32 $_size__tile_overlayer_lowered;
	s7 =	simm.s32 $_tile_overlayer_lowered  }
0x9c: {  	s22 =	simm.s32 $0x1BFF;
	s21 =	sshll.u32 s7, $0x1;
	s4 =	sadd.s32 s5, s19  }
0x9d: {  	s8 =	simm.s32 $0x0;
	s20 =	sshll.u32 s6, $0x1;
	s6 =	sadd.s32 s21, s4  }
0x9e: {  	[timem:s8], [sflag:s22] =	dma.local [hbm:s6], s20  }
0x9f: {  	_ =	swait.ge [sflag:s22], s20  }
0xa0: {  	s5 =	ssub.s32 $0x0, s20;
	[sflag:s22] =	ssyncset.done $0x0  }
0xa1: {  	[sflag:s22] =	ssyncadd.s32 s5;
	_ =	sdelay $0x1  }
0xa2: {  	s23 =	simm.s32 $0x1B8B  }
0xa3: {  	_ =	swait.ge [sflag:s23], $0x1  }
0xa4: {  	[sflag:s23] =	ssyncset.done $0x0  }
0xa5: {  	s25 =	simm.s32 $0x1B8E;
	s24 =	sld [smem:$0x3FFE];
	[sflag:s23] =	ssyncadd.s32 $0xFFFFFFFF  }
0xa6: {  	s26 =	simm.s32 $execute0_lowered;
	[smem:$0x3FD2] =	sst s25  }
0xa7: {  	s6 =	sshll.u32 s26, $0x1;
	_ =	strace $0x80000046;
	[dreg:$0x1] =	wrdreg $0xFFFFFFFF  }
0xa8: {  	s28 =	simm.s32 $_size_execute0_lowered;
	s4 =	sadd.s32 s4, s6;
	[dreg:$0x0] =	wrdreg $0x0  }
0xa9: {  	s6 =	sshll.u32 s28, $0x1;
	[dreg:$0x2] =	wrdreg s4  }
0xaa: {  	[dreg:$0x3] =	wrdreg s6  }
0xab: {  	[dreg:$0x4] =	wrdreg $0xC0  }
0xac: {  	_ =	task [dreg:s8], $0x5FFFF  }
0xad: {  	[dreg:$0x1] =	wrdreg $0xFFFFFFFF  }
0xae: {  	[dreg:$0x0] =	wrdreg $0x60  }
0xaf: {  	[dreg:$0x2] =	wrdreg s2  }
0xb0: {  	[dreg:$0x3] =	wrdreg s18  }
0xb1: {  	[dreg:$0x4] =	wrdreg s24  }
0xb2: {  	[dreg:$0x5] =	wrdreg $0xB4800  }
0xb3: {  	[dreg:$0x6] =	wrdreg $0x134800  }
0xb4: {  	[dreg:$0x7] =	wrdreg $0x9  }
0xb5: {  	_ =	task.clear_ibuf [dreg:s8], $0x8FFFF;
	_ =	strace $0x90000046  }
0xb6: {  	s29 =	simm.s32 $0x9;
	_ =	strace $0x80000048  }
0xb7: {  	_ =	swait.ge [sflag:s29], $0x1  }
0xb8: {  	[sflag:s29] =	ssyncadd.s32 $0xFFFFFFFF  }
0xb9: {  	_ =	strace $0x90000048  }
0xba: {  	_ =	sfence  }
0xbb: {  	s30 =	sld [smem:$0x0];
	_ =	sdelay $0x2  }
0xbc: {  	s31 =	sshll.u32 s1, $0xD;
	s1 =	sshrl.u32 s1, $0x2  }
0xbd: {  	s3 =	sand.u32 $0x4000, s31;
	s1 =	sadd.s32 s1, s30  }
0xbe: {  	s0 =	sor.u32 s3, s0;
	s1 =	sshll.u32 s1, $0x11  }
0xbf: {  	s0 =	sor.u32 s1, s0  }
0xc0: {  	s0 =	sadd.s32 $0x8F2B, s0  }
0xc1: {  	[sflag:s0] =	ssyncadd.remote.s32 $0x1  }
0xc2: {  	_ =	sfence.sel $0xFFFF  }
0xc3: {  	[dreg:$0x0] =	wrdreg $0xFFFFFFFF;
	(pc) =	sbr.abs _section_cstart, $3  }
0xc4: {  	[dreg:$0x1] =	wrdreg $0xFFFFFFFF  }
0xc5: {  	_ =	task.clear_ibuf [dreg:s8], $0x2FFFF;
	_ =	strace $0x9FFFFFFF  }
0xc6: {  	(tm) =	ssettm $0x7FFFFFFF  }
0xc7: {  	_ =	shalt  }
tec
execute0_lowered:
.L_overlay_start_1:
0x0: {  	(tag) =	ssettag $0x1  }
0x1: {  	s8 =	rddreg [dreg:$0x0]  }
0x2: {  	s1 =	rddreg [dreg:$0x1]  }
0x3: {  	s6 =	rddreg [dreg:$0x2]  }
0x4: {  	s3 =	rddreg [dreg:$0x3]  }
0x5: {  	s4 =	rddreg [dreg:$0x4]  }
0x6: {  	s5 =	simm.s32 $0x0;
	s2 =	stileid.u32;
	s7 =	srdreg.scid  }
0x7: {  	s14 =	simm.s32 $0x1;
	s15 =	simm.s32 $0x2400;
	s16 =	simm.s32 $0x6400  }
0x8: {  	s17 =	simm.s32 $0xA480;
	s18 =	simm.s32 $0xA880;
	s19 =	simm.f32 $5.000000000e-01  }
0x9: {  	[smem:$0x7FF] =	sst s5;
	s9 =	sshll.u32 s2, $0x4;
	s7 =	sand.u32 $0x1, s7  }
0xa: {  	s30 =	sshll.u32 s2, $0x6;
	_ =	strace $0x80000047;
	s9 =	sand.u32 $0x70, s9  }
0xb: {  	s10 =	ssub.s32 $0x2, s7;
	s20 =	sor.u32 $0x2000, s30;
	[dreg:$0x6] =	wrdreg s19  }
0xc: {  	s19 =	simm.s32 $0xA400;
	s11 =	sadd.s32 s9, s6;
	s6 =	sshll.u32 s7, $0x4  }
0xd: {  	v0 =	vlaneseq.u32;
	s28 =	sshrl.u32 s10, $0x1;
	s7 =	sshll.u32 s2, $0xA;
	s29 =	sor.u32 s2, s6  }
0xe: {  	v1 =	vimm.f32 $0.0e+00;
	vm0 =	vcmask $0x300;
	v10 =	vmov s20;
	s20 =	simm.s32 $0x0;
	s12 =	ssub.s32 s10, s28;
	s13 =	sshll.u32 s29, $0x4  }
0xf: {  	vm1 =	vcmask $0x704;
	v2 =	vor.u32 $0x10, v0;
	v3 =	vor.u32 $0x20, v0;
	s8 =	sadd.s32 s8, s7;
	s31 =	sshll.u32 s29, $0xE;
	s13 =	sand.u32 $0x180, s13  }
0x10: {  	v4 =	vor.u32 $0x30, v0;
	v5 =	vor.u32 $0x40, v0;
	v6 =	vor.u32 $0x50, v0;
	s12 =	smax.u32 s12, $0x1;
	s9 =	sadd.s32 s31, s3;
	s11 =	sadd.s32 s13, s11  }
0x11: {  	v7 =	vor.u32 $0x60, v0;
	v8 =	vor.u32 $0x70, v0;
	v9 =	vsel vm0, $0x3F800000, v1;
	s10 =	sadd.s32 s31, s4;
	s13 =	simm.s32 $0x2000;
	s11 =	sadd.s32 $0x600, s11  }
.LBB2_1:
0x12: {  	s21 =	simm.s32 $0x0;
	s22 =	simm.s32 $0x200  }
.LBB2_2:
0x13: {  	p0 =	sne.s32 s22, $0xFE00;
	[tilespmem:s21+$0x6400] =	vst v1  }
0x14: {  	[tilespmem:s21+$0x2400] =	vst v1  }
0x15: {  	[tilespmem:s21+$0x2410] =	vst v1  }
0x16: {  	[tilespmem:s21+$0x2420] =	vst v1  }
.Ltmp0:
0x17: {  	[tilespmem:s21+$0x2430] =	vst v1;
	(pc) =	sbr.rel @p0 .LBB2_2-.Ltmp0, $4  }
0x18: {  	[tilespmem:s21+$0x2440] =	vst v1  }
0x19: {  	[tilespmem:s21+$0x2450] =	vst v1  }
0x1a: {  	[tilespmem:s21+$0x2460] =	vst v1  }
0x1b: {  	[tilespmem:s21+$0x2470] =	vst v1;
	s21 =	sshra.s32 s22, $0x2;
	s22 =	sadd.s32 $0x200, s22  }
0x1c: {  	[tilespmem:s21+$0x6400] =	vst v1  }
0x1d: {  	[tilespmem:s21+$0x2400] =	vst v1  }
0x1e: {  	[tilespmem:s21+$0x2410] =	vst v1  }
0x1f: {  	[tilespmem:s21+$0x2420] =	vst v1  }
0x20: {  	[tilespmem:s21+$0x2430] =	vst v1  }
0x21: {  	[tilespmem:s21+$0x2440] =	vst v1  }
0x22: {  	[tilespmem:s21+$0x2450] =	vst v1  }
0x23: {  	[tilespmem:s21+$0x2460] =	vst v1  }
0x24: {  	[tilespmem:s21+$0x2470] =	vst v1;
	s21 =	simm.s32 $0x0  }
0x25: {  	[tilespmem:s13], [sflag:$0x1] =	stream.linear.gather [hbm4b:s1+s21], $0x400, $0x38;
	[tilespmem:$0x14480] =	vst v63  }
0x26: {  	_ =	swait.ge [sflag:s14], $0x400  }
0x27: {  	[sflag:s14] =	ssyncset.done $0x0  }
0x28: {  	[sflag:s14] =	ssyncadd.s32 $0xFFFFFC00  }
0x29: {  	[tilespmem:s21], [sflag:$0x1] =	stream.linear.gather [hbm4b:s8+s21], $0x2000, $0x38;
	[tilespmem:$0x14480] =	vst v63  }
0x2a: {  	_ =	swait.ge [sflag:s14], $0x2000  }
0x2b: {  	[sflag:s14] =	ssyncset.done $0x0  }
0x2c: {  	s22 =	simm.s32 $0x400;
	[sflag:s14] =	ssyncadd.s32 $0xFFFFE000  }
.LBB2_4:
0x2d: {  	s23 =	sshra.s32 s21, $0x2  }
0x2e: {  	v11 =	vld.idx.msk [tilespmem:v10+s23+$0x0 ss:$0x1], $0xffff;
	_ =	sdelay $0x4  }
0x2f: {  	v11 =	vshll.u32 v11, $0x7  }
0x30: {  	v12 =	vbroadcast v11, $0x0;
	_ =	sdelay $0x1  }
0x31: {  	v13 =	vld [tilespmem:s22+$0xFFFFFC00];
	v14 =	vor.u32 v0, v12;
	_ =	sdelay $0x4  }
0x32: {  	[tilespmem:v14+s15+$0x0] =	vst.idx.add.f32.msk $0xffff, v13  }
0x33: {  	v16 =	vor.u32 v2, v12;
	v15 =	vld [tilespmem:s22+$0xFFFFFC10];
	_ =	sdelay $0x4  }
0x34: {  	[tilespmem:v16+s15+$0x0] =	vst.idx.add.f32.msk $0xffff, v15  }
0x35: {  	v17 =	vor.u32 v3, v12;
	v16 =	vld [tilespmem:s22+$0xFFFFFC20];
	_ =	sdelay $0x4  }
0x36: {  	[tilespmem:v17+s15+$0x0] =	vst.idx.add.f32.msk $0xffff, v16  }
0x37: {  	v18 =	vor.u32 v4, v12;
	v17 =	vld [tilespmem:s22+$0xFFFFFC30];
	_ =	sdelay $0x4  }
0x38: {  	[tilespmem:v18+s15+$0x0] =	vst.idx.add.f32.msk $0xffff, v17  }
0x39: {  	v19 =	vor.u32 v5, v12;
	v18 =	vld [tilespmem:s22+$0xFFFFFC40];
	_ =	sdelay $0x4  }
0x3a: {  	[tilespmem:v19+s15+$0x0] =	vst.idx.add.f32.msk $0xffff, v18  }
0x3b: {  	v20 =	vor.u32 v6, v12;
	v19 =	vld [tilespmem:s22+$0xFFFFFC50];
	_ =	sdelay $0x4  }
0x3c: {  	v13 =	vmul.f32 v13, v13;
	v15 =	vmul.f32 v15, v15;
	[tilespmem:v20+s15+$0x0] =	vst.idx.add.f32.msk $0xffff, v19  }
0x3d: {  	v21 =	vor.u32 v7, v12;
	v20 =	vld [tilespmem:s22+$0xFFFFFC60]  }
0x3e: {  	v13 =	vadd.f32 v15, v13;
	v24 =	vmul.f32 v16, v16;
	_ =	sdelay $0x1  }
0x3f: {  	v13 =	vadd.f32 v24, v13;
	v25 =	vmul.f32 v17, v17;
	_ =	sdelay $0x1  }
0x40: {  	v13 =	vadd.f32 v25, v13;
	v26 =	vmul.f32 v18, v18;
	[tilespmem:v21+s15+$0x0] =	vst.idx.add.f32.msk $0xffff, v20  }
0x41: {  	v27 =	vld [tilespmem:s22+$0xFFFFFC70]  }
0x42: {  	v13 =	vadd.f32 v26, v13;
	v28 =	vmul.f32 v19, v19;
	_ =	sdelay $0x1  }
0x43: {  	v13 =	vadd.f32 v28, v13;
	v29 =	vmul.f32 v20, v20;
	_ =	sdelay $0x1  }
0x44: {  	v13 =	vadd.f32 v29, v13;
	v30 =	vmul.f32 v27, v27;
	_ =	sdelay $0x1  }
0x45: {  	v13 =	vadd.f32 v30, v13;
	_ =	sdelay $0x1  }
0x46: {  	(xrf2) =	vadd.scan.msk.f32 $0xffff, v13;
	_ =	sdelay $0x9  }
0x47: {  	v12 =	vor.u32 v8, v12;
	v13, _, _ =	vpop (xrf2)  }
0x48: {  	v13 =	vbroadcast v13, $0xF;
	_ =	sdelay $0x1  }
0x49: {  	v13 =	vnsel vm1, $0x0, v13  }
0x4a: {  	v13 =	vadd.f32 v9, v13  }
0x4b: {  	v31 =	vbroadcast v11, $0x1;
	[tilespmem:v12+s15+$0x0] =	vst.idx.add.f32.msk $0xffff, v27  }
0x4c: {  	[tilespmem:v14+s16+$0x0] =	vst.idx.add.f32.msk $0xffff, v13  }
0x4d: {  	v32 =	vor.u32 v0, v31;
	v13 =	vld [tilespmem:s22+$0xFFFFFC80];
	_ =	sdelay $0x4  }
0x4e: {  	[tilespmem:v32+s15+$0x0] =	vst.idx.add.f32.msk $0xffff, v13  }
0x4f: {  	v34 =	vor.u32 v2, v31;
	v33 =	vld [tilespmem:s22+$0xFFFFFC90];
	_ =	sdelay $0x4  }
0x50: {  	[tilespmem:v34+s15+$0x0] =	vst.idx.add.f32.msk $0xffff, v33  }
0x51: {  	v35 =	vor.u32 v3, v31;
	v16 =	vld [tilespmem:s22+$0xFFFFFCA0];
	_ =	sdelay $0x4  }
0x52: {  	[tilespmem:v35+s15+$0x0] =	vst.idx.add.f32.msk $0xffff, v16  }
0x53: {  	v36 =	vor.u32 v4, v31;
	v17 =	vld [tilespmem:s22+$0xFFFFFCB0];
	_ =	sdelay $0x4  }
0x54: {  	[tilespmem:v36+s15+$0x0] =	vst.idx.add.f32.msk $0xffff, v17  }
0x55: {  	v37 =	vor.u32 v5, v31;
	v18 =	vld [tilespmem:s22+$0xFFFFFCC0];
	_ =	sdelay $0x4  }
0x56: {  	[tilespmem:v37+s15+$0x0] =	vst.idx.add.f32.msk $0xffff, v18  }
0x57: {  	v38 =	vor.u32 v6, v31;
	v19 =	vld [tilespmem:s22+$0xFFFFFCD0];
	_ =	sdelay $0x4  }
0x58: {  	v13 =	vmul.f32 v13, v13;
	v15 =	vmul.f32 v33, v33;
	[tilespmem:v38+s15+$0x0] =	vst.idx.add.f32.msk $0xffff, v19  }
0x59: {  	v39 =	vor.u32 v7, v31;
	v20 =	vld [tilespmem:s22+$0xFFFFFCE0]  }
0x5a: {  	v13 =	vadd.f32 v15, v13;
	v40 =	vmul.f32 v16, v16;
	_ =	sdelay $0x1  }
0x5b: {  	v13 =	vadd.f32 v40, v13;
	v41 =	vmul.f32 v17, v17;
	_ =	sdelay $0x1  }
0x5c: {  	v13 =	vadd.f32 v41, v13;
	v42 =	vmul.f32 v18, v18;
	[tilespmem:v39+s15+$0x0] =	vst.idx.add.f32.msk $0xffff, v20  }
0x5d: {  	v43 =	vld [tilespmem:s22+$0xFFFFFCF0]  }
0x5e: {  	v13 =	vadd.f32 v42, v13;
	v44 =	vmul.f32 v19, v19;
	_ =	sdelay $0x1  }
0x5f: {  	v13 =	vadd.f32 v44, v13;
	v45 =	vmul.f32 v20, v20;
	_ =	sdelay $0x1  }
0x60: {  	v13 =	vadd.f32 v45, v13;
	v46 =	vmul.f32 v43, v43;
	_ =	sdelay $0x1  }
0x61: {  	v13 =	vadd.f32 v46, v13;
	_ =	sdelay $0x1  }
0x62: {  	(xrf2) =	vadd.scan.msk.f32 $0xffff, v13;
	_ =	sdelay $0x9  }
0x63: {  	v12 =	vor.u32 v8, v31;
	v13, _, _ =	vpop (xrf2)  }
0x64: {  	v13 =	vbroadcast v13, $0xF;
	_ =	sdelay $0x1  }
0x65: {  	v13 =	vnsel vm1, $0x0, v13  }
0x66: {  	v13 =	vadd.f32 v9, v13  }
0x67: {  	v47 =	vbroadcast v11, $0x2;
	[tilespmem:v12+s15+$0x0] =	vst.idx.add.f32.msk $0xffff, v43  }
0x68: {  	[tilespmem:v32+s16+$0x0] =	vst.idx.add.f32.msk $0xffff, v13  }
0x69: {  	v48 =	vor.u32 v0, v47;
	v13 =	vld [tilespmem:s22+$0xFFFFFD00];
	_ =	sdelay $0x4  }
0x6a: {  	[tilespmem:v48+s15+$0x0] =	vst.idx.add.f32.msk $0xffff, v13  }
0x6b: {  	v50 =	vor.u32 v2, v47;
	v49 =	vld [tilespmem:s22+$0xFFFFFD10];
	_ =	sdelay $0x4  }
0x6c: {  	[tilespmem:v50+s15+$0x0] =	vst.idx.add.f32.msk $0xffff, v49  }
0x6d: {  	v51 =	vor.u32 v3, v47;
	v16 =	vld [tilespmem:s22+$0xFFFFFD20];
	_ =	sdelay $0x4  }
0x6e: {  	[tilespmem:v51+s15+$0x0] =	vst.idx.add.f32.msk $0xffff, v16  }
0x6f: {  	v52 =	vor.u32 v4, v47;
	v17 =	vld [tilespmem:s22+$0xFFFFFD30];
	_ =	sdelay $0x4  }
0x70: {  	[tilespmem:v52+s15+$0x0] =	vst.idx.add.f32.msk $0xffff, v17  }
0x71: {  	v53 =	vor.u32 v5, v47;
	v18 =	vld [tilespmem:s22+$0xFFFFFD40];
	_ =	sdelay $0x4  }
0x72: {  	[tilespmem:v53+s15+$0x0] =	vst.idx.add.f32.msk $0xffff, v18  }
0x73: {  	v54 =	vor.u32 v6, v47;
	v19 =	vld [tilespmem:s22+$0xFFFFFD50];
	_ =	sdelay $0x4  }
0x74: {  	v13 =	vmul.f32 v13, v13;
	v15 =	vmul.f32 v49, v49;
	[tilespmem:v54+s15+$0x0] =	vst.idx.add.f32.msk $0xffff, v19  }
0x75: {  	v55 =	vor.u32 v7, v47;
	v20 =	vld [tilespmem:s22+$0xFFFFFD60]  }
0x76: {  	v13 =	vadd.f32 v15, v13;
	v56 =	vmul.f32 v16, v16;
	_ =	sdelay $0x1  }
0x77: {  	v13 =	vadd.f32 v56, v13;
	v57 =	vmul.f32 v17, v17;
	_ =	sdelay $0x1  }
0x78: {  	v13 =	vadd.f32 v57, v13;
	v58 =	vmul.f32 v18, v18;
	[tilespmem:v55+s15+$0x0] =	vst.idx.add.f32.msk $0xffff, v20  }
0x79: {  	v59 =	vld [tilespmem:s22+$0xFFFFFD70]  }
0x7a: {  	v13 =	vadd.f32 v58, v13;
	v60 =	vmul.f32 v19, v19;
	_ =	sdelay $0x1  }
0x7b: {  	v13 =	vadd.f32 v60, v13;
	v61 =	vmul.f32 v20, v20;
	_ =	sdelay $0x1  }
0x7c: {  	v13 =	vadd.f32 v61, v13;
	v62 =	vmul.f32 v59, v59;
	_ =	sdelay $0x1  }
0x7d: {  	v13 =	vadd.f32 v62, v13;
	_ =	sdelay $0x1  }
0x7e: {  	(xrf2) =	vadd.scan.msk.f32 $0xffff, v13;
	_ =	sdelay $0x9  }
0x7f: {  	v12 =	vor.u32 v8, v47;
	v13, _, _ =	vpop (xrf2)  }
0x80: {  	v13 =	vbroadcast v13, $0xF;
	_ =	sdelay $0x1  }
0x81: {  	v13 =	vnsel vm1, $0x0, v13  }
0x82: {  	v13 =	vadd.f32 v9, v13  }
0x83: {  	v63 =	vbroadcast v11, $0x3;
	[tilespmem:v12+s15+$0x0] =	vst.idx.add.f32.msk $0xffff, v59  }
0x84: {  	[tilespmem:v48+s16+$0x0] =	vst.idx.add.f32.msk $0xffff, v13  }
0x85: {  	v24 =	vor.u32 v0, v63;
	v13 =	vld [tilespmem:s22+$0xFFFFFD80];
	_ =	sdelay $0x4  }
0x86: {  	[tilespmem:v24+s15+$0x0] =	vst.idx.add.f32.msk $0xffff, v13  }
0x87: {  	v26 =	vor.u32 v2, v63;
	v25 =	vld [tilespmem:s22+$0xFFFFFD90];
	_ =	sdelay $0x4  }
0x88: {  	[tilespmem:v26+s15+$0x0] =	vst.idx.add.f32.msk $0xffff, v25  }
0x89: {  	v27 =	vor.u32 v3, v63;
	v16 =	vld [tilespmem:s22+$0xFFFFFDA0];
	_ =	sdelay $0x4  }
0x8a: {  	[tilespmem:v27+s15+$0x0] =	vst.idx.add.f32.msk $0xffff, v16  }
0x8b: {  	v28 =	vor.u32 v4, v63;
	v17 =	vld [tilespmem:s22+$0xFFFFFDB0];
	_ =	sdelay $0x4  }
0x8c: {  	[tilespmem:v28+s15+$0x0] =	vst.idx.add.f32.msk $0xffff, v17  }
0x8d: {  	v29 =	vor.u32 v5, v63;
	v18 =	vld [tilespmem:s22+$0xFFFFFDC0];
	_ =	sdelay $0x4  }
0x8e: {  	[tilespmem:v29+s15+$0x0] =	vst.idx.add.f32.msk $0xffff, v18  }
0x8f: {  	v30 =	vor.u32 v6, v63;
	v19 =	vld [tilespmem:s22+$0xFFFFFDD0];
	_ =	sdelay $0x4  }
0x90: {  	v13 =	vmul.f32 v13, v13;
	v15 =	vmul.f32 v25, v25;
	[tilespmem:v30+s15+$0x0] =	vst.idx.add.f32.msk $0xffff, v19  }
0x91: {  	v31 =	vor.u32 v7, v63;
	v20 =	vld [tilespmem:s22+$0xFFFFFDE0]  }
0x92: {  	v13 =	vadd.f32 v15, v13;
	v32 =	vmul.f32 v16, v16;
	_ =	sdelay $0x1  }
0x93: {  	v13 =	vadd.f32 v32, v13;
	v33 =	vmul.f32 v17, v17;
	_ =	sdelay $0x1  }
0x94: {  	v13 =	vadd.f32 v33, v13;
	v34 =	vmul.f32 v18, v18;
	[tilespmem:v31+s15+$0x0] =	vst.idx.add.f32.msk $0xffff, v20  }
0x95: {  	v35 =	vld [tilespmem:s22+$0xFFFFFDF0]  }
0x96: {  	v13 =	vadd.f32 v34, v13;
	v36 =	vmul.f32 v19, v19;
	_ =	sdelay $0x1  }
0x97: {  	v13 =	vadd.f32 v36, v13;
	v37 =	vmul.f32 v20, v20;
	_ =	sdelay $0x1  }
0x98: {  	v13 =	vadd.f32 v37, v13;
	v38 =	vmul.f32 v35, v35;
	_ =	sdelay $0x1  }
0x99: {  	v13 =	vadd.f32 v38, v13;
	_ =	sdelay $0x1  }
0x9a: {  	(xrf2) =	vadd.scan.msk.f32 $0xffff, v13;
	_ =	sdelay $0x9  }
0x9b: {  	v12 =	vor.u32 v8, v63;
	v13, _, _ =	vpop (xrf2)  }
0x9c: {  	v13 =	vbroadcast v13, $0xF;
	_ =	sdelay $0x1  }
0x9d: {  	v13 =	vnsel vm1, $0x0, v13  }
0x9e: {  	v13 =	vadd.f32 v9, v13  }
0x9f: {  	v39 =	vbroadcast v11, $0x4;
	[tilespmem:v12+s15+$0x0] =	vst.idx.add.f32.msk $0xffff, v35  }
0xa0: {  	[tilespmem:v24+s16+$0x0] =	vst.idx.add.f32.msk $0xffff, v13  }
0xa1: {  	v40 =	vor.u32 v0, v39;
	v13 =	vld [tilespmem:s22+$0xFFFFFE00];
	_ =	sdelay $0x4  }
0xa2: {  	[tilespmem:v40+s15+$0x0] =	vst.idx.add.f32.msk $0xffff, v13  }
0xa3: {  	v42 =	vor.u32 v2, v39;
	v41 =	vld [tilespmem:s22+$0xFFFFFE10];
	_ =	sdelay $0x4  }
0xa4: {  	[tilespmem:v42+s15+$0x0] =	vst.idx.add.f32.msk $0xffff, v41  }
0xa5: {  	v43 =	vor.u32 v3, v39;
	v16 =	vld [tilespmem:s22+$0xFFFFFE20];
	_ =	sdelay $0x4  }
0xa6: {  	[tilespmem:v43+s15+$0x0] =	vst.idx.add.f32.msk $0xffff, v16  }
0xa7: {  	v44 =	vor.u32 v4, v39;
	v17 =	vld [tilespmem:s22+$0xFFFFFE30];
	_ =	sdelay $0x4  }
0xa8: {  	[tilespmem:v44+s15+$0x0] =	vst.idx.add.f32.msk $0xffff, v17  }
0xa9: {  	v45 =	vor.u32 v5, v39;
	v18 =	vld [tilespmem:s22+$0xFFFFFE40];
	_ =	sdelay $0x4  }
0xaa: {  	[tilespmem:v45+s15+$0x0] =	vst.idx.add.f32.msk $0xffff, v18  }
0xab: {  	v46 =	vor.u32 v6, v39;
	v19 =	vld [tilespmem:s22+$0xFFFFFE50];
	_ =	sdelay $0x4  }
0xac: {  	v13 =	vmul.f32 v13, v13;
	v15 =	vmul.f32 v41, v41;
	[tilespmem:v46+s15+$0x0] =	vst.idx.add.f32.msk $0xffff, v19  }
0xad: {  	v47 =	vor.u32 v7, v39;
	v20 =	vld [tilespmem:s22+$0xFFFFFE60]  }
0xae: {  	v13 =	vadd.f32 v15, v13;
	v48 =	vmul.f32 v16, v16;
	_ =	sdelay $0x1  }
0xaf: {  	v13 =	vadd.f32 v48, v13;
	v49 =	vmul.f32 v17, v17;
	_ =	sdelay $0x1  }
0xb0: {  	v13 =	vadd.f32 v49, v13;
	v50 =	vmul.f32 v18, v18;
	[tilespmem:v47+s15+$0x0] =	vst.idx.add.f32.msk $0xffff, v20  }
0xb1: {  	v51 =	vld [tilespmem:s22+$0xFFFFFE70]  }
0xb2: {  	v13 =	vadd.f32 v50, v13;
	v52 =	vmul.f32 v19, v19;
	_ =	sdelay $0x1  }
0xb3: {  	v13 =	vadd.f32 v52, v13;
	v53 =	vmul.f32 v20, v20;
	_ =	sdelay $0x1  }
0xb4: {  	v13 =	vadd.f32 v53, v13;
	v54 =	vmul.f32 v51, v51;
	_ =	sdelay $0x1  }
0xb5: {  	v13 =	vadd.f32 v54, v13;
	_ =	sdelay $0x1  }
0xb6: {  	(xrf2) =	vadd.scan.msk.f32 $0xffff, v13;
	_ =	sdelay $0x9  }
0xb7: {  	v12 =	vor.u32 v8, v39;
	v13, _, _ =	vpop (xrf2)  }
0xb8: {  	v13 =	vbroadcast v13, $0xF;
	_ =	sdelay $0x1  }
0xb9: {  	v13 =	vnsel vm1, $0x0, v13  }
0xba: {  	v13 =	vadd.f32 v9, v13  }
0xbb: {  	v55 =	vbroadcast v11, $0x5;
	[tilespmem:v12+s15+$0x0] =	vst.idx.add.f32.msk $0xffff, v51  }
0xbc: {  	[tilespmem:v40+s16+$0x0] =	vst.idx.add.f32.msk $0xffff, v13  }
0xbd: {  	v56 =	vor.u32 v0, v55;
	v13 =	vld [tilespmem:s22+$0xFFFFFE80];
	_ =	sdelay $0x4  }
0xbe: {  	[tilespmem:v56+s15+$0x0] =	vst.idx.add.f32.msk $0xffff, v13  }
0xbf: {  	v58 =	vor.u32 v2, v55;
	v57 =	vld [tilespmem:s22+$0xFFFFFE90];
	_ =	sdelay $0x4  }
0xc0: {  	[tilespmem:v58+s15+$0x0] =	vst.idx.add.f32.msk $0xffff, v57  }
0xc1: {  	v59 =	vor.u32 v3, v55;
	v16 =	vld [tilespmem:s22+$0xFFFFFEA0];
	_ =	sdelay $0x4  }
0xc2: {  	[tilespmem:v59+s15+$0x0] =	vst.idx.add.f32.msk $0xffff, v16  }
0xc3: {  	v60 =	vor.u32 v4, v55;
	v17 =	vld [tilespmem:s22+$0xFFFFFEB0];
	_ =	sdelay $0x4  }
0xc4: {  	[tilespmem:v60+s15+$0x0] =	vst.idx.add.f32.msk $0xffff, v17  }
0xc5: {  	v61 =	vor.u32 v5, v55;
	v18 =	vld [tilespmem:s22+$0xFFFFFEC0];
	_ =	sdelay $0x4  }
0xc6: {  	[tilespmem:v61+s15+$0x0] =	vst.idx.add.f32.msk $0xffff, v18  }
0xc7: {  	v62 =	vor.u32 v6, v55;
	v19 =	vld [tilespmem:s22+$0xFFFFFED0];
	_ =	sdelay $0x4  }
0xc8: {  	v13 =	vmul.f32 v13, v13;
	v15 =	vmul.f32 v57, v57;
	[tilespmem:v62+s15+$0x0] =	vst.idx.add.f32.msk $0xffff, v19  }
0xc9: {  	v63 =	vor.u32 v7, v55;
	v20 =	vld [tilespmem:s22+$0xFFFFFEE0]  }
0xca: {  	v13 =	vadd.f32 v15, v13;
	v24 =	vmul.f32 v16, v16;
	_ =	sdelay $0x1  }
0xcb: {  	v13 =	vadd.f32 v24, v13;
	v25 =	vmul.f32 v17, v17;
	_ =	sdelay $0x1  }
0xcc: {  	v13 =	vadd.f32 v25, v13;
	v26 =	vmul.f32 v18, v18;
	[tilespmem:v63+s15+$0x0] =	vst.idx.add.f32.msk $0xffff, v20  }
0xcd: {  	v27 =	vld [tilespmem:s22+$0xFFFFFEF0]  }
0xce: {  	v13 =	vadd.f32 v26, v13;
	v28 =	vmul.f32 v19, v19;
	_ =	sdelay $0x1  }
0xcf: {  	v13 =	vadd.f32 v28, v13;
	v29 =	vmul.f32 v20, v20;
	_ =	sdelay $0x1  }
0xd0: {  	v13 =	vadd.f32 v29, v13;
	v30 =	vmul.f32 v27, v27;
	_ =	sdelay $0x1  }
0xd1: {  	v13 =	vadd.f32 v30, v13;
	_ =	sdelay $0x1  }
0xd2: {  	(xrf2) =	vadd.scan.msk.f32 $0xffff, v13;
	_ =	sdelay $0x9  }
0xd3: {  	v12 =	vor.u32 v8, v55;
	v13, _, _ =	vpop (xrf2)  }
0xd4: {  	v13 =	vbroadcast v13, $0xF;
	_ =	sdelay $0x1  }
0xd5: {  	v13 =	vnsel vm1, $0x0, v13  }
0xd6: {  	v13 =	vadd.f32 v9, v13  }
0xd7: {  	v31 =	vbroadcast v11, $0x6;
	[tilespmem:v12+s15+$0x0] =	vst.idx.add.f32.msk $0xffff, v27  }
0xd8: {  	[tilespmem:v56+s16+$0x0] =	vst.idx.add.f32.msk $0xffff, v13  }
0xd9: {  	v32 =	vor.u32 v0, v31;
	v13 =	vld [tilespmem:s22+$0xFFFFFF00];
	_ =	sdelay $0x4  }
0xda: {  	[tilespmem:v32+s15+$0x0] =	vst.idx.add.f32.msk $0xffff, v13  }
0xdb: {  	v34 =	vor.u32 v2, v31;
	v33 =	vld [tilespmem:s22+$0xFFFFFF10];
	_ =	sdelay $0x4  }
0xdc: {  	[tilespmem:v34+s15+$0x0] =	vst.idx.add.f32.msk $0xffff, v33  }
0xdd: {  	v35 =	vor.u32 v3, v31;
	v16 =	vld [tilespmem:s22+$0xFFFFFF20];
	_ =	sdelay $0x4  }
0xde: {  	[tilespmem:v35+s15+$0x0] =	vst.idx.add.f32.msk $0xffff, v16  }
0xdf: {  	v36 =	vor.u32 v4, v31;
	v17 =	vld [tilespmem:s22+$0xFFFFFF30];
	_ =	sdelay $0x4  }
0xe0: {  	[tilespmem:v36+s15+$0x0] =	vst.idx.add.f32.msk $0xffff, v17  }
0xe1: {  	v37 =	vor.u32 v5, v31;
	v18 =	vld [tilespmem:s22+$0xFFFFFF40];
	_ =	sdelay $0x4  }
0xe2: {  	[tilespmem:v37+s15+$0x0] =	vst.idx.add.f32.msk $0xffff, v18  }
0xe3: {  	v38 =	vor.u32 v6, v31;
	v19 =	vld [tilespmem:s22+$0xFFFFFF50];
	_ =	sdelay $0x4  }
0xe4: {  	v13 =	vmul.f32 v13, v13;
	v15 =	vmul.f32 v33, v33;
	[tilespmem:v38+s15+$0x0] =	vst.idx.add.f32.msk $0xffff, v19  }
0xe5: {  	v39 =	vor.u32 v7, v31;
	v20 =	vld [tilespmem:s22+$0xFFFFFF60]  }
0xe6: {  	v13 =	vadd.f32 v15, v13;
	v40 =	vmul.f32 v16, v16;
	_ =	sdelay $0x1  }
0xe7: {  	v13 =	vadd.f32 v40, v13;
	v41 =	vmul.f32 v17, v17;
	_ =	sdelay $0x1  }
0xe8: {  	v13 =	vadd.f32 v41, v13;
	v42 =	vmul.f32 v18, v18;
	[tilespmem:v39+s15+$0x0] =	vst.idx.add.f32.msk $0xffff, v20  }
0xe9: {  	v43 =	vld [tilespmem:s22+$0xFFFFFF70]  }
0xea: {  	v13 =	vadd.f32 v42, v13;
	v44 =	vmul.f32 v19, v19;
	_ =	sdelay $0x1  }
0xeb: {  	v13 =	vadd.f32 v44, v13;
	v45 =	vmul.f32 v20, v20;
	_ =	sdelay $0x1  }
0xec: {  	v13 =	vadd.f32 v45, v13;
	v46 =	vmul.f32 v43, v43;
	_ =	sdelay $0x1  }
0xed: {  	v13 =	vadd.f32 v46, v13;
	_ =	sdelay $0x1  }
0xee: {  	(xrf2) =	vadd.scan.msk.f32 $0xffff, v13;
	_ =	sdelay $0x9  }
0xef: {  	v12 =	vor.u32 v8, v31;
	v13, _, _ =	vpop (xrf2)  }
0xf0: {  	v13 =	vbroadcast v13, $0xF;
	_ =	sdelay $0x1  }
0xf1: {  	v13 =	vnsel vm1, $0x0, v13  }
0xf2: {  	v13 =	vadd.f32 v9, v13  }
0xf3: {  	v47 =	vbroadcast v11, $0x7;
	[tilespmem:v12+s15+$0x0] =	vst.idx.add.f32.msk $0xffff, v43  }
0xf4: {  	[tilespmem:v32+s16+$0x0] =	vst.idx.add.f32.msk $0xffff, v13  }
0xf5: {  	v48 =	vor.u32 v0, v47;
	v13 =	vld [tilespmem:s22+$0xFFFFFF80];
	_ =	sdelay $0x4  }
0xf6: {  	[tilespmem:v48+s15+$0x0] =	vst.idx.add.f32.msk $0xffff, v13  }
0xf7: {  	v50 =	vor.u32 v2, v47;
	v49 =	vld [tilespmem:s22+$0xFFFFFF90];
	_ =	sdelay $0x4  }
0xf8: {  	[tilespmem:v50+s15+$0x0] =	vst.idx.add.f32.msk $0xffff, v49  }
0xf9: {  	v51 =	vor.u32 v3, v47;
	v16 =	vld [tilespmem:s22+$0xFFFFFFA0];
	_ =	sdelay $0x4  }
0xfa: {  	[tilespmem:v51+s15+$0x0] =	vst.idx.add.f32.msk $0xffff, v16  }
0xfb: {  	v52 =	vor.u32 v4, v47;
	v17 =	vld [tilespmem:s22+$0xFFFFFFB0];
	_ =	sdelay $0x4  }
0xfc: {  	[tilespmem:v52+s15+$0x0] =	vst.idx.add.f32.msk $0xffff, v17  }
0xfd: {  	v53 =	vor.u32 v5, v47;
	v18 =	vld [tilespmem:s22+$0xFFFFFFC0];
	_ =	sdelay $0x4  }
0xfe: {  	[tilespmem:v53+s15+$0x0] =	vst.idx.add.f32.msk $0xffff, v18  }
0xff: {  	v54 =	vor.u32 v6, v47;
	v19 =	vld [tilespmem:s22+$0xFFFFFFD0];
	_ =	sdelay $0x4  }
0x100: {  	v13 =	vmul.f32 v13, v13;
	v15 =	vmul.f32 v49, v49;
	[tilespmem:v54+s15+$0x0] =	vst.idx.add.f32.msk $0xffff, v19  }
0x101: {  	v55 =	vor.u32 v7, v47;
	v20 =	vld [tilespmem:s22+$0xFFFFFFE0]  }
0x102: {  	v13 =	vadd.f32 v15, v13;
	v56 =	vmul.f32 v16, v16;
	_ =	sdelay $0x1  }
0x103: {  	v13 =	vadd.f32 v56, v13;
	v57 =	vmul.f32 v17, v17;
	_ =	sdelay $0x1  }
0x104: {  	v13 =	vadd.f32 v57, v13;
	v58 =	vmul.f32 v18, v18;
	[tilespmem:v55+s15+$0x0] =	vst.idx.add.f32.msk $0xffff, v20  }
0x105: {  	v59 =	vld [tilespmem:s22+$0xFFFFFFF0]  }
0x106: {  	v13 =	vadd.f32 v58, v13;
	v60 =	vmul.f32 v19, v19;
	_ =	sdelay $0x1  }
0x107: {  	v13 =	vadd.f32 v60, v13;
	v61 =	vmul.f32 v20, v20;
	_ =	sdelay $0x1  }
0x108: {  	v13 =	vadd.f32 v61, v13;
	v62 =	vmul.f32 v59, v59;
	_ =	sdelay $0x1  }
0x109: {  	v13 =	vadd.f32 v62, v13;
	_ =	sdelay $0x1  }
0x10a: {  	(xrf2) =	vadd.scan.msk.f32 $0xffff, v13;
	_ =	sdelay $0x9  }
0x10b: {  	v12 =	vor.u32 v8, v47;
	v13, _, _ =	vpop (xrf2)  }
0x10c: {  	v13 =	vbroadcast v13, $0xF;
	_ =	sdelay $0x1  }
0x10d: {  	v13 =	vnsel vm1, $0x0, v13  }
0x10e: {  	v13 =	vadd.f32 v9, v13  }
0x10f: {  	v63 =	vbroadcast v11, $0x8;
	[tilespmem:v12+s15+$0x0] =	vst.idx.add.f32.msk $0xffff, v59  }
0x110: {  	[tilespmem:v48+s16+$0x0] =	vst.idx.add.f32.msk $0xffff, v13  }
0x111: {  	v24 =	vor.u32 v0, v63;
	v13 =	vld [tilespmem:s22+$0x0];
	_ =	sdelay $0x4  }
0x112: {  	[tilespmem:v24+s15+$0x0] =	vst.idx.add.f32.msk $0xffff, v13  }
0x113: {  	v26 =	vor.u32 v2, v63;
	v25 =	vld [tilespmem:s22+$0x10];
	_ =	sdelay $0x4  }
0x114: {  	[tilespmem:v26+s15+$0x0] =	vst.idx.add.f32.msk $0xffff, v25  }
0x115: {  	v27 =	vor.u32 v3, v63;
	v16 =	vld [tilespmem:s22+$0x20];
	_ =	sdelay $0x4  }
0x116: {  	[tilespmem:v27+s15+$0x0] =	vst.idx.add.f32.msk $0xffff, v16  }
0x117: {  	v28 =	vor.u32 v4, v63;
	v17 =	vld [tilespmem:s22+$0x30];
	_ =	sdelay $0x4  }
0x118: {  	[tilespmem:v28+s15+$0x0] =	vst.idx.add.f32.msk $0xffff, v17  }
0x119: {  	v29 =	vor.u32 v5, v63;
	v18 =	vld [tilespmem:s22+$0x40];
	_ =	sdelay $0x4  }
0x11a: {  	[tilespmem:v29+s15+$0x0] =	vst.idx.add.f32.msk $0xffff, v18  }
0x11b: {  	v30 =	vor.u32 v6, v63;
	v19 =	vld [tilespmem:s22+$0x50];
	_ =	sdelay $0x4  }
0x11c: {  	v13 =	vmul.f32 v13, v13;
	v15 =	vmul.f32 v25, v25;
	[tilespmem:v30+s15+$0x0] =	vst.idx.add.f32.msk $0xffff, v19  }
0x11d: {  	v31 =	vor.u32 v7, v63;
	v20 =	vld [tilespmem:s22+$0x60]  }
0x11e: {  	v13 =	vadd.f32 v15, v13;
	v32 =	vmul.f32 v16, v16;
	_ =	sdelay $0x1  }
0x11f: {  	v13 =	vadd.f32 v32, v13;
	v33 =	vmul.f32 v17, v17;
	_ =	sdelay $0x1  }
0x120: {  	v13 =	vadd.f32 v33, v13;
	v34 =	vmul.f32 v18, v18;
	[tilespmem:v31+s15+$0x0] =	vst.idx.add.f32.msk $0xffff, v20  }
0x121: {  	v35 =	vld [tilespmem:s22+$0x70]  }
0x122: {  	v13 =	vadd.f32 v34, v13;
	v36 =	vmul.f32 v19, v19;
	_ =	sdelay $0x1  }
0x123: {  	v13 =	vadd.f32 v36, v13;
	v37 =	vmul.f32 v20, v20;
	_ =	sdelay $0x1  }
0x124: {  	v13 =	vadd.f32 v37, v13;
	v38 =	vmul.f32 v35, v35;
	_ =	sdelay $0x1  }
0x125: {  	v13 =	vadd.f32 v38, v13;
	_ =	sdelay $0x1  }
0x126: {  	(xrf2) =	vadd.scan.msk.f32 $0xffff, v13;
	_ =	sdelay $0x9  }
0x127: {  	v12 =	vor.u32 v8, v63;
	v13, _, _ =	vpop (xrf2)  }
0x128: {  	v13 =	vbroadcast v13, $0xF;
	_ =	sdelay $0x1  }
0x129: {  	v13 =	vnsel vm1, $0x0, v13  }
0x12a: {  	v13 =	vadd.f32 v9, v13  }
0x12b: {  	v39 =	vbroadcast v11, $0x9;
	[tilespmem:v12+s15+$0x0] =	vst.idx.add.f32.msk $0xffff, v35  }
0x12c: {  	[tilespmem:v24+s16+$0x0] =	vst.idx.add.f32.msk $0xffff, v13  }
0x12d: {  	v40 =	vor.u32 v0, v39;
	v13 =	vld [tilespmem:s22+$0x80];
	_ =	sdelay $0x4  }
0x12e: {  	[tilespmem:v40+s15+$0x0] =	vst.idx.add.f32.msk $0xffff, v13  }
0x12f: {  	v42 =	vor.u32 v2, v39;
	v41 =	vld [tilespmem:s22+$0x90];
	_ =	sdelay $0x4  }
0x130: {  	[tilespmem:v42+s15+$0x0] =	vst.idx.add.f32.msk $0xffff, v41  }
0x131: {  	v43 =	vor.u32 v3, v39;
	v16 =	vld [tilespmem:s22+$0xA0];
	_ =	sdelay $0x4  }
0x132: {  	[tilespmem:v43+s15+$0x0] =	vst.idx.add.f32.msk $0xffff, v16  }
0x133: {  	v44 =	vor.u32 v4, v39;
	v17 =	vld [tilespmem:s22+$0xB0];
	_ =	sdelay $0x4  }
0x134: {  	[tilespmem:v44+s15+$0x0] =	vst.idx.add.f32.msk $0xffff, v17  }
0x135: {  	v45 =	vor.u32 v5, v39;
	v18 =	vld [tilespmem:s22+$0xC0];
	_ =	sdelay $0x4  }
0x136: {  	[tilespmem:v45+s15+$0x0] =	vst.idx.add.f32.msk $0xffff, v18  }
0x137: {  	v46 =	vor.u32 v6, v39;
	v19 =	vld [tilespmem:s22+$0xD0];
	_ =	sdelay $0x4  }
0x138: {  	v13 =	vmul.f32 v13, v13;
	v15 =	vmul.f32 v41, v41;
	[tilespmem:v46+s15+$0x0] =	vst.idx.add.f32.msk $0xffff, v19  }
0x139: {  	v47 =	vor.u32 v7, v39;
	v20 =	vld [tilespmem:s22+$0xE0]  }
0x13a: {  	v13 =	vadd.f32 v15, v13;
	v48 =	vmul.f32 v16, v16;
	_ =	sdelay $0x1  }
0x13b: {  	v13 =	vadd.f32 v48, v13;
	v49 =	vmul.f32 v17, v17;
	_ =	sdelay $0x1  }
0x13c: {  	v13 =	vadd.f32 v49, v13;
	v50 =	vmul.f32 v18, v18;
	[tilespmem:v47+s15+$0x0] =	vst.idx.add.f32.msk $0xffff, v20  }
0x13d: {  	v51 =	vld [tilespmem:s22+$0xF0]  }
0x13e: {  	v13 =	vadd.f32 v50, v13;
	v52 =	vmul.f32 v19, v19;
	_ =	sdelay $0x1  }
0x13f: {  	v13 =	vadd.f32 v52, v13;
	v53 =	vmul.f32 v20, v20;
	_ =	sdelay $0x1  }
0x140: {  	v13 =	vadd.f32 v53, v13;
	v54 =	vmul.f32 v51, v51;
	_ =	sdelay $0x1  }
0x141: {  	v13 =	vadd.f32 v54, v13;
	_ =	sdelay $0x1  }
0x142: {  	(xrf2) =	vadd.scan.msk.f32 $0xffff, v13;
	_ =	sdelay $0x9  }
0x143: {  	v12 =	vor.u32 v8, v39;
	v13, _, _ =	vpop (xrf2)  }
0x144: {  	v13 =	vbroadcast v13, $0xF;
	_ =	sdelay $0x1  }
0x145: {  	v13 =	vnsel vm1, $0x0, v13  }
0x146: {  	v13 =	vadd.f32 v9, v13  }
0x147: {  	v55 =	vbroadcast v11, $0xA;
	[tilespmem:v12+s15+$0x0] =	vst.idx.add.f32.msk $0xffff, v51  }
0x148: {  	[tilespmem:v40+s16+$0x0] =	vst.idx.add.f32.msk $0xffff, v13  }
0x149: {  	v56 =	vor.u32 v0, v55;
	v13 =	vld [tilespmem:s22+$0x100];
	_ =	sdelay $0x4  }
0x14a: {  	[tilespmem:v56+s15+$0x0] =	vst.idx.add.f32.msk $0xffff, v13  }
0x14b: {  	v58 =	vor.u32 v2, v55;
	v57 =	vld [tilespmem:s22+$0x110];
	_ =	sdelay $0x4  }
0x14c: {  	[tilespmem:v58+s15+$0x0] =	vst.idx.add.f32.msk $0xffff, v57  }
0x14d: {  	v59 =	vor.u32 v3, v55;
	v16 =	vld [tilespmem:s22+$0x120];
	_ =	sdelay $0x4  }
0x14e: {  	[tilespmem:v59+s15+$0x0] =	vst.idx.add.f32.msk $0xffff, v16  }
0x14f: {  	v60 =	vor.u32 v4, v55;
	v17 =	vld [tilespmem:s22+$0x130];
	_ =	sdelay $0x4  }
0x150: {  	[tilespmem:v60+s15+$0x0] =	vst.idx.add.f32.msk $0xffff, v17  }
0x151: {  	v61 =	vor.u32 v5, v55;
	v18 =	vld [tilespmem:s22+$0x140];
	_ =	sdelay $0x4  }
0x152: {  	[tilespmem:v61+s15+$0x0] =	vst.idx.add.f32.msk $0xffff, v18  }
0x153: {  	v62 =	vor.u32 v6, v55;
	v19 =	vld [tilespmem:s22+$0x150];
	_ =	sdelay $0x4  }
0x154: {  	v13 =	vmul.f32 v13, v13;
	v15 =	vmul.f32 v57, v57;
	[tilespmem:v62+s15+$0x0] =	vst.idx.add.f32.msk $0xffff, v19  }
0x155: {  	v63 =	vor.u32 v7, v55;
	v20 =	vld [tilespmem:s22+$0x160]  }
0x156: {  	v13 =	vadd.f32 v15, v13;
	v22 =	vmul.f32 v16, v16;
	_ =	sdelay $0x1  }
0x157: {  	v13 =	vadd.f32 v22, v13;
	v23 =	vmul.f32 v17, v17;
	_ =	sdelay $0x1  }
0x158: {  	v13 =	vadd.f32 v23, v13;
	v24 =	vmul.f32 v18, v18;
	[tilespmem:v63+s15+$0x0] =	vst.idx.add.f32.msk $0xffff, v20  }
0x159: {  	v25 =	vld [tilespmem:s22+$0x170]  }
0x15a: {  	v13 =	vadd.f32 v24, v13;
	v26 =	vmul.f32 v19, v19;
	_ =	sdelay $0x1  }
0x15b: {  	v13 =	vadd.f32 v26, v13;
	v27 =	vmul.f32 v20, v20;
	_ =	sdelay $0x1  }
0x15c: {  	v13 =	vadd.f32 v27, v13;
	v28 =	vmul.f32 v25, v25;
	_ =	sdelay $0x1  }
0x15d: {  	v13 =	vadd.f32 v28, v13;
	_ =	sdelay $0x1  }
0x15e: {  	(xrf2) =	vadd.scan.msk.f32 $0xffff, v13;
	_ =	sdelay $0x9  }
0x15f: {  	v12 =	vor.u32 v8, v55;
	v13, _, _ =	vpop (xrf2)  }
0x160: {  	v13 =	vbroadcast v13, $0xF;
	_ =	sdelay $0x1  }
0x161: {  	v13 =	vnsel vm1, $0x0, v13  }
0x162: {  	v13 =	vadd.f32 v9, v13  }
0x163: {  	v29 =	vbroadcast v11, $0xB;
	[tilespmem:v12+s15+$0x0] =	vst.idx.add.f32.msk $0xffff, v25  }
0x164: {  	[tilespmem:v56+s16+$0x0] =	vst.idx.add.f32.msk $0xffff, v13  }
0x165: {  	v30 =	vor.u32 v0, v29;
	v13 =	vld [tilespmem:s22+$0x180];
	_ =	sdelay $0x4  }
0x166: {  	[tilespmem:v30+s15+$0x0] =	vst.idx.add.f32.msk $0xffff, v13  }
0x167: {  	v32 =	vor.u32 v2, v29;
	v31 =	vld [tilespmem:s22+$0x190];
	_ =	sdelay $0x4  }
0x168: {  	[tilespmem:v32+s15+$0x0] =	vst.idx.add.f32.msk $0xffff, v31  }
0x169: {  	v33 =	vor.u32 v3, v29;
	v16 =	vld [tilespmem:s22+$0x1A0];
	_ =	sdelay $0x4  }
0x16a: {  	[tilespmem:v33+s15+$0x0] =	vst.idx.add.f32.msk $0xffff, v16  }
0x16b: {  	v34 =	vor.u32 v4, v29;
	v17 =	vld [tilespmem:s22+$0x1B0];
	_ =	sdelay $0x4  }
0x16c: {  	[tilespmem:v34+s15+$0x0] =	vst.idx.add.f32.msk $0xffff, v17  }
0x16d: {  	v35 =	vor.u32 v5, v29;
	v18 =	vld [tilespmem:s22+$0x1C0];
	_ =	sdelay $0x4  }
0x16e: {  	[tilespmem:v35+s15+$0x0] =	vst.idx.add.f32.msk $0xffff, v18  }
0x16f: {  	v36 =	vor.u32 v6, v29;
	v19 =	vld [tilespmem:s22+$0x1D0];
	_ =	sdelay $0x4  }
0x170: {  	v13 =	vmul.f32 v13, v13;
	v15 =	vmul.f32 v31, v31;
	[tilespmem:v36+s15+$0x0] =	vst.idx.add.f32.msk $0xffff, v19  }
0x171: {  	v37 =	vor.u32 v7, v29;
	v20 =	vld [tilespmem:s22+$0x1E0]  }
0x172: {  	v13 =	vadd.f32 v15, v13;
	v38 =	vmul.f32 v16, v16;
	_ =	sdelay $0x1  }
0x173: {  	v13 =	vadd.f32 v38, v13;
	v39 =	vmul.f32 v17, v17;
	_ =	sdelay $0x1  }
0x174: {  	v13 =	vadd.f32 v39, v13;
	v40 =	vmul.f32 v18, v18;
	[tilespmem:v37+s15+$0x0] =	vst.idx.add.f32.msk $0xffff, v20  }
0x175: {  	v41 =	vld [tilespmem:s22+$0x1F0]  }
0x176: {  	v13 =	vadd.f32 v40, v13;
	v42 =	vmul.f32 v19, v19;
	_ =	sdelay $0x1  }
0x177: {  	v13 =	vadd.f32 v42, v13;
	v43 =	vmul.f32 v20, v20;
	_ =	sdelay $0x1  }
0x178: {  	v13 =	vadd.f32 v43, v13;
	v44 =	vmul.f32 v41, v41;
	_ =	sdelay $0x1  }
0x179: {  	v13 =	vadd.f32 v44, v13;
	_ =	sdelay $0x1  }
0x17a: {  	(xrf2) =	vadd.scan.msk.f32 $0xffff, v13;
	_ =	sdelay $0x9  }
0x17b: {  	v12 =	vor.u32 v8, v29;
	v13, _, _ =	vpop (xrf2)  }
0x17c: {  	v13 =	vbroadcast v13, $0xF;
	_ =	sdelay $0x1  }
0x17d: {  	v13 =	vnsel vm1, $0x0, v13  }
0x17e: {  	v13 =	vadd.f32 v9, v13  }
0x17f: {  	v45 =	vbroadcast v11, $0xC;
	[tilespmem:v12+s15+$0x0] =	vst.idx.add.f32.msk $0xffff, v41  }
0x180: {  	[tilespmem:v30+s16+$0x0] =	vst.idx.add.f32.msk $0xffff, v13  }
0x181: {  	v46 =	vor.u32 v0, v45;
	v13 =	vld [tilespmem:s22+$0x200];
	_ =	sdelay $0x4  }
0x182: {  	[tilespmem:v46+s15+$0x0] =	vst.idx.add.f32.msk $0xffff, v13  }
0x183: {  	v48 =	vor.u32 v2, v45;
	v47 =	vld [tilespmem:s22+$0x210];
	_ =	sdelay $0x4  }
0x184: {  	[tilespmem:v48+s15+$0x0] =	vst.idx.add.f32.msk $0xffff, v47  }
0x185: {  	v49 =	vor.u32 v3, v45;
	v16 =	vld [tilespmem:s22+$0x220];
	_ =	sdelay $0x4  }
0x186: {  	[tilespmem:v49+s15+$0x0] =	vst.idx.add.f32.msk $0xffff, v16  }
0x187: {  	v50 =	vor.u32 v4, v45;
	v17 =	vld [tilespmem:s22+$0x230];
	_ =	sdelay $0x4  }
0x188: {  	[tilespmem:v50+s15+$0x0] =	vst.idx.add.f32.msk $0xffff, v17  }
0x189: {  	v51 =	vor.u32 v5, v45;
	v18 =	vld [tilespmem:s22+$0x240];
	_ =	sdelay $0x4  }
0x18a: {  	[tilespmem:v51+s15+$0x0] =	vst.idx.add.f32.msk $0xffff, v18  }
0x18b: {  	v52 =	vor.u32 v6, v45;
	v19 =	vld [tilespmem:s22+$0x250];
	_ =	sdelay $0x4  }
0x18c: {  	v13 =	vmul.f32 v13, v13;
	v15 =	vmul.f32 v47, v47;
	[tilespmem:v52+s15+$0x0] =	vst.idx.add.f32.msk $0xffff, v19  }
0x18d: {  	v53 =	vor.u32 v7, v45;
	v20 =	vld [tilespmem:s22+$0x260]  }
0x18e: {  	v13 =	vadd.f32 v15, v13;
	v54 =	vmul.f32 v16, v16;
	_ =	sdelay $0x1  }
0x18f: {  	v13 =	vadd.f32 v54, v13;
	v55 =	vmul.f32 v17, v17;
	_ =	sdelay $0x1  }
0x190: {  	v13 =	vadd.f32 v55, v13;
	v56 =	vmul.f32 v18, v18;
	[tilespmem:v53+s15+$0x0] =	vst.idx.add.f32.msk $0xffff, v20  }
0x191: {  	v57 =	vld [tilespmem:s22+$0x270]  }
0x192: {  	v13 =	vadd.f32 v56, v13;
	v58 =	vmul.f32 v19, v19;
	_ =	sdelay $0x1  }
0x193: {  	v13 =	vadd.f32 v58, v13;
	v59 =	vmul.f32 v20, v20;
	_ =	sdelay $0x1  }
0x194: {  	v13 =	vadd.f32 v59, v13;
	v60 =	vmul.f32 v57, v57;
	_ =	sdelay $0x1  }
0x195: {  	v13 =	vadd.f32 v60, v13;
	_ =	sdelay $0x1  }
0x196: {  	(xrf2) =	vadd.scan.msk.f32 $0xffff, v13;
	_ =	sdelay $0x9  }
0x197: {  	v12 =	vor.u32 v8, v45;
	v13, _, _ =	vpop (xrf2)  }
0x198: {  	v13 =	vbroadcast v13, $0xF;
	_ =	sdelay $0x1  }
0x199: {  	v13 =	vnsel vm1, $0x0, v13  }
0x19a: {  	v13 =	vadd.f32 v9, v13  }
0x19b: {  	v61 =	vbroadcast v11, $0xD;
	[tilespmem:v12+s15+$0x0] =	vst.idx.add.f32.msk $0xffff, v57  }
0x19c: {  	[tilespmem:v46+s16+$0x0] =	vst.idx.add.f32.msk $0xffff, v13  }
0x19d: {  	v62 =	vor.u32 v0, v61;
	v13 =	vld [tilespmem:s22+$0x280];
	_ =	sdelay $0x4  }
0x19e: {  	[tilespmem:v62+s15+$0x0] =	vst.idx.add.f32.msk $0xffff, v13  }
0x19f: {  	v21 =	vor.u32 v2, v61;
	v63 =	vld [tilespmem:s22+$0x290];
	_ =	sdelay $0x4  }
0x1a0: {  	[tilespmem:v21+s15+$0x0] =	vst.idx.add.f32.msk $0xffff, v63  }
0x1a1: {  	v22 =	vor.u32 v3, v61;
	v16 =	vld [tilespmem:s22+$0x2A0];
	_ =	sdelay $0x4  }
0x1a2: {  	[tilespmem:v22+s15+$0x0] =	vst.idx.add.f32.msk $0xffff, v16  }
0x1a3: {  	v23 =	vor.u32 v4, v61;
	v17 =	vld [tilespmem:s22+$0x2B0];
	_ =	sdelay $0x4  }
0x1a4: {  	[tilespmem:v23+s15+$0x0] =	vst.idx.add.f32.msk $0xffff, v17  }
0x1a5: {  	v24 =	vor.u32 v5, v61;
	v18 =	vld [tilespmem:s22+$0x2C0];
	_ =	sdelay $0x4  }
0x1a6: {  	[tilespmem:v24+s15+$0x0] =	vst.idx.add.f32.msk $0xffff, v18  }
0x1a7: {  	v25 =	vor.u32 v6, v61;
	v19 =	vld [tilespmem:s22+$0x2D0];
	_ =	sdelay $0x4  }
0x1a8: {  	v13 =	vmul.f32 v13, v13;
	v15 =	vmul.f32 v63, v63;
	[tilespmem:v25+s15+$0x0] =	vst.idx.add.f32.msk $0xffff, v19  }
0x1a9: {  	v26 =	vor.u32 v7, v61;
	v20 =	vld [tilespmem:s22+$0x2E0]  }
0x1aa: {  	v13 =	vadd.f32 v15, v13;
	v27 =	vmul.f32 v16, v16;
	_ =	sdelay $0x1  }
0x1ab: {  	v13 =	vadd.f32 v27, v13;
	v28 =	vmul.f32 v17, v17;
	_ =	sdelay $0x1  }
0x1ac: {  	v13 =	vadd.f32 v28, v13;
	v29 =	vmul.f32 v18, v18;
	[tilespmem:v26+s15+$0x0] =	vst.idx.add.f32.msk $0xffff, v20  }
0x1ad: {  	v30 =	vld [tilespmem:s22+$0x2F0]  }
0x1ae: {  	v13 =	vadd.f32 v29, v13;
	v31 =	vmul.f32 v19, v19;
	_ =	sdelay $0x1  }
0x1af: {  	v13 =	vadd.f32 v31, v13;
	v32 =	vmul.f32 v20, v20;
	_ =	sdelay $0x1  }
0x1b0: {  	v13 =	vadd.f32 v32, v13;
	v33 =	vmul.f32 v30, v30;
	_ =	sdelay $0x1  }
0x1b1: {  	v13 =	vadd.f32 v33, v13;
	_ =	sdelay $0x1  }
0x1b2: {  	(xrf2) =	vadd.scan.msk.f32 $0xffff, v13;
	_ =	sdelay $0x9  }
0x1b3: {  	v12 =	vor.u32 v8, v61;
	v13, _, _ =	vpop (xrf2)  }
0x1b4: {  	v13 =	vbroadcast v13, $0xF;
	_ =	sdelay $0x1  }
0x1b5: {  	v13 =	vnsel vm1, $0x0, v13  }
0x1b6: {  	v13 =	vadd.f32 v9, v13  }
0x1b7: {  	v34 =	vbroadcast v11, $0xE;
	[tilespmem:v12+s15+$0x0] =	vst.idx.add.f32.msk $0xffff, v30  }
0x1b8: {  	[tilespmem:v62+s16+$0x0] =	vst.idx.add.f32.msk $0xffff, v13  }
0x1b9: {  	v35 =	vor.u32 v0, v34;
	v13 =	vld [tilespmem:s22+$0x300];
	_ =	sdelay $0x4  }
0x1ba: {  	[tilespmem:v35+s15+$0x0] =	vst.idx.add.f32.msk $0xffff, v13  }
0x1bb: {  	v37 =	vor.u32 v2, v34;
	v36 =	vld [tilespmem:s22+$0x310];
	_ =	sdelay $0x4  }
0x1bc: {  	[tilespmem:v37+s15+$0x0] =	vst.idx.add.f32.msk $0xffff, v36  }
0x1bd: {  	v38 =	vor.u32 v3, v34;
	v16 =	vld [tilespmem:s22+$0x320];
	_ =	sdelay $0x4  }
0x1be: {  	[tilespmem:v38+s15+$0x0] =	vst.idx.add.f32.msk $0xffff, v16  }
0x1bf: {  	v39 =	vor.u32 v4, v34;
	v17 =	vld [tilespmem:s22+$0x330];
	_ =	sdelay $0x4  }
0x1c0: {  	[tilespmem:v39+s15+$0x0] =	vst.idx.add.f32.msk $0xffff, v17  }
0x1c1: {  	v40 =	vor.u32 v5, v34;
	v18 =	vld [tilespmem:s22+$0x340];
	_ =	sdelay $0x4  }
0x1c2: {  	[tilespmem:v40+s15+$0x0] =	vst.idx.add.f32.msk $0xffff, v18  }
0x1c3: {  	v41 =	vor.u32 v6, v34;
	v19 =	vld [tilespmem:s22+$0x350];
	_ =	sdelay $0x4  }
0x1c4: {  	v13 =	vmul.f32 v13, v13;
	v15 =	vmul.f32 v36, v36;
	[tilespmem:v41+s15+$0x0] =	vst.idx.add.f32.msk $0xffff, v19  }
0x1c5: {  	v42 =	vor.u32 v7, v34;
	v20 =	vld [tilespmem:s22+$0x360]  }
0x1c6: {  	v13 =	vadd.f32 v15, v13;
	v43 =	vmul.f32 v16, v16;
	_ =	sdelay $0x1  }
0x1c7: {  	v13 =	vadd.f32 v43, v13;
	v44 =	vmul.f32 v17, v17;
	_ =	sdelay $0x1  }
0x1c8: {  	v13 =	vadd.f32 v44, v13;
	v45 =	vmul.f32 v18, v18;
	[tilespmem:v42+s15+$0x0] =	vst.idx.add.f32.msk $0xffff, v20  }
0x1c9: {  	v46 =	vld [tilespmem:s22+$0x370]  }
0x1ca: {  	v13 =	vadd.f32 v45, v13;
	v47 =	vmul.f32 v19, v19;
	_ =	sdelay $0x1  }
0x1cb: {  	v13 =	vadd.f32 v47, v13;
	v48 =	vmul.f32 v20, v20;
	_ =	sdelay $0x1  }
0x1cc: {  	v13 =	vadd.f32 v48, v13;
	v49 =	vmul.f32 v46, v46;
	_ =	sdelay $0x1  }
0x1cd: {  	v13 =	vadd.f32 v49, v13;
	_ =	sdelay $0x1  }
0x1ce: {  	(xrf2) =	vadd.scan.msk.f32 $0xffff, v13;
	_ =	sdelay $0x9  }
0x1cf: {  	v12 =	vor.u32 v8, v34;
	v13, _, _ =	vpop (xrf2)  }
0x1d0: {  	v13 =	vbroadcast v13, $0xF;
	_ =	sdelay $0x1  }
0x1d1: {  	v13 =	vnsel vm1, $0x0, v13  }
0x1d2: {  	v13 =	vadd.f32 v9, v13  }
0x1d3: {  	v11 =	vbroadcast v11, $0xF;
	[tilespmem:v12+s15+$0x0] =	vst.idx.add.f32.msk $0xffff, v46  }
0x1d4: {  	[tilespmem:v35+s16+$0x0] =	vst.idx.add.f32.msk $0xffff, v13  }
0x1d5: {  	v50 =	vor.u32 v0, v11;
	v12 =	vld [tilespmem:s22+$0x380];
	_ =	sdelay $0x4  }
0x1d6: {  	[tilespmem:v50+s15+$0x0] =	vst.idx.add.f32.msk $0xffff, v12  }
0x1d7: {  	v51 =	vor.u32 v2, v11;
	v14 =	vld [tilespmem:s22+$0x390];
	_ =	sdelay $0x4  }
0x1d8: {  	[tilespmem:v51+s15+$0x0] =	vst.idx.add.f32.msk $0xffff, v14  }
0x1d9: {  	v52 =	vor.u32 v3, v11;
	v15 =	vld [tilespmem:s22+$0x3A0];
	_ =	sdelay $0x4  }
0x1da: {  	[tilespmem:v52+s15+$0x0] =	vst.idx.add.f32.msk $0xffff, v15  }
0x1db: {  	v53 =	vor.u32 v4, v11;
	v16 =	vld [tilespmem:s22+$0x3B0];
	_ =	sdelay $0x4  }
0x1dc: {  	[tilespmem:v53+s15+$0x0] =	vst.idx.add.f32.msk $0xffff, v16  }
0x1dd: {  	v54 =	vor.u32 v5, v11;
	v17 =	vld [tilespmem:s22+$0x3C0];
	_ =	sdelay $0x4  }
0x1de: {  	[tilespmem:v54+s15+$0x0] =	vst.idx.add.f32.msk $0xffff, v17  }
0x1df: {  	v55 =	vor.u32 v6, v11;
	v18 =	vld [tilespmem:s22+$0x3D0];
	_ =	sdelay $0x4  }
0x1e0: {  	v12 =	vmul.f32 v12, v12;
	v14 =	vmul.f32 v14, v14;
	[tilespmem:v55+s15+$0x0] =	vst.idx.add.f32.msk $0xffff, v18  }
0x1e1: {  	v56 =	vor.u32 v7, v11;
	v19 =	vld [tilespmem:s22+$0x3E0]  }
0x1e2: {  	v12 =	vadd.f32 v14, v12;
	v57 =	vmul.f32 v15, v15;
	_ =	sdelay $0x1  }
0x1e3: {  	v12 =	vadd.f32 v57, v12;
	v58 =	vmul.f32 v16, v16;
	_ =	sdelay $0x1  }
0x1e4: {  	v12 =	vadd.f32 v58, v12;
	v59 =	vmul.f32 v17, v17;
	[tilespmem:v56+s15+$0x0] =	vst.idx.add.f32.msk $0xffff, v19  }
0x1e5: {  	v60 =	vld [tilespmem:s22+$0x3F0]  }
0x1e6: {  	v12 =	vadd.f32 v59, v12;
	v61 =	vmul.f32 v18, v18;
	_ =	sdelay $0x1  }
0x1e7: {  	v12 =	vadd.f32 v61, v12;
	v62 =	vmul.f32 v19, v19;
	_ =	sdelay $0x1  }
0x1e8: {  	v12 =	vadd.f32 v62, v12;
	v63 =	vmul.f32 v60, v60;
	_ =	sdelay $0x1  }
0x1e9: {  	v12 =	vadd.f32 v63, v12;
	_ =	sdelay $0x1  }
0x1ea: {  	(xrf2) =	vadd.scan.msk.f32 $0xffff, v12;
	_ =	sdelay $0x9  }
0x1eb: {  	v11 =	vor.u32 v8, v11;
	v12, _, _ =	vpop (xrf2)  }
0x1ec: {  	p0 =	sne.s32 s21, $0xC0;
	v12 =	vbroadcast v12, $0xF  }
.Ltmp1:
0x1ed: {  	_ = 	snop;
	(pc) =	sbr.rel @p0 .LBB2_4-.Ltmp1, $4  }
0x1ee: {  	v12 =	vnsel vm1, $0x0, v12  }
0x1ef: {  	v12 =	vadd.f32 v9, v12  }
0x1f0: {  	[tilespmem:v11+s15+$0x0] =	vst.idx.add.f32.msk $0xffff, v60  }
0x1f1: {  	s21 =	sadd.s32 $0x40, s21;
	s22 =	sadd.s32 $0x800, s22;
	[tilespmem:v50+s16+$0x0] =	vst.idx.add.f32.msk $0xffff, v12  }
0x1f2: {  	[spmem:s9] =	stream.linear.scatter [tilespmem:s15], [sflag:$0x1], $0x4000, $0x38;
	[tilespmem:$0x14480] =	vst v63  }
0x1f3: {  	_ =	swait.ge [sflag:s14], $0x4000  }
0x1f4: {  	[sflag:s14] =	ssyncset.done $0x0  }
0x1f5: {  	[sflag:s14] =	ssyncadd.s32 $0xFFFFC000  }
0x1f6: {  	[spmem:s10] =	stream.linear.scatter [tilespmem:s16], [sflag:$0x1], $0x4000, $0x38;
	[tilespmem:$0x14480] =	vst v63  }
0x1f7: {  	_ =	swait.ge [sflag:s14], $0x4000  }
0x1f8: {  	[sflag:s14] =	ssyncset.done $0x0  }
0x1f9: {  	[sflag:s14] =	ssyncadd.s32 $0xFFFFC000  }
0x1fa: {  	[bflag:$0x0] =	sbarrier.arrive $0xFFFF  }
0x1fb: {  	[tilespmem:$0xAC80] =	vst v1  }
0x1fc: {  	[tilespmem:$0xAC90] =	vst v1  }
0x1fd: {  	[tilespmem:$0xACA0] =	vst v1  }
0x1fe: {  	[tilespmem:$0xACB0] =	vst v1  }
0x1ff: {  	[tilespmem:$0xACC0] =	vst v1  }
0x200: {  	[tilespmem:$0xACD0] =	vst v1  }
0x201: {  	[tilespmem:$0xACE0] =	vst v1  }
0x202: {  	[tilespmem:$0xACF0] =	vst v1  }
0x203: {  	[tilespmem:$0xB080] =	vst v1  }
0x204: {  	[tilespmem:$0xAD00] =	vst v1  }
0x205: {  	[tilespmem:$0xAD10] =	vst v1  }
0x206: {  	[tilespmem:$0xAD20] =	vst v1  }
0x207: {  	[tilespmem:$0xAD30] =	vst v1  }
0x208: {  	[tilespmem:$0xAD40] =	vst v1  }
0x209: {  	[tilespmem:$0xAD50] =	vst v1  }
0x20a: {  	[tilespmem:$0xAD60] =	vst v1  }
0x20b: {  	[tilespmem:$0xAD70] =	vst v1  }
0x20c: {  	[tilespmem:$0xB100] =	vst v1  }
0x20d: {  	[tilespmem:$0xAD80] =	vst v1  }
0x20e: {  	[tilespmem:$0xAD90] =	vst v1  }
0x20f: {  	[tilespmem:$0xADA0] =	vst v1  }
0x210: {  	[tilespmem:$0xADB0] =	vst v1  }
0x211: {  	[tilespmem:$0xADC0] =	vst v1  }
0x212: {  	[tilespmem:$0xADD0] =	vst v1  }
0x213: {  	[tilespmem:$0xADE0] =	vst v1  }
0x214: {  	[tilespmem:$0xADF0] =	vst v1  }
0x215: {  	[tilespmem:$0xB180] =	vst v1  }
0x216: {  	[tilespmem:$0xAE00] =	vst v1  }
0x217: {  	[tilespmem:$0xAE10] =	vst v1  }
0x218: {  	[tilespmem:$0xAE20] =	vst v1  }
0x219: {  	[tilespmem:$0xAE30] =	vst v1  }
0x21a: {  	[tilespmem:$0xAE40] =	vst v1  }
0x21b: {  	[tilespmem:$0xAE50] =	vst v1  }
0x21c: {  	[tilespmem:$0xAE60] =	vst v1  }
0x21d: {  	[tilespmem:$0xAE70] =	vst v1  }
0x21e: {  	[tilespmem:$0xB200] =	vst v1  }
0x21f: {  	[tilespmem:$0xAE80] =	vst v1  }
0x220: {  	[tilespmem:$0xAE90] =	vst v1  }
0x221: {  	[tilespmem:$0xAEA0] =	vst v1  }
0x222: {  	[tilespmem:$0xAEB0] =	vst v1  }
0x223: {  	[tilespmem:$0xAEC0] =	vst v1  }
0x224: {  	[tilespmem:$0xAED0] =	vst v1  }
0x225: {  	[tilespmem:$0xAEE0] =	vst v1  }
0x226: {  	[tilespmem:$0xAEF0] =	vst v1  }
0x227: {  	[tilespmem:$0xB280] =	vst v1  }
0x228: {  	[tilespmem:$0xAF00] =	vst v1  }
0x229: {  	[tilespmem:$0xAF10] =	vst v1  }
0x22a: {  	[tilespmem:$0xAF20] =	vst v1  }
0x22b: {  	[tilespmem:$0xAF30] =	vst v1  }
0x22c: {  	[tilespmem:$0xAF40] =	vst v1  }
0x22d: {  	[tilespmem:$0xAF50] =	vst v1  }
0x22e: {  	[tilespmem:$0xAF60] =	vst v1  }
0x22f: {  	[tilespmem:$0xAF70] =	vst v1  }
0x230: {  	[tilespmem:$0xB300] =	vst v1  }
0x231: {  	[tilespmem:$0xAF80] =	vst v1  }
0x232: {  	[tilespmem:$0xAF90] =	vst v1  }
0x233: {  	[tilespmem:$0xAFA0] =	vst v1  }
0x234: {  	[tilespmem:$0xAFB0] =	vst v1  }
0x235: {  	[tilespmem:$0xAFC0] =	vst v1  }
0x236: {  	[tilespmem:$0xAFD0] =	vst v1  }
0x237: {  	[tilespmem:$0xAFE0] =	vst v1  }
0x238: {  	[tilespmem:$0xAFF0] =	vst v1  }
0x239: {  	[tilespmem:$0xB380] =	vst v1  }
0x23a: {  	[tilespmem:$0xB000] =	vst v1  }
0x23b: {  	[tilespmem:$0xB010] =	vst v1  }
0x23c: {  	[tilespmem:$0xB020] =	vst v1  }
0x23d: {  	[tilespmem:$0xB030] =	vst v1  }
0x23e: {  	[tilespmem:$0xB040] =	vst v1  }
0x23f: {  	[tilespmem:$0xB050] =	vst v1  }
0x240: {  	[tilespmem:$0xB060] =	vst v1  }
0x241: {  	[tilespmem:$0xB070] =	vst v1  }
0x242: {  	s21 =	simm.s32 $0x0;
	[tilespmem:$0xB400] =	vst v1  }
.LBB2_6:
0x243: {  	s22 =	sadd.s32 s6, s21  }
0x244: {  	s22 =	sshll.u32 s22, $0xE  }
0x245: {  	s22 =	sor.u32 s7, s22  }
0x246: {  	s23 =	sadd.s32 s22, s3  }
0x247: {  	[tilespmem:s17], [sflag:$0x1] =	stream.linear.gather [spmem:s23], $0x400, $0x38;
	[tilespmem:$0x14480] =	vst v63  }
0x248: {  	_ =	swait.ge [sflag:s14], $0x400  }
0x249: {  	[sflag:s14] =	ssyncset.done $0x0  }
0x24a: {  	s22 =	sadd.s32 s22, s4;
	[sflag:s14] =	ssyncadd.s32 $0xFFFFFC00  }
0x24b: {  	[tilespmem:s18], [sflag:$0x1] =	stream.linear.gather [spmem:s22], $0x400, $0x38;
	[tilespmem:$0x14480] =	vst v63  }
0x24c: {  	_ =	swait.ge [sflag:s14], $0x400  }
0x24d: {  	[sflag:s14] =	ssyncset.done $0x0  }
0x24e: {  	s22 =	simm.s32 $0x0;
	[sflag:s14] =	ssyncadd.s32 $0xFFFFFC00  }
0x24f: {  	v17 =	vld [tilespmem:s22+$0xA480]  }
0x250: {  	v19 =	vld [tilespmem:s22+$0xA490]  }
0x251: {  	v22 =	vld [tilespmem:s22+$0xA4A0]  }
0x252: {  	v16 =	vld [tilespmem:s22+$0xA4B0]  }
0x253: {  	v15 =	vld [tilespmem:s22+$0xA4C0]  }
0x254: {  	v14 =	vld [tilespmem:s22+$0xA4D0]  }
0x255: {  	v13 =	vld [tilespmem:s22+$0xA4E0]  }
0x256: {  	v12 =	vld [tilespmem:s22+$0xA4F0]  }
0x257: {  	v11 =	vld [tilespmem:s22+$0xA880]  }
0x258: {  	v18 =	vld [tilespmem:s22+$0xAC80]  }
0x259: {  	v23 =	vld [tilespmem:s22+$0xAC90]  }
0x25a: {  	v24 =	vld [tilespmem:s22+$0xACA0]  }
0x25b: {  	v21 =	vld [tilespmem:s22+$0xACB0]  }
0x25c: {  	v20 =	vld [tilespmem:s22+$0xACC0]  }
0x25d: {  	v25 =	vadd.f32 v17, v18;
	v18 =	vld [tilespmem:s22+$0xACD0]  }
0x25e: {  	v17 =	vld [tilespmem:s22+$0xACE0];
	v23 =	vadd.f32 v19, v23  }
0x25f: {  	s23 =	simm.s32 $0x200;
	v22 =	vadd.f32 v22, v24;
	v19 =	vld [tilespmem:s22+$0xACF0];
	[tilespmem:s22+$0xAC80] =	vst v25  }
.LBB2_7:
0x260: {  	s24 =	sshra.s32 s23, $0x2;
	p0 =	sne.s32 s23, $0xE00;
	[tilespmem:s22+$0xAC90] =	vst v23;
	v16 =	vadd.f32 v16, v21;
	v21 =	vld [tilespmem:s22+$0xB080]  }
0x261: {  	v23 =	vld [tilespmem:s24+$0xA480];
	[tilespmem:s22+$0xACA0] =	vst v22;
	v15 =	vadd.f32 v15, v20  }
0x262: {  	v22 =	vld [tilespmem:s24+$0xA490];
	[tilespmem:s22+$0xACB0] =	vst v16;
	v14 =	vadd.f32 v14, v18  }
0x263: {  	v24 =	vld [tilespmem:s24+$0xA4A0];
	[tilespmem:s22+$0xACC0] =	vst v15;
	v13 =	vadd.f32 v13, v17  }
0x264: {  	v16 =	vld [tilespmem:s24+$0xA4B0];
	[tilespmem:s22+$0xACD0] =	vst v14;
	v12 =	vadd.f32 v12, v19  }
0x265: {  	v15 =	vld [tilespmem:s24+$0xA4C0];
	[tilespmem:s22+$0xACE0] =	vst v13;
	v11 =	vadd.f32 v11, v21  }
0x266: {  	v14 =	vld [tilespmem:s24+$0xA4D0];
	[tilespmem:s22+$0xACF0] =	vst v12  }
0x267: {  	v13 =	vld [tilespmem:s24+$0xA4E0];
	[tilespmem:s22+$0xB080] =	vst v11;
	s22 =	smov.u32 s24  }
0x268: {  	v12 =	vld [tilespmem:s22+$0xA4F0]  }
0x269: {  	v11 =	vld [tilespmem:s22+$0xA880]  }
0x26a: {  	v17 =	vld [tilespmem:s22+$0xAC80]  }
0x26b: {  	v19 =	vld [tilespmem:s22+$0xAC90]  }
0x26c: {  	v25 =	vld [tilespmem:s22+$0xACA0]  }
.Ltmp2:
0x26d: {  	v21 =	vld [tilespmem:s22+$0xACB0];
	(pc) =	sbr.rel @p0 .LBB2_7-.Ltmp2, $4  }
0x26e: {  	v20 =	vld [tilespmem:s22+$0xACC0]  }
0x26f: {  	v26 =	vadd.f32 v23, v17;
	v18 =	vld [tilespmem:s22+$0xACD0]  }
0x270: {  	v23 =	vadd.f32 v22, v19;
	v17 =	vld [tilespmem:s22+$0xACE0]  }
0x271: {  	s23 =	sadd.s32 $0x200, s23;
	[tilespmem:s22+$0xAC80] =	vst v26;
	v22 =	vadd.f32 v24, v25;
	v19 =	vld [tilespmem:s22+$0xACF0]  }
0x272: {  	[tilespmem:s22+$0xAC90] =	vst v23;
	v16 =	vadd.f32 v16, v21;
	v63 =	vld [tilespmem:s22+$0xB080]  }
0x273: {  	s21 =	sadd.s32 $0x1, s21;
	[tilespmem:s22+$0xACA0] =	vst v22;
	v15 =	vadd.f32 v15, v20  }
0x274: {  	p0 =	sne.s32 s21, $0x10;
	[tilespmem:s22+$0xACB0] =	vst v16;
	v14 =	vadd.f32 v14, v18  }
.Ltmp3:
0x275: {  	[tilespmem:s22+$0xACC0] =	vst v15;
	v13 =	vadd.f32 v13, v17;
	(pc) =	sbr.rel @p0 .LBB2_6-.Ltmp3, $4  }
0x276: {  	[tilespmem:s22+$0xACD0] =	vst v14;
	v12 =	vadd.f32 v12, v19  }
0x277: {  	[tilespmem:s22+$0xACE0] =	vst v13;
	v11 =	vadd.f32 v11, v63  }
0x278: {  	[tilespmem:s22+$0xACF0] =	vst v12  }
0x279: {  	[tilespmem:s22+$0xB080] =	vst v11  }
0x27a: {  	s21 =	simm.s32 $0x0  }
0x27b: {  	v11 =	vld [tilespmem:s21+$0xAC80]  }
0x27c: {  	v12 =	vld [tilespmem:s21+$0xAC90]  }
0x27d: {  	v13 =	vld [tilespmem:s21+$0xB080];
	_ =	sdelay $0x1  }
0x27e: {  	v14 =	vld [tilespmem:s21+$0xACA0];
	_ =	sdelay $0x1  }
0x27f: {  	v15 =	vld [tilespmem:s21+$0xACB0]  }
0x280: {  	v11 =	vmul.f32 v11, v11;
	v12 =	vmul.f32 v12, v12;
	(v2sf) =	vpush v13, $0x0  }
0x281: {  	v16 =	vld [tilespmem:s21+$0xACC0]  }
0x282: {  	v11 =	vadd.f32 v12, v11;
	v12 =	vmul.f32 v14, v14  }
0x283: {  	v14 =	vld [tilespmem:s21+$0xACD0]  }
0x284: {  	v11 =	vadd.f32 v12, v11;
	v12 =	vmul.f32 v15, v15  }
0x285: {  	v15 =	vld [tilespmem:s21+$0xACE0]  }
0x286: {  	v11 =	vadd.f32 v12, v11;
	v12 =	vmul.f32 v16, v16  }
0x287: {  	(v2sf) =	vpush v13, $0x1;
	v13 =	vld [tilespmem:s21+$0xACF0]  }
0x288: {  	v11 =	vadd.f32 v12, v11;
	v12 =	vmul.f32 v14, v14;
	_ =	sdelay $0x1  }
0x289: {  	v11 =	vadd.f32 v12, v11;
	v12 =	vmul.f32 v15, v15;
	_ =	sdelay $0x1  }
0x28a: {  	v11 =	vadd.f32 v12, v11;
	v12 =	vmul.f32 v13, v13;
	_ =	sdelay $0x1  }
0x28b: {  	v11 =	vadd.f32 v12, v11  }
0x28c: {  	s26 =	spop (v2sf)  }
0x28d: {  	(xrf2) =	vadd.scan.msk.f32 $0xffff, v11;
	s23 =	sadd.f32 $-1.000000000e+00, s26;
	_ =	sdelay $0x1  }
0x28e: {  	s22 =	smin.f32 s23, $2.000000000e+01  }
0x28f: {  	s25 =	simm.s32 $0x80;
	s26 =	smax.f32 s22, $1.000000000e+00  }
0x290: {  	v11 =	vld [tilespmem:s25+$0xB080];
	p0 =	seq.f32 s26, $2.000000000e+00  }
0x291: {  	s21 =	rddreg [dreg:$0x6];
	p1 =	seq.f32 s26, $3.000000000e+00  }
0x292: {  	p2 =	seq.f32 s26, $4.000000000e+00;
	s21 =	simm.s32 @!p0 $0x3F800000  }
0x293: {  	p0 =	seq.f32 s26, $5.000000000e+00;
	s21 =	simm.s32 @p1 $0x3EAAAAAB  }
0x294: {  	p1 =	seq.f32 s26, $6.000000000e+00;
	s21 =	simm.s32 @p2 $0x3E800000  }
0x295: {  	(v2sf) =	vpush v11, $0x0;
	s21 =	simm.s32 @p0 $0x3E4CCCCD;
	p0 =	seq.f32 s26, $7.000000000e+00  }
0x296: {  	v13 =	vld [tilespmem:s25+$0xAC90];
	v12, _, _ =	vpop (xrf2);
	s21 =	simm.s32 @p1 $0x3E2AAAAB;
	p1 =	seq.f32 s26, $8.000000000e+00  }
0x297: {  	s24 =	spop (v2sf);
	(v2sf) =	vpush v12, $0xF;
	v12 =	vld [tilespmem:s25+$0xAC80];
	s21 =	simm.s32 @p0 $0x3E124925;
	p0 =	seq.f32 s26, $9.000000000e+00  }
0x298: {  	s21 =	simm.s32 @p1 $0x3E000000;
	p1 =	seq.f32 s26, $1.000000000e+01  }
0x299: {  	v14 =	vld [tilespmem:s25+$0xACA0];
	s21 =	simm.s32 @p0 $0x3DE38E39;
	p0 =	seq.f32 s26, $1.100000000e+01  }
0x29a: {  	s21 =	simm.s32 @p1 $0x3DCCCCCD;
	p1 =	seq.f32 s26, $1.200000000e+01  }
0x29b: {  	v15 =	vld [tilespmem:s25+$0xACB0];
	(v2sf) =	vpush v11, $0x1;
	s21 =	simm.s32 @p0 $0x3DBA2E8C;
	p0 =	seq.f32 s26, $1.300000000e+01  }
0x29c: {  	s21 =	simm.s32 @p1 $0x3DAAAAAB;
	p1 =	seq.f32 s26, $1.400000000e+01;
	v11 =	vmul.f32 v12, v12;
	v12 =	vmul.f32 v13, v13  }
0x29d: {  	v13 =	vld [tilespmem:s25+$0xACC0];
	s21 =	simm.s32 @p0 $0x3D9D89D9;
	p0 =	seq.f32 s26, $1.500000000e+01  }
0x29e: {  	s21 =	simm.s32 @p1 $0x3D924925;
	p1 =	seq.f32 s26, $1.600000000e+01;
	v11 =	vadd.f32 v12, v11;
	v12 =	vmul.f32 v14, v14  }
0x29f: {  	v14 =	vld [tilespmem:s25+$0xACD0];
	s21 =	simm.s32 @p0 $0x3D888889;
	p0 =	seq.f32 s26, $1.700000000e+01  }
0x2a0: {  	s21 =	simm.s32 @p1 $0x3D800000;
	p1 =	seq.f32 s26, $1.800000000e+01;
	v11 =	vadd.f32 v12, v11;
	v12 =	vmul.f32 v15, v15  }
0x2a1: {  	v15 =	vld [tilespmem:s25+$0xACE0];
	s21 =	simm.s32 @p0 $0x3D70F0F1;
	p0 =	seq.f32 s26, $1.900000000e+01  }
0x2a2: {  	s21 =	simm.s32 @p1 $0x3D638E39;
	p1 =	seq.f32 s26, $2.000000000e+01;
	v11 =	vadd.f32 v12, v11;
	v12 =	vmul.f32 v13, v13  }
0x2a3: {  	v13 =	vld [tilespmem:s25+$0xACF0];
	s21 =	simm.s32 @p0 $0x3D579436  }
0x2a4: {  	s31 =	spop (v2sf);
	s21 =	simm.s32 @p1 $0x3D4CCCCD;
	v11 =	vadd.f32 v12, v11;
	v12 =	vmul.f32 v14, v14  }
0x2a5: {  	s25 =	smul.f32 s23, s24;
	s28 =	sadd.f32 s21, s21  }
0x2a6: {  	s21 =	smul.f32 s21, s21;
	s0 =	spop (v2sf);
	v11 =	vadd.f32 v12, v11;
	v12 =	vmul.f32 v15, v15  }
0x2a7: {  	s29 =	smul.f32 s22, s24;
	s24 =	ssub.f32 s0, s24  }
0x2a8: {  	s23 =	sadd.f32 $-1.000000000e+00, s31;
	s30 =	smul.f32 s21, s25;
	v11 =	vadd.f32 v12, v11;
	v12 =	vmul.f32 v13, v13  }
0x2a9: {  	s22 =	rddreg [dreg:$0x6];
	s31 =	smul.f32 s28, s24  }
0x2aa: {  	s25 =	spop (v2sf);
	s24 =	smin.f32 s23, $2.000000000e+01;
	v12 =	vadd.f32 v12, v11  }
0x2ab: {  	s26 =	smax.f32 s24, $1.000000000e+00;
	s28 =	ssub.f32 s29, s31;
	s29 =	simm.s32 $0x100  }
0x2ac: {  	s21 =	simm.f32 $0.0e+00;
	p1 =	seq.f32 s26, $2.000000000e+00;
	p3 =	seq.f32 s26, $3.000000000e+00;
	v11 =	vld [tilespmem:s29+$0xB080];
	(xrf2) =	vadd.scan.msk.f32 $0xffff, v12  }
0x2ad: {  	p2 =	seq.f32 s26, $4.000000000e+00;
	v12 =	vld [tilespmem:s29+$0xAC80];
	s28 =	sadd.f32 s28, s30;
	s30 =	simm.s32 $0x600  }
.LBB2_10:
0x2ae: {  	_ =	sdelay $0x3  }
0x2af: {  	s22 =	simm.s32 @!p1 $0x3F800000  }
0x2b0: {  	p1 =	seq.f32 s26, $5.000000000e+00;
	s22 =	simm.s32 @p3 $0x3EAAAAAB  }
0x2b1: {  	s22 =	simm.s32 @p2 $0x3E800000;
	p2 =	seq.f32 s26, $6.000000000e+00  }
0x2b2: {  	s22 =	simm.s32 @p1 $0x3E4CCCCD;
	p1 =	seq.f32 s26, $7.000000000e+00  }
0x2b3: {  	(v2sf) =	vpush v11, $0x0;
	s22 =	simm.s32 @p2 $0x3E2AAAAB;
	p2 =	seq.f32 s26, $8.000000000e+00;
	v15, _, _ =	vpop (xrf2)  }
0x2b4: {  	s22 =	simm.s32 @p1 $0x3E124925;
	p1 =	seq.f32 s26, $9.000000000e+00;
	(v2sf) =	vpush v15, $0xF  }
0x2b5: {  	v13 =	vld [tilespmem:s29+$0xAC90];
	s22 =	simm.s32 @p2 $0x3E000000;
	p2 =	seq.f32 s26, $1.000000000e+01  }
0x2b6: {  	s22 =	simm.s32 @p1 $0x3DE38E39;
	p1 =	seq.f32 s26, $1.100000000e+01  }
0x2b7: {  	v14 =	vld [tilespmem:s29+$0xACA0];
	s22 =	simm.s32 @p2 $0x3DCCCCCD;
	p2 =	seq.f32 s26, $1.200000000e+01  }
0x2b8: {  	s22 =	simm.s32 @p1 $0x3DBA2E8C;
	p1 =	seq.f32 s26, $1.300000000e+01  }
0x2b9: {  	v16 =	vld [tilespmem:s29+$0xACB0];
	s22 =	simm.s32 @p2 $0x3DAAAAAB;
	p2 =	seq.f32 s26, $1.400000000e+01  }
0x2ba: {  	v12 =	vmul.f32 v12, v12;
	v13 =	vmul.f32 v13, v13;
	s22 =	simm.s32 @p1 $0x3D9D89D9;
	p1 =	seq.f32 s26, $1.500000000e+01  }
0x2bb: {  	v15 =	vld [tilespmem:s29+$0xACC0];
	s22 =	simm.s32 @p2 $0x3D924925;
	p2 =	seq.f32 s26, $1.600000000e+01  }
0x2bc: {  	v12 =	vadd.f32 v13, v12;
	v13 =	vmul.f32 v14, v14;
	(v2sf) =	vpush v11, $0x1;
	s22 =	simm.s32 @p1 $0x3D888889;
	p1 =	seq.f32 s26, $1.700000000e+01  }
0x2bd: {  	v14 =	vld [tilespmem:s29+$0xACD0];
	s22 =	simm.s32 @p2 $0x3D800000;
	p2 =	seq.f32 s26, $1.800000000e+01  }
0x2be: {  	v12 =	vadd.f32 v13, v12;
	v13 =	vmul.f32 v16, v16;
	s22 =	simm.s32 @p1 $0x3D70F0F1;
	p1 =	seq.f32 s26, $1.900000000e+01  }
0x2bf: {  	v63 =	vld [tilespmem:s29+$0xACE0];
	s22 =	simm.s32 @p2 $0x3D638E39;
	p2 =	seq.f32 s26, $2.000000000e+01  }
0x2c0: {  	v11 =	vadd.f32 v13, v12;
	v12 =	vmul.f32 v15, v15;
	s22 =	simm.s32 @p1 $0x3D579436  }
0x2c1: {  	s21 =	sadd.f32 s28, s21;
	s28 =	smul.f32 s23, s25;
	v13 =	vld [tilespmem:s29+$0xACF0];
	s22 =	simm.s32 @p2 $0x3D4CCCCD  }
0x2c2: {  	v11 =	vadd.f32 v12, v11;
	v12 =	vmul.f32 v14, v14;
	s26 =	spop (v2sf);
	s29 =	sadd.f32 s22, s22  }
0x2c3: {  	s23 =	sadd.f32 $-1.000000000e+00, s26;
	s0 =	spop (v2sf)  }
0x2c4: {  	s31 =	smul.f32 s24, s25;
	v11 =	vadd.f32 v12, v11;
	v12 =	vmul.f32 v63, v63;
	s0 =	ssub.f32 s0, s25  }
0x2c5: {  	s25 =	smul.f32 s22, s22  }
0x2c6: {  	p0 =	sne.s32 s30, $0xE00;
	v11 =	vadd.f32 v12, v11;
	v12 =	vmul.f32 v13, v13;
	s24 =	smin.f32 s23, $2.000000000e+01;
	s0 =	smul.f32 s29, s0  }
.Ltmp4:
0x2c7: {  	s26 =	smax.f32 s24, $1.000000000e+00;
	(pc) =	sbr.rel @p0 .LBB2_10-.Ltmp4, $4  }
0x2c8: {  	v11 =	vadd.f32 v12, v11;
	p1 =	seq.f32 s26, $2.000000000e+00;
	p3 =	seq.f32 s26, $3.000000000e+00  }
0x2c9: {  	s29 =	sshra.s32 s30, $0x2;
	s28 =	smul.f32 s25, s28;
	s31 =	ssub.f32 s31, s0  }
0x2ca: {  	p2 =	seq.f32 s26, $4.000000000e+00;
	(xrf2) =	vadd.scan.msk.f32 $0xffff, v11;
	s22 =	rddreg [dreg:$0x6];
	v11 =	vld [tilespmem:s29+$0xB080]  }
0x2cb: {  	s25 =	spop (v2sf);
	s30 =	sadd.s32 $0x200, s30;
	v12 =	vld [tilespmem:s29+$0xAC80];
	s28 =	sadd.f32 s31, s28  }
0x2cc: {  	v13 =	vld [tilespmem:s29+$0xAC90];
	_ =	sdelay $0x1  }
0x2cd: {  	v14 =	vld [tilespmem:s29+$0xACA0];
	_ =	sdelay $0x1  }
0x2ce: {  	v15 =	vld [tilespmem:s29+$0xACB0]  }
0x2cf: {  	v12 =	vmul.f32 v12, v12;
	v13 =	vmul.f32 v13, v13  }
0x2d0: {  	v16 =	vld [tilespmem:s29+$0xACC0]  }
0x2d1: {  	v14 =	vmul.f32 v14, v14;
	v12 =	vadd.f32 v13, v12  }
0x2d2: {  	s22 =	simm.s32 @!p1 $0x3F800000;
	v57 =	vld [tilespmem:s29+$0xACD0];
	(v2sf) =	vpush v11, $0x0  }
0x2d3: {  	p0 =	seq.f32 s26, $5.000000000e+00;
	s22 =	simm.s32 @p3 $0x3EAAAAAB;
	v58 =	vmul.f32 v15, v15;
	v56, _, _ =	vpop (xrf2);
	v12 =	vadd.f32 v14, v12  }
0x2d4: {  	p1 =	seq.f32 s26, $6.000000000e+00;
	v59 =	vld [tilespmem:s29+$0xACE0];
	s22 =	simm.s32 @p2 $0x3E800000;
	(v2sf) =	vpush v56, $0xF  }
0x2d5: {  	s22 =	simm.s32 @p0 $0x3E4CCCCD;
	p0 =	seq.f32 s26, $7.000000000e+00;
	v60 =	vmul.f32 v16, v16;
	v12 =	vadd.f32 v58, v12  }
0x2d6: {  	v61 =	vld [tilespmem:s29+$0xACF0];
	s22 =	simm.s32 @p1 $0x3E2AAAAB;
	p1 =	seq.f32 s26, $8.000000000e+00  }
0x2d7: {  	s22 =	simm.s32 @p0 $0x3E124925;
	p0 =	seq.f32 s26, $9.000000000e+00;
	v13 =	vmul.f32 v57, v57;
	v12 =	vadd.f32 v60, v12  }
0x2d8: {  	s22 =	simm.s32 @p1 $0x3E000000;
	p1 =	seq.f32 s26, $1.000000000e+01  }
0x2d9: {  	v62 =	vmul.f32 v59, v59;
	s22 =	simm.s32 @p0 $0x3DE38E39;
	p0 =	seq.f32 s26, $1.100000000e+01;
	v12 =	vadd.f32 v13, v12  }
0x2da: {  	s22 =	simm.s32 @p1 $0x3DCCCCCD;
	p1 =	seq.f32 s26, $1.200000000e+01  }
0x2db: {  	v63 =	vmul.f32 v61, v61;
	s22 =	simm.s32 @p0 $0x3DBA2E8C;
	p0 =	seq.f32 s26, $1.300000000e+01;
	v12 =	vadd.f32 v62, v12  }
0x2dc: {  	s22 =	simm.s32 @p1 $0x3DAAAAAB;
	p1 =	seq.f32 s26, $1.400000000e+01  }
0x2dd: {  	s22 =	simm.s32 @p0 $0x3D9D89D9;
	p0 =	seq.f32 s26, $1.500000000e+01;
	v12 =	vadd.f32 v63, v12  }
0x2de: {  	s22 =	simm.s32 @p1 $0x3D924925;
	p1 =	seq.f32 s26, $1.600000000e+01  }
0x2df: {  	s22 =	simm.s32 @p0 $0x3D888889;
	p0 =	seq.f32 s26, $1.700000000e+01;
	(xrf2) =	vadd.scan.msk.f32 $0xffff, v12  }
0x2e0: {  	s23 =	smul.f32 s23, s25;
	s22 =	simm.s32 @p1 $0x3D800000;
	p1 =	seq.f32 s26, $1.800000000e+01  }
0x2e1: {  	s22 =	simm.s32 @p0 $0x3D70F0F1;
	p0 =	seq.f32 s26, $1.900000000e+01;
	s0 =	spop (v2sf)  }
0x2e2: {  	s22 =	simm.s32 @p1 $0x3D638E39;
	p1 =	seq.f32 s26, $2.000000000e+01;
	s26 =	sadd.f32 $-1.000000000e+00, s0  }
0x2e3: {  	s24 =	smul.f32 s24, s25;
	s30 =	spop (v2sf)  }
0x2e4: {  	s25 =	ssub.f32 s30, s25;
	s30 =	smin.f32 s26, $2.000000000e+01  }
0x2e5: {  	s0 =	smax.f32 s30, $1.000000000e+00  }
0x2e6: {  	s22 =	simm.s32 @p0 $0x3D579436;
	p0 =	seq.f32 s0, $2.000000000e+00  }
0x2e7: {  	s31 =	rddreg [dreg:$0x6];
	s22 =	simm.s32 @p1 $0x3D4CCCCD;
	p1 =	seq.f32 s0, $3.000000000e+00  }
0x2e8: {  	p2 =	seq.f32 s0, $4.000000000e+00;
	s31 =	simm.s32 @!p0 $0x3F800000  }
0x2e9: {  	(v2sf) =	vpush v11, $0x1;
	p0 =	seq.f32 s0, $5.000000000e+00;
	s31 =	simm.s32 @p1 $0x3EAAAAAB;
	v11, _, _ =	vpop (xrf2)  }
0x2ea: {  	p1 =	seq.f32 s0, $6.000000000e+00;
	s31 =	simm.s32 @p2 $0x3E800000;
	(v2sf) =	vpush v11, $0xF  }
0x2eb: {  	s31 =	simm.s32 @p0 $0x3E4CCCCD;
	p0 =	seq.f32 s0, $7.000000000e+00  }
0x2ec: {  	s31 =	simm.s32 @p1 $0x3E2AAAAB;
	p1 =	seq.f32 s0, $8.000000000e+00  }
0x2ed: {  	s31 =	simm.s32 @p0 $0x3E124925;
	p0 =	seq.f32 s0, $9.000000000e+00  }
0x2ee: {  	s31 =	simm.s32 @p1 $0x3E000000;
	p1 =	seq.f32 s0, $1.000000000e+01  }
0x2ef: {  	s31 =	simm.s32 @p0 $0x3DE38E39;
	p0 =	seq.f32 s0, $1.100000000e+01  }
0x2f0: {  	s31 =	simm.s32 @p1 $0x3DCCCCCD;
	p1 =	seq.f32 s0, $1.200000000e+01  }
0x2f1: {  	s31 =	simm.s32 @p0 $0x3DBA2E8C;
	p0 =	seq.f32 s0, $1.300000000e+01  }
0x2f2: {  	s31 =	simm.s32 @p1 $0x3DAAAAAB;
	p1 =	seq.f32 s0, $1.400000000e+01  }
0x2f3: {  	s31 =	simm.s32 @p0 $0x3D9D89D9;
	p0 =	seq.f32 s0, $1.500000000e+01  }
0x2f4: {  	s29 =	sadd.f32 s22, s22;
	s31 =	simm.s32 @p1 $0x3D924925;
	p1 =	seq.f32 s0, $1.600000000e+01  }
0x2f5: {  	s22 =	smul.f32 s22, s22;
	s31 =	simm.s32 @p0 $0x3D888889;
	p0 =	seq.f32 s0, $1.700000000e+01  }
0x2f6: {  	s31 =	simm.s32 @p1 $0x3D800000;
	p1 =	seq.f32 s0, $1.800000000e+01  }
0x2f7: {  	s22 =	smul.f32 s22, s23;
	s31 =	simm.s32 @p0 $0x3D70F0F1;
	p0 =	seq.f32 s0, $1.900000000e+01  }
0x2f8: {  	s31 =	simm.s32 @p1 $0x3D638E39;
	p1 =	seq.f32 s0, $2.000000000e+01;
	s0 =	spop (v2sf)  }
0x2f9: {  	s25 =	smul.f32 s29, s25;
	s31 =	simm.s32 @p0 $0x3D579436;
	s29 =	spop (v2sf)  }
0x2fa: {  	s26 =	smul.f32 s26, s0;
	s31 =	simm.s32 @p1 $0x3D4CCCCD;
	s23 =	ssub.f32 s29, s0  }
0x2fb: {  	s0 =	smul.f32 s30, s0;
	s29 =	sadd.f32 s31, s31  }
0x2fc: {  	s24 =	ssub.f32 s24, s25;
	s30 =	smul.f32 s31, s31  }
0x2fd: {  	s21 =	sadd.f32 s28, s21;
	s23 =	smul.f32 s29, s23  }
0x2fe: {  	s22 =	sadd.f32 s24, s22  }
0x2ff: {  	s31 =	smul.f32 s30, s26;
	s0 =	ssub.f32 s0, s23  }
0x300: {  	s21 =	sadd.f32 s22, s21  }
0x301: {  	s0 =	sadd.f32 s0, s31;
	_ =	sdelay $0x1  }
0x302: {  	s0 =	sadd.f32 s0, s21;
	_ =	sdelay $0x1  }
0x303: {  	s20 =	sadd.s32 $0x1, s20;
	v11 =	vmov s0  }
0x304: {  	p0 =	sne.s32 s20, s12;
	v11 =	vnsel vm0, $0x0, v11  }
.Ltmp5:
0x305: {  	[tilespmem:$0xA400] =	vst v11;
	(pc) =	sbr.rel @p0 .LBB2_1-.Ltmp5, $4  }
0x306: {  	[hbm4b:s11+s5] =	stream.linear.scatter [tilespmem:s19], [sflag:$0x1], $0x80, $0x38;
	[tilespmem:$0x14480] =	vst v63  }
0x307: {  	_ =	swait.ge [sflag:s14], $0x80  }
0x308: {  	[sflag:s14] =	ssyncset.done $0x0  }
0x309: {  	[sflag:s14] =	ssyncadd.s32 $0xFFFFFF80  }
0x30a: {  	_ =	sfence.sel $0x180000  }
0x30b: {  	[bflag:$0x0] =	sbarrier.arrive $0xFFFF  }
0x30c: {  	_ =	strace $0x90000047  }
0x30d: {  	[bflag:$0x2] =	sbarrier.arrive $0xFFFF  }
0x30e: {  	p0 =	sne.s32 s2, $0x0;
	s0 =	rddreg [dreg:$0x5]  }
0x30f: {  	s0 =	sadd.s32 @!p0 $0x100000, s0  }
0x310: {  	[sflag:s0] =	ssyncadd.tile.s32 @!p0 $0x1;
	_ =	shalt  }
.Lfunc_end2:
_tile_overlayer_lowered:
.L_overlay_start_2:
0x311: {  	(tag) =	ssettag $0x2  }
0x312: {  	s0 =	rddreg [dreg:$0x0];
	s2 =	stileid.u32  }
0x313: {  	s1 =	rddreg [dreg:$0x1];
	p0 =	sne.s32 s2, $0x0  }
0x314: {  	s3 =	rddreg [dreg:$0x2];
	[bflag:$0x3] =	sbarrier.arrive $0xFFFF;
	s2 =	simm.s32 @!p0 $0x1C01  }
0x315: {  	[timem:s3], [sflag:s2] =	dma.local @!p0 [hbm:s0], s1  }
0x316: {  	s0 =	simm.s32 @!p0 $0x1  }
0x317: {  	_ =	swait.ge @!p0 [sflag:s0], s1  }
0x318: {  	s1 =	ssub.s32 @!p0 $0x0, s1;
	[sflag:s0] =	ssyncset.done @!p0 $0x0  }
0x319: {  	[sflag:s0] =	ssyncadd.s32 @!p0 s1  }
0x31a: {  	[bflag:$0x3] =	sbarrier.arrive $0xFFFF  }
0x31b: {  	_ =	shalt  }

</sc_bundles>
